<compile_context>
chip_gen: v7x
topology: tpu7x:2x2x1
jax: 0.10.2.dev20260603
libtpu: 0.0.44.dev20260713+nightly
codegen_flags: <defaults>
</compile_context>

<pallas_src>
import functools

import jax
import jax.numpy as jnp
from jax import lax
from jax.experimental import pallas as pl
from jax.experimental.pallas import tpu as pltpu
from jax.experimental.pallas import tpu_sc as plsc

N_ELEMS = 16 * 3 * 512 * 512
ROWS, COLS = 24576, 512
NC, NS, L = 2, 16, 16
NW = NC * NS
ROWS_PER_W = ROWS // NW
CHUNK_ROWS = 64
N_CHUNKS = ROWS_PER_W // CHUNK_ROWS
GROUPS = CHUNK_ROWS * 2
GV = 16


def _sc_partial_sums(x2d, table):
    mesh = plsc.VectorSubcoreMesh(core_axis_name="c", subcore_axis_name="s")

    @functools.partial(
        pl.kernel,
        mesh=mesh,
        out_type=jax.ShapeDtypeStruct((NW, L), jnp.float32),
        compiler_params=pltpu.CompilerParams(needs_layout_passes=False),
        scratch_types=[
            pltpu.VMEM((256,), jnp.float32),
            pltpu.VMEM((CHUNK_ROWS, COLS), jnp.float32),
            pltpu.VMEM((CHUNK_ROWS, COLS), jnp.float32),
            pltpu.VMEM((L,), jnp.float32),
            pltpu.SemaphoreType.DMA,
            pltpu.SemaphoreType.DMA,
        ],
    )
    def sc_loss(x_hbm, table_hbm, out_hbm, table_v, buf0, buf1, acc_v, sem0, sem1):
        wid = lax.axis_index("s") * NC + lax.axis_index("c")
        base = wid * ROWS_PER_W
        pltpu.sync_copy(table_hbm, table_v)

        bufs = (buf0, buf1)
        sems = (sem0, sem1)

        def start(ci):
            b = ci % 2
            return pltpu.async_copy(
                x_hbm.at[pl.ds(base + ci * CHUNK_ROWS, CHUNK_ROWS), :],
                bufs[b],
                sems[b],
            )

        copies = [start(0), None]
        acc = jnp.zeros((L,), jnp.float32)
        for ci in range(N_CHUNKS):
            b = ci % 2
            if ci + 1 < N_CHUNKS:
                copies[(ci + 1) % 2] = start(ci + 1)
            copies[b].wait()
            buf = bufs[b]

            def body(i, acc):
                r = i >> 1
                cb = (i & 1) << 8
                terms = []
                for k in range(GV):
                    x = buf[r, pl.ds(cb + k * L, L)]
                    tv = plsc.load_gather(table_v, [(x * 255.0).astype(jnp.int32)])
                    d = x - tv
                    terms.append(d * d)
                while len(terms) > 1:
                    terms = [a + b2 for a, b2 in zip(terms[::2], terms[1::2])]
                return acc + terms[0]

            acc = lax.fori_loop(0, GROUPS, body, acc)

        acc_v[...] = acc
        pltpu.sync_copy(acc_v, out_hbm.at[wid])

    return sc_loss(x2d, table)


def _tc_sum_x(x2d):
    BR = 2048

    def body(x_ref, o_ref):
        @pl.when(pl.program_id(0) == 0)
        def _():
            o_ref[0, 0] = 0.0

        o_ref[0, 0] += jnp.sum(x_ref[...])

    return pl.pallas_call(
        body,
        grid=(ROWS // BR,),
        in_specs=[pl.BlockSpec((BR, COLS), lambda i: (i, 0))],
        out_shape=jax.ShapeDtypeStruct((1, 1), jnp.float32),
        out_specs=pl.BlockSpec(memory_space=pltpu.SMEM),
    )(x2d)


def _tc_finalize(partials, sum_x):
    def body(p_ref, s_ref, o_ref):
        o_ref[0, 0] = (jnp.sum(p_ref[...]) + s_ref[0, 0]) * (1.0 / N_ELEMS)

    return pl.pallas_call(
        body,
        in_specs=[
            pl.BlockSpec((NW, L), lambda: (0, 0)),
            pl.BlockSpec(memory_space=pltpu.SMEM),
        ],
        out_shape=jax.ShapeDtypeStruct((1, 1), jnp.float32),
        out_specs=pl.BlockSpec(memory_space=pltpu.SMEM),
    )(partials, sum_x)


def kernel(image_batch, depth, table):
    del depth
    x2d = image_batch.reshape(ROWS, COLS)
    partials = _sc_partial_sums(x2d, table)
    sum_x = _tc_sum_x(x2d)
    return _tc_finalize(partials, sum_x)[0, 0]

# --- scband reference (transcript-rebuilt; emitter-appended) ---
"""Pipeline reference for scband-backscatter-loss-13365938225331 (READ-ONLY COPY).

The authoritative reference and input builder live on the scoring server;
editing this copy changes nothing except your own understanding.
"""

import jax, jax.numpy as jnp
import numpy as np


def smooth_l1(pred, target, beta=0.2):
    diff = jnp.abs(pred - target)
    return jnp.mean(jnp.where(diff < beta, 0.5 * diff * diff / beta, diff - 0.5 * beta))


def setup_inputs(seed: int = 0) -> dict:
    key = jax.random.key(seed)
    k1, k2, k3 = jax.random.split(key, 3)
    image_batch = jax.random.uniform(k1, (16, 3, 512, 512), dtype=jnp.float32)
    depth = jax.random.uniform(k2, (16, 3, 512, 512), dtype=jnp.float32)
    table = jax.random.uniform(k3, (256,), dtype=jnp.float32)
    return {"image_batch": image_batch, "depth": depth, "table": table}


def reference(image_batch, depth, table):
    cost_ratio = 1000.0
    # 'direct' in the original source is a free variable; interpreted as image_batch
    direct = image_batch
    n = table.shape[0]
    indices = jnp.clip((direct * (n - 1)).astype(jnp.int32), 0, n - 1)
    table_values = jnp.take(table, indices, axis=0)
    lookup_loss = jnp.mean((direct - table_values) ** 2)
    pos = jnp.mean(jnp.abs(jax.nn.relu(direct) - jnp.zeros_like(direct)))
    neg = smooth_l1(jax.nn.relu(-direct), jnp.zeros_like(direct), beta=0.2)
    return cost_ratio * neg + pos + lookup_loss

if __name__ == "__main__":
    import jax
    _d = setup_inputs()
    print(jax.jit(kernel)(*tuple(_d.values())))

</pallas_src>

<mosaic_0001>
#map = affine_map<(d0, d1) -> (0, 0)>
#map1 = affine_map<(d0, d1) -> (0)>
module attributes {stable_mosaic.version = 14 : i64} {
  func.func @sc_loss(%arg0: i32, %arg1: i32, %arg2: memref<24576x512xf32, #tpu.memory_space<hbm>>, %arg3: memref<256xf32, #tpu.memory_space<hbm>>, %arg4: memref<32x16xf32, #tpu.memory_space<hbm>>, %arg5: memref<256xf32, #tpu.memory_space<vmem>>, %arg6: memref<64x512xf32, #tpu.memory_space<vmem>>, %arg7: memref<64x512xf32, #tpu.memory_space<vmem>>, %arg8: memref<16xf32, #tpu.memory_space<vmem>>, %arg9: memref<!tpu.dma_semaphore, #tpu.memory_space<semaphore_mem>>, %arg10: memref<!tpu.dma_semaphore, #tpu.memory_space<semaphore_mem>>) attributes {dimension_semantics = [#tpu.dimension_semantics<core_parallel>, #tpu.dimension_semantics<subcore_parallel>], iteration_bounds = array<i64: 2, 16>, scalar_prefetch = 0 : i64, scratch_operands = 6 : i64, tpu.core_type = #tpu.core_type<sc_vector_subcore>, window_params = [{transform_indices = #map}, {transform_indices = #map1}, {transform_indices = #map}]} {
    %mul3A = arith.constant 2 : i32
    %mul3A_0 = arith.muli %arg1, %mul3A : i32
    %add3A = arith.addi %mul3A_0, %arg0 : i32
    %mul3A_1 = arith.constant 768 : i32
    %mul3A_2 = arith.muli %add3A, %mul3A_1 : i32
    "tpu.region"() ({
      %run_scoped3A = tpu.sem_alloc : memref<!tpu.dma_semaphore, #tpu.memory_space<semaphore_mem>>
      tpu.enqueue_dma source(%arg3 : memref<256xf32, #tpu.memory_space<hbm>>) target(%arg5 : memref<256xf32, #tpu.memory_space<vmem>>) target_semaphore(%run_scoped3A : memref<!tpu.dma_semaphore, #tpu.memory_space<semaphore_mem>>)
      tpu.wait_dma2 semaphore(%run_scoped3A : memref<!tpu.dma_semaphore, #tpu.memory_space<semaphore_mem>>) src(%arg3 : memref<256xf32, #tpu.memory_space<hbm>>) dst(%arg5 : memref<256xf32, #tpu.memory_space<vmem>>)
      tpu.yield
    }) : () -> ()
    %add3A_3 = arith.constant 0 : i32
    %add3A_4 = arith.addi %mul3A_2, %add3A_3 : i32
    %dma_start3A = arith.constant 0 : i32
    %dma_start3A_5 = tpu.memref_slice %arg2[%add3A_4, %dma_start3A] : memref<24576x512xf32, #tpu.memory_space<hbm>> -> memref<64x512xf32, #tpu.memory_space<hbm>>
    %dma_start3A_6 = arith.constant 0 : i32
    %dma_start3A_7 = tpu.memref_slice %arg2[%add3A_4, %dma_start3A_6] : memref<24576x512xf32, #tpu.memory_space<hbm>> -> memref<64x512xf32, #tpu.memory_space<hbm>>
    tpu.enqueue_dma source(%dma_start3A_7 : memref<64x512xf32, #tpu.memory_space<hbm>>) target(%arg6 : memref<64x512xf32, #tpu.memory_space<vmem>>) target_semaphore(%arg9 : memref<!tpu.dma_semaphore, #tpu.memory_space<semaphore_mem>>)
    %broadcast_in_dim3A = arith.constant 0.000000e+00 : f32
    %broadcast_in_dim3A_8 = vector.broadcast %broadcast_in_dim3A : f32 to vector<16xf32>
    %add3A_9 = arith.constant 64 : i32
    %add3A_10 = arith.addi %mul3A_2, %add3A_9 : i32
    %dma_start3A_11 = arith.constant 0 : i32
    %dma_start3A_12 = tpu.memref_slice %arg2[%add3A_10, %dma_start3A_11] : memref<24576x512xf32, #tpu.memory_space<hbm>> -> memref<64x512xf32, #tpu.memory_space<hbm>>
    %dma_start3A_13 = arith.constant 0 : i32
    %dma_start3A_14 = tpu.memref_slice %arg2[%add3A_10, %dma_start3A_13] : memref<24576x512xf32, #tpu.memory_space<hbm>> -> memref<64x512xf32, #tpu.memory_space<hbm>>
    tpu.enqueue_dma source(%dma_start3A_14 : memref<64x512xf32, #tpu.memory_space<hbm>>) target(%arg7 : memref<64x512xf32, #tpu.memory_space<vmem>>) target_semaphore(%arg10 : memref<!tpu.dma_semaphore, #tpu.memory_space<semaphore_mem>>)
    %dma_wait3A = arith.constant 0 : i32
    %dma_wait3A_15 = tpu.memref_slice %arg2[%add3A_4, %dma_wait3A] : memref<24576x512xf32, #tpu.memory_space<hbm>> -> memref<64x512xf32, #tpu.memory_space<hbm>>
    %dma_wait3A_16 = arith.constant 0 : i32
    %dma_wait3A_17 = tpu.memref_slice %arg2[%add3A_4, %dma_wait3A_16] : memref<24576x512xf32, #tpu.memory_space<hbm>> -> memref<64x512xf32, #tpu.memory_space<hbm>>
    tpu.wait_dma2 semaphore(%arg9 : memref<!tpu.dma_semaphore, #tpu.memory_space<semaphore_mem>>) src(%dma_wait3A_17 : memref<64x512xf32, #tpu.memory_space<hbm>>) dst(%arg6 : memref<64x512xf32, #tpu.memory_space<vmem>>)
    %scan3A = arith.constant 0 : i32
    %scan3A_18 = arith.constant 128 : i32
    %scan3A_19 = arith.addi %scan3A, %scan3A_18 : i32
    %scan3A_20 = arith.constant 1 : i32
    %scan3A_21 = scf.for %scan3A_194 = %scan3A to %scan3A_19 step %scan3A_20 iter_args(%scan3A_195 = %broadcast_in_dim3A_8) -> (vector<16xf32>)  : i32 {
      %shift_right_arithmetic3A = arith.constant 1 : i32
      %shift_right_arithmetic3A_196 = arith.shrsi %scan3A_194, %shift_right_arithmetic3A : i32
      %and3A = arith.constant 1 : i32
      %and3A_197 = arith.andi %scan3A_194, %and3A : i32
      %shift_left3A = arith.constant 8 : i32
      %shift_left3A_198 = arith.shli %and3A_197, %shift_left3A : i32
      %add3A_199 = arith.constant 0 : i32
      %add3A_200 = arith.addi %shift_left3A_198, %add3A_199 : i32
      %get3A = arith.index_cast %shift_right_arithmetic3A_196 : i32 to index
      %get3A_201 = arith.index_cast %add3A_200 : i32 to index
      %get3A_202 = tpu.vector_load %arg6[%get3A, %get3A_201] {strides = array<i32>} : memref<64x512xf32, #tpu.memory_space<vmem>>, vector<16xf32>,
      %mul3A_203 = arith.constant 2.550000e+02 : f32
      %mul3A_204 = vector.broadcast %mul3A_203 : f32 to vector<16xf32>
      %mul3A_205 = arith.mulf %get3A_202, %mul3A_204 : vector<16xf32>
      %convert_element_type3A = arith.fptosi %mul3A_205 : vector<16xf32> to vector<16xi32>
      %gather3A = tpu.vector_load_idx %arg5[%convert_element_type3A] : memref<256xf32, #tpu.memory_space<vmem>>[vector<16xi32>], vector<16xf32>,
      %sub3A = arith.subf %get3A_202, %gather3A : vector<16xf32>
      %mul3A_206 = arith.mulf %sub3A, %sub3A : vector<16xf32>
      %add3A_207 = arith.constant 16 : i32
      %add3A_208 = arith.addi %shift_left3A_198, %add3A_207 : i32
      %get3A_209 = arith.index_cast %shift_right_arithmetic3A_196 : i32 to index
      %get3A_210 = arith.index_cast %add3A_208 : i32 to index
      %get3A_211 = tpu.vector_load %arg6[%get3A_209, %get3A_210] {strides = array<i32>} : memref<64x512xf32, #tpu.memory_space<vmem>>, vector<16xf32>,
      %mul3A_212 = arith.constant 2.550000e+02 : f32
      %mul3A_213 = vector.broadcast %mul3A_212 : f32 to vector<16xf32>
      %mul3A_214 = arith.mulf %get3A_211, %mul3A_213 : vector<16xf32>
      %convert_element_type3A_215 = arith.fptosi %mul3A_214 : vector<16xf32> to vector<16xi32>
      %gather3A_216 = tpu.vector_load_idx %arg5[%convert_element_type3A_215] : memref<256xf32, #tpu.memory_space<vmem>>[vector<16xi32>], vector<16xf32>,
      %sub3A_217 = arith.subf %get3A_211, %gather3A_216 : vector<16xf32>
      %mul3A_218 = arith.mulf %sub3A_217, %sub3A_217 : vector<16xf32>
      %add3A_219 = arith.constant 32 : i32
      %add3A_220 = arith.addi %shift_left3A_198, %add3A_219 : i32
      %get3A_221 = arith.index_cast %shift_right_arithmetic3A_196 : i32 to index
      %get3A_222 = arith.index_cast %add3A_220 : i32 to index
      %get3A_223 = tpu.vector_load %arg6[%get3A_221, %get3A_222] {strides = array<i32>} : memref<64x512xf32, #tpu.memory_space<vmem>>, vector<16xf32>,
      %mul3A_224 = arith.constant 2.550000e+02 : f32
      %mul3A_225 = vector.broadcast %mul3A_224 : f32 to vector<16xf32>
      %mul3A_226 = arith.mulf %get3A_223, %mul3A_225 : vector<16xf32>
      %convert_element_type3A_227 = arith.fptosi %mul3A_226 : vector<16xf32> to vector<16xi32>
      %gather3A_228 = tpu.vector_load_idx %arg5[%convert_element_type3A_227] : memref<256xf32, #tpu.memory_space<vmem>>[vector<16xi32>], vector<16xf32>,
      %sub3A_229 = arith.subf %get3A_223, %gather3A_228 : vector<16xf32>
      %mul3A_230 = arith.mulf %sub3A_229, %sub3A_229 : vector<16xf32>
      %add3A_231 = arith.constant 48 : i32
      %add3A_232 = arith.addi %shift_left3A_198, %add3A_231 : i32
      %get3A_233 = arith.index_cast %shift_right_arithmetic3A_196 : i32 to index
      %get3A_234 = arith.index_cast %add3A_232 : i32 to index
      %get3A_235 = tpu.vector_load %arg6[%get3A_233, %get3A_234] {strides = array<i32>} : memref<64x512xf32, #tpu.memory_space<vmem>>, vector<16xf32>,
      %mul3A_236 = arith.constant 2.550000e+02 : f32
      %mul3A_237 = vector.broadcast %mul3A_236 : f32 to vector<16xf32>
      %mul3A_238 = arith.mulf %get3A_235, %mul3A_237 : vector<16xf32>
      %convert_element_type3A_239 = arith.fptosi %mul3A_238 : vector<16xf32> to vector<16xi32>
      %gather3A_240 = tpu.vector_load_idx %arg5[%convert_element_type3A_239] : memref<256xf32, #tpu.memory_space<vmem>>[vector<16xi32>], vector<16xf32>,
      %sub3A_241 = arith.subf %get3A_235, %gather3A_240 : vector<16xf32>
      %mul3A_242 = arith.mulf %sub3A_241, %sub3A_241 : vector<16xf32>
      %add3A_243 = arith.constant 64 : i32
      %add3A_244 = arith.addi %shift_left3A_198, %add3A_243 : i32
      %get3A_245 = arith.index_cast %shift_right_arithmetic3A_196 : i32 to index
      %get3A_246 = arith.index_cast %add3A_244 : i32 to index
      %get3A_247 = tpu.vector_load %arg6[%get3A_245, %get3A_246] {strides = array<i32>} : memref<64x512xf32, #tpu.memory_space<vmem>>, vector<16xf32>,
      %mul3A_248 = arith.constant 2.550000e+02 : f32
      %mul3A_249 = vector.broadcast %mul3A_248 : f32 to vector<16xf32>
      %mul3A_250 = arith.mulf %get3A_247, %mul3A_249 : vector<16xf32>
      %convert_element_type3A_251 = arith.fptosi %mul3A_250 : vector<16xf32> to vector<16xi32>
      %gather3A_252 = tpu.vector_load_idx %arg5[%convert_element_type3A_251] : memref<256xf32, #tpu.memory_space<vmem>>[vector<16xi32>], vector<16xf32>,
      %sub3A_253 = arith.subf %get3A_247, %gather3A_252 : vector<16xf32>
      %mul3A_254 = arith.mulf %sub3A_253, %sub3A_253 : vector<16xf32>
      %add3A_255 = arith.constant 80 : i32
      %add3A_256 = arith.addi %shift_left3A_198, %add3A_255 : i32
      %get3A_257 = arith.index_cast %shift_right_arithmetic3A_196 : i32 to index
      %get3A_258 = arith.index_cast %add3A_256 : i32 to index
      %get3A_259 = tpu.vector_load %arg6[%get3A_257, %get3A_258] {strides = array<i32>} : memref<64x512xf32, #tpu.memory_space<vmem>>, vector<16xf32>,
      %mul3A_260 = arith.constant 2.550000e+02 : f32
      %mul3A_261 = vector.broadcast %mul3A_260 : f32 to vector<16xf32>
      %mul3A_262 = arith.mulf %get3A_259, %mul3A_261 : vector<16xf32>
      %convert_element_type3A_263 = arith.fptosi %mul3A_262 : vector<16xf32> to vector<16xi32>
      %gather3A_264 = tpu.vector_load_idx %arg5[%convert_element_type3A_263] : memref<256xf32, #tpu.memory_space<vmem>>[vector<16xi32>], vector<16xf32>,
      %sub3A_265 = arith.subf %get3A_259, %gather3A_264 : vector<16xf32>
      %mul3A_266 = arith.mulf %sub3A_265, %sub3A_265 : vector<16xf32>
      %add3A_267 = arith.constant 96 : i32
      %add3A_268 = arith.addi %shift_left3A_198, %add3A_267 : i32
      %get3A_269 = arith.index_cast %shift_right_arithmetic3A_196 : i32 to index
      %get3A_270 = arith.index_cast %add3A_268 : i32 to index
      %get3A_271 = tpu.vector_load %arg6[%get3A_269, %get3A_270] {strides = array<i32>} : memref<64x512xf32, #tpu.memory_space<vmem>>, vector<16xf32>,
      %mul3A_272 = arith.constant 2.550000e+02 : f32
      %mul3A_273 = vector.broadcast %mul3A_272 : f32 to vector<16xf32>
      %mul3A_274 = arith.mulf %get3A_271, %mul3A_273 : vector<16xf32>
      %convert_element_type3A_275 = arith.fptosi %mul3A_274 : vector<16xf32> to vector<16xi32>
      %gather3A_276 = tpu.vector_load_idx %arg5[%convert_element_type3A_275] : memref<256xf32, #tpu.memory_space<vmem>>[vector<16xi32>], vector<16xf32>,
      %sub3A_277 = arith.subf %get3A_271, %gather3A_276 : vector<16xf32>
      %mul3A_278 = arith.mulf %sub3A_277, %sub3A_277 : vector<16xf32>
      %add3A_279 = arith.constant 112 : i32
      %add3A_280 = arith.addi %shift_left3A_198, %add3A_279 : i32
      %get3A_281 = arith.index_cast %shift_right_arithmetic3A_196 : i32 to index
      %get3A_282 = arith.index_cast %add3A_280 : i32 to index
      %get3A_283 = tpu.vector_load %arg6[%get3A_281, %get3A_282] {strides = array<i32>} : memref<64x512xf32, #tpu.memory_space<vmem>>, vector<16xf32>,
      %mul3A_284 = arith.constant 2.550000e+02 : f32
      %mul3A_285 = vector.broadcast %mul3A_284 : f32 to vector<16xf32>
      %mul3A_286 = arith.mulf %get3A_283, %mul3A_285 : vector<16xf32>
      %convert_element_type3A_287 = arith.fptosi %mul3A_286 : vector<16xf32> to vector<16xi32>
      %gather3A_288 = tpu.vector_load_idx %arg5[%convert_element_type3A_287] : memref<256xf32, #tpu.memory_space<vmem>>[vector<16xi32>], vector<16xf32>,
      %sub3A_289 = arith.subf %get3A_283, %gather3A_288 : vector<16xf32>
      %mul3A_290 = arith.mulf %sub3A_289, %sub3A_289 : vector<16xf32>
      %add3A_291 = arith.constant 128 : i32
      %add3A_292 = arith.addi %shift_left3A_198, %add3A_291 : i32
      %get3A_293 = arith.index_cast %shift_right_arithmetic3A_196 : i32 to index
      %get3A_294 = arith.index_cast %add3A_292 : i32 to index
      %get3A_295 = tpu.vector_load %arg6[%get3A_293, %get3A_294] {strides = array<i32>} : memref<64x512xf32, #tpu.memory_space<vmem>>, vector<16xf32>,
      %mul3A_296 = arith.constant 2.550000e+02 : f32
      %mul3A_297 = vector.broadcast %mul3A_296 : f32 to vector<16xf32>
      %mul3A_298 = arith.mulf %get3A_295, %mul3A_297 : vector<16xf32>
      %convert_element_type3A_299 = arith.fptosi %mul3A_298 : vector<16xf32> to vector<16xi32>
      %gather3A_300 = tpu.vector_load_idx %arg5[%convert_element_type3A_299] : memref<256xf32, #tpu.memory_space<vmem>>[vector<16xi32>], vector<16xf32>,
      %sub3A_301 = arith.subf %get3A_295, %gather3A_300 : vector<16xf32>
      %mul3A_302 = arith.mulf %sub3A_301, %sub3A_301 : vector<16xf32>
      %add3A_303 = arith.constant 144 : i32
      %add3A_304 = arith.addi %shift_left3A_198, %add3A_303 : i32
      %get3A_305 = arith.index_cast %shift_right_arithmetic3A_196 : i32 to index
      %get3A_306 = arith.index_cast %add3A_304 : i32 to index
      %get3A_307 = tpu.vector_load %arg6[%get3A_305, %get3A_306] {strides = array<i32>} : memref<64x512xf32, #tpu.memory_space<vmem>>, vector<16xf32>,
      %mul3A_308 = arith.constant 2.550000e+02 : f32
      %mul3A_309 = vector.broadcast %mul3A_308 : f32 to vector<16xf32>
      %mul3A_310 = arith.mulf %get3A_307, %mul3A_309 : vector<16xf32>
      %convert_element_type3A_311 = arith.fptosi %mul3A_310 : vector<16xf32> to vector<16xi32>
      %gather3A_312 = tpu.vector_load_idx %arg5[%convert_element_type3A_311] : memref<256xf32, #tpu.memory_space<vmem>>[vector<16xi32>], vector<16xf32>,
      %sub3A_313 = arith.subf %get3A_307, %gather3A_312 : vector<16xf32>
      %mul3A_314 = arith.mulf %sub3A_313, %sub3A_313 : vector<16xf32>
      %add3A_315 = arith.constant 160 : i32
      %add3A_316 = arith.addi %shift_left3A_198, %add3A_315 : i32
      %get3A_317 = arith.index_cast %shift_right_arithmetic3A_196 : i32 to index
      %get3A_318 = arith.index_cast %add3A_316 : i32 to index
      %get3A_319 = tpu.vector_load %arg6[%get3A_317, %get3A_318] {strides = array<i32>} : memref<64x512xf32, #tpu.memory_space<vmem>>, vector<16xf32>,
      %mul3A_320 = arith.constant 2.550000e+02 : f32
      %mul3A_321 = vector.broadcast %mul3A_320 : f32 to vector<16xf32>
      %mul3A_322 = arith.mulf %get3A_319, %mul3A_321 : vector<16xf32>
      %convert_element_type3A_323 = arith.fptosi %mul3A_322 : vector<16xf32> to vector<16xi32>
      %gather3A_324 = tpu.vector_load_idx %arg5[%convert_element_type3A_323] : memref<256xf32, #tpu.memory_space<vmem>>[vector<16xi32>], vector<16xf32>,
      %sub3A_325 = arith.subf %get3A_319, %gather3A_324 : vector<16xf32>
      %mul3A_326 = arith.mulf %sub3A_325, %sub3A_325 : vector<16xf32>
      %add3A_327 = arith.constant 176 : i32
      %add3A_328 = arith.addi %shift_left3A_198, %add3A_327 : i32
      %get3A_329 = arith.index_cast %shift_right_arithmetic3A_196 : i32 to index
      %get3A_330 = arith.index_cast %add3A_328 : i32 to index
      %get3A_331 = tpu.vector_load %arg6[%get3A_329, %get3A_330] {strides = array<i32>} : memref<64x512xf32, #tpu.memory_space<vmem>>, vector<16xf32>,
      %mul3A_332 = arith.constant 2.550000e+02 : f32
      %mul3A_333 = vector.broadcast %mul3A_332 : f32 to vector<16xf32>
      %mul3A_334 = arith.mulf %get3A_331, %mul3A_333 : vector<16xf32>
      %convert_element_type3A_335 = arith.fptosi %mul3A_334 : vector<16xf32> to vector<16xi32>
      %gather3A_336 = tpu.vector_load_idx %arg5[%convert_element_type3A_335] : memref<256xf32, #tpu.memory_space<vmem>>[vector<16xi32>], vector<16xf32>,
      %sub3A_337 = arith.subf %get3A_331, %gather3A_336 : vector<16xf32>
      %mul3A_338 = arith.mulf %sub3A_337, %sub3A_337 : vector<16xf32>
      %add3A_339 = arith.constant 192 : i32
      %add3A_340 = arith.addi %shift_left3A_198, %add3A_339 : i32
      %get3A_341 = arith.index_cast %shift_right_arithmetic3A_196 : i32 to index
      %get3A_342 = arith.index_cast %add3A_340 : i32 to index
      %get3A_343 = tpu.vector_load %arg6[%get3A_341, %get3A_342] {strides = array<i32>} : memref<64x512xf32, #tpu.memory_space<vmem>>, vector<16xf32>,
      %mul3A_344 = arith.constant 2.550000e+02 : f32
      %mul3A_345 = vector.broadcast %mul3A_344 : f32 to vector<16xf32>
      %mul3A_346 = arith.mulf %get3A_343, %mul3A_345 : vector<16xf32>
      %convert_element_type3A_347 = arith.fptosi %mul3A_346 : vector<16xf32> to vector<16xi32>
      %gather3A_348 = tpu.vector_load_idx %arg5[%convert_element_type3A_347] : memref<256xf32, #tpu.memory_space<vmem>>[vector<16xi32>], vector<16xf32>,
      %sub3A_349 = arith.subf %get3A_343, %gather3A_348 : vector<16xf32>
      %mul3A_350 = arith.mulf %sub3A_349, %sub3A_349 : vector<16xf32>
      %add3A_351 = arith.constant 208 : i32
      %add3A_352 = arith.addi %shift_left3A_198, %add3A_351 : i32
      %get3A_353 = arith.index_cast %shift_right_arithmetic3A_196 : i32 to index
      %get3A_354 = arith.index_cast %add3A_352 : i32 to index
      %get3A_355 = tpu.vector_load %arg6[%get3A_353, %get3A_354] {strides = array<i32>} : memref<64x512xf32, #tpu.memory_space<vmem>>, vector<16xf32>,
      %mul3A_356 = arith.constant 2.550000e+02 : f32
      %mul3A_357 = vector.broadcast %mul3A_356 : f32 to vector<16xf32>
      %mul3A_358 = arith.mulf %get3A_355, %mul3A_357 : vector<16xf32>
      %convert_element_type3A_359 = arith.fptosi %mul3A_358 : vector<16xf32> to vector<16xi32>
      %gather3A_360 = tpu.vector_load_idx %arg5[%convert_element_type3A_359] : memref<256xf32, #tpu.memory_space<vmem>>[vector<16xi32>], vector<16xf32>,
      %sub3A_361 = arith.subf %get3A_355, %gather3A_360 : vector<16xf32>
      %mul3A_362 = arith.mulf %sub3A_361, %sub3A_361 : vector<16xf32>
      %add3A_363 = arith.constant 224 : i32
      %add3A_364 = arith.addi %shift_left3A_198, %add3A_363 : i32
      %get3A_365 = arith.index_cast %shift_right_arithmetic3A_196 : i32 to index
      %get3A_366 = arith.index_cast %add3A_364 : i32 to index
      %get3A_367 = tpu.vector_load %arg6[%get3A_365, %get3A_366] {strides = array<i32>} : memref<64x512xf32, #tpu.memory_space<vmem>>, vector<16xf32>,
      %mul3A_368 = arith.constant 2.550000e+02 : f32
      %mul3A_369 = vector.broadcast %mul3A_368 : f32 to vector<16xf32>
      %mul3A_370 = arith.mulf %get3A_367, %mul3A_369 : vector<16xf32>
      %convert_element_type3A_371 = arith.fptosi %mul3A_370 : vector<16xf32> to vector<16xi32>
      %gather3A_372 = tpu.vector_load_idx %arg5[%convert_element_type3A_371] : memref<256xf32, #tpu.memory_space<vmem>>[vector<16xi32>], vector<16xf32>,
      %sub3A_373 = arith.subf %get3A_367, %gather3A_372 : vector<16xf32>
      %mul3A_374 = arith.mulf %sub3A_373, %sub3A_373 : vector<16xf32>
      %add3A_375 = arith.constant 240 : i32
      %add3A_376 = arith.addi %shift_left3A_198, %add3A_375 : i32
      %get3A_377 = arith.index_cast %shift_right_arithmetic3A_196 : i32 to index
      %get3A_378 = arith.index_cast %add3A_376 : i32 to index
      %get3A_379 = tpu.vector_load %arg6[%get3A_377, %get3A_378] {strides = array<i32>} : memref<64x512xf32, #tpu.memory_space<vmem>>, vector<16xf32>,
      %mul3A_380 = arith.constant 2.550000e+02 : f32
      %mul3A_381 = vector.broadcast %mul3A_380 : f32 to vector<16xf32>
      %mul3A_382 = arith.mulf %get3A_379, %mul3A_381 : vector<16xf32>
      %convert_element_type3A_383 = arith.fptosi %mul3A_382 : vector<16xf32> to vector<16xi32>
      %gather3A_384 = tpu.vector_load_idx %arg5[%convert_element_type3A_383] : memref<256xf32, #tpu.memory_space<vmem>>[vector<16xi32>], vector<16xf32>,
      %sub3A_385 = arith.subf %get3A_379, %gather3A_384 : vector<16xf32>
      %mul3A_386 = arith.mulf %sub3A_385, %sub3A_385 : vector<16xf32>
      %add3A_387 = arith.addf %mul3A_206, %mul3A_218 : vector<16xf32>
      %add3A_388 = arith.addf %mul3A_230, %mul3A_242 : vector<16xf32>
      %add3A_389 = arith.addf %mul3A_254, %mul3A_266 : vector<16xf32>
      %add3A_390 = arith.addf %mul3A_278, %mul3A_290 : vector<16xf32>
      %add3A_391 = arith.addf %mul3A_302, %mul3A_314 : vector<16xf32>
      %add3A_392 = arith.addf %mul3A_326, %mul3A_338 : vector<16xf32>
      %add3A_393 = arith.addf %mul3A_350, %mul3A_362 : vector<16xf32>
      %add3A_394 = arith.addf %mul3A_374, %mul3A_386 : vector<16xf32>
      %add3A_395 = arith.addf %add3A_387, %add3A_388 : vector<16xf32>
      %add3A_396 = arith.addf %add3A_389, %add3A_390 : vector<16xf32>
      %add3A_397 = arith.addf %add3A_391, %add3A_392 : vector<16xf32>
      %add3A_398 = arith.addf %add3A_393, %add3A_394 : vector<16xf32>
      %add3A_399 = arith.addf %add3A_395, %add3A_396 : vector<16xf32>
      %add3A_400 = arith.addf %add3A_397, %add3A_398 : vector<16xf32>
      %add3A_401 = arith.addf %add3A_399, %add3A_400 : vector<16xf32>
      %add3A_402 = arith.addf %scan3A_195, %add3A_401 : vector<16xf32>
      scf.yield %add3A_402 : vector<16xf32>
    }
    %scan3A_22 = arith.constant 128 : i32
    %add3A_23 = arith.constant 128 : i32
    %add3A_24 = arith.addi %mul3A_2, %add3A_23 : i32
    %dma_start3A_25 = arith.constant 0 : i32
    %dma_start3A_26 = tpu.memref_slice %arg2[%add3A_24, %dma_start3A_25] : memref<24576x512xf32, #tpu.memory_space<hbm>> -> memref<64x512xf32, #tpu.memory_space<hbm>>
    %dma_start3A_27 = arith.constant 0 : i32
    %dma_start3A_28 = tpu.memref_slice %arg2[%add3A_24, %dma_start3A_27] : memref<24576x512xf32, #tpu.memory_space<hbm>> -> memref<64x512xf32, #tpu.memory_space<hbm>>
    tpu.enqueue_dma source(%dma_start3A_28 : memref<64x512xf32, #tpu.memory_space<hbm>>) target(%arg6 : memref<64x512xf32, #tpu.memory_space<vmem>>) target_semaphore(%arg9 : memref<!tpu.dma_semaphore, #tpu.memory_space<semaphore_mem>>)
    %dma_wait3A_29 = arith.constant 0 : i32
    %dma_wait3A_30 = tpu.memref_slice %arg2[%add3A_10, %dma_wait3A_29] : memref<24576x512xf32, #tpu.memory_space<hbm>> -> memref<64x512xf32, #tpu.memory_space<hbm>>
    %dma_wait3A_31 = arith.constant 0 : i32
    %dma_wait3A_32 = tpu.memref_slice %arg2[%add3A_10, %dma_wait3A_31] : memref<24576x512xf32, #tpu.memory_space<hbm>> -> memref<64x512xf32, #tpu.memory_space<hbm>>
    tpu.wait_dma2 semaphore(%arg10 : memref<!tpu.dma_semaphore, #tpu.memory_space<semaphore_mem>>) src(%dma_wait3A_32 : memref<64x512xf32, #tpu.memory_space<hbm>>) dst(%arg7 : memref<64x512xf32, #tpu.memory_space<vmem>>)
    %scan3A_33 = arith.constant 0 : i32
    %scan3A_34 = arith.constant 128 : i32
    %scan3A_35 = arith.addi %scan3A_33, %scan3A_34 : i32
    %scan3A_36 = arith.constant 1 : i32
    %scan3A_37 = scf.for %scan3A_194 = %scan3A_33 to %scan3A_35 step %scan3A_36 iter_args(%scan3A_195 = %scan3A_21) -> (vector<16xf32>)  : i32 {
      %shift_right_arithmetic3A = arith.constant 1 : i32
      %shift_right_arithmetic3A_196 = arith.shrsi %scan3A_194, %shift_right_arithmetic3A : i32
      %and3A = arith.constant 1 : i32
      %and3A_197 = arith.andi %scan3A_194, %and3A : i32
      %shift_left3A = arith.constant 8 : i32
      %shift_left3A_198 = arith.shli %and3A_197, %shift_left3A : i32
      %add3A_199 = arith.constant 0 : i32
      %add3A_200 = arith.addi %shift_left3A_198, %add3A_199 : i32
      %get3A = arith.index_cast %shift_right_arithmetic3A_196 : i32 to index
      %get3A_201 = arith.index_cast %add3A_200 : i32 to index
      %get3A_202 = tpu.vector_load %arg7[%get3A, %get3A_201] {strides = array<i32>} : memref<64x512xf32, #tpu.memory_space<vmem>>, vector<16xf32>,
      %mul3A_203 = arith.constant 2.550000e+02 : f32
      %mul3A_204 = vector.broadcast %mul3A_203 : f32 to vector<16xf32>
      %mul3A_205 = arith.mulf %get3A_202, %mul3A_204 : vector<16xf32>
      %convert_element_type3A = arith.fptosi %mul3A_205 : vector<16xf32> to vector<16xi32>
      %gather3A = tpu.vector_load_idx %arg5[%convert_element_type3A] : memref<256xf32, #tpu.memory_space<vmem>>[vector<16xi32>], vector<16xf32>,
      %sub3A = arith.subf %get3A_202, %gather3A : vector<16xf32>
      %mul3A_206 = arith.mulf %sub3A, %sub3A : vector<16xf32>
      %add3A_207 = arith.constant 16 : i32
      %add3A_208 = arith.addi %shift_left3A_198, %add3A_207 : i32
      %get3A_209 = arith.index_cast %shift_right_arithmetic3A_196 : i32 to index
      %get3A_210 = arith.index_cast %add3A_208 : i32 to index
      %get3A_211 = tpu.vector_load %arg7[%get3A_209, %get3A_210] {strides = array<i32>} : memref<64x512xf32, #tpu.memory_space<vmem>>, vector<16xf32>,
      %mul3A_212 = arith.constant 2.550000e+02 : f32
      %mul3A_213 = vector.broadcast %mul3A_212 : f32 to vector<16xf32>
      %mul3A_214 = arith.mulf %get3A_211, %mul3A_213 : vector<16xf32>
      %convert_element_type3A_215 = arith.fptosi %mul3A_214 : vector<16xf32> to vector<16xi32>
      %gather3A_216 = tpu.vector_load_idx %arg5[%convert_element_type3A_215] : memref<256xf32, #tpu.memory_space<vmem>>[vector<16xi32>], vector<16xf32>,
      %sub3A_217 = arith.subf %get3A_211, %gather3A_216 : vector<16xf32>
      %mul3A_218 = arith.mulf %sub3A_217, %sub3A_217 : vector<16xf32>
      %add3A_219 = arith.constant 32 : i32
      %add3A_220 = arith.addi %shift_left3A_198, %add3A_219 : i32
      %get3A_221 = arith.index_cast %shift_right_arithmetic3A_196 : i32 to index
      %get3A_222 = arith.index_cast %add3A_220 : i32 to index
      %get3A_223 = tpu.vector_load %arg7[%get3A_221, %get3A_222] {strides = array<i32>} : memref<64x512xf32, #tpu.memory_space<vmem>>, vector<16xf32>,
      %mul3A_224 = arith.constant 2.550000e+02 : f32
      %mul3A_225 = vector.broadcast %mul3A_224 : f32 to vector<16xf32>
      %mul3A_226 = arith.mulf %get3A_223, %mul3A_225 : vector<16xf32>
      %convert_element_type3A_227 = arith.fptosi %mul3A_226 : vector<16xf32> to vector<16xi32>
      %gather3A_228 = tpu.vector_load_idx %arg5[%convert_element_type3A_227] : memref<256xf32, #tpu.memory_space<vmem>>[vector<16xi32>], vector<16xf32>,
      %sub3A_229 = arith.subf %get3A_223, %gather3A_228 : vector<16xf32>
      %mul3A_230 = arith.mulf %sub3A_229, %sub3A_229 : vector<16xf32>
      %add3A_231 = arith.constant 48 : i32
      %add3A_232 = arith.addi %shift_left3A_198, %add3A_231 : i32
      %get3A_233 = arith.index_cast %shift_right_arithmetic3A_196 : i32 to index
      %get3A_234 = arith.index_cast %add3A_232 : i32 to index
      %get3A_235 = tpu.vector_load %arg7[%get3A_233, %get3A_234] {strides = array<i32>} : memref<64x512xf32, #tpu.memory_space<vmem>>, vector<16xf32>,
      %mul3A_236 = arith.constant 2.550000e+02 : f32
      %mul3A_237 = vector.broadcast %mul3A_236 : f32 to vector<16xf32>
      %mul3A_238 = arith.mulf %get3A_235, %mul3A_237 : vector<16xf32>
      %convert_element_type3A_239 = arith.fptosi %mul3A_238 : vector<16xf32> to vector<16xi32>
      %gather3A_240 = tpu.vector_load_idx %arg5[%convert_element_type3A_239] : memref<256xf32, #tpu.memory_space<vmem>>[vector<16xi32>], vector<16xf32>,
      %sub3A_241 = arith.subf %get3A_235, %gather3A_240 : vector<16xf32>
      %mul3A_242 = arith.mulf %sub3A_241, %sub3A_241 : vector<16xf32>
      %add3A_243 = arith.constant 64 : i32
      %add3A_244 = arith.addi %shift_left3A_198, %add3A_243 : i32
      %get3A_245 = arith.index_cast %shift_right_arithmetic3A_196 : i32 to index
      %get3A_246 = arith.index_cast %add3A_244 : i32 to index
      %get3A_247 = tpu.vector_load %arg7[%get3A_245, %get3A_246] {strides = array<i32>} : memref<64x512xf32, #tpu.memory_space<vmem>>, vector<16xf32>,
      %mul3A_248 = arith.constant 2.550000e+02 : f32
      %mul3A_249 = vector.broadcast %mul3A_248 : f32 to vector<16xf32>
      %mul3A_250 = arith.mulf %get3A_247, %mul3A_249 : vector<16xf32>
      %convert_element_type3A_251 = arith.fptosi %mul3A_250 : vector<16xf32> to vector<16xi32>
      %gather3A_252 = tpu.vector_load_idx %arg5[%convert_element_type3A_251] : memref<256xf32, #tpu.memory_space<vmem>>[vector<16xi32>], vector<16xf32>,
      %sub3A_253 = arith.subf %get3A_247, %gather3A_252 : vector<16xf32>
      %mul3A_254 = arith.mulf %sub3A_253, %sub3A_253 : vector<16xf32>
      %add3A_255 = arith.constant 80 : i32
      %add3A_256 = arith.addi %shift_left3A_198, %add3A_255 : i32
      %get3A_257 = arith.index_cast %shift_right_arithmetic3A_196 : i32 to index
      %get3A_258 = arith.index_cast %add3A_256 : i32 to index
      %get3A_259 = tpu.vector_load %arg7[%get3A_257, %get3A_258] {strides = array<i32>} : memref<64x512xf32, #tpu.memory_space<vmem>>, vector<16xf32>,
      %mul3A_260 = arith.constant 2.550000e+02 : f32
      %mul3A_261 = vector.broadcast %mul3A_260 : f32 to vector<16xf32>
      %mul3A_262 = arith.mulf %get3A_259, %mul3A_261 : vector<16xf32>
      %convert_element_type3A_263 = arith.fptosi %mul3A_262 : vector<16xf32> to vector<16xi32>
      %gather3A_264 = tpu.vector_load_idx %arg5[%convert_element_type3A_263] : memref<256xf32, #tpu.memory_space<vmem>>[vector<16xi32>], vector<16xf32>,
      %sub3A_265 = arith.subf %get3A_259, %gather3A_264 : vector<16xf32>
      %mul3A_266 = arith.mulf %sub3A_265, %sub3A_265 : vector<16xf32>
      %add3A_267 = arith.constant 96 : i32
      %add3A_268 = arith.addi %shift_left3A_198, %add3A_267 : i32
      %get3A_269 = arith.index_cast %shift_right_arithmetic3A_196 : i32 to index
      %get3A_270 = arith.index_cast %add3A_268 : i32 to index
      %get3A_271 = tpu.vector_load %arg7[%get3A_269, %get3A_270] {strides = array<i32>} : memref<64x512xf32, #tpu.memory_space<vmem>>, vector<16xf32>,
      %mul3A_272 = arith.constant 2.550000e+02 : f32
      %mul3A_273 = vector.broadcast %mul3A_272 : f32 to vector<16xf32>
      %mul3A_274 = arith.mulf %get3A_271, %mul3A_273 : vector<16xf32>
      %convert_element_type3A_275 = arith.fptosi %mul3A_274 : vector<16xf32> to vector<16xi32>
      %gather3A_276 = tpu.vector_load_idx %arg5[%convert_element_type3A_275] : memref<256xf32, #tpu.memory_space<vmem>>[vector<16xi32>], vector<16xf32>,
      %sub3A_277 = arith.subf %get3A_271, %gather3A_276 : vector<16xf32>
      %mul3A_278 = arith.mulf %sub3A_277, %sub3A_277 : vector<16xf32>
      %add3A_279 = arith.constant 112 : i32
      %add3A_280 = arith.addi %shift_left3A_198, %add3A_279 : i32
      %get3A_281 = arith.index_cast %shift_right_arithmetic3A_196 : i32 to index
      %get3A_282 = arith.index_cast %add3A_280 : i32 to index
      %get3A_283 = tpu.vector_load %arg7[%get3A_281, %get3A_282] {strides = array<i32>} : memref<64x512xf32, #tpu.memory_space<vmem>>, vector<16xf32>,
      %mul3A_284 = arith.constant 2.550000e+02 : f32
      %mul3A_285 = vector.broadcast %mul3A_284 : f32 to vector<16xf32>
      %mul3A_286 = arith.mulf %get3A_283, %mul3A_285 : vector<16xf32>
      %convert_element_type3A_287 = arith.fptosi %mul3A_286 : vector<16xf32> to vector<16xi32>
      %gather3A_288 = tpu.vector_load_idx %arg5[%convert_element_type3A_287] : memref<256xf32, #tpu.memory_space<vmem>>[vector<16xi32>], vector<16xf32>,
      %sub3A_289 = arith.subf %get3A_283, %gather3A_288 : vector<16xf32>
      %mul3A_290 = arith.mulf %sub3A_289, %sub3A_289 : vector<16xf32>
      %add3A_291 = arith.constant 128 : i32
      %add3A_292 = arith.addi %shift_left3A_198, %add3A_291 : i32
      %get3A_293 = arith.index_cast %shift_right_arithmetic3A_196 : i32 to index
      %get3A_294 = arith.index_cast %add3A_292 : i32 to index
      %get3A_295 = tpu.vector_load %arg7[%get3A_293, %get3A_294] {strides = array<i32>} : memref<64x512xf32, #tpu.memory_space<vmem>>, vector<16xf32>,
      %mul3A_296 = arith.constant 2.550000e+02 : f32
      %mul3A_297 = vector.broadcast %mul3A_296 : f32 to vector<16xf32>
      %mul3A_298 = arith.mulf %get3A_295, %mul3A_297 : vector<16xf32>
      %convert_element_type3A_299 = arith.fptosi %mul3A_298 : vector<16xf32> to vector<16xi32>
      %gather3A_300 = tpu.vector_load_idx %arg5[%convert_element_type3A_299] : memref<256xf32, #tpu.memory_space<vmem>>[vector<16xi32>], vector<16xf32>,
      %sub3A_301 = arith.subf %get3A_295, %gather3A_300 : vector<16xf32>
      %mul3A_302 = arith.mulf %sub3A_301, %sub3A_301 : vector<16xf32>
      %add3A_303 = arith.constant 144 : i32
      %add3A_304 = arith.addi %shift_left3A_198, %add3A_303 : i32
      %get3A_305 = arith.index_cast %shift_right_arithmetic3A_196 : i32 to index
      %get3A_306 = arith.index_cast %add3A_304 : i32 to index
      %get3A_307 = tpu.vector_load %arg7[%get3A_305, %get3A_306] {strides = array<i32>} : memref<64x512xf32, #tpu.memory_space<vmem>>, vector<16xf32>,
      %mul3A_308 = arith.constant 2.550000e+02 : f32
      %mul3A_309 = vector.broadcast %mul3A_308 : f32 to vector<16xf32>
      %mul3A_310 = arith.mulf %get3A_307, %mul3A_309 : vector<16xf32>
      %convert_element_type3A_311 = arith.fptosi %mul3A_310 : vector<16xf32> to vector<16xi32>
      %gather3A_312 = tpu.vector_load_idx %arg5[%convert_element_type3A_311] : memref<256xf32, #tpu.memory_space<vmem>>[vector<16xi32>], vector<16xf32>,
      %sub3A_313 = arith.subf %get3A_307, %gather3A_312 : vector<16xf32>
      %mul3A_314 = arith.mulf %sub3A_313, %sub3A_313 : vector<16xf32>
      %add3A_315 = arith.constant 160 : i32
      %add3A_316 = arith.addi %shift_left3A_198, %add3A_315 : i32
      %get3A_317 = arith.index_cast %shift_right_arithmetic3A_196 : i32 to index
      %get3A_318 = arith.index_cast %add3A_316 : i32 to index
      %get3A_319 = tpu.vector_load %arg7[%get3A_317, %get3A_318] {strides = array<i32>} : memref<64x512xf32, #tpu.memory_space<vmem>>, vector<16xf32>,
      %mul3A_320 = arith.constant 2.550000e+02 : f32
      %mul3A_321 = vector.broadcast %mul3A_320 : f32 to vector<16xf32>
      %mul3A_322 = arith.mulf %get3A_319, %mul3A_321 : vector<16xf32>
      %convert_element_type3A_323 = arith.fptosi %mul3A_322 : vector<16xf32> to vector<16xi32>
      %gather3A_324 = tpu.vector_load_idx %arg5[%convert_element_type3A_323] : memref<256xf32, #tpu.memory_space<vmem>>[vector<16xi32>], vector<16xf32>,
      %sub3A_325 = arith.subf %get3A_319, %gather3A_324 : vector<16xf32>
      %mul3A_326 = arith.mulf %sub3A_325, %sub3A_325 : vector<16xf32>
      %add3A_327 = arith.constant 176 : i32
      %add3A_328 = arith.addi %shift_left3A_198, %add3A_327 : i32
      %get3A_329 = arith.index_cast %shift_right_arithmetic3A_196 : i32 to index
      %get3A_330 = arith.index_cast %add3A_328 : i32 to index
      %get3A_331 = tpu.vector_load %arg7[%get3A_329, %get3A_330] {strides = array<i32>} : memref<64x512xf32, #tpu.memory_space<vmem>>, vector<16xf32>,
      %mul3A_332 = arith.constant 2.550000e+02 : f32
      %mul3A_333 = vector.broadcast %mul3A_332 : f32 to vector<16xf32>
      %mul3A_334 = arith.mulf %get3A_331, %mul3A_333 : vector<16xf32>
      %convert_element_type3A_335 = arith.fptosi %mul3A_334 : vector<16xf32> to vector<16xi32>
      %gather3A_336 = tpu.vector_load_idx %arg5[%convert_element_type3A_335] : memref<256xf32, #tpu.memory_space<vmem>>[vector<16xi32>], vector<16xf32>,
      %sub3A_337 = arith.subf %get3A_331, %gather3A_336 : vector<16xf32>
      %mul3A_338 = arith.mulf %sub3A_337, %sub3A_337 : vector<16xf32>
      %add3A_339 = arith.constant 192 : i32
      %add3A_340 = arith.addi %shift_left3A_198, %add3A_339 : i32
      %get3A_341 = arith.index_cast %shift_right_arithmetic3A_196 : i32 to index
      %get3A_342 = arith.index_cast %add3A_340 : i32 to index
      %get3A_343 = tpu.vector_load %arg7[%get3A_341, %get3A_342] {strides = array<i32>} : memref<64x512xf32, #tpu.memory_space<vmem>>, vector<16xf32>,
      %mul3A_344 = arith.constant 2.550000e+02 : f32
      %mul3A_345 = vector.broadcast %mul3A_344 : f32 to vector<16xf32>
      %mul3A_346 = arith.mulf %get3A_343, %mul3A_345 : vector<16xf32>
      %convert_element_type3A_347 = arith.fptosi %mul3A_346 : vector<16xf32> to vector<16xi32>
      %gather3A_348 = tpu.vector_load_idx %arg5[%convert_element_type3A_347] : memref<256xf32, #tpu.memory_space<vmem>>[vector<16xi32>], vector<16xf32>,
      %sub3A_349 = arith.subf %get3A_343, %gather3A_348 : vector<16xf32>
      %mul3A_350 = arith.mulf %sub3A_349, %sub3A_349 : vector<16xf32>
      %add3A_351 = arith.constant 208 : i32
      %add3A_352 = arith.addi %shift_left3A_198, %add3A_351 : i32
      %get3A_353 = arith.index_cast %shift_right_arithmetic3A_196 : i32 to index
      %get3A_354 = arith.index_cast %add3A_352 : i32 to index
      %get3A_355 = tpu.vector_load %arg7[%get3A_353, %get3A_354] {strides = array<i32>} : memref<64x512xf32, #tpu.memory_space<vmem>>, vector<16xf32>,
      %mul3A_356 = arith.constant 2.550000e+02 : f32
      %mul3A_357 = vector.broadcast %mul3A_356 : f32 to vector<16xf32>
      %mul3A_358 = arith.mulf %get3A_355, %mul3A_357 : vector<16xf32>
      %convert_element_type3A_359 = arith.fptosi %mul3A_358 : vector<16xf32> to vector<16xi32>
      %gather3A_360 = tpu.vector_load_idx %arg5[%convert_element_type3A_359] : memref<256xf32, #tpu.memory_space<vmem>>[vector<16xi32>], vector<16xf32>,
      %sub3A_361 = arith.subf %get3A_355, %gather3A_360 : vector<16xf32>
      %mul3A_362 = arith.mulf %sub3A_361, %sub3A_361 : vector<16xf32>
      %add3A_363 = arith.constant 224 : i32
      %add3A_364 = arith.addi %shift_left3A_198, %add3A_363 : i32
      %get3A_365 = arith.index_cast %shift_right_arithmetic3A_196 : i32 to index
      %get3A_366 = arith.index_cast %add3A_364 : i32 to index
      %get3A_367 = tpu.vector_load %arg7[%get3A_365, %get3A_366] {strides = array<i32>} : memref<64x512xf32, #tpu.memory_space<vmem>>, vector<16xf32>,
      %mul3A_368 = arith.constant 2.550000e+02 : f32
      %mul3A_369 = vector.broadcast %mul3A_368 : f32 to vector<16xf32>
      %mul3A_370 = arith.mulf %get3A_367, %mul3A_369 : vector<16xf32>
      %convert_element_type3A_371 = arith.fptosi %mul3A_370 : vector<16xf32> to vector<16xi32>
      %gather3A_372 = tpu.vector_load_idx %arg5[%convert_element_type3A_371] : memref<256xf32, #tpu.memory_space<vmem>>[vector<16xi32>], vector<16xf32>,
      %sub3A_373 = arith.subf %get3A_367, %gather3A_372 : vector<16xf32>
      %mul3A_374 = arith.mulf %sub3A_373, %sub3A_373 : vector<16xf32>
      %add3A_375 = arith.constant 240 : i32
      %add3A_376 = arith.addi %shift_left3A_198, %add3A_375 : i32
      %get3A_377 = arith.index_cast %shift_right_arithmetic3A_196 : i32 to index
      %get3A_378 = arith.index_cast %add3A_376 : i32 to index
      %get3A_379 = tpu.vector_load %arg7[%get3A_377, %get3A_378] {strides = array<i32>} : memref<64x512xf32, #tpu.memory_space<vmem>>, vector<16xf32>,
      %mul3A_380 = arith.constant 2.550000e+02 : f32
      %mul3A_381 = vector.broadcast %mul3A_380 : f32 to vector<16xf32>
      %mul3A_382 = arith.mulf %get3A_379, %mul3A_381 : vector<16xf32>
      %convert_element_type3A_383 = arith.fptosi %mul3A_382 : vector<16xf32> to vector<16xi32>
      %gather3A_384 = tpu.vector_load_idx %arg5[%convert_element_type3A_383] : memref<256xf32, #tpu.memory_space<vmem>>[vector<16xi32>], vector<16xf32>,
      %sub3A_385 = arith.subf %get3A_379, %gather3A_384 : vector<16xf32>
      %mul3A_386 = arith.mulf %sub3A_385, %sub3A_385 : vector<16xf32>
      %add3A_387 = arith.addf %mul3A_206, %mul3A_218 : vector<16xf32>
      %add3A_388 = arith.addf %mul3A_230, %mul3A_242 : vector<16xf32>
      %add3A_389 = arith.addf %mul3A_254, %mul3A_266 : vector<16xf32>
      %add3A_390 = arith.addf %mul3A_278, %mul3A_290 : vector<16xf32>
      %add3A_391 = arith.addf %mul3A_302, %mul3A_314 : vector<16xf32>
      %add3A_392 = arith.addf %mul3A_326, %mul3A_338 : vector<16xf32>
      %add3A_393 = arith.addf %mul3A_350, %mul3A_362 : vector<16xf32>
      %add3A_394 = arith.addf %mul3A_374, %mul3A_386 : vector<16xf32>
      %add3A_395 = arith.addf %add3A_387, %add3A_388 : vector<16xf32>
      %add3A_396 = arith.addf %add3A_389, %add3A_390 : vector<16xf32>
      %add3A_397 = arith.addf %add3A_391, %add3A_392 : vector<16xf32>
      %add3A_398 = arith.addf %add3A_393, %add3A_394 : vector<16xf32>
      %add3A_399 = arith.addf %add3A_395, %add3A_396 : vector<16xf32>
      %add3A_400 = arith.addf %add3A_397, %add3A_398 : vector<16xf32>
      %add3A_401 = arith.addf %add3A_399, %add3A_400 : vector<16xf32>
      %add3A_402 = arith.addf %scan3A_195, %add3A_401 : vector<16xf32>
      scf.yield %add3A_402 : vector<16xf32>
    }
    %scan3A_38 = arith.constant 128 : i32
    %add3A_39 = arith.constant 192 : i32
    %add3A_40 = arith.addi %mul3A_2, %add3A_39 : i32
    %dma_start3A_41 = arith.constant 0 : i32
    %dma_start3A_42 = tpu.memref_slice %arg2[%add3A_40, %dma_start3A_41] : memref<24576x512xf32, #tpu.memory_space<hbm>> -> memref<64x512xf32, #tpu.memory_space<hbm>>
    %dma_start3A_43 = arith.constant 0 : i32
    %dma_start3A_44 = tpu.memref_slice %arg2[%add3A_40, %dma_start3A_43] : memref<24576x512xf32, #tpu.memory_space<hbm>> -> memref<64x512xf32, #tpu.memory_space<hbm>>
    tpu.enqueue_dma source(%dma_start3A_44 : memref<64x512xf32, #tpu.memory_space<hbm>>) target(%arg7 : memref<64x512xf32, #tpu.memory_space<vmem>>) target_semaphore(%arg10 : memref<!tpu.dma_semaphore, #tpu.memory_space<semaphore_mem>>)
    %dma_wait3A_45 = arith.constant 0 : i32
    %dma_wait3A_46 = tpu.memref_slice %arg2[%add3A_24, %dma_wait3A_45] : memref<24576x512xf32, #tpu.memory_space<hbm>> -> memref<64x512xf32, #tpu.memory_space<hbm>>
    %dma_wait3A_47 = arith.constant 0 : i32
    %dma_wait3A_48 = tpu.memref_slice %arg2[%add3A_24, %dma_wait3A_47] : memref<24576x512xf32, #tpu.memory_space<hbm>> -> memref<64x512xf32, #tpu.memory_space<hbm>>
    tpu.wait_dma2 semaphore(%arg9 : memref<!tpu.dma_semaphore, #tpu.memory_space<semaphore_mem>>) src(%dma_wait3A_48 : memref<64x512xf32, #tpu.memory_space<hbm>>) dst(%arg6 : memref<64x512xf32, #tpu.memory_space<vmem>>)
    %scan3A_49 = arith.constant 0 : i32
    %scan3A_50 = arith.constant 128 : i32
    %scan3A_51 = arith.addi %scan3A_49, %scan3A_50 : i32
    %scan3A_52 = arith.constant 1 : i32
    %scan3A_53 = scf.for %scan3A_194 = %scan3A_49 to %scan3A_51 step %scan3A_52 iter_args(%scan3A_195 = %scan3A_37) -> (vector<16xf32>)  : i32 {
      %shift_right_arithmetic3A = arith.constant 1 : i32
      %shift_right_arithmetic3A_196 = arith.shrsi %scan3A_194, %shift_right_arithmetic3A : i32
      %and3A = arith.constant 1 : i32
      %and3A_197 = arith.andi %scan3A_194, %and3A : i32
      %shift_left3A = arith.constant 8 : i32
      %shift_left3A_198 = arith.shli %and3A_197, %shift_left3A : i32
      %add3A_199 = arith.constant 0 : i32
      %add3A_200 = arith.addi %shift_left3A_198, %add3A_199 : i32
      %get3A = arith.index_cast %shift_right_arithmetic3A_196 : i32 to index
      %get3A_201 = arith.index_cast %add3A_200 : i32 to index
      %get3A_202 = tpu.vector_load %arg6[%get3A, %get3A_201] {strides = array<i32>} : memref<64x512xf32, #tpu.memory_space<vmem>>, vector<16xf32>,
      %mul3A_203 = arith.constant 2.550000e+02 : f32
      %mul3A_204 = vector.broadcast %mul3A_203 : f32 to vector<16xf32>
      %mul3A_205 = arith.mulf %get3A_202, %mul3A_204 : vector<16xf32>
      %convert_element_type3A = arith.fptosi %mul3A_205 : vector<16xf32> to vector<16xi32>
      %gather3A = tpu.vector_load_idx %arg5[%convert_element_type3A] : memref<256xf32, #tpu.memory_space<vmem>>[vector<16xi32>], vector<16xf32>,
      %sub3A = arith.subf %get3A_202, %gather3A : vector<16xf32>
      %mul3A_206 = arith.mulf %sub3A, %sub3A : vector<16xf32>
      %add3A_207 = arith.constant 16 : i32
      %add3A_208 = arith.addi %shift_left3A_198, %add3A_207 : i32
      %get3A_209 = arith.index_cast %shift_right_arithmetic3A_196 : i32 to index
      %get3A_210 = arith.index_cast %add3A_208 : i32 to index
      %get3A_211 = tpu.vector_load %arg6[%get3A_209, %get3A_210] {strides = array<i32>} : memref<64x512xf32, #tpu.memory_space<vmem>>, vector<16xf32>,
      %mul3A_212 = arith.constant 2.550000e+02 : f32
      %mul3A_213 = vector.broadcast %mul3A_212 : f32 to vector<16xf32>
      %mul3A_214 = arith.mulf %get3A_211, %mul3A_213 : vector<16xf32>
      %convert_element_type3A_215 = arith.fptosi %mul3A_214 : vector<16xf32> to vector<16xi32>
      %gather3A_216 = tpu.vector_load_idx %arg5[%convert_element_type3A_215] : memref<256xf32, #tpu.memory_space<vmem>>[vector<16xi32>], vector<16xf32>,
      %sub3A_217 = arith.subf %get3A_211, %gather3A_216 : vector<16xf32>
      %mul3A_218 = arith.mulf %sub3A_217, %sub3A_217 : vector<16xf32>
      %add3A_219 = arith.constant 32 : i32
      %add3A_220 = arith.addi %shift_left3A_198, %add3A_219 : i32
      %get3A_221 = arith.index_cast %shift_right_arithmetic3A_196 : i32 to index
      %get3A_222 = arith.index_cast %add3A_220 : i32 to index
      %get3A_223 = tpu.vector_load %arg6[%get3A_221, %get3A_222] {strides = array<i32>} : memref<64x512xf32, #tpu.memory_space<vmem>>, vector<16xf32>,
      %mul3A_224 = arith.constant 2.550000e+02 : f32
      %mul3A_225 = vector.broadcast %mul3A_224 : f32 to vector<16xf32>
      %mul3A_226 = arith.mulf %get3A_223, %mul3A_225 : vector<16xf32>
      %convert_element_type3A_227 = arith.fptosi %mul3A_226 : vector<16xf32> to vector<16xi32>
      %gather3A_228 = tpu.vector_load_idx %arg5[%convert_element_type3A_227] : memref<256xf32, #tpu.memory_space<vmem>>[vector<16xi32>], vector<16xf32>,
      %sub3A_229 = arith.subf %get3A_223, %gather3A_228 : vector<16xf32>
      %mul3A_230 = arith.mulf %sub3A_229, %sub3A_229 : vector<16xf32>
      %add3A_231 = arith.constant 48 : i32
      %add3A_232 = arith.addi %shift_left3A_198, %add3A_231 : i32
      %get3A_233 = arith.index_cast %shift_right_arithmetic3A_196 : i32 to index
      %get3A_234 = arith.index_cast %add3A_232 : i32 to index
      %get3A_235 = tpu.vector_load %arg6[%get3A_233, %get3A_234] {strides = array<i32>} : memref<64x512xf32, #tpu.memory_space<vmem>>, vector<16xf32>,
      %mul3A_236 = arith.constant 2.550000e+02 : f32
      %mul3A_237 = vector.broadcast %mul3A_236 : f32 to vector<16xf32>
      %mul3A_238 = arith.mulf %get3A_235, %mul3A_237 : vector<16xf32>
      %convert_element_type3A_239 = arith.fptosi %mul3A_238 : vector<16xf32> to vector<16xi32>
      %gather3A_240 = tpu.vector_load_idx %arg5[%convert_element_type3A_239] : memref<256xf32, #tpu.memory_space<vmem>>[vector<16xi32>], vector<16xf32>,
      %sub3A_241 = arith.subf %get3A_235, %gather3A_240 : vector<16xf32>
      %mul3A_242 = arith.mulf %sub3A_241, %sub3A_241 : vector<16xf32>
      %add3A_243 = arith.constant 64 : i32
      %add3A_244 = arith.addi %shift_left3A_198, %add3A_243 : i32
      %get3A_245 = arith.index_cast %shift_right_arithmetic3A_196 : i32 to index
      %get3A_246 = arith.index_cast %add3A_244 : i32 to index
      %get3A_247 = tpu.vector_load %arg6[%get3A_245, %get3A_246] {strides = array<i32>} : memref<64x512xf32, #tpu.memory_space<vmem>>, vector<16xf32>,
      %mul3A_248 = arith.constant 2.550000e+02 : f32
      %mul3A_249 = vector.broadcast %mul3A_248 : f32 to vector<16xf32>
      %mul3A_250 = arith.mulf %get3A_247, %mul3A_249 : vector<16xf32>
      %convert_element_type3A_251 = arith.fptosi %mul3A_250 : vector<16xf32> to vector<16xi32>
      %gather3A_252 = tpu.vector_load_idx %arg5[%convert_element_type3A_251] : memref<256xf32, #tpu.memory_space<vmem>>[vector<16xi32>], vector<16xf32>,
      %sub3A_253 = arith.subf %get3A_247, %gather3A_252 : vector<16xf32>
      %mul3A_254 = arith.mulf %sub3A_253, %sub3A_253 : vector<16xf32>
      %add3A_255 = arith.constant 80 : i32
      %add3A_256 = arith.addi %shift_left3A_198, %add3A_255 : i32
      %get3A_257 = arith.index_cast %shift_right_arithmetic3A_196 : i32 to index
      %get3A_258 = arith.index_cast %add3A_256 : i32 to index
      %get3A_259 = tpu.vector_load %arg6[%get3A_257, %get3A_258] {strides = array<i32>} : memref<64x512xf32, #tpu.memory_space<vmem>>, vector<16xf32>,
      %mul3A_260 = arith.constant 2.550000e+02 : f32
      %mul3A_261 = vector.broadcast %mul3A_260 : f32 to vector<16xf32>
      %mul3A_262 = arith.mulf %get3A_259, %mul3A_261 : vector<16xf32>
      %convert_element_type3A_263 = arith.fptosi %mul3A_262 : vector<16xf32> to vector<16xi32>
      %gather3A_264 = tpu.vector_load_idx %arg5[%convert_element_type3A_263] : memref<256xf32, #tpu.memory_space<vmem>>[vector<16xi32>], vector<16xf32>,
      %sub3A_265 = arith.subf %get3A_259, %gather3A_264 : vector<16xf32>
      %mul3A_266 = arith.mulf %sub3A_265, %sub3A_265 : vector<16xf32>
      %add3A_267 = arith.constant 96 : i32
      %add3A_268 = arith.addi %shift_left3A_198, %add3A_267 : i32
      %get3A_269 = arith.index_cast %shift_right_arithmetic3A_196 : i32 to index
      %get3A_270 = arith.index_cast %add3A_268 : i32 to index
      %get3A_271 = tpu.vector_load %arg6[%get3A_269, %get3A_270] {strides = array<i32>} : memref<64x512xf32, #tpu.memory_space<vmem>>, vector<16xf32>,
      %mul3A_272 = arith.constant 2.550000e+02 : f32
      %mul3A_273 = vector.broadcast %mul3A_272 : f32 to vector<16xf32>
      %mul3A_274 = arith.mulf %get3A_271, %mul3A_273 : vector<16xf32>
      %convert_element_type3A_275 = arith.fptosi %mul3A_274 : vector<16xf32> to vector<16xi32>
      %gather3A_276 = tpu.vector_load_idx %arg5[%convert_element_type3A_275] : memref<256xf32, #tpu.memory_space<vmem>>[vector<16xi32>], vector<16xf32>,
      %sub3A_277 = arith.subf %get3A_271, %gather3A_276 : vector<16xf32>
      %mul3A_278 = arith.mulf %sub3A_277, %sub3A_277 : vector<16xf32>
      %add3A_279 = arith.constant 112 : i32
      %add3A_280 = arith.addi %shift_left3A_198, %add3A_279 : i32
      %get3A_281 = arith.index_cast %shift_right_arithmetic3A_196 : i32 to index
      %get3A_282 = arith.index_cast %add3A_280 : i32 to index
      %get3A_283 = tpu.vector_load %arg6[%get3A_281, %get3A_282] {strides = array<i32>} : memref<64x512xf32, #tpu.memory_space<vmem>>, vector<16xf32>,
      %mul3A_284 = arith.constant 2.550000e+02 : f32
      %mul3A_285 = vector.broadcast %mul3A_284 : f32 to vector<16xf32>
      %mul3A_286 = arith.mulf %get3A_283, %mul3A_285 : vector<16xf32>
      %convert_element_type3A_287 = arith.fptosi %mul3A_286 : vector<16xf32> to vector<16xi32>
      %gather3A_288 = tpu.vector_load_idx %arg5[%convert_element_type3A_287] : memref<256xf32, #tpu.memory_space<vmem>>[vector<16xi32>], vector<16xf32>,
      %sub3A_289 = arith.subf %get3A_283, %gather3A_288 : vector<16xf32>
      %mul3A_290 = arith.mulf %sub3A_289, %sub3A_289 : vector<16xf32>
      %add3A_291 = arith.constant 128 : i32
      %add3A_292 = arith.addi %shift_left3A_198, %add3A_291 : i32
      %get3A_293 = arith.index_cast %shift_right_arithmetic3A_196 : i32 to index
      %get3A_294 = arith.index_cast %add3A_292 : i32 to index
      %get3A_295 = tpu.vector_load %arg6[%get3A_293, %get3A_294] {strides = array<i32>} : memref<64x512xf32, #tpu.memory_space<vmem>>, vector<16xf32>,
      %mul3A_296 = arith.constant 2.550000e+02 : f32
      %mul3A_297 = vector.broadcast %mul3A_296 : f32 to vector<16xf32>
      %mul3A_298 = arith.mulf %get3A_295, %mul3A_297 : vector<16xf32>
      %convert_element_type3A_299 = arith.fptosi %mul3A_298 : vector<16xf32> to vector<16xi32>
      %gather3A_300 = tpu.vector_load_idx %arg5[%convert_element_type3A_299] : memref<256xf32, #tpu.memory_space<vmem>>[vector<16xi32>], vector<16xf32>,
      %sub3A_301 = arith.subf %get3A_295, %gather3A_300 : vector<16xf32>
      %mul3A_302 = arith.mulf %sub3A_301, %sub3A_301 : vector<16xf32>
      %add3A_303 = arith.constant 144 : i32
      %add3A_304 = arith.addi %shift_left3A_198, %add3A_303 : i32
      %get3A_305 = arith.index_cast %shift_right_arithmetic3A_196 : i32 to index
      %get3A_306 = arith.index_cast %add3A_304 : i32 to index
      %get3A_307 = tpu.vector_load %arg6[%get3A_305, %get3A_306] {strides = array<i32>} : memref<64x512xf32, #tpu.memory_space<vmem>>, vector<16xf32>,
      %mul3A_308 = arith.constant 2.550000e+02 : f32
      %mul3A_309 = vector.broadcast %mul3A_308 : f32 to vector<16xf32>
      %mul3A_310 = arith.mulf %get3A_307, %mul3A_309 : vector<16xf32>
      %convert_element_type3A_311 = arith.fptosi %mul3A_310 : vector<16xf32> to vector<16xi32>
      %gather3A_312 = tpu.vector_load_idx %arg5[%convert_element_type3A_311] : memref<256xf32, #tpu.memory_space<vmem>>[vector<16xi32>], vector<16xf32>,
      %sub3A_313 = arith.subf %get3A_307, %gather3A_312 : vector<16xf32>
      %mul3A_314 = arith.mulf %sub3A_313, %sub3A_313 : vector<16xf32>
      %add3A_315 = arith.constant 160 : i32
      %add3A_316 = arith.addi %shift_left3A_198, %add3A_315 : i32
      %get3A_317 = arith.index_cast %shift_right_arithmetic3A_196 : i32 to index
      %get3A_318 = arith.index_cast %add3A_316 : i32 to index
      %get3A_319 = tpu.vector_load %arg6[%get3A_317, %get3A_318] {strides = array<i32>} : memref<64x512xf32, #tpu.memory_space<vmem>>, vector<16xf32>,
      %mul3A_320 = arith.constant 2.550000e+02 : f32
      %mul3A_321 = vector.broadcast %mul3A_320 : f32 to vector<16xf32>
      %mul3A_322 = arith.mulf %get3A_319, %mul3A_321 : vector<16xf32>
      %convert_element_type3A_323 = arith.fptosi %mul3A_322 : vector<16xf32> to vector<16xi32>
      %gather3A_324 = tpu.vector_load_idx %arg5[%convert_element_type3A_323] : memref<256xf32, #tpu.memory_space<vmem>>[vector<16xi32>], vector<16xf32>,
      %sub3A_325 = arith.subf %get3A_319, %gather3A_324 : vector<16xf32>
      %mul3A_326 = arith.mulf %sub3A_325, %sub3A_325 : vector<16xf32>
      %add3A_327 = arith.constant 176 : i32
      %add3A_328 = arith.addi %shift_left3A_198, %add3A_327 : i32
      %get3A_329 = arith.index_cast %shift_right_arithmetic3A_196 : i32 to index
      %get3A_330 = arith.index_cast %add3A_328 : i32 to index
      %get3A_331 = tpu.vector_load %arg6[%get3A_329, %get3A_330] {strides = array<i32>} : memref<64x512xf32, #tpu.memory_space<vmem>>, vector<16xf32>,
      %mul3A_332 = arith.constant 2.550000e+02 : f32
      %mul3A_333 = vector.broadcast %mul3A_332 : f32 to vector<16xf32>
      %mul3A_334 = arith.mulf %get3A_331, %mul3A_333 : vector<16xf32>
      %convert_element_type3A_335 = arith.fptosi %mul3A_334 : vector<16xf32> to vector<16xi32>
      %gather3A_336 = tpu.vector_load_idx %arg5[%convert_element_type3A_335] : memref<256xf32, #tpu.memory_space<vmem>>[vector<16xi32>], vector<16xf32>,
      %sub3A_337 = arith.subf %get3A_331, %gather3A_336 : vector<16xf32>
      %mul3A_338 = arith.mulf %sub3A_337, %sub3A_337 : vector<16xf32>
      %add3A_339 = arith.constant 192 : i32
      %add3A_340 = arith.addi %shift_left3A_198, %add3A_339 : i32
      %get3A_341 = arith.index_cast %shift_right_arithmetic3A_196 : i32 to index
      %get3A_342 = arith.index_cast %add3A_340 : i32 to index
      %get3A_343 = tpu.vector_load %arg6[%get3A_341, %get3A_342] {strides = array<i32>} : memref<64x512xf32, #tpu.memory_space<vmem>>, vector<16xf32>,
      %mul3A_344 = arith.constant 2.550000e+02 : f32
      %mul3A_345 = vector.broadcast %mul3A_344 : f32 to vector<16xf32>
      %mul3A_346 = arith.mulf %get3A_343, %mul3A_345 : vector<16xf32>
      %convert_element_type3A_347 = arith.fptosi %mul3A_346 : vector<16xf32> to vector<16xi32>
      %gather3A_348 = tpu.vector_load_idx %arg5[%convert_element_type3A_347] : memref<256xf32, #tpu.memory_space<vmem>>[vector<16xi32>], vector<16xf32>,
      %sub3A_349 = arith.subf %get3A_343, %gather3A_348 : vector<16xf32>
      %mul3A_350 = arith.mulf %sub3A_349, %sub3A_349 : vector<16xf32>
      %add3A_351 = arith.constant 208 : i32
      %add3A_352 = arith.addi %shift_left3A_198, %add3A_351 : i32
      %get3A_353 = arith.index_cast %shift_right_arithmetic3A_196 : i32 to index
      %get3A_354 = arith.index_cast %add3A_352 : i32 to index
      %get3A_355 = tpu.vector_load %arg6[%get3A_353, %get3A_354] {strides = array<i32>} : memref<64x512xf32, #tpu.memory_space<vmem>>, vector<16xf32>,
      %mul3A_356 = arith.constant 2.550000e+02 : f32
      %mul3A_357 = vector.broadcast %mul3A_356 : f32 to vector<16xf32>
      %mul3A_358 = arith.mulf %get3A_355, %mul3A_357 : vector<16xf32>
      %convert_element_type3A_359 = arith.fptosi %mul3A_358 : vector<16xf32> to vector<16xi32>
      %gather3A_360 = tpu.vector_load_idx %arg5[%convert_element_type3A_359] : memref<256xf32, #tpu.memory_space<vmem>>[vector<16xi32>], vector<16xf32>,
      %sub3A_361 = arith.subf %get3A_355, %gather3A_360 : vector<16xf32>
      %mul3A_362 = arith.mulf %sub3A_361, %sub3A_361 : vector<16xf32>
      %add3A_363 = arith.constant 224 : i32
      %add3A_364 = arith.addi %shift_left3A_198, %add3A_363 : i32
      %get3A_365 = arith.index_cast %shift_right_arithmetic3A_196 : i32 to index
      %get3A_366 = arith.index_cast %add3A_364 : i32 to index
      %get3A_367 = tpu.vector_load %arg6[%get3A_365, %get3A_366] {strides = array<i32>} : memref<64x512xf32, #tpu.memory_space<vmem>>, vector<16xf32>,
      %mul3A_368 = arith.constant 2.550000e+02 : f32
      %mul3A_369 = vector.broadcast %mul3A_368 : f32 to vector<16xf32>
      %mul3A_370 = arith.mulf %get3A_367, %mul3A_369 : vector<16xf32>
      %convert_element_type3A_371 = arith.fptosi %mul3A_370 : vector<16xf32> to vector<16xi32>
      %gather3A_372 = tpu.vector_load_idx %arg5[%convert_element_type3A_371] : memref<256xf32, #tpu.memory_space<vmem>>[vector<16xi32>], vector<16xf32>,
      %sub3A_373 = arith.subf %get3A_367, %gather3A_372 : vector<16xf32>
      %mul3A_374 = arith.mulf %sub3A_373, %sub3A_373 : vector<16xf32>
      %add3A_375 = arith.constant 240 : i32
      %add3A_376 = arith.addi %shift_left3A_198, %add3A_375 : i32
      %get3A_377 = arith.index_cast %shift_right_arithmetic3A_196 : i32 to index
      %get3A_378 = arith.index_cast %add3A_376 : i32 to index
      %get3A_379 = tpu.vector_load %arg6[%get3A_377, %get3A_378] {strides = array<i32>} : memref<64x512xf32, #tpu.memory_space<vmem>>, vector<16xf32>,
      %mul3A_380 = arith.constant 2.550000e+02 : f32
      %mul3A_381 = vector.broadcast %mul3A_380 : f32 to vector<16xf32>
      %mul3A_382 = arith.mulf %get3A_379, %mul3A_381 : vector<16xf32>
      %convert_element_type3A_383 = arith.fptosi %mul3A_382 : vector<16xf32> to vector<16xi32>
      %gather3A_384 = tpu.vector_load_idx %arg5[%convert_element_type3A_383] : memref<256xf32, #tpu.memory_space<vmem>>[vector<16xi32>], vector<16xf32>,
      %sub3A_385 = arith.subf %get3A_379, %gather3A_384 : vector<16xf32>
      %mul3A_386 = arith.mulf %sub3A_385, %sub3A_385 : vector<16xf32>
      %add3A_387 = arith.addf %mul3A_206, %mul3A_218 : vector<16xf32>
      %add3A_388 = arith.addf %mul3A_230, %mul3A_242 : vector<16xf32>
      %add3A_389 = arith.addf %mul3A_254, %mul3A_266 : vector<16xf32>
      %add3A_390 = arith.addf %mul3A_278, %mul3A_290 : vector<16xf32>
      %add3A_391 = arith.addf %mul3A_302, %mul3A_314 : vector<16xf32>
      %add3A_392 = arith.addf %mul3A_326, %mul3A_338 : vector<16xf32>
      %add3A_393 = arith.addf %mul3A_350, %mul3A_362 : vector<16xf32>
      %add3A_394 = arith.addf %mul3A_374, %mul3A_386 : vector<16xf32>
      %add3A_395 = arith.addf %add3A_387, %add3A_388 : vector<16xf32>
      %add3A_396 = arith.addf %add3A_389, %add3A_390 : vector<16xf32>
      %add3A_397 = arith.addf %add3A_391, %add3A_392 : vector<16xf32>
      %add3A_398 = arith.addf %add3A_393, %add3A_394 : vector<16xf32>
      %add3A_399 = arith.addf %add3A_395, %add3A_396 : vector<16xf32>
      %add3A_400 = arith.addf %add3A_397, %add3A_398 : vector<16xf32>
      %add3A_401 = arith.addf %add3A_399, %add3A_400 : vector<16xf32>
      %add3A_402 = arith.addf %scan3A_195, %add3A_401 : vector<16xf32>
      scf.yield %add3A_402 : vector<16xf32>
    }
    %scan3A_54 = arith.constant 128 : i32
    %add3A_55 = arith.constant 256 : i32
    %add3A_56 = arith.addi %mul3A_2, %add3A_55 : i32
    %dma_start3A_57 = arith.constant 0 : i32
    %dma_start3A_58 = tpu.memref_slice %arg2[%add3A_56, %dma_start3A_57] : memref<24576x512xf32, #tpu.memory_space<hbm>> -> memref<64x512xf32, #tpu.memory_space<hbm>>
    %dma_start3A_59 = arith.constant 0 : i32
    %dma_start3A_60 = tpu.memref_slice %arg2[%add3A_56, %dma_start3A_59] : memref<24576x512xf32, #tpu.memory_space<hbm>> -> memref<64x512xf32, #tpu.memory_space<hbm>>
    tpu.enqueue_dma source(%dma_start3A_60 : memref<64x512xf32, #tpu.memory_space<hbm>>) target(%arg6 : memref<64x512xf32, #tpu.memory_space<vmem>>) target_semaphore(%arg9 : memref<!tpu.dma_semaphore, #tpu.memory_space<semaphore_mem>>)
    %dma_wait3A_61 = arith.constant 0 : i32
    %dma_wait3A_62 = tpu.memref_slice %arg2[%add3A_40, %dma_wait3A_61] : memref<24576x512xf32, #tpu.memory_space<hbm>> -> memref<64x512xf32, #tpu.memory_space<hbm>>
    %dma_wait3A_63 = arith.constant 0 : i32
    %dma_wait3A_64 = tpu.memref_slice %arg2[%add3A_40, %dma_wait3A_63] : memref<24576x512xf32, #tpu.memory_space<hbm>> -> memref<64x512xf32, #tpu.memory_space<hbm>>
    tpu.wait_dma2 semaphore(%arg10 : memref<!tpu.dma_semaphore, #tpu.memory_space<semaphore_mem>>) src(%dma_wait3A_64 : memref<64x512xf32, #tpu.memory_space<hbm>>) dst(%arg7 : memref<64x512xf32, #tpu.memory_space<vmem>>)
    %scan3A_65 = arith.constant 0 : i32
    %scan3A_66 = arith.constant 128 : i32
    %scan3A_67 = arith.addi %scan3A_65, %scan3A_66 : i32
    %scan3A_68 = arith.constant 1 : i32
    %scan3A_69 = scf.for %scan3A_194 = %scan3A_65 to %scan3A_67 step %scan3A_68 iter_args(%scan3A_195 = %scan3A_53) -> (vector<16xf32>)  : i32 {
      %shift_right_arithmetic3A = arith.constant 1 : i32
      %shift_right_arithmetic3A_196 = arith.shrsi %scan3A_194, %shift_right_arithmetic3A : i32
      %and3A = arith.constant 1 : i32
      %and3A_197 = arith.andi %scan3A_194, %and3A : i32
      %shift_left3A = arith.constant 8 : i32
      %shift_left3A_198 = arith.shli %and3A_197, %shift_left3A : i32
      %add3A_199 = arith.constant 0 : i32
      %add3A_200 = arith.addi %shift_left3A_198, %add3A_199 : i32
      %get3A = arith.index_cast %shift_right_arithmetic3A_196 : i32 to index
      %get3A_201 = arith.index_cast %add3A_200 : i32 to index
      %get3A_202 = tpu.vector_load %arg7[%get3A, %get3A_201] {strides = array<i32>} : memref<64x512xf32, #tpu.memory_space<vmem>>, vector<16xf32>,
      %mul3A_203 = arith.constant 2.550000e+02 : f32
      %mul3A_204 = vector.broadcast %mul3A_203 : f32 to vector<16xf32>
      %mul3A_205 = arith.mulf %get3A_202, %mul3A_204 : vector<16xf32>
      %convert_element_type3A = arith.fptosi %mul3A_205 : vector<16xf32> to vector<16xi32>
      %gather3A = tpu.vector_load_idx %arg5[%convert_element_type3A] : memref<256xf32, #tpu.memory_space<vmem>>[vector<16xi32>], vector<16xf32>,
      %sub3A = arith.subf %get3A_202, %gather3A : vector<16xf32>
      %mul3A_206 = arith.mulf %sub3A, %sub3A : vector<16xf32>
      %add3A_207 = arith.constant 16 : i32
      %add3A_208 = arith.addi %shift_left3A_198, %add3A_207 : i32
      %get3A_209 = arith.index_cast %shift_right_arithmetic3A_196 : i32 to index
      %get3A_210 = arith.index_cast %add3A_208 : i32 to index
      %get3A_211 = tpu.vector_load %arg7[%get3A_209, %get3A_210] {strides = array<i32>} : memref<64x512xf32, #tpu.memory_space<vmem>>, vector<16xf32>,
      %mul3A_212 = arith.constant 2.550000e+02 : f32
      %mul3A_213 = vector.broadcast %mul3A_212 : f32 to vector<16xf32>
      %mul3A_214 = arith.mulf %get3A_211, %mul3A_213 : vector<16xf32>
      %convert_element_type3A_215 = arith.fptosi %mul3A_214 : vector<16xf32> to vector<16xi32>
      %gather3A_216 = tpu.vector_load_idx %arg5[%convert_element_type3A_215] : memref<256xf32, #tpu.memory_space<vmem>>[vector<16xi32>], vector<16xf32>,
      %sub3A_217 = arith.subf %get3A_211, %gather3A_216 : vector<16xf32>
      %mul3A_218 = arith.mulf %sub3A_217, %sub3A_217 : vector<16xf32>
      %add3A_219 = arith.constant 32 : i32
      %add3A_220 = arith.addi %shift_left3A_198, %add3A_219 : i32
      %get3A_221 = arith.index_cast %shift_right_arithmetic3A_196 : i32 to index
      %get3A_222 = arith.index_cast %add3A_220 : i32 to index
      %get3A_223 = tpu.vector_load %arg7[%get3A_221, %get3A_222] {strides = array<i32>} : memref<64x512xf32, #tpu.memory_space<vmem>>, vector<16xf32>,
      %mul3A_224 = arith.constant 2.550000e+02 : f32
      %mul3A_225 = vector.broadcast %mul3A_224 : f32 to vector<16xf32>
      %mul3A_226 = arith.mulf %get3A_223, %mul3A_225 : vector<16xf32>
      %convert_element_type3A_227 = arith.fptosi %mul3A_226 : vector<16xf32> to vector<16xi32>
      %gather3A_228 = tpu.vector_load_idx %arg5[%convert_element_type3A_227] : memref<256xf32, #tpu.memory_space<vmem>>[vector<16xi32>], vector<16xf32>,
      %sub3A_229 = arith.subf %get3A_223, %gather3A_228 : vector<16xf32>
      %mul3A_230 = arith.mulf %sub3A_229, %sub3A_229 : vector<16xf32>
      %add3A_231 = arith.constant 48 : i32
      %add3A_232 = arith.addi %shift_left3A_198, %add3A_231 : i32
      %get3A_233 = arith.index_cast %shift_right_arithmetic3A_196 : i32 to index
      %get3A_234 = arith.index_cast %add3A_232 : i32 to index
      %get3A_235 = tpu.vector_load %arg7[%get3A_233, %get3A_234] {strides = array<i32>} : memref<64x512xf32, #tpu.memory_space<vmem>>, vector<16xf32>,
      %mul3A_236 = arith.constant 2.550000e+02 : f32
      %mul3A_237 = vector.broadcast %mul3A_236 : f32 to vector<16xf32>
      %mul3A_238 = arith.mulf %get3A_235, %mul3A_237 : vector<16xf32>
      %convert_element_type3A_239 = arith.fptosi %mul3A_238 : vector<16xf32> to vector<16xi32>
      %gather3A_240 = tpu.vector_load_idx %arg5[%convert_element_type3A_239] : memref<256xf32, #tpu.memory_space<vmem>>[vector<16xi32>], vector<16xf32>,
      %sub3A_241 = arith.subf %get3A_235, %gather3A_240 : vector<16xf32>
      %mul3A_242 = arith.mulf %sub3A_241, %sub3A_241 : vector<16xf32>
      %add3A_243 = arith.constant 64 : i32
      %add3A_244 = arith.addi %shift_left3A_198, %add3A_243 : i32
      %get3A_245 = arith.index_cast %shift_right_arithmetic3A_196 : i32 to index
      %get3A_246 = arith.index_cast %add3A_244 : i32 to index
      %get3A_247 = tpu.vector_load %arg7[%get3A_245, %get3A_246] {strides = array<i32>} : memref<64x512xf32, #tpu.memory_space<vmem>>, vector<16xf32>,
      %mul3A_248 = arith.constant 2.550000e+02 : f32
      %mul3A_249 = vector.broadcast %mul3A_248 : f32 to vector<16xf32>
      %mul3A_250 = arith.mulf %get3A_247, %mul3A_249 : vector<16xf32>
      %convert_element_type3A_251 = arith.fptosi %mul3A_250 : vector<16xf32> to vector<16xi32>
      %gather3A_252 = tpu.vector_load_idx %arg5[%convert_element_type3A_251] : memref<256xf32, #tpu.memory_space<vmem>>[vector<16xi32>], vector<16xf32>,
      %sub3A_253 = arith.subf %get3A_247, %gather3A_252 : vector<16xf32>
      %mul3A_254 = arith.mulf %sub3A_253, %sub3A_253 : vector<16xf32>
      %add3A_255 = arith.constant 80 : i32
      %add3A_256 = arith.addi %shift_left3A_198, %add3A_255 : i32
      %get3A_257 = arith.index_cast %shift_right_arithmetic3A_196 : i32 to index
      %get3A_258 = arith.index_cast %add3A_256 : i32 to index
      %get3A_259 = tpu.vector_load %arg7[%get3A_257, %get3A_258] {strides = array<i32>} : memref<64x512xf32, #tpu.memory_space<vmem>>, vector<16xf32>,
      %mul3A_260 = arith.constant 2.550000e+02 : f32
      %mul3A_261 = vector.broadcast %mul3A_260 : f32 to vector<16xf32>
      %mul3A_262 = arith.mulf %get3A_259, %mul3A_261 : vector<16xf32>
      %convert_element_type3A_263 = arith.fptosi %mul3A_262 : vector<16xf32> to vector<16xi32>
      %gather3A_264 = tpu.vector_load_idx %arg5[%convert_element_type3A_263] : memref<256xf32, #tpu.memory_space<vmem>>[vector<16xi32>], vector<16xf32>,
      %sub3A_265 = arith.subf %get3A_259, %gather3A_264 : vector<16xf32>
      %mul3A_266 = arith.mulf %sub3A_265, %sub3A_265 : vector<16xf32>
      %add3A_267 = arith.constant 96 : i32
      %add3A_268 = arith.addi %shift_left3A_198, %add3A_267 : i32
      %get3A_269 = arith.index_cast %shift_right_arithmetic3A_196 : i32 to index
      %get3A_270 = arith.index_cast %add3A_268 : i32 to index
      %get3A_271 = tpu.vector_load %arg7[%get3A_269, %get3A_270] {strides = array<i32>} : memref<64x512xf32, #tpu.memory_space<vmem>>, vector<16xf32>,
      %mul3A_272 = arith.constant 2.550000e+02 : f32
      %mul3A_273 = vector.broadcast %mul3A_272 : f32 to vector<16xf32>
      %mul3A_274 = arith.mulf %get3A_271, %mul3A_273 : vector<16xf32>
      %convert_element_type3A_275 = arith.fptosi %mul3A_274 : vector<16xf32> to vector<16xi32>
      %gather3A_276 = tpu.vector_load_idx %arg5[%convert_element_type3A_275] : memref<256xf32, #tpu.memory_space<vmem>>[vector<16xi32>], vector<16xf32>,
      %sub3A_277 = arith.subf %get3A_271, %gather3A_276 : vector<16xf32>
      %mul3A_278 = arith.mulf %sub3A_277, %sub3A_277 : vector<16xf32>
      %add3A_279 = arith.constant 112 : i32
      %add3A_280 = arith.addi %shift_left3A_198, %add3A_279 : i32
      %get3A_281 = arith.index_cast %shift_right_arithmetic3A_196 : i32 to index
      %get3A_282 = arith.index_cast %add3A_280 : i32 to index
      %get3A_283 = tpu.vector_load %arg7[%get3A_281, %get3A_282] {strides = array<i32>} : memref<64x512xf32, #tpu.memory_space<vmem>>, vector<16xf32>,
      %mul3A_284 = arith.constant 2.550000e+02 : f32
      %mul3A_285 = vector.broadcast %mul3A_284 : f32 to vector<16xf32>
      %mul3A_286 = arith.mulf %get3A_283, %mul3A_285 : vector<16xf32>
      %convert_element_type3A_287 = arith.fptosi %mul3A_286 : vector<16xf32> to vector<16xi32>
      %gather3A_288 = tpu.vector_load_idx %arg5[%convert_element_type3A_287] : memref<256xf32, #tpu.memory_space<vmem>>[vector<16xi32>], vector<16xf32>,
      %sub3A_289 = arith.subf %get3A_283, %gather3A_288 : vector<16xf32>
      %mul3A_290 = arith.mulf %sub3A_289, %sub3A_289 : vector<16xf32>
      %add3A_291 = arith.constant 128 : i32
      %add3A_292 = arith.addi %shift_left3A_198, %add3A_291 : i32
      %get3A_293 = arith.index_cast %shift_right_arithmetic3A_196 : i32 to index
      %get3A_294 = arith.index_cast %add3A_292 : i32 to index
      %get3A_295 = tpu.vector_load %arg7[%get3A_293, %get3A_294] {strides = array<i32>} : memref<64x512xf32, #tpu.memory_space<vmem>>, vector<16xf32>,
      %mul3A_296 = arith.constant 2.550000e+02 : f32
      %mul3A_297 = vector.broadcast %mul3A_296 : f32 to vector<16xf32>
      %mul3A_298 = arith.mulf %get3A_295, %mul3A_297 : vector<16xf32>
      %convert_element_type3A_299 = arith.fptosi %mul3A_298 : vector<16xf32> to vector<16xi32>
      %gather3A_300 = tpu.vector_load_idx %arg5[%convert_element_type3A_299] : memref<256xf32, #tpu.memory_space<vmem>>[vector<16xi32>], vector<16xf32>,
      %sub3A_301 = arith.subf %get3A_295, %gather3A_300 : vector<16xf32>
      %mul3A_302 = arith.mulf %sub3A_301, %sub3A_301 : vector<16xf32>
      %add3A_303 = arith.constant 144 : i32
      %add3A_304 = arith.addi %shift_left3A_198, %add3A_303 : i32
      %get3A_305 = arith.index_cast %shift_right_arithmetic3A_196 : i32 to index
      %get3A_306 = arith.index_cast %add3A_304 : i32 to index
      %get3A_307 = tpu.vector_load %arg7[%get3A_305, %get3A_306] {strides = array<i32>} : memref<64x512xf32, #tpu.memory_space<vmem>>, vector<16xf32>,
      %mul3A_308 = arith.constant 2.550000e+02 : f32
      %mul3A_309 = vector.broadcast %mul3A_308 : f32 to vector<16xf32>
      %mul3A_310 = arith.mulf %get3A_307, %mul3A_309 : vector<16xf32>
      %convert_element_type3A_311 = arith.fptosi %mul3A_310 : vector<16xf32> to vector<16xi32>
      %gather3A_312 = tpu.vector_load_idx %arg5[%convert_element_type3A_311] : memref<256xf32, #tpu.memory_space<vmem>>[vector<16xi32>], vector<16xf32>,
      %sub3A_313 = arith.subf %get3A_307, %gather3A_312 : vector<16xf32>
      %mul3A_314 = arith.mulf %sub3A_313, %sub3A_313 : vector<16xf32>
      %add3A_315 = arith.constant 160 : i32
      %add3A_316 = arith.addi %shift_left3A_198, %add3A_315 : i32
      %get3A_317 = arith.index_cast %shift_right_arithmetic3A_196 : i32 to index
      %get3A_318 = arith.index_cast %add3A_316 : i32 to index
      %get3A_319 = tpu.vector_load %arg7[%get3A_317, %get3A_318] {strides = array<i32>} : memref<64x512xf32, #tpu.memory_space<vmem>>, vector<16xf32>,
      %mul3A_320 = arith.constant 2.550000e+02 : f32
      %mul3A_321 = vector.broadcast %mul3A_320 : f32 to vector<16xf32>
      %mul3A_322 = arith.mulf %get3A_319, %mul3A_321 : vector<16xf32>
      %convert_element_type3A_323 = arith.fptosi %mul3A_322 : vector<16xf32> to vector<16xi32>
      %gather3A_324 = tpu.vector_load_idx %arg5[%convert_element_type3A_323] : memref<256xf32, #tpu.memory_space<vmem>>[vector<16xi32>], vector<16xf32>,
      %sub3A_325 = arith.subf %get3A_319, %gather3A_324 : vector<16xf32>
      %mul3A_326 = arith.mulf %sub3A_325, %sub3A_325 : vector<16xf32>
      %add3A_327 = arith.constant 176 : i32
      %add3A_328 = arith.addi %shift_left3A_198, %add3A_327 : i32
      %get3A_329 = arith.index_cast %shift_right_arithmetic3A_196 : i32 to index
      %get3A_330 = arith.index_cast %add3A_328 : i32 to index
      %get3A_331 = tpu.vector_load %arg7[%get3A_329, %get3A_330] {strides = array<i32>} : memref<64x512xf32, #tpu.memory_space<vmem>>, vector<16xf32>,
      %mul3A_332 = arith.constant 2.550000e+02 : f32
      %mul3A_333 = vector.broadcast %mul3A_332 : f32 to vector<16xf32>
      %mul3A_334 = arith.mulf %get3A_331, %mul3A_333 : vector<16xf32>
      %convert_element_type3A_335 = arith.fptosi %mul3A_334 : vector<16xf32> to vector<16xi32>
      %gather3A_336 = tpu.vector_load_idx %arg5[%convert_element_type3A_335] : memref<256xf32, #tpu.memory_space<vmem>>[vector<16xi32>], vector<16xf32>,
      %sub3A_337 = arith.subf %get3A_331, %gather3A_336 : vector<16xf32>
      %mul3A_338 = arith.mulf %sub3A_337, %sub3A_337 : vector<16xf32>
      %add3A_339 = arith.constant 192 : i32
      %add3A_340 = arith.addi %shift_left3A_198, %add3A_339 : i32
      %get3A_341 = arith.index_cast %shift_right_arithmetic3A_196 : i32 to index
      %get3A_342 = arith.index_cast %add3A_340 : i32 to index
      %get3A_343 = tpu.vector_load %arg7[%get3A_341, %get3A_342] {strides = array<i32>} : memref<64x512xf32, #tpu.memory_space<vmem>>, vector<16xf32>,
      %mul3A_344 = arith.constant 2.550000e+02 : f32
      %mul3A_345 = vector.broadcast %mul3A_344 : f32 to vector<16xf32>
      %mul3A_346 = arith.mulf %get3A_343, %mul3A_345 : vector<16xf32>
      %convert_element_type3A_347 = arith.fptosi %mul3A_346 : vector<16xf32> to vector<16xi32>
      %gather3A_348 = tpu.vector_load_idx %arg5[%convert_element_type3A_347] : memref<256xf32, #tpu.memory_space<vmem>>[vector<16xi32>], vector<16xf32>,
      %sub3A_349 = arith.subf %get3A_343, %gather3A_348 : vector<16xf32>
      %mul3A_350 = arith.mulf %sub3A_349, %sub3A_349 : vector<16xf32>
      %add3A_351 = arith.constant 208 : i32
      %add3A_352 = arith.addi %shift_left3A_198, %add3A_351 : i32
      %get3A_353 = arith.index_cast %shift_right_arithmetic3A_196 : i32 to index
      %get3A_354 = arith.index_cast %add3A_352 : i32 to index
      %get3A_355 = tpu.vector_load %arg7[%get3A_353, %get3A_354] {strides = array<i32>} : memref<64x512xf32, #tpu.memory_space<vmem>>, vector<16xf32>,
      %mul3A_356 = arith.constant 2.550000e+02 : f32
      %mul3A_357 = vector.broadcast %mul3A_356 : f32 to vector<16xf32>
      %mul3A_358 = arith.mulf %get3A_355, %mul3A_357 : vector<16xf32>
      %convert_element_type3A_359 = arith.fptosi %mul3A_358 : vector<16xf32> to vector<16xi32>
      %gather3A_360 = tpu.vector_load_idx %arg5[%convert_element_type3A_359] : memref<256xf32, #tpu.memory_space<vmem>>[vector<16xi32>], vector<16xf32>,
      %sub3A_361 = arith.subf %get3A_355, %gather3A_360 : vector<16xf32>
      %mul3A_362 = arith.mulf %sub3A_361, %sub3A_361 : vector<16xf32>
      %add3A_363 = arith.constant 224 : i32
      %add3A_364 = arith.addi %shift_left3A_198, %add3A_363 : i32
      %get3A_365 = arith.index_cast %shift_right_arithmetic3A_196 : i32 to index
      %get3A_366 = arith.index_cast %add3A_364 : i32 to index
      %get3A_367 = tpu.vector_load %arg7[%get3A_365, %get3A_366] {strides = array<i32>} : memref<64x512xf32, #tpu.memory_space<vmem>>, vector<16xf32>,
      %mul3A_368 = arith.constant 2.550000e+02 : f32
      %mul3A_369 = vector.broadcast %mul3A_368 : f32 to vector<16xf32>
      %mul3A_370 = arith.mulf %get3A_367, %mul3A_369 : vector<16xf32>
      %convert_element_type3A_371 = arith.fptosi %mul3A_370 : vector<16xf32> to vector<16xi32>
      %gather3A_372 = tpu.vector_load_idx %arg5[%convert_element_type3A_371] : memref<256xf32, #tpu.memory_space<vmem>>[vector<16xi32>], vector<16xf32>,
      %sub3A_373 = arith.subf %get3A_367, %gather3A_372 : vector<16xf32>
      %mul3A_374 = arith.mulf %sub3A_373, %sub3A_373 : vector<16xf32>
      %add3A_375 = arith.constant 240 : i32
      %add3A_376 = arith.addi %shift_left3A_198, %add3A_375 : i32
      %get3A_377 = arith.index_cast %shift_right_arithmetic3A_196 : i32 to index
      %get3A_378 = arith.index_cast %add3A_376 : i32 to index
      %get3A_379 = tpu.vector_load %arg7[%get3A_377, %get3A_378] {strides = array<i32>} : memref<64x512xf32, #tpu.memory_space<vmem>>, vector<16xf32>,
      %mul3A_380 = arith.constant 2.550000e+02 : f32
      %mul3A_381 = vector.broadcast %mul3A_380 : f32 to vector<16xf32>
      %mul3A_382 = arith.mulf %get3A_379, %mul3A_381 : vector<16xf32>
      %convert_element_type3A_383 = arith.fptosi %mul3A_382 : vector<16xf32> to vector<16xi32>
      %gather3A_384 = tpu.vector_load_idx %arg5[%convert_element_type3A_383] : memref<256xf32, #tpu.memory_space<vmem>>[vector<16xi32>], vector<16xf32>,
      %sub3A_385 = arith.subf %get3A_379, %gather3A_384 : vector<16xf32>
      %mul3A_386 = arith.mulf %sub3A_385, %sub3A_385 : vector<16xf32>
      %add3A_387 = arith.addf %mul3A_206, %mul3A_218 : vector<16xf32>
      %add3A_388 = arith.addf %mul3A_230, %mul3A_242 : vector<16xf32>
      %add3A_389 = arith.addf %mul3A_254, %mul3A_266 : vector<16xf32>
      %add3A_390 = arith.addf %mul3A_278, %mul3A_290 : vector<16xf32>
      %add3A_391 = arith.addf %mul3A_302, %mul3A_314 : vector<16xf32>
      %add3A_392 = arith.addf %mul3A_326, %mul3A_338 : vector<16xf32>
      %add3A_393 = arith.addf %mul3A_350, %mul3A_362 : vector<16xf32>
      %add3A_394 = arith.addf %mul3A_374, %mul3A_386 : vector<16xf32>
      %add3A_395 = arith.addf %add3A_387, %add3A_388 : vector<16xf32>
      %add3A_396 = arith.addf %add3A_389, %add3A_390 : vector<16xf32>
      %add3A_397 = arith.addf %add3A_391, %add3A_392 : vector<16xf32>
      %add3A_398 = arith.addf %add3A_393, %add3A_394 : vector<16xf32>
      %add3A_399 = arith.addf %add3A_395, %add3A_396 : vector<16xf32>
      %add3A_400 = arith.addf %add3A_397, %add3A_398 : vector<16xf32>
      %add3A_401 = arith.addf %add3A_399, %add3A_400 : vector<16xf32>
      %add3A_402 = arith.addf %scan3A_195, %add3A_401 : vector<16xf32>
      scf.yield %add3A_402 : vector<16xf32>
    }
    %scan3A_70 = arith.constant 128 : i32
    %add3A_71 = arith.constant 320 : i32
    %add3A_72 = arith.addi %mul3A_2, %add3A_71 : i32
    %dma_start3A_73 = arith.constant 0 : i32
    %dma_start3A_74 = tpu.memref_slice %arg2[%add3A_72, %dma_start3A_73] : memref<24576x512xf32, #tpu.memory_space<hbm>> -> memref<64x512xf32, #tpu.memory_space<hbm>>
    %dma_start3A_75 = arith.constant 0 : i32
    %dma_start3A_76 = tpu.memref_slice %arg2[%add3A_72, %dma_start3A_75] : memref<24576x512xf32, #tpu.memory_space<hbm>> -> memref<64x512xf32, #tpu.memory_space<hbm>>
    tpu.enqueue_dma source(%dma_start3A_76 : memref<64x512xf32, #tpu.memory_space<hbm>>) target(%arg7 : memref<64x512xf32, #tpu.memory_space<vmem>>) target_semaphore(%arg10 : memref<!tpu.dma_semaphore, #tpu.memory_space<semaphore_mem>>)
    %dma_wait3A_77 = arith.constant 0 : i32
    %dma_wait3A_78 = tpu.memref_slice %arg2[%add3A_56, %dma_wait3A_77] : memref<24576x512xf32, #tpu.memory_space<hbm>> -> memref<64x512xf32, #tpu.memory_space<hbm>>
    %dma_wait3A_79 = arith.constant 0 : i32
    %dma_wait3A_80 = tpu.memref_slice %arg2[%add3A_56, %dma_wait3A_79] : memref<24576x512xf32, #tpu.memory_space<hbm>> -> memref<64x512xf32, #tpu.memory_space<hbm>>
    tpu.wait_dma2 semaphore(%arg9 : memref<!tpu.dma_semaphore, #tpu.memory_space<semaphore_mem>>) src(%dma_wait3A_80 : memref<64x512xf32, #tpu.memory_space<hbm>>) dst(%arg6 : memref<64x512xf32, #tpu.memory_space<vmem>>)
    %scan3A_81 = arith.constant 0 : i32
    %scan3A_82 = arith.constant 128 : i32
    %scan3A_83 = arith.addi %scan3A_81, %scan3A_82 : i32
    %scan3A_84 = arith.constant 1 : i32
    %scan3A_85 = scf.for %scan3A_194 = %scan3A_81 to %scan3A_83 step %scan3A_84 iter_args(%scan3A_195 = %scan3A_69) -> (vector<16xf32>)  : i32 {
      %shift_right_arithmetic3A = arith.constant 1 : i32
      %shift_right_arithmetic3A_196 = arith.shrsi %scan3A_194, %shift_right_arithmetic3A : i32
      %and3A = arith.constant 1 : i32
      %and3A_197 = arith.andi %scan3A_194, %and3A : i32
      %shift_left3A = arith.constant 8 : i32
      %shift_left3A_198 = arith.shli %and3A_197, %shift_left3A : i32
      %add3A_199 = arith.constant 0 : i32
      %add3A_200 = arith.addi %shift_left3A_198, %add3A_199 : i32
      %get3A = arith.index_cast %shift_right_arithmetic3A_196 : i32 to index
      %get3A_201 = arith.index_cast %add3A_200 : i32 to index
      %get3A_202 = tpu.vector_load %arg6[%get3A, %get3A_201] {strides = array<i32>} : memref<64x512xf32, #tpu.memory_space<vmem>>, vector<16xf32>,
      %mul3A_203 = arith.constant 2.550000e+02 : f32
      %mul3A_204 = vector.broadcast %mul3A_203 : f32 to vector<16xf32>
      %mul3A_205 = arith.mulf %get3A_202, %mul3A_204 : vector<16xf32>
      %convert_element_type3A = arith.fptosi %mul3A_205 : vector<16xf32> to vector<16xi32>
      %gather3A = tpu.vector_load_idx %arg5[%convert_element_type3A] : memref<256xf32, #tpu.memory_space<vmem>>[vector<16xi32>], vector<16xf32>,
      %sub3A = arith.subf %get3A_202, %gather3A : vector<16xf32>
      %mul3A_206 = arith.mulf %sub3A, %sub3A : vector<16xf32>
      %add3A_207 = arith.constant 16 : i32
      %add3A_208 = arith.addi %shift_left3A_198, %add3A_207 : i32
      %get3A_209 = arith.index_cast %shift_right_arithmetic3A_196 : i32 to index
      %get3A_210 = arith.index_cast %add3A_208 : i32 to index
      %get3A_211 = tpu.vector_load %arg6[%get3A_209, %get3A_210] {strides = array<i32>} : memref<64x512xf32, #tpu.memory_space<vmem>>, vector<16xf32>,
      %mul3A_212 = arith.constant 2.550000e+02 : f32
      %mul3A_213 = vector.broadcast %mul3A_212 : f32 to vector<16xf32>
      %mul3A_214 = arith.mulf %get3A_211, %mul3A_213 : vector<16xf32>
      %convert_element_type3A_215 = arith.fptosi %mul3A_214 : vector<16xf32> to vector<16xi32>
      %gather3A_216 = tpu.vector_load_idx %arg5[%convert_element_type3A_215] : memref<256xf32, #tpu.memory_space<vmem>>[vector<16xi32>], vector<16xf32>,
      %sub3A_217 = arith.subf %get3A_211, %gather3A_216 : vector<16xf32>
      %mul3A_218 = arith.mulf %sub3A_217, %sub3A_217 : vector<16xf32>
      %add3A_219 = arith.constant 32 : i32
      %add3A_220 = arith.addi %shift_left3A_198, %add3A_219 : i32
      %get3A_221 = arith.index_cast %shift_right_arithmetic3A_196 : i32 to index
      %get3A_222 = arith.index_cast %add3A_220 : i32 to index
      %get3A_223 = tpu.vector_load %arg6[%get3A_221, %get3A_222] {strides = array<i32>} : memref<64x512xf32, #tpu.memory_space<vmem>>, vector<16xf32>,
      %mul3A_224 = arith.constant 2.550000e+02 : f32
      %mul3A_225 = vector.broadcast %mul3A_224 : f32 to vector<16xf32>
      %mul3A_226 = arith.mulf %get3A_223, %mul3A_225 : vector<16xf32>
      %convert_element_type3A_227 = arith.fptosi %mul3A_226 : vector<16xf32> to vector<16xi32>
      %gather3A_228 = tpu.vector_load_idx %arg5[%convert_element_type3A_227] : memref<256xf32, #tpu.memory_space<vmem>>[vector<16xi32>], vector<16xf32>,
      %sub3A_229 = arith.subf %get3A_223, %gather3A_228 : vector<16xf32>
      %mul3A_230 = arith.mulf %sub3A_229, %sub3A_229 : vector<16xf32>
      %add3A_231 = arith.constant 48 : i32
      %add3A_232 = arith.addi %shift_left3A_198, %add3A_231 : i32
      %get3A_233 = arith.index_cast %shift_right_arithmetic3A_196 : i32 to index
      %get3A_234 = arith.index_cast %add3A_232 : i32 to index
      %get3A_235 = tpu.vector_load %arg6[%get3A_233, %get3A_234] {strides = array<i32>} : memref<64x512xf32, #tpu.memory_space<vmem>>, vector<16xf32>,
      %mul3A_236 = arith.constant 2.550000e+02 : f32
      %mul3A_237 = vector.broadcast %mul3A_236 : f32 to vector<16xf32>
      %mul3A_238 = arith.mulf %get3A_235, %mul3A_237 : vector<16xf32>
      %convert_element_type3A_239 = arith.fptosi %mul3A_238 : vector<16xf32> to vector<16xi32>
      %gather3A_240 = tpu.vector_load_idx %arg5[%convert_element_type3A_239] : memref<256xf32, #tpu.memory_space<vmem>>[vector<16xi32>], vector<16xf32>,
      %sub3A_241 = arith.subf %get3A_235, %gather3A_240 : vector<16xf32>
      %mul3A_242 = arith.mulf %sub3A_241, %sub3A_241 : vector<16xf32>
      %add3A_243 = arith.constant 64 : i32
      %add3A_244 = arith.addi %shift_left3A_198, %add3A_243 : i32
      %get3A_245 = arith.index_cast %shift_right_arithmetic3A_196 : i32 to index
      %get3A_246 = arith.index_cast %add3A_244 : i32 to index
      %get3A_247 = tpu.vector_load %arg6[%get3A_245, %get3A_246] {strides = array<i32>} : memref<64x512xf32, #tpu.memory_space<vmem>>, vector<16xf32>,
      %mul3A_248 = arith.constant 2.550000e+02 : f32
      %mul3A_249 = vector.broadcast %mul3A_248 : f32 to vector<16xf32>
      %mul3A_250 = arith.mulf %get3A_247, %mul3A_249 : vector<16xf32>
      %convert_element_type3A_251 = arith.fptosi %mul3A_250 : vector<16xf32> to vector<16xi32>
      %gather3A_252 = tpu.vector_load_idx %arg5[%convert_element_type3A_251] : memref<256xf32, #tpu.memory_space<vmem>>[vector<16xi32>], vector<16xf32>,
      %sub3A_253 = arith.subf %get3A_247, %gather3A_252 : vector<16xf32>
      %mul3A_254 = arith.mulf %sub3A_253, %sub3A_253 : vector<16xf32>
      %add3A_255 = arith.constant 80 : i32
      %add3A_256 = arith.addi %shift_left3A_198, %add3A_255 : i32
      %get3A_257 = arith.index_cast %shift_right_arithmetic3A_196 : i32 to index
      %get3A_258 = arith.index_cast %add3A_256 : i32 to index
      %get3A_259 = tpu.vector_load %arg6[%get3A_257, %get3A_258] {strides = array<i32>} : memref<64x512xf32, #tpu.memory_space<vmem>>, vector<16xf32>,
      %mul3A_260 = arith.constant 2.550000e+02 : f32
      %mul3A_261 = vector.broadcast %mul3A_260 : f32 to vector<16xf32>
      %mul3A_262 = arith.mulf %get3A_259, %mul3A_261 : vector<16xf32>
      %convert_element_type3A_263 = arith.fptosi %mul3A_262 : vector<16xf32> to vector<16xi32>
      %gather3A_264 = tpu.vector_load_idx %arg5[%convert_element_type3A_263] : memref<256xf32, #tpu.memory_space<vmem>>[vector<16xi32>], vector<16xf32>,
      %sub3A_265 = arith.subf %get3A_259, %gather3A_264 : vector<16xf32>
      %mul3A_266 = arith.mulf %sub3A_265, %sub3A_265 : vector<16xf32>
      %add3A_267 = arith.constant 96 : i32
      %add3A_268 = arith.addi %shift_left3A_198, %add3A_267 : i32
      %get3A_269 = arith.index_cast %shift_right_arithmetic3A_196 : i32 to index
      %get3A_270 = arith.index_cast %add3A_268 : i32 to index
      %get3A_271 = tpu.vector_load %arg6[%get3A_269, %get3A_270] {strides = array<i32>} : memref<64x512xf32, #tpu.memory_space<vmem>>, vector<16xf32>,
      %mul3A_272 = arith.constant 2.550000e+02 : f32
      %mul3A_273 = vector.broadcast %mul3A_272 : f32 to vector<16xf32>
      %mul3A_274 = arith.mulf %get3A_271, %mul3A_273 : vector<16xf32>
      %convert_element_type3A_275 = arith.fptosi %mul3A_274 : vector<16xf32> to vector<16xi32>
      %gather3A_276 = tpu.vector_load_idx %arg5[%convert_element_type3A_275] : memref<256xf32, #tpu.memory_space<vmem>>[vector<16xi32>], vector<16xf32>,
      %sub3A_277 = arith.subf %get3A_271, %gather3A_276 : vector<16xf32>
      %mul3A_278 = arith.mulf %sub3A_277, %sub3A_277 : vector<16xf32>
      %add3A_279 = arith.constant 112 : i32
      %add3A_280 = arith.addi %shift_left3A_198, %add3A_279 : i32
      %get3A_281 = arith.index_cast %shift_right_arithmetic3A_196 : i32 to index
      %get3A_282 = arith.index_cast %add3A_280 : i32 to index
      %get3A_283 = tpu.vector_load %arg6[%get3A_281, %get3A_282] {strides = array<i32>} : memref<64x512xf32, #tpu.memory_space<vmem>>, vector<16xf32>,
      %mul3A_284 = arith.constant 2.550000e+02 : f32
      %mul3A_285 = vector.broadcast %mul3A_284 : f32 to vector<16xf32>
      %mul3A_286 = arith.mulf %get3A_283, %mul3A_285 : vector<16xf32>
      %convert_element_type3A_287 = arith.fptosi %mul3A_286 : vector<16xf32> to vector<16xi32>
      %gather3A_288 = tpu.vector_load_idx %arg5[%convert_element_type3A_287] : memref<256xf32, #tpu.memory_space<vmem>>[vector<16xi32>], vector<16xf32>,
      %sub3A_289 = arith.subf %get3A_283, %gather3A_288 : vector<16xf32>
      %mul3A_290 = arith.mulf %sub3A_289, %sub3A_289 : vector<16xf32>
      %add3A_291 = arith.constant 128 : i32
      %add3A_292 = arith.addi %shift_left3A_198, %add3A_291 : i32
      %get3A_293 = arith.index_cast %shift_right_arithmetic3A_196 : i32 to index
      %get3A_294 = arith.index_cast %add3A_292 : i32 to index
      %get3A_295 = tpu.vector_load %arg6[%get3A_293, %get3A_294] {strides = array<i32>} : memref<64x512xf32, #tpu.memory_space<vmem>>, vector<16xf32>,
      %mul3A_296 = arith.constant 2.550000e+02 : f32
      %mul3A_297 = vector.broadcast %mul3A_296 : f32 to vector<16xf32>
      %mul3A_298 = arith.mulf %get3A_295, %mul3A_297 : vector<16xf32>
      %convert_element_type3A_299 = arith.fptosi %mul3A_298 : vector<16xf32> to vector<16xi32>
      %gather3A_300 = tpu.vector_load_idx %arg5[%convert_element_type3A_299] : memref<256xf32, #tpu.memory_space<vmem>>[vector<16xi32>], vector<16xf32>,
      %sub3A_301 = arith.subf %get3A_295, %gather3A_300 : vector<16xf32>
      %mul3A_302 = arith.mulf %sub3A_301, %sub3A_301 : vector<16xf32>
      %add3A_303 = arith.constant 144 : i32
      %add3A_304 = arith.addi %shift_left3A_198, %add3A_303 : i32
      %get3A_305 = arith.index_cast %shift_right_arithmetic3A_196 : i32 to index
      %get3A_306 = arith.index_cast %add3A_304 : i32 to index
      %get3A_307 = tpu.vector_load %arg6[%get3A_305, %get3A_306] {strides = array<i32>} : memref<64x512xf32, #tpu.memory_space<vmem>>, vector<16xf32>,
      %mul3A_308 = arith.constant 2.550000e+02 : f32
      %mul3A_309 = vector.broadcast %mul3A_308 : f32 to vector<16xf32>
      %mul3A_310 = arith.mulf %get3A_307, %mul3A_309 : vector<16xf32>
      %convert_element_type3A_311 = arith.fptosi %mul3A_310 : vector<16xf32> to vector<16xi32>
      %gather3A_312 = tpu.vector_load_idx %arg5[%convert_element_type3A_311] : memref<256xf32, #tpu.memory_space<vmem>>[vector<16xi32>], vector<16xf32>,
      %sub3A_313 = arith.subf %get3A_307, %gather3A_312 : vector<16xf32>
      %mul3A_314 = arith.mulf %sub3A_313, %sub3A_313 : vector<16xf32>
      %add3A_315 = arith.constant 160 : i32
      %add3A_316 = arith.addi %shift_left3A_198, %add3A_315 : i32
      %get3A_317 = arith.index_cast %shift_right_arithmetic3A_196 : i32 to index
      %get3A_318 = arith.index_cast %add3A_316 : i32 to index
      %get3A_319 = tpu.vector_load %arg6[%get3A_317, %get3A_318] {strides = array<i32>} : memref<64x512xf32, #tpu.memory_space<vmem>>, vector<16xf32>,
      %mul3A_320 = arith.constant 2.550000e+02 : f32
      %mul3A_321 = vector.broadcast %mul3A_320 : f32 to vector<16xf32>
      %mul3A_322 = arith.mulf %get3A_319, %mul3A_321 : vector<16xf32>
      %convert_element_type3A_323 = arith.fptosi %mul3A_322 : vector<16xf32> to vector<16xi32>
      %gather3A_324 = tpu.vector_load_idx %arg5[%convert_element_type3A_323] : memref<256xf32, #tpu.memory_space<vmem>>[vector<16xi32>], vector<16xf32>,
      %sub3A_325 = arith.subf %get3A_319, %gather3A_324 : vector<16xf32>
      %mul3A_326 = arith.mulf %sub3A_325, %sub3A_325 : vector<16xf32>
      %add3A_327 = arith.constant 176 : i32
      %add3A_328 = arith.addi %shift_left3A_198, %add3A_327 : i32
      %get3A_329 = arith.index_cast %shift_right_arithmetic3A_196 : i32 to index
      %get3A_330 = arith.index_cast %add3A_328 : i32 to index
      %get3A_331 = tpu.vector_load %arg6[%get3A_329, %get3A_330] {strides = array<i32>} : memref<64x512xf32, #tpu.memory_space<vmem>>, vector<16xf32>,
      %mul3A_332 = arith.constant 2.550000e+02 : f32
      %mul3A_333 = vector.broadcast %mul3A_332 : f32 to vector<16xf32>
      %mul3A_334 = arith.mulf %get3A_331, %mul3A_333 : vector<16xf32>
      %convert_element_type3A_335 = arith.fptosi %mul3A_334 : vector<16xf32> to vector<16xi32>
      %gather3A_336 = tpu.vector_load_idx %arg5[%convert_element_type3A_335] : memref<256xf32, #tpu.memory_space<vmem>>[vector<16xi32>], vector<16xf32>,
      %sub3A_337 = arith.subf %get3A_331, %gather3A_336 : vector<16xf32>
      %mul3A_338 = arith.mulf %sub3A_337, %sub3A_337 : vector<16xf32>
      %add3A_339 = arith.constant 192 : i32
      %add3A_340 = arith.addi %shift_left3A_198, %add3A_339 : i32
      %get3A_341 = arith.index_cast %shift_right_arithmetic3A_196 : i32 to index
      %get3A_342 = arith.index_cast %add3A_340 : i32 to index
      %get3A_343 = tpu.vector_load %arg6[%get3A_341, %get3A_342] {strides = array<i32>} : memref<64x512xf32, #tpu.memory_space<vmem>>, vector<16xf32>,
      %mul3A_344 = arith.constant 2.550000e+02 : f32
      %mul3A_345 = vector.broadcast %mul3A_344 : f32 to vector<16xf32>
      %mul3A_346 = arith.mulf %get3A_343, %mul3A_345 : vector<16xf32>
      %convert_element_type3A_347 = arith.fptosi %mul3A_346 : vector<16xf32> to vector<16xi32>
      %gather3A_348 = tpu.vector_load_idx %arg5[%convert_element_type3A_347] : memref<256xf32, #tpu.memory_space<vmem>>[vector<16xi32>], vector<16xf32>,
      %sub3A_349 = arith.subf %get3A_343, %gather3A_348 : vector<16xf32>
      %mul3A_350 = arith.mulf %sub3A_349, %sub3A_349 : vector<16xf32>
      %add3A_351 = arith.constant 208 : i32
      %add3A_352 = arith.addi %shift_left3A_198, %add3A_351 : i32
      %get3A_353 = arith.index_cast %shift_right_arithmetic3A_196 : i32 to index
      %get3A_354 = arith.index_cast %add3A_352 : i32 to index
      %get3A_355 = tpu.vector_load %arg6[%get3A_353, %get3A_354] {strides = array<i32>} : memref<64x512xf32, #tpu.memory_space<vmem>>, vector<16xf32>,
      %mul3A_356 = arith.constant 2.550000e+02 : f32
      %mul3A_357 = vector.broadcast %mul3A_356 : f32 to vector<16xf32>
      %mul3A_358 = arith.mulf %get3A_355, %mul3A_357 : vector<16xf32>
      %convert_element_type3A_359 = arith.fptosi %mul3A_358 : vector<16xf32> to vector<16xi32>
      %gather3A_360 = tpu.vector_load_idx %arg5[%convert_element_type3A_359] : memref<256xf32, #tpu.memory_space<vmem>>[vector<16xi32>], vector<16xf32>,
      %sub3A_361 = arith.subf %get3A_355, %gather3A_360 : vector<16xf32>
      %mul3A_362 = arith.mulf %sub3A_361, %sub3A_361 : vector<16xf32>
      %add3A_363 = arith.constant 224 : i32
      %add3A_364 = arith.addi %shift_left3A_198, %add3A_363 : i32
      %get3A_365 = arith.index_cast %shift_right_arithmetic3A_196 : i32 to index
      %get3A_366 = arith.index_cast %add3A_364 : i32 to index
      %get3A_367 = tpu.vector_load %arg6[%get3A_365, %get3A_366] {strides = array<i32>} : memref<64x512xf32, #tpu.memory_space<vmem>>, vector<16xf32>,
      %mul3A_368 = arith.constant 2.550000e+02 : f32
      %mul3A_369 = vector.broadcast %mul3A_368 : f32 to vector<16xf32>
      %mul3A_370 = arith.mulf %get3A_367, %mul3A_369 : vector<16xf32>
      %convert_element_type3A_371 = arith.fptosi %mul3A_370 : vector<16xf32> to vector<16xi32>
      %gather3A_372 = tpu.vector_load_idx %arg5[%convert_element_type3A_371] : memref<256xf32, #tpu.memory_space<vmem>>[vector<16xi32>], vector<16xf32>,
      %sub3A_373 = arith.subf %get3A_367, %gather3A_372 : vector<16xf32>
      %mul3A_374 = arith.mulf %sub3A_373, %sub3A_373 : vector<16xf32>
      %add3A_375 = arith.constant 240 : i32
      %add3A_376 = arith.addi %shift_left3A_198, %add3A_375 : i32
      %get3A_377 = arith.index_cast %shift_right_arithmetic3A_196 : i32 to index
      %get3A_378 = arith.index_cast %add3A_376 : i32 to index
      %get3A_379 = tpu.vector_load %arg6[%get3A_377, %get3A_378] {strides = array<i32>} : memref<64x512xf32, #tpu.memory_space<vmem>>, vector<16xf32>,
      %mul3A_380 = arith.constant 2.550000e+02 : f32
      %mul3A_381 = vector.broadcast %mul3A_380 : f32 to vector<16xf32>
      %mul3A_382 = arith.mulf %get3A_379, %mul3A_381 : vector<16xf32>
      %convert_element_type3A_383 = arith.fptosi %mul3A_382 : vector<16xf32> to vector<16xi32>
      %gather3A_384 = tpu.vector_load_idx %arg5[%convert_element_type3A_383] : memref<256xf32, #tpu.memory_space<vmem>>[vector<16xi32>], vector<16xf32>,
      %sub3A_385 = arith.subf %get3A_379, %gather3A_384 : vector<16xf32>
      %mul3A_386 = arith.mulf %sub3A_385, %sub3A_385 : vector<16xf32>
      %add3A_387 = arith.addf %mul3A_206, %mul3A_218 : vector<16xf32>
      %add3A_388 = arith.addf %mul3A_230, %mul3A_242 : vector<16xf32>
      %add3A_389 = arith.addf %mul3A_254, %mul3A_266 : vector<16xf32>
      %add3A_390 = arith.addf %mul3A_278, %mul3A_290 : vector<16xf32>
      %add3A_391 = arith.addf %mul3A_302, %mul3A_314 : vector<16xf32>
      %add3A_392 = arith.addf %mul3A_326, %mul3A_338 : vector<16xf32>
      %add3A_393 = arith.addf %mul3A_350, %mul3A_362 : vector<16xf32>
      %add3A_394 = arith.addf %mul3A_374, %mul3A_386 : vector<16xf32>
      %add3A_395 = arith.addf %add3A_387, %add3A_388 : vector<16xf32>
      %add3A_396 = arith.addf %add3A_389, %add3A_390 : vector<16xf32>
      %add3A_397 = arith.addf %add3A_391, %add3A_392 : vector<16xf32>
      %add3A_398 = arith.addf %add3A_393, %add3A_394 : vector<16xf32>
      %add3A_399 = arith.addf %add3A_395, %add3A_396 : vector<16xf32>
      %add3A_400 = arith.addf %add3A_397, %add3A_398 : vector<16xf32>
      %add3A_401 = arith.addf %add3A_399, %add3A_400 : vector<16xf32>
      %add3A_402 = arith.addf %scan3A_195, %add3A_401 : vector<16xf32>
      scf.yield %add3A_402 : vector<16xf32>
    }
    %scan3A_86 = arith.constant 128 : i32
    %add3A_87 = arith.constant 384 : i32
    %add3A_88 = arith.addi %mul3A_2, %add3A_87 : i32
    %dma_start3A_89 = arith.constant 0 : i32
    %dma_start3A_90 = tpu.memref_slice %arg2[%add3A_88, %dma_start3A_89] : memref<24576x512xf32, #tpu.memory_space<hbm>> -> memref<64x512xf32, #tpu.memory_space<hbm>>
    %dma_start3A_91 = arith.constant 0 : i32
    %dma_start3A_92 = tpu.memref_slice %arg2[%add3A_88, %dma_start3A_91] : memref<24576x512xf32, #tpu.memory_space<hbm>> -> memref<64x512xf32, #tpu.memory_space<hbm>>
    tpu.enqueue_dma source(%dma_start3A_92 : memref<64x512xf32, #tpu.memory_space<hbm>>) target(%arg6 : memref<64x512xf32, #tpu.memory_space<vmem>>) target_semaphore(%arg9 : memref<!tpu.dma_semaphore, #tpu.memory_space<semaphore_mem>>)
    %dma_wait3A_93 = arith.constant 0 : i32
    %dma_wait3A_94 = tpu.memref_slice %arg2[%add3A_72, %dma_wait3A_93] : memref<24576x512xf32, #tpu.memory_space<hbm>> -> memref<64x512xf32, #tpu.memory_space<hbm>>
    %dma_wait3A_95 = arith.constant 0 : i32
    %dma_wait3A_96 = tpu.memref_slice %arg2[%add3A_72, %dma_wait3A_95] : memref<24576x512xf32, #tpu.memory_space<hbm>> -> memref<64x512xf32, #tpu.memory_space<hbm>>
    tpu.wait_dma2 semaphore(%arg10 : memref<!tpu.dma_semaphore, #tpu.memory_space<semaphore_mem>>) src(%dma_wait3A_96 : memref<64x512xf32, #tpu.memory_space<hbm>>) dst(%arg7 : memref<64x512xf32, #tpu.memory_space<vmem>>)
    %scan3A_97 = arith.constant 0 : i32
    %scan3A_98 = arith.constant 128 : i32
    %scan3A_99 = arith.addi %scan3A_97, %scan3A_98 : i32
    %scan3A_100 = arith.constant 1 : i32
    %scan3A_101 = scf.for %scan3A_194 = %scan3A_97 to %scan3A_99 step %scan3A_100 iter_args(%scan3A_195 = %scan3A_85) -> (vector<16xf32>)  : i32 {
      %shift_right_arithmetic3A = arith.constant 1 : i32
      %shift_right_arithmetic3A_196 = arith.shrsi %scan3A_194, %shift_right_arithmetic3A : i32
      %and3A = arith.constant 1 : i32
      %and3A_197 = arith.andi %scan3A_194, %and3A : i32
      %shift_left3A = arith.constant 8 : i32
      %shift_left3A_198 = arith.shli %and3A_197, %shift_left3A : i32
      %add3A_199 = arith.constant 0 : i32
      %add3A_200 = arith.addi %shift_left3A_198, %add3A_199 : i32
      %get3A = arith.index_cast %shift_right_arithmetic3A_196 : i32 to index
      %get3A_201 = arith.index_cast %add3A_200 : i32 to index
      %get3A_202 = tpu.vector_load %arg7[%get3A, %get3A_201] {strides = array<i32>} : memref<64x512xf32, #tpu.memory_space<vmem>>, vector<16xf32>,
      %mul3A_203 = arith.constant 2.550000e+02 : f32
      %mul3A_204 = vector.broadcast %mul3A_203 : f32 to vector<16xf32>
      %mul3A_205 = arith.mulf %get3A_202, %mul3A_204 : vector<16xf32>
      %convert_element_type3A = arith.fptosi %mul3A_205 : vector<16xf32> to vector<16xi32>
      %gather3A = tpu.vector_load_idx %arg5[%convert_element_type3A] : memref<256xf32, #tpu.memory_space<vmem>>[vector<16xi32>], vector<16xf32>,
      %sub3A = arith.subf %get3A_202, %gather3A : vector<16xf32>
      %mul3A_206 = arith.mulf %sub3A, %sub3A : vector<16xf32>
      %add3A_207 = arith.constant 16 : i32
      %add3A_208 = arith.addi %shift_left3A_198, %add3A_207 : i32
      %get3A_209 = arith.index_cast %shift_right_arithmetic3A_196 : i32 to index
      %get3A_210 = arith.index_cast %add3A_208 : i32 to index
      %get3A_211 = tpu.vector_load %arg7[%get3A_209, %get3A_210] {strides = array<i32>} : memref<64x512xf32, #tpu.memory_space<vmem>>, vector<16xf32>,
      %mul3A_212 = arith.constant 2.550000e+02 : f32
      %mul3A_213 = vector.broadcast %mul3A_212 : f32 to vector<16xf32>
      %mul3A_214 = arith.mulf %get3A_211, %mul3A_213 : vector<16xf32>
      %convert_element_type3A_215 = arith.fptosi %mul3A_214 : vector<16xf32> to vector<16xi32>
      %gather3A_216 = tpu.vector_load_idx %arg5[%convert_element_type3A_215] : memref<256xf32, #tpu.memory_space<vmem>>[vector<16xi32>], vector<16xf32>,
      %sub3A_217 = arith.subf %get3A_211, %gather3A_216 : vector<16xf32>
      %mul3A_218 = arith.mulf %sub3A_217, %sub3A_217 : vector<16xf32>
      %add3A_219 = arith.constant 32 : i32
      %add3A_220 = arith.addi %shift_left3A_198, %add3A_219 : i32
      %get3A_221 = arith.index_cast %shift_right_arithmetic3A_196 : i32 to index
      %get3A_222 = arith.index_cast %add3A_220 : i32 to index
      %get3A_223 = tpu.vector_load %arg7[%get3A_221, %get3A_222] {strides = array<i32>} : memref<64x512xf32, #tpu.memory_space<vmem>>, vector<16xf32>,
      %mul3A_224 = arith.constant 2.550000e+02 : f32
      %mul3A_225 = vector.broadcast %mul3A_224 : f32 to vector<16xf32>
      %mul3A_226 = arith.mulf %get3A_223, %mul3A_225 : vector<16xf32>
      %convert_element_type3A_227 = arith.fptosi %mul3A_226 : vector<16xf32> to vector<16xi32>
      %gather3A_228 = tpu.vector_load_idx %arg5[%convert_element_type3A_227] : memref<256xf32, #tpu.memory_space<vmem>>[vector<16xi32>], vector<16xf32>,
      %sub3A_229 = arith.subf %get3A_223, %gather3A_228 : vector<16xf32>
      %mul3A_230 = arith.mulf %sub3A_229, %sub3A_229 : vector<16xf32>
      %add3A_231 = arith.constant 48 : i32
      %add3A_232 = arith.addi %shift_left3A_198, %add3A_231 : i32
      %get3A_233 = arith.index_cast %shift_right_arithmetic3A_196 : i32 to index
      %get3A_234 = arith.index_cast %add3A_232 : i32 to index
      %get3A_235 = tpu.vector_load %arg7[%get3A_233, %get3A_234] {strides = array<i32>} : memref<64x512xf32, #tpu.memory_space<vmem>>, vector<16xf32>,
      %mul3A_236 = arith.constant 2.550000e+02 : f32
      %mul3A_237 = vector.broadcast %mul3A_236 : f32 to vector<16xf32>
      %mul3A_238 = arith.mulf %get3A_235, %mul3A_237 : vector<16xf32>
      %convert_element_type3A_239 = arith.fptosi %mul3A_238 : vector<16xf32> to vector<16xi32>
      %gather3A_240 = tpu.vector_load_idx %arg5[%convert_element_type3A_239] : memref<256xf32, #tpu.memory_space<vmem>>[vector<16xi32>], vector<16xf32>,
      %sub3A_241 = arith.subf %get3A_235, %gather3A_240 : vector<16xf32>
      %mul3A_242 = arith.mulf %sub3A_241, %sub3A_241 : vector<16xf32>
      %add3A_243 = arith.constant 64 : i32
      %add3A_244 = arith.addi %shift_left3A_198, %add3A_243 : i32
      %get3A_245 = arith.index_cast %shift_right_arithmetic3A_196 : i32 to index
      %get3A_246 = arith.index_cast %add3A_244 : i32 to index
      %get3A_247 = tpu.vector_load %arg7[%get3A_245, %get3A_246] {strides = array<i32>} : memref<64x512xf32, #tpu.memory_space<vmem>>, vector<16xf32>,
      %mul3A_248 = arith.constant 2.550000e+02 : f32
      %mul3A_249 = vector.broadcast %mul3A_248 : f32 to vector<16xf32>
      %mul3A_250 = arith.mulf %get3A_247, %mul3A_249 : vector<16xf32>
      %convert_element_type3A_251 = arith.fptosi %mul3A_250 : vector<16xf32> to vector<16xi32>
      %gather3A_252 = tpu.vector_load_idx %arg5[%convert_element_type3A_251] : memref<256xf32, #tpu.memory_space<vmem>>[vector<16xi32>], vector<16xf32>,
      %sub3A_253 = arith.subf %get3A_247, %gather3A_252 : vector<16xf32>
      %mul3A_254 = arith.mulf %sub3A_253, %sub3A_253 : vector<16xf32>
      %add3A_255 = arith.constant 80 : i32
      %add3A_256 = arith.addi %shift_left3A_198, %add3A_255 : i32
      %get3A_257 = arith.index_cast %shift_right_arithmetic3A_196 : i32 to index
      %get3A_258 = arith.index_cast %add3A_256 : i32 to index
      %get3A_259 = tpu.vector_load %arg7[%get3A_257, %get3A_258] {strides = array<i32>} : memref<64x512xf32, #tpu.memory_space<vmem>>, vector<16xf32>,
      %mul3A_260 = arith.constant 2.550000e+02 : f32
      %mul3A_261 = vector.broadcast %mul3A_260 : f32 to vector<16xf32>
      %mul3A_262 = arith.mulf %get3A_259, %mul3A_261 : vector<16xf32>
      %convert_element_type3A_263 = arith.fptosi %mul3A_262 : vector<16xf32> to vector<16xi32>
      %gather3A_264 = tpu.vector_load_idx %arg5[%convert_element_type3A_263] : memref<256xf32, #tpu.memory_space<vmem>>[vector<16xi32>], vector<16xf32>,
      %sub3A_265 = arith.subf %get3A_259, %gather3A_264 : vector<16xf32>
      %mul3A_266 = arith.mulf %sub3A_265, %sub3A_265 : vector<16xf32>
      %add3A_267 = arith.constant 96 : i32
      %add3A_268 = arith.addi %shift_left3A_198, %add3A_267 : i32
      %get3A_269 = arith.index_cast %shift_right_arithmetic3A_196 : i32 to index
      %get3A_270 = arith.index_cast %add3A_268 : i32 to index
      %get3A_271 = tpu.vector_load %arg7[%get3A_269, %get3A_270] {strides = array<i32>} : memref<64x512xf32, #tpu.memory_space<vmem>>, vector<16xf32>,
      %mul3A_272 = arith.constant 2.550000e+02 : f32
      %mul3A_273 = vector.broadcast %mul3A_272 : f32 to vector<16xf32>
      %mul3A_274 = arith.mulf %get3A_271, %mul3A_273 : vector<16xf32>
      %convert_element_type3A_275 = arith.fptosi %mul3A_274 : vector<16xf32> to vector<16xi32>
      %gather3A_276 = tpu.vector_load_idx %arg5[%convert_element_type3A_275] : memref<256xf32, #tpu.memory_space<vmem>>[vector<16xi32>], vector<16xf32>,
      %sub3A_277 = arith.subf %get3A_271, %gather3A_276 : vector<16xf32>
      %mul3A_278 = arith.mulf %sub3A_277, %sub3A_277 : vector<16xf32>
      %add3A_279 = arith.constant 112 : i32
      %add3A_280 = arith.addi %shift_left3A_198, %add3A_279 : i32
      %get3A_281 = arith.index_cast %shift_right_arithmetic3A_196 : i32 to index
      %get3A_282 = arith.index_cast %add3A_280 : i32 to index
      %get3A_283 = tpu.vector_load %arg7[%get3A_281, %get3A_282] {strides = array<i32>} : memref<64x512xf32, #tpu.memory_space<vmem>>, vector<16xf32>,
      %mul3A_284 = arith.constant 2.550000e+02 : f32
      %mul3A_285 = vector.broadcast %mul3A_284 : f32 to vector<16xf32>
      %mul3A_286 = arith.mulf %get3A_283, %mul3A_285 : vector<16xf32>
      %convert_element_type3A_287 = arith.fptosi %mul3A_286 : vector<16xf32> to vector<16xi32>
      %gather3A_288 = tpu.vector_load_idx %arg5[%convert_element_type3A_287] : memref<256xf32, #tpu.memory_space<vmem>>[vector<16xi32>], vector<16xf32>,
      %sub3A_289 = arith.subf %get3A_283, %gather3A_288 : vector<16xf32>
      %mul3A_290 = arith.mulf %sub3A_289, %sub3A_289 : vector<16xf32>
      %add3A_291 = arith.constant 128 : i32
      %add3A_292 = arith.addi %shift_left3A_198, %add3A_291 : i32
      %get3A_293 = arith.index_cast %shift_right_arithmetic3A_196 : i32 to index
      %get3A_294 = arith.index_cast %add3A_292 : i32 to index
      %get3A_295 = tpu.vector_load %arg7[%get3A_293, %get3A_294] {strides = array<i32>} : memref<64x512xf32, #tpu.memory_space<vmem>>, vector<16xf32>,
      %mul3A_296 = arith.constant 2.550000e+02 : f32
      %mul3A_297 = vector.broadcast %mul3A_296 : f32 to vector<16xf32>
      %mul3A_298 = arith.mulf %get3A_295, %mul3A_297 : vector<16xf32>
      %convert_element_type3A_299 = arith.fptosi %mul3A_298 : vector<16xf32> to vector<16xi32>
      %gather3A_300 = tpu.vector_load_idx %arg5[%convert_element_type3A_299] : memref<256xf32, #tpu.memory_space<vmem>>[vector<16xi32>], vector<16xf32>,
      %sub3A_301 = arith.subf %get3A_295, %gather3A_300 : vector<16xf32>
      %mul3A_302 = arith.mulf %sub3A_301, %sub3A_301 : vector<16xf32>
      %add3A_303 = arith.constant 144 : i32
      %add3A_304 = arith.addi %shift_left3A_198, %add3A_303 : i32
      %get3A_305 = arith.index_cast %shift_right_arithmetic3A_196 : i32 to index
      %get3A_306 = arith.index_cast %add3A_304 : i32 to index
      %get3A_307 = tpu.vector_load %arg7[%get3A_305, %get3A_306] {strides = array<i32>} : memref<64x512xf32, #tpu.memory_space<vmem>>, vector<16xf32>,
      %mul3A_308 = arith.constant 2.550000e+02 : f32
      %mul3A_309 = vector.broadcast %mul3A_308 : f32 to vector<16xf32>
      %mul3A_310 = arith.mulf %get3A_307, %mul3A_309 : vector<16xf32>
      %convert_element_type3A_311 = arith.fptosi %mul3A_310 : vector<16xf32> to vector<16xi32>
      %gather3A_312 = tpu.vector_load_idx %arg5[%convert_element_type3A_311] : memref<256xf32, #tpu.memory_space<vmem>>[vector<16xi32>], vector<16xf32>,
      %sub3A_313 = arith.subf %get3A_307, %gather3A_312 : vector<16xf32>
      %mul3A_314 = arith.mulf %sub3A_313, %sub3A_313 : vector<16xf32>
      %add3A_315 = arith.constant 160 : i32
      %add3A_316 = arith.addi %shift_left3A_198, %add3A_315 : i32
      %get3A_317 = arith.index_cast %shift_right_arithmetic3A_196 : i32 to index
      %get3A_318 = arith.index_cast %add3A_316 : i32 to index
      %get3A_319 = tpu.vector_load %arg7[%get3A_317, %get3A_318] {strides = array<i32>} : memref<64x512xf32, #tpu.memory_space<vmem>>, vector<16xf32>,
      %mul3A_320 = arith.constant 2.550000e+02 : f32
      %mul3A_321 = vector.broadcast %mul3A_320 : f32 to vector<16xf32>
      %mul3A_322 = arith.mulf %get3A_319, %mul3A_321 : vector<16xf32>
      %convert_element_type3A_323 = arith.fptosi %mul3A_322 : vector<16xf32> to vector<16xi32>
      %gather3A_324 = tpu.vector_load_idx %arg5[%convert_element_type3A_323] : memref<256xf32, #tpu.memory_space<vmem>>[vector<16xi32>], vector<16xf32>,
      %sub3A_325 = arith.subf %get3A_319, %gather3A_324 : vector<16xf32>
      %mul3A_326 = arith.mulf %sub3A_325, %sub3A_325 : vector<16xf32>
      %add3A_327 = arith.constant 176 : i32
      %add3A_328 = arith.addi %shift_left3A_198, %add3A_327 : i32
      %get3A_329 = arith.index_cast %shift_right_arithmetic3A_196 : i32 to index
      %get3A_330 = arith.index_cast %add3A_328 : i32 to index
      %get3A_331 = tpu.vector_load %arg7[%get3A_329, %get3A_330] {strides = array<i32>} : memref<64x512xf32, #tpu.memory_space<vmem>>, vector<16xf32>,
      %mul3A_332 = arith.constant 2.550000e+02 : f32
      %mul3A_333 = vector.broadcast %mul3A_332 : f32 to vector<16xf32>
      %mul3A_334 = arith.mulf %get3A_331, %mul3A_333 : vector<16xf32>
      %convert_element_type3A_335 = arith.fptosi %mul3A_334 : vector<16xf32> to vector<16xi32>
      %gather3A_336 = tpu.vector_load_idx %arg5[%convert_element_type3A_335] : memref<256xf32, #tpu.memory_space<vmem>>[vector<16xi32>], vector<16xf32>,
      %sub3A_337 = arith.subf %get3A_331, %gather3A_336 : vector<16xf32>
      %mul3A_338 = arith.mulf %sub3A_337, %sub3A_337 : vector<16xf32>
      %add3A_339 = arith.constant 192 : i32
      %add3A_340 = arith.addi %shift_left3A_198, %add3A_339 : i32
      %get3A_341 = arith.index_cast %shift_right_arithmetic3A_196 : i32 to index
      %get3A_342 = arith.index_cast %add3A_340 : i32 to index
      %get3A_343 = tpu.vector_load %arg7[%get3A_341, %get3A_342] {strides = array<i32>} : memref<64x512xf32, #tpu.memory_space<vmem>>, vector<16xf32>,
      %mul3A_344 = arith.constant 2.550000e+02 : f32
      %mul3A_345 = vector.broadcast %mul3A_344 : f32 to vector<16xf32>
      %mul3A_346 = arith.mulf %get3A_343, %mul3A_345 : vector<16xf32>
      %convert_element_type3A_347 = arith.fptosi %mul3A_346 : vector<16xf32> to vector<16xi32>
      %gather3A_348 = tpu.vector_load_idx %arg5[%convert_element_type3A_347] : memref<256xf32, #tpu.memory_space<vmem>>[vector<16xi32>], vector<16xf32>,
      %sub3A_349 = arith.subf %get3A_343, %gather3A_348 : vector<16xf32>
      %mul3A_350 = arith.mulf %sub3A_349, %sub3A_349 : vector<16xf32>
      %add3A_351 = arith.constant 208 : i32
      %add3A_352 = arith.addi %shift_left3A_198, %add3A_351 : i32
      %get3A_353 = arith.index_cast %shift_right_arithmetic3A_196 : i32 to index
      %get3A_354 = arith.index_cast %add3A_352 : i32 to index
      %get3A_355 = tpu.vector_load %arg7[%get3A_353, %get3A_354] {strides = array<i32>} : memref<64x512xf32, #tpu.memory_space<vmem>>, vector<16xf32>,
      %mul3A_356 = arith.constant 2.550000e+02 : f32
      %mul3A_357 = vector.broadcast %mul3A_356 : f32 to vector<16xf32>
      %mul3A_358 = arith.mulf %get3A_355, %mul3A_357 : vector<16xf32>
      %convert_element_type3A_359 = arith.fptosi %mul3A_358 : vector<16xf32> to vector<16xi32>
      %gather3A_360 = tpu.vector_load_idx %arg5[%convert_element_type3A_359] : memref<256xf32, #tpu.memory_space<vmem>>[vector<16xi32>], vector<16xf32>,
      %sub3A_361 = arith.subf %get3A_355, %gather3A_360 : vector<16xf32>
      %mul3A_362 = arith.mulf %sub3A_361, %sub3A_361 : vector<16xf32>
      %add3A_363 = arith.constant 224 : i32
      %add3A_364 = arith.addi %shift_left3A_198, %add3A_363 : i32
      %get3A_365 = arith.index_cast %shift_right_arithmetic3A_196 : i32 to index
      %get3A_366 = arith.index_cast %add3A_364 : i32 to index
      %get3A_367 = tpu.vector_load %arg7[%get3A_365, %get3A_366] {strides = array<i32>} : memref<64x512xf32, #tpu.memory_space<vmem>>, vector<16xf32>,
      %mul3A_368 = arith.constant 2.550000e+02 : f32
      %mul3A_369 = vector.broadcast %mul3A_368 : f32 to vector<16xf32>
      %mul3A_370 = arith.mulf %get3A_367, %mul3A_369 : vector<16xf32>
      %convert_element_type3A_371 = arith.fptosi %mul3A_370 : vector<16xf32> to vector<16xi32>
      %gather3A_372 = tpu.vector_load_idx %arg5[%convert_element_type3A_371] : memref<256xf32, #tpu.memory_space<vmem>>[vector<16xi32>], vector<16xf32>,
      %sub3A_373 = arith.subf %get3A_367, %gather3A_372 : vector<16xf32>
      %mul3A_374 = arith.mulf %sub3A_373, %sub3A_373 : vector<16xf32>
      %add3A_375 = arith.constant 240 : i32
      %add3A_376 = arith.addi %shift_left3A_198, %add3A_375 : i32
      %get3A_377 = arith.index_cast %shift_right_arithmetic3A_196 : i32 to index
      %get3A_378 = arith.index_cast %add3A_376 : i32 to index
      %get3A_379 = tpu.vector_load %arg7[%get3A_377, %get3A_378] {strides = array<i32>} : memref<64x512xf32, #tpu.memory_space<vmem>>, vector<16xf32>,
      %mul3A_380 = arith.constant 2.550000e+02 : f32
      %mul3A_381 = vector.broadcast %mul3A_380 : f32 to vector<16xf32>
      %mul3A_382 = arith.mulf %get3A_379, %mul3A_381 : vector<16xf32>
      %convert_element_type3A_383 = arith.fptosi %mul3A_382 : vector<16xf32> to vector<16xi32>
      %gather3A_384 = tpu.vector_load_idx %arg5[%convert_element_type3A_383] : memref<256xf32, #tpu.memory_space<vmem>>[vector<16xi32>], vector<16xf32>,
      %sub3A_385 = arith.subf %get3A_379, %gather3A_384 : vector<16xf32>
      %mul3A_386 = arith.mulf %sub3A_385, %sub3A_385 : vector<16xf32>
      %add3A_387 = arith.addf %mul3A_206, %mul3A_218 : vector<16xf32>
      %add3A_388 = arith.addf %mul3A_230, %mul3A_242 : vector<16xf32>
      %add3A_389 = arith.addf %mul3A_254, %mul3A_266 : vector<16xf32>
      %add3A_390 = arith.addf %mul3A_278, %mul3A_290 : vector<16xf32>
      %add3A_391 = arith.addf %mul3A_302, %mul3A_314 : vector<16xf32>
      %add3A_392 = arith.addf %mul3A_326, %mul3A_338 : vector<16xf32>
      %add3A_393 = arith.addf %mul3A_350, %mul3A_362 : vector<16xf32>
      %add3A_394 = arith.addf %mul3A_374, %mul3A_386 : vector<16xf32>
      %add3A_395 = arith.addf %add3A_387, %add3A_388 : vector<16xf32>
      %add3A_396 = arith.addf %add3A_389, %add3A_390 : vector<16xf32>
      %add3A_397 = arith.addf %add3A_391, %add3A_392 : vector<16xf32>
      %add3A_398 = arith.addf %add3A_393, %add3A_394 : vector<16xf32>
      %add3A_399 = arith.addf %add3A_395, %add3A_396 : vector<16xf32>
      %add3A_400 = arith.addf %add3A_397, %add3A_398 : vector<16xf32>
      %add3A_401 = arith.addf %add3A_399, %add3A_400 : vector<16xf32>
      %add3A_402 = arith.addf %scan3A_195, %add3A_401 : vector<16xf32>
      scf.yield %add3A_402 : vector<16xf32>
    }
    %scan3A_102 = arith.constant 128 : i32
    %add3A_103 = arith.constant 448 : i32
    %add3A_104 = arith.addi %mul3A_2, %add3A_103 : i32
    %dma_start3A_105 = arith.constant 0 : i32
    %dma_start3A_106 = tpu.memref_slice %arg2[%add3A_104, %dma_start3A_105] : memref<24576x512xf32, #tpu.memory_space<hbm>> -> memref<64x512xf32, #tpu.memory_space<hbm>>
    %dma_start3A_107 = arith.constant 0 : i32
    %dma_start3A_108 = tpu.memref_slice %arg2[%add3A_104, %dma_start3A_107] : memref<24576x512xf32, #tpu.memory_space<hbm>> -> memref<64x512xf32, #tpu.memory_space<hbm>>
    tpu.enqueue_dma source(%dma_start3A_108 : memref<64x512xf32, #tpu.memory_space<hbm>>) target(%arg7 : memref<64x512xf32, #tpu.memory_space<vmem>>) target_semaphore(%arg10 : memref<!tpu.dma_semaphore, #tpu.memory_space<semaphore_mem>>)
    %dma_wait3A_109 = arith.constant 0 : i32
    %dma_wait3A_110 = tpu.memref_slice %arg2[%add3A_88, %dma_wait3A_109] : memref<24576x512xf32, #tpu.memory_space<hbm>> -> memref<64x512xf32, #tpu.memory_space<hbm>>
    %dma_wait3A_111 = arith.constant 0 : i32
    %dma_wait3A_112 = tpu.memref_slice %arg2[%add3A_88, %dma_wait3A_111] : memref<24576x512xf32, #tpu.memory_space<hbm>> -> memref<64x512xf32, #tpu.memory_space<hbm>>
    tpu.wait_dma2 semaphore(%arg9 : memref<!tpu.dma_semaphore, #tpu.memory_space<semaphore_mem>>) src(%dma_wait3A_112 : memref<64x512xf32, #tpu.memory_space<hbm>>) dst(%arg6 : memref<64x512xf32, #tpu.memory_space<vmem>>)
    %scan3A_113 = arith.constant 0 : i32
    %scan3A_114 = arith.constant 128 : i32
    %scan3A_115 = arith.addi %scan3A_113, %scan3A_114 : i32
    %scan3A_116 = arith.constant 1 : i32
    %scan3A_117 = scf.for %scan3A_194 = %scan3A_113 to %scan3A_115 step %scan3A_116 iter_args(%scan3A_195 = %scan3A_101) -> (vector<16xf32>)  : i32 {
      %shift_right_arithmetic3A = arith.constant 1 : i32
      %shift_right_arithmetic3A_196 = arith.shrsi %scan3A_194, %shift_right_arithmetic3A : i32
      %and3A = arith.constant 1 : i32
      %and3A_197 = arith.andi %scan3A_194, %and3A : i32
      %shift_left3A = arith.constant 8 : i32
      %shift_left3A_198 = arith.shli %and3A_197, %shift_left3A : i32
      %add3A_199 = arith.constant 0 : i32
      %add3A_200 = arith.addi %shift_left3A_198, %add3A_199 : i32
      %get3A = arith.index_cast %shift_right_arithmetic3A_196 : i32 to index
      %get3A_201 = arith.index_cast %add3A_200 : i32 to index
      %get3A_202 = tpu.vector_load %arg6[%get3A, %get3A_201] {strides = array<i32>} : memref<64x512xf32, #tpu.memory_space<vmem>>, vector<16xf32>,
      %mul3A_203 = arith.constant 2.550000e+02 : f32
      %mul3A_204 = vector.broadcast %mul3A_203 : f32 to vector<16xf32>
      %mul3A_205 = arith.mulf %get3A_202, %mul3A_204 : vector<16xf32>
      %convert_element_type3A = arith.fptosi %mul3A_205 : vector<16xf32> to vector<16xi32>
      %gather3A = tpu.vector_load_idx %arg5[%convert_element_type3A] : memref<256xf32, #tpu.memory_space<vmem>>[vector<16xi32>], vector<16xf32>,
      %sub3A = arith.subf %get3A_202, %gather3A : vector<16xf32>
      %mul3A_206 = arith.mulf %sub3A, %sub3A : vector<16xf32>
      %add3A_207 = arith.constant 16 : i32
      %add3A_208 = arith.addi %shift_left3A_198, %add3A_207 : i32
      %get3A_209 = arith.index_cast %shift_right_arithmetic3A_196 : i32 to index
      %get3A_210 = arith.index_cast %add3A_208 : i32 to index
      %get3A_211 = tpu.vector_load %arg6[%get3A_209, %get3A_210] {strides = array<i32>} : memref<64x512xf32, #tpu.memory_space<vmem>>, vector<16xf32>,
      %mul3A_212 = arith.constant 2.550000e+02 : f32
      %mul3A_213 = vector.broadcast %mul3A_212 : f32 to vector<16xf32>
      %mul3A_214 = arith.mulf %get3A_211, %mul3A_213 : vector<16xf32>
      %convert_element_type3A_215 = arith.fptosi %mul3A_214 : vector<16xf32> to vector<16xi32>
      %gather3A_216 = tpu.vector_load_idx %arg5[%convert_element_type3A_215] : memref<256xf32, #tpu.memory_space<vmem>>[vector<16xi32>], vector<16xf32>,
      %sub3A_217 = arith.subf %get3A_211, %gather3A_216 : vector<16xf32>
      %mul3A_218 = arith.mulf %sub3A_217, %sub3A_217 : vector<16xf32>
      %add3A_219 = arith.constant 32 : i32
      %add3A_220 = arith.addi %shift_left3A_198, %add3A_219 : i32
      %get3A_221 = arith.index_cast %shift_right_arithmetic3A_196 : i32 to index
      %get3A_222 = arith.index_cast %add3A_220 : i32 to index
      %get3A_223 = tpu.vector_load %arg6[%get3A_221, %get3A_222] {strides = array<i32>} : memref<64x512xf32, #tpu.memory_space<vmem>>, vector<16xf32>,
      %mul3A_224 = arith.constant 2.550000e+02 : f32
      %mul3A_225 = vector.broadcast %mul3A_224 : f32 to vector<16xf32>
      %mul3A_226 = arith.mulf %get3A_223, %mul3A_225 : vector<16xf32>
      %convert_element_type3A_227 = arith.fptosi %mul3A_226 : vector<16xf32> to vector<16xi32>
      %gather3A_228 = tpu.vector_load_idx %arg5[%convert_element_type3A_227] : memref<256xf32, #tpu.memory_space<vmem>>[vector<16xi32>], vector<16xf32>,
      %sub3A_229 = arith.subf %get3A_223, %gather3A_228 : vector<16xf32>
      %mul3A_230 = arith.mulf %sub3A_229, %sub3A_229 : vector<16xf32>
      %add3A_231 = arith.constant 48 : i32
      %add3A_232 = arith.addi %shift_left3A_198, %add3A_231 : i32
      %get3A_233 = arith.index_cast %shift_right_arithmetic3A_196 : i32 to index
      %get3A_234 = arith.index_cast %add3A_232 : i32 to index
      %get3A_235 = tpu.vector_load %arg6[%get3A_233, %get3A_234] {strides = array<i32>} : memref<64x512xf32, #tpu.memory_space<vmem>>, vector<16xf32>,
      %mul3A_236 = arith.constant 2.550000e+02 : f32
      %mul3A_237 = vector.broadcast %mul3A_236 : f32 to vector<16xf32>
      %mul3A_238 = arith.mulf %get3A_235, %mul3A_237 : vector<16xf32>
      %convert_element_type3A_239 = arith.fptosi %mul3A_238 : vector<16xf32> to vector<16xi32>
      %gather3A_240 = tpu.vector_load_idx %arg5[%convert_element_type3A_239] : memref<256xf32, #tpu.memory_space<vmem>>[vector<16xi32>], vector<16xf32>,
      %sub3A_241 = arith.subf %get3A_235, %gather3A_240 : vector<16xf32>
      %mul3A_242 = arith.mulf %sub3A_241, %sub3A_241 : vector<16xf32>
      %add3A_243 = arith.constant 64 : i32
      %add3A_244 = arith.addi %shift_left3A_198, %add3A_243 : i32
      %get3A_245 = arith.index_cast %shift_right_arithmetic3A_196 : i32 to index
      %get3A_246 = arith.index_cast %add3A_244 : i32 to index
      %get3A_247 = tpu.vector_load %arg6[%get3A_245, %get3A_246] {strides = array<i32>} : memref<64x512xf32, #tpu.memory_space<vmem>>, vector<16xf32>,
      %mul3A_248 = arith.constant 2.550000e+02 : f32
      %mul3A_249 = vector.broadcast %mul3A_248 : f32 to vector<16xf32>
      %mul3A_250 = arith.mulf %get3A_247, %mul3A_249 : vector<16xf32>
      %convert_element_type3A_251 = arith.fptosi %mul3A_250 : vector<16xf32> to vector<16xi32>
      %gather3A_252 = tpu.vector_load_idx %arg5[%convert_element_type3A_251] : memref<256xf32, #tpu.memory_space<vmem>>[vector<16xi32>], vector<16xf32>,
      %sub3A_253 = arith.subf %get3A_247, %gather3A_252 : vector<16xf32>
      %mul3A_254 = arith.mulf %sub3A_253, %sub3A_253 : vector<16xf32>
      %add3A_255 = arith.constant 80 : i32
      %add3A_256 = arith.addi %shift_left3A_198, %add3A_255 : i32
      %get3A_257 = arith.index_cast %shift_right_arithmetic3A_196 : i32 to index
      %get3A_258 = arith.index_cast %add3A_256 : i32 to index
      %get3A_259 = tpu.vector_load %arg6[%get3A_257, %get3A_258] {strides = array<i32>} : memref<64x512xf32, #tpu.memory_space<vmem>>, vector<16xf32>,
      %mul3A_260 = arith.constant 2.550000e+02 : f32
      %mul3A_261 = vector.broadcast %mul3A_260 : f32 to vector<16xf32>
      %mul3A_262 = arith.mulf %get3A_259, %mul3A_261 : vector<16xf32>
      %convert_element_type3A_263 = arith.fptosi %mul3A_262 : vector<16xf32> to vector<16xi32>
      %gather3A_264 = tpu.vector_load_idx %arg5[%convert_element_type3A_263] : memref<256xf32, #tpu.memory_space<vmem>>[vector<16xi32>], vector<16xf32>,
      %sub3A_265 = arith.subf %get3A_259, %gather3A_264 : vector<16xf32>
      %mul3A_266 = arith.mulf %sub3A_265, %sub3A_265 : vector<16xf32>
      %add3A_267 = arith.constant 96 : i32
      %add3A_268 = arith.addi %shift_left3A_198, %add3A_267 : i32
      %get3A_269 = arith.index_cast %shift_right_arithmetic3A_196 : i32 to index
      %get3A_270 = arith.index_cast %add3A_268 : i32 to index
      %get3A_271 = tpu.vector_load %arg6[%get3A_269, %get3A_270] {strides = array<i32>} : memref<64x512xf32, #tpu.memory_space<vmem>>, vector<16xf32>,
      %mul3A_272 = arith.constant 2.550000e+02 : f32
      %mul3A_273 = vector.broadcast %mul3A_272 : f32 to vector<16xf32>
      %mul3A_274 = arith.mulf %get3A_271, %mul3A_273 : vector<16xf32>
      %convert_element_type3A_275 = arith.fptosi %mul3A_274 : vector<16xf32> to vector<16xi32>
      %gather3A_276 = tpu.vector_load_idx %arg5[%convert_element_type3A_275] : memref<256xf32, #tpu.memory_space<vmem>>[vector<16xi32>], vector<16xf32>,
      %sub3A_277 = arith.subf %get3A_271, %gather3A_276 : vector<16xf32>
      %mul3A_278 = arith.mulf %sub3A_277, %sub3A_277 : vector<16xf32>
      %add3A_279 = arith.constant 112 : i32
      %add3A_280 = arith.addi %shift_left3A_198, %add3A_279 : i32
      %get3A_281 = arith.index_cast %shift_right_arithmetic3A_196 : i32 to index
      %get3A_282 = arith.index_cast %add3A_280 : i32 to index
      %get3A_283 = tpu.vector_load %arg6[%get3A_281, %get3A_282] {strides = array<i32>} : memref<64x512xf32, #tpu.memory_space<vmem>>, vector<16xf32>,
      %mul3A_284 = arith.constant 2.550000e+02 : f32
      %mul3A_285 = vector.broadcast %mul3A_284 : f32 to vector<16xf32>
      %mul3A_286 = arith.mulf %get3A_283, %mul3A_285 : vector<16xf32>
      %convert_element_type3A_287 = arith.fptosi %mul3A_286 : vector<16xf32> to vector<16xi32>
      %gather3A_288 = tpu.vector_load_idx %arg5[%convert_element_type3A_287] : memref<256xf32, #tpu.memory_space<vmem>>[vector<16xi32>], vector<16xf32>,
      %sub3A_289 = arith.subf %get3A_283, %gather3A_288 : vector<16xf32>
      %mul3A_290 = arith.mulf %sub3A_289, %sub3A_289 : vector<16xf32>
      %add3A_291 = arith.constant 128 : i32
      %add3A_292 = arith.addi %shift_left3A_198, %add3A_291 : i32
      %get3A_293 = arith.index_cast %shift_right_arithmetic3A_196 : i32 to index
      %get3A_294 = arith.index_cast %add3A_292 : i32 to index
      %get3A_295 = tpu.vector_load %arg6[%get3A_293, %get3A_294] {strides = array<i32>} : memref<64x512xf32, #tpu.memory_space<vmem>>, vector<16xf32>,
      %mul3A_296 = arith.constant 2.550000e+02 : f32
      %mul3A_297 = vector.broadcast %mul3A_296 : f32 to vector<16xf32>
      %mul3A_298 = arith.mulf %get3A_295, %mul3A_297 : vector<16xf32>
      %convert_element_type3A_299 = arith.fptosi %mul3A_298 : vector<16xf32> to vector<16xi32>
      %gather3A_300 = tpu.vector_load_idx %arg5[%convert_element_type3A_299] : memref<256xf32, #tpu.memory_space<vmem>>[vector<16xi32>], vector<16xf32>,
      %sub3A_301 = arith.subf %get3A_295, %gather3A_300 : vector<16xf32>
      %mul3A_302 = arith.mulf %sub3A_301, %sub3A_301 : vector<16xf32>
      %add3A_303 = arith.constant 144 : i32
      %add3A_304 = arith.addi %shift_left3A_198, %add3A_303 : i32
      %get3A_305 = arith.index_cast %shift_right_arithmetic3A_196 : i32 to index
      %get3A_306 = arith.index_cast %add3A_304 : i32 to index
      %get3A_307 = tpu.vector_load %arg6[%get3A_305, %get3A_306] {strides = array<i32>} : memref<64x512xf32, #tpu.memory_space<vmem>>, vector<16xf32>,
      %mul3A_308 = arith.constant 2.550000e+02 : f32
      %mul3A_309 = vector.broadcast %mul3A_308 : f32 to vector<16xf32>
      %mul3A_310 = arith.mulf %get3A_307, %mul3A_309 : vector<16xf32>
      %convert_element_type3A_311 = arith.fptosi %mul3A_310 : vector<16xf32> to vector<16xi32>
      %gather3A_312 = tpu.vector_load_idx %arg5[%convert_element_type3A_311] : memref<256xf32, #tpu.memory_space<vmem>>[vector<16xi32>], vector<16xf32>,
      %sub3A_313 = arith.subf %get3A_307, %gather3A_312 : vector<16xf32>
      %mul3A_314 = arith.mulf %sub3A_313, %sub3A_313 : vector<16xf32>
      %add3A_315 = arith.constant 160 : i32
      %add3A_316 = arith.addi %shift_left3A_198, %add3A_315 : i32
      %get3A_317 = arith.index_cast %shift_right_arithmetic3A_196 : i32 to index
      %get3A_318 = arith.index_cast %add3A_316 : i32 to index
      %get3A_319 = tpu.vector_load %arg6[%get3A_317, %get3A_318] {strides = array<i32>} : memref<64x512xf32, #tpu.memory_space<vmem>>, vector<16xf32>,
      %mul3A_320 = arith.constant 2.550000e+02 : f32
      %mul3A_321 = vector.broadcast %mul3A_320 : f32 to vector<16xf32>
      %mul3A_322 = arith.mulf %get3A_319, %mul3A_321 : vector<16xf32>
      %convert_element_type3A_323 = arith.fptosi %mul3A_322 : vector<16xf32> to vector<16xi32>
      %gather3A_324 = tpu.vector_load_idx %arg5[%convert_element_type3A_323] : memref<256xf32, #tpu.memory_space<vmem>>[vector<16xi32>], vector<16xf32>,
      %sub3A_325 = arith.subf %get3A_319, %gather3A_324 : vector<16xf32>
      %mul3A_326 = arith.mulf %sub3A_325, %sub3A_325 : vector<16xf32>
      %add3A_327 = arith.constant 176 : i32
      %add3A_328 = arith.addi %shift_left3A_198, %add3A_327 : i32
      %get3A_329 = arith.index_cast %shift_right_arithmetic3A_196 : i32 to index
      %get3A_330 = arith.index_cast %add3A_328 : i32 to index
      %get3A_331 = tpu.vector_load %arg6[%get3A_329, %get3A_330] {strides = array<i32>} : memref<64x512xf32, #tpu.memory_space<vmem>>, vector<16xf32>,
      %mul3A_332 = arith.constant 2.550000e+02 : f32
      %mul3A_333 = vector.broadcast %mul3A_332 : f32 to vector<16xf32>
      %mul3A_334 = arith.mulf %get3A_331, %mul3A_333 : vector<16xf32>
      %convert_element_type3A_335 = arith.fptosi %mul3A_334 : vector<16xf32> to vector<16xi32>
      %gather3A_336 = tpu.vector_load_idx %arg5[%convert_element_type3A_335] : memref<256xf32, #tpu.memory_space<vmem>>[vector<16xi32>], vector<16xf32>,
      %sub3A_337 = arith.subf %get3A_331, %gather3A_336 : vector<16xf32>
      %mul3A_338 = arith.mulf %sub3A_337, %sub3A_337 : vector<16xf32>
      %add3A_339 = arith.constant 192 : i32
      %add3A_340 = arith.addi %shift_left3A_198, %add3A_339 : i32
      %get3A_341 = arith.index_cast %shift_right_arithmetic3A_196 : i32 to index
      %get3A_342 = arith.index_cast %add3A_340 : i32 to index
      %get3A_343 = tpu.vector_load %arg6[%get3A_341, %get3A_342] {strides = array<i32>} : memref<64x512xf32, #tpu.memory_space<vmem>>, vector<16xf32>,
      %mul3A_344 = arith.constant 2.550000e+02 : f32
      %mul3A_345 = vector.broadcast %mul3A_344 : f32 to vector<16xf32>
      %mul3A_346 = arith.mulf %get3A_343, %mul3A_345 : vector<16xf32>
      %convert_element_type3A_347 = arith.fptosi %mul3A_346 : vector<16xf32> to vector<16xi32>
      %gather3A_348 = tpu.vector_load_idx %arg5[%convert_element_type3A_347] : memref<256xf32, #tpu.memory_space<vmem>>[vector<16xi32>], vector<16xf32>,
      %sub3A_349 = arith.subf %get3A_343, %gather3A_348 : vector<16xf32>
      %mul3A_350 = arith.mulf %sub3A_349, %sub3A_349 : vector<16xf32>
      %add3A_351 = arith.constant 208 : i32
      %add3A_352 = arith.addi %shift_left3A_198, %add3A_351 : i32
      %get3A_353 = arith.index_cast %shift_right_arithmetic3A_196 : i32 to index
      %get3A_354 = arith.index_cast %add3A_352 : i32 to index
      %get3A_355 = tpu.vector_load %arg6[%get3A_353, %get3A_354] {strides = array<i32>} : memref<64x512xf32, #tpu.memory_space<vmem>>, vector<16xf32>,
      %mul3A_356 = arith.constant 2.550000e+02 : f32
      %mul3A_357 = vector.broadcast %mul3A_356 : f32 to vector<16xf32>
      %mul3A_358 = arith.mulf %get3A_355, %mul3A_357 : vector<16xf32>
      %convert_element_type3A_359 = arith.fptosi %mul3A_358 : vector<16xf32> to vector<16xi32>
      %gather3A_360 = tpu.vector_load_idx %arg5[%convert_element_type3A_359] : memref<256xf32, #tpu.memory_space<vmem>>[vector<16xi32>], vector<16xf32>,
      %sub3A_361 = arith.subf %get3A_355, %gather3A_360 : vector<16xf32>
      %mul3A_362 = arith.mulf %sub3A_361, %sub3A_361 : vector<16xf32>
      %add3A_363 = arith.constant 224 : i32
      %add3A_364 = arith.addi %shift_left3A_198, %add3A_363 : i32
      %get3A_365 = arith.index_cast %shift_right_arithmetic3A_196 : i32 to index
      %get3A_366 = arith.index_cast %add3A_364 : i32 to index
      %get3A_367 = tpu.vector_load %arg6[%get3A_365, %get3A_366] {strides = array<i32>} : memref<64x512xf32, #tpu.memory_space<vmem>>, vector<16xf32>,
      %mul3A_368 = arith.constant 2.550000e+02 : f32
      %mul3A_369 = vector.broadcast %mul3A_368 : f32 to vector<16xf32>
      %mul3A_370 = arith.mulf %get3A_367, %mul3A_369 : vector<16xf32>
      %convert_element_type3A_371 = arith.fptosi %mul3A_370 : vector<16xf32> to vector<16xi32>
      %gather3A_372 = tpu.vector_load_idx %arg5[%convert_element_type3A_371] : memref<256xf32, #tpu.memory_space<vmem>>[vector<16xi32>], vector<16xf32>,
      %sub3A_373 = arith.subf %get3A_367, %gather3A_372 : vector<16xf32>
      %mul3A_374 = arith.mulf %sub3A_373, %sub3A_373 : vector<16xf32>
      %add3A_375 = arith.constant 240 : i32
      %add3A_376 = arith.addi %shift_left3A_198, %add3A_375 : i32
      %get3A_377 = arith.index_cast %shift_right_arithmetic3A_196 : i32 to index
      %get3A_378 = arith.index_cast %add3A_376 : i32 to index
      %get3A_379 = tpu.vector_load %arg6[%get3A_377, %get3A_378] {strides = array<i32>} : memref<64x512xf32, #tpu.memory_space<vmem>>, vector<16xf32>,
      %mul3A_380 = arith.constant 2.550000e+02 : f32
      %mul3A_381 = vector.broadcast %mul3A_380 : f32 to vector<16xf32>
      %mul3A_382 = arith.mulf %get3A_379, %mul3A_381 : vector<16xf32>
      %convert_element_type3A_383 = arith.fptosi %mul3A_382 : vector<16xf32> to vector<16xi32>
      %gather3A_384 = tpu.vector_load_idx %arg5[%convert_element_type3A_383] : memref<256xf32, #tpu.memory_space<vmem>>[vector<16xi32>], vector<16xf32>,
      %sub3A_385 = arith.subf %get3A_379, %gather3A_384 : vector<16xf32>
      %mul3A_386 = arith.mulf %sub3A_385, %sub3A_385 : vector<16xf32>
      %add3A_387 = arith.addf %mul3A_206, %mul3A_218 : vector<16xf32>
      %add3A_388 = arith.addf %mul3A_230, %mul3A_242 : vector<16xf32>
      %add3A_389 = arith.addf %mul3A_254, %mul3A_266 : vector<16xf32>
      %add3A_390 = arith.addf %mul3A_278, %mul3A_290 : vector<16xf32>
      %add3A_391 = arith.addf %mul3A_302, %mul3A_314 : vector<16xf32>
      %add3A_392 = arith.addf %mul3A_326, %mul3A_338 : vector<16xf32>
      %add3A_393 = arith.addf %mul3A_350, %mul3A_362 : vector<16xf32>
      %add3A_394 = arith.addf %mul3A_374, %mul3A_386 : vector<16xf32>
      %add3A_395 = arith.addf %add3A_387, %add3A_388 : vector<16xf32>
      %add3A_396 = arith.addf %add3A_389, %add3A_390 : vector<16xf32>
      %add3A_397 = arith.addf %add3A_391, %add3A_392 : vector<16xf32>
      %add3A_398 = arith.addf %add3A_393, %add3A_394 : vector<16xf32>
      %add3A_399 = arith.addf %add3A_395, %add3A_396 : vector<16xf32>
      %add3A_400 = arith.addf %add3A_397, %add3A_398 : vector<16xf32>
      %add3A_401 = arith.addf %add3A_399, %add3A_400 : vector<16xf32>
      %add3A_402 = arith.addf %scan3A_195, %add3A_401 : vector<16xf32>
      scf.yield %add3A_402 : vector<16xf32>
    }
    %scan3A_118 = arith.constant 128 : i32
    %add3A_119 = arith.constant 512 : i32
    %add3A_120 = arith.addi %mul3A_2, %add3A_119 : i32
    %dma_start3A_121 = arith.constant 0 : i32
    %dma_start3A_122 = tpu.memref_slice %arg2[%add3A_120, %dma_start3A_121] : memref<24576x512xf32, #tpu.memory_space<hbm>> -> memref<64x512xf32, #tpu.memory_space<hbm>>
    %dma_start3A_123 = arith.constant 0 : i32
    %dma_start3A_124 = tpu.memref_slice %arg2[%add3A_120, %dma_start3A_123] : memref<24576x512xf32, #tpu.memory_space<hbm>> -> memref<64x512xf32, #tpu.memory_space<hbm>>
    tpu.enqueue_dma source(%dma_start3A_124 : memref<64x512xf32, #tpu.memory_space<hbm>>) target(%arg6 : memref<64x512xf32, #tpu.memory_space<vmem>>) target_semaphore(%arg9 : memref<!tpu.dma_semaphore, #tpu.memory_space<semaphore_mem>>)
    %dma_wait3A_125 = arith.constant 0 : i32
    %dma_wait3A_126 = tpu.memref_slice %arg2[%add3A_104, %dma_wait3A_125] : memref<24576x512xf32, #tpu.memory_space<hbm>> -> memref<64x512xf32, #tpu.memory_space<hbm>>
    %dma_wait3A_127 = arith.constant 0 : i32
    %dma_wait3A_128 = tpu.memref_slice %arg2[%add3A_104, %dma_wait3A_127] : memref<24576x512xf32, #tpu.memory_space<hbm>> -> memref<64x512xf32, #tpu.memory_space<hbm>>
    tpu.wait_dma2 semaphore(%arg10 : memref<!tpu.dma_semaphore, #tpu.memory_space<semaphore_mem>>) src(%dma_wait3A_128 : memref<64x512xf32, #tpu.memory_space<hbm>>) dst(%arg7 : memref<64x512xf32, #tpu.memory_space<vmem>>)
    %scan3A_129 = arith.constant 0 : i32
    %scan3A_130 = arith.constant 128 : i32
    %scan3A_131 = arith.addi %scan3A_129, %scan3A_130 : i32
    %scan3A_132 = arith.constant 1 : i32
    %scan3A_133 = scf.for %scan3A_194 = %scan3A_129 to %scan3A_131 step %scan3A_132 iter_args(%scan3A_195 = %scan3A_117) -> (vector<16xf32>)  : i32 {
      %shift_right_arithmetic3A = arith.constant 1 : i32
      %shift_right_arithmetic3A_196 = arith.shrsi %scan3A_194, %shift_right_arithmetic3A : i32
      %and3A = arith.constant 1 : i32
      %and3A_197 = arith.andi %scan3A_194, %and3A : i32
      %shift_left3A = arith.constant 8 : i32
      %shift_left3A_198 = arith.shli %and3A_197, %shift_left3A : i32
      %add3A_199 = arith.constant 0 : i32
      %add3A_200 = arith.addi %shift_left3A_198, %add3A_199 : i32
      %get3A = arith.index_cast %shift_right_arithmetic3A_196 : i32 to index
      %get3A_201 = arith.index_cast %add3A_200 : i32 to index
      %get3A_202 = tpu.vector_load %arg7[%get3A, %get3A_201] {strides = array<i32>} : memref<64x512xf32, #tpu.memory_space<vmem>>, vector<16xf32>,
      %mul3A_203 = arith.constant 2.550000e+02 : f32
      %mul3A_204 = vector.broadcast %mul3A_203 : f32 to vector<16xf32>
      %mul3A_205 = arith.mulf %get3A_202, %mul3A_204 : vector<16xf32>
      %convert_element_type3A = arith.fptosi %mul3A_205 : vector<16xf32> to vector<16xi32>
      %gather3A = tpu.vector_load_idx %arg5[%convert_element_type3A] : memref<256xf32, #tpu.memory_space<vmem>>[vector<16xi32>], vector<16xf32>,
      %sub3A = arith.subf %get3A_202, %gather3A : vector<16xf32>
      %mul3A_206 = arith.mulf %sub3A, %sub3A : vector<16xf32>
      %add3A_207 = arith.constant 16 : i32
      %add3A_208 = arith.addi %shift_left3A_198, %add3A_207 : i32
      %get3A_209 = arith.index_cast %shift_right_arithmetic3A_196 : i32 to index
      %get3A_210 = arith.index_cast %add3A_208 : i32 to index
      %get3A_211 = tpu.vector_load %arg7[%get3A_209, %get3A_210] {strides = array<i32>} : memref<64x512xf32, #tpu.memory_space<vmem>>, vector<16xf32>,
      %mul3A_212 = arith.constant 2.550000e+02 : f32
      %mul3A_213 = vector.broadcast %mul3A_212 : f32 to vector<16xf32>
      %mul3A_214 = arith.mulf %get3A_211, %mul3A_213 : vector<16xf32>
      %convert_element_type3A_215 = arith.fptosi %mul3A_214 : vector<16xf32> to vector<16xi32>
      %gather3A_216 = tpu.vector_load_idx %arg5[%convert_element_type3A_215] : memref<256xf32, #tpu.memory_space<vmem>>[vector<16xi32>], vector<16xf32>,
      %sub3A_217 = arith.subf %get3A_211, %gather3A_216 : vector<16xf32>
      %mul3A_218 = arith.mulf %sub3A_217, %sub3A_217 : vector<16xf32>
      %add3A_219 = arith.constant 32 : i32
      %add3A_220 = arith.addi %shift_left3A_198, %add3A_219 : i32
      %get3A_221 = arith.index_cast %shift_right_arithmetic3A_196 : i32 to index
      %get3A_222 = arith.index_cast %add3A_220 : i32 to index
      %get3A_223 = tpu.vector_load %arg7[%get3A_221, %get3A_222] {strides = array<i32>} : memref<64x512xf32, #tpu.memory_space<vmem>>, vector<16xf32>,
      %mul3A_224 = arith.constant 2.550000e+02 : f32
      %mul3A_225 = vector.broadcast %mul3A_224 : f32 to vector<16xf32>
      %mul3A_226 = arith.mulf %get3A_223, %mul3A_225 : vector<16xf32>
      %convert_element_type3A_227 = arith.fptosi %mul3A_226 : vector<16xf32> to vector<16xi32>
      %gather3A_228 = tpu.vector_load_idx %arg5[%convert_element_type3A_227] : memref<256xf32, #tpu.memory_space<vmem>>[vector<16xi32>], vector<16xf32>,
      %sub3A_229 = arith.subf %get3A_223, %gather3A_228 : vector<16xf32>
      %mul3A_230 = arith.mulf %sub3A_229, %sub3A_229 : vector<16xf32>
      %add3A_231 = arith.constant 48 : i32
      %add3A_232 = arith.addi %shift_left3A_198, %add3A_231 : i32
      %get3A_233 = arith.index_cast %shift_right_arithmetic3A_196 : i32 to index
      %get3A_234 = arith.index_cast %add3A_232 : i32 to index
      %get3A_235 = tpu.vector_load %arg7[%get3A_233, %get3A_234] {strides = array<i32>} : memref<64x512xf32, #tpu.memory_space<vmem>>, vector<16xf32>,
      %mul3A_236 = arith.constant 2.550000e+02 : f32
      %mul3A_237 = vector.broadcast %mul3A_236 : f32 to vector<16xf32>
      %mul3A_238 = arith.mulf %get3A_235, %mul3A_237 : vector<16xf32>
      %convert_element_type3A_239 = arith.fptosi %mul3A_238 : vector<16xf32> to vector<16xi32>
      %gather3A_240 = tpu.vector_load_idx %arg5[%convert_element_type3A_239] : memref<256xf32, #tpu.memory_space<vmem>>[vector<16xi32>], vector<16xf32>,
      %sub3A_241 = arith.subf %get3A_235, %gather3A_240 : vector<16xf32>
      %mul3A_242 = arith.mulf %sub3A_241, %sub3A_241 : vector<16xf32>
      %add3A_243 = arith.constant 64 : i32
      %add3A_244 = arith.addi %shift_left3A_198, %add3A_243 : i32
      %get3A_245 = arith.index_cast %shift_right_arithmetic3A_196 : i32 to index
      %get3A_246 = arith.index_cast %add3A_244 : i32 to index
      %get3A_247 = tpu.vector_load %arg7[%get3A_245, %get3A_246] {strides = array<i32>} : memref<64x512xf32, #tpu.memory_space<vmem>>, vector<16xf32>,
      %mul3A_248 = arith.constant 2.550000e+02 : f32
      %mul3A_249 = vector.broadcast %mul3A_248 : f32 to vector<16xf32>
      %mul3A_250 = arith.mulf %get3A_247, %mul3A_249 : vector<16xf32>
      %convert_element_type3A_251 = arith.fptosi %mul3A_250 : vector<16xf32> to vector<16xi32>
      %gather3A_252 = tpu.vector_load_idx %arg5[%convert_element_type3A_251] : memref<256xf32, #tpu.memory_space<vmem>>[vector<16xi32>], vector<16xf32>,
      %sub3A_253 = arith.subf %get3A_247, %gather3A_252 : vector<16xf32>
      %mul3A_254 = arith.mulf %sub3A_253, %sub3A_253 : vector<16xf32>
      %add3A_255 = arith.constant 80 : i32
      %add3A_256 = arith.addi %shift_left3A_198, %add3A_255 : i32
      %get3A_257 = arith.index_cast %shift_right_arithmetic3A_196 : i32 to index
      %get3A_258 = arith.index_cast %add3A_256 : i32 to index
      %get3A_259 = tpu.vector_load %arg7[%get3A_257, %get3A_258] {strides = array<i32>} : memref<64x512xf32, #tpu.memory_space<vmem>>, vector<16xf32>,
      %mul3A_260 = arith.constant 2.550000e+02 : f32
      %mul3A_261 = vector.broadcast %mul3A_260 : f32 to vector<16xf32>
      %mul3A_262 = arith.mulf %get3A_259, %mul3A_261 : vector<16xf32>
      %convert_element_type3A_263 = arith.fptosi %mul3A_262 : vector<16xf32> to vector<16xi32>
      %gather3A_264 = tpu.vector_load_idx %arg5[%convert_element_type3A_263] : memref<256xf32, #tpu.memory_space<vmem>>[vector<16xi32>], vector<16xf32>,
      %sub3A_265 = arith.subf %get3A_259, %gather3A_264 : vector<16xf32>
      %mul3A_266 = arith.mulf %sub3A_265, %sub3A_265 : vector<16xf32>
      %add3A_267 = arith.constant 96 : i32
      %add3A_268 = arith.addi %shift_left3A_198, %add3A_267 : i32
      %get3A_269 = arith.index_cast %shift_right_arithmetic3A_196 : i32 to index
      %get3A_270 = arith.index_cast %add3A_268 : i32 to index
      %get3A_271 = tpu.vector_load %arg7[%get3A_269, %get3A_270] {strides = array<i32>} : memref<64x512xf32, #tpu.memory_space<vmem>>, vector<16xf32>,
      %mul3A_272 = arith.constant 2.550000e+02 : f32
      %mul3A_273 = vector.broadcast %mul3A_272 : f32 to vector<16xf32>
      %mul3A_274 = arith.mulf %get3A_271, %mul3A_273 : vector<16xf32>
      %convert_element_type3A_275 = arith.fptosi %mul3A_274 : vector<16xf32> to vector<16xi32>
      %gather3A_276 = tpu.vector_load_idx %arg5[%convert_element_type3A_275] : memref<256xf32, #tpu.memory_space<vmem>>[vector<16xi32>], vector<16xf32>,
      %sub3A_277 = arith.subf %get3A_271, %gather3A_276 : vector<16xf32>
      %mul3A_278 = arith.mulf %sub3A_277, %sub3A_277 : vector<16xf32>
      %add3A_279 = arith.constant 112 : i32
      %add3A_280 = arith.addi %shift_left3A_198, %add3A_279 : i32
      %get3A_281 = arith.index_cast %shift_right_arithmetic3A_196 : i32 to index
      %get3A_282 = arith.index_cast %add3A_280 : i32 to index
      %get3A_283 = tpu.vector_load %arg7[%get3A_281, %get3A_282] {strides = array<i32>} : memref<64x512xf32, #tpu.memory_space<vmem>>, vector<16xf32>,
      %mul3A_284 = arith.constant 2.550000e+02 : f32
      %mul3A_285 = vector.broadcast %mul3A_284 : f32 to vector<16xf32>
      %mul3A_286 = arith.mulf %get3A_283, %mul3A_285 : vector<16xf32>
      %convert_element_type3A_287 = arith.fptosi %mul3A_286 : vector<16xf32> to vector<16xi32>
      %gather3A_288 = tpu.vector_load_idx %arg5[%convert_element_type3A_287] : memref<256xf32, #tpu.memory_space<vmem>>[vector<16xi32>], vector<16xf32>,
      %sub3A_289 = arith.subf %get3A_283, %gather3A_288 : vector<16xf32>
      %mul3A_290 = arith.mulf %sub3A_289, %sub3A_289 : vector<16xf32>
      %add3A_291 = arith.constant 128 : i32
      %add3A_292 = arith.addi %shift_left3A_198, %add3A_291 : i32
      %get3A_293 = arith.index_cast %shift_right_arithmetic3A_196 : i32 to index
      %get3A_294 = arith.index_cast %add3A_292 : i32 to index
      %get3A_295 = tpu.vector_load %arg7[%get3A_293, %get3A_294] {strides = array<i32>} : memref<64x512xf32, #tpu.memory_space<vmem>>, vector<16xf32>,
      %mul3A_296 = arith.constant 2.550000e+02 : f32
      %mul3A_297 = vector.broadcast %mul3A_296 : f32 to vector<16xf32>
      %mul3A_298 = arith.mulf %get3A_295, %mul3A_297 : vector<16xf32>
      %convert_element_type3A_299 = arith.fptosi %mul3A_298 : vector<16xf32> to vector<16xi32>
      %gather3A_300 = tpu.vector_load_idx %arg5[%convert_element_type3A_299] : memref<256xf32, #tpu.memory_space<vmem>>[vector<16xi32>], vector<16xf32>,
      %sub3A_301 = arith.subf %get3A_295, %gather3A_300 : vector<16xf32>
      %mul3A_302 = arith.mulf %sub3A_301, %sub3A_301 : vector<16xf32>
      %add3A_303 = arith.constant 144 : i32
      %add3A_304 = arith.addi %shift_left3A_198, %add3A_303 : i32
      %get3A_305 = arith.index_cast %shift_right_arithmetic3A_196 : i32 to index
      %get3A_306 = arith.index_cast %add3A_304 : i32 to index
      %get3A_307 = tpu.vector_load %arg7[%get3A_305, %get3A_306] {strides = array<i32>} : memref<64x512xf32, #tpu.memory_space<vmem>>, vector<16xf32>,
      %mul3A_308 = arith.constant 2.550000e+02 : f32
      %mul3A_309 = vector.broadcast %mul3A_308 : f32 to vector<16xf32>
      %mul3A_310 = arith.mulf %get3A_307, %mul3A_309 : vector<16xf32>
      %convert_element_type3A_311 = arith.fptosi %mul3A_310 : vector<16xf32> to vector<16xi32>
      %gather3A_312 = tpu.vector_load_idx %arg5[%convert_element_type3A_311] : memref<256xf32, #tpu.memory_space<vmem>>[vector<16xi32>], vector<16xf32>,
      %sub3A_313 = arith.subf %get3A_307, %gather3A_312 : vector<16xf32>
      %mul3A_314 = arith.mulf %sub3A_313, %sub3A_313 : vector<16xf32>
      %add3A_315 = arith.constant 160 : i32
      %add3A_316 = arith.addi %shift_left3A_198, %add3A_315 : i32
      %get3A_317 = arith.index_cast %shift_right_arithmetic3A_196 : i32 to index
      %get3A_318 = arith.index_cast %add3A_316 : i32 to index
      %get3A_319 = tpu.vector_load %arg7[%get3A_317, %get3A_318] {strides = array<i32>} : memref<64x512xf32, #tpu.memory_space<vmem>>, vector<16xf32>,
      %mul3A_320 = arith.constant 2.550000e+02 : f32
      %mul3A_321 = vector.broadcast %mul3A_320 : f32 to vector<16xf32>
      %mul3A_322 = arith.mulf %get3A_319, %mul3A_321 : vector<16xf32>
      %convert_element_type3A_323 = arith.fptosi %mul3A_322 : vector<16xf32> to vector<16xi32>
      %gather3A_324 = tpu.vector_load_idx %arg5[%convert_element_type3A_323] : memref<256xf32, #tpu.memory_space<vmem>>[vector<16xi32>], vector<16xf32>,
      %sub3A_325 = arith.subf %get3A_319, %gather3A_324 : vector<16xf32>
      %mul3A_326 = arith.mulf %sub3A_325, %sub3A_325 : vector<16xf32>
      %add3A_327 = arith.constant 176 : i32
      %add3A_328 = arith.addi %shift_left3A_198, %add3A_327 : i32
      %get3A_329 = arith.index_cast %shift_right_arithmetic3A_196 : i32 to index
      %get3A_330 = arith.index_cast %add3A_328 : i32 to index
      %get3A_331 = tpu.vector_load %arg7[%get3A_329, %get3A_330] {strides = array<i32>} : memref<64x512xf32, #tpu.memory_space<vmem>>, vector<16xf32>,
      %mul3A_332 = arith.constant 2.550000e+02 : f32
      %mul3A_333 = vector.broadcast %mul3A_332 : f32 to vector<16xf32>
      %mul3A_334 = arith.mulf %get3A_331, %mul3A_333 : vector<16xf32>
      %convert_element_type3A_335 = arith.fptosi %mul3A_334 : vector<16xf32> to vector<16xi32>
      %gather3A_336 = tpu.vector_load_idx %arg5[%convert_element_type3A_335] : memref<256xf32, #tpu.memory_space<vmem>>[vector<16xi32>], vector<16xf32>,
      %sub3A_337 = arith.subf %get3A_331, %gather3A_336 : vector<16xf32>
      %mul3A_338 = arith.mulf %sub3A_337, %sub3A_337 : vector<16xf32>
      %add3A_339 = arith.constant 192 : i32
      %add3A_340 = arith.addi %shift_left3A_198, %add3A_339 : i32
      %get3A_341 = arith.index_cast %shift_right_arithmetic3A_196 : i32 to index
      %get3A_342 = arith.index_cast %add3A_340 : i32 to index
      %get3A_343 = tpu.vector_load %arg7[%get3A_341, %get3A_342] {strides = array<i32>} : memref<64x512xf32, #tpu.memory_space<vmem>>, vector<16xf32>,
      %mul3A_344 = arith.constant 2.550000e+02 : f32
      %mul3A_345 = vector.broadcast %mul3A_344 : f32 to vector<16xf32>
      %mul3A_346 = arith.mulf %get3A_343, %mul3A_345 : vector<16xf32>
      %convert_element_type3A_347 = arith.fptosi %mul3A_346 : vector<16xf32> to vector<16xi32>
      %gather3A_348 = tpu.vector_load_idx %arg5[%convert_element_type3A_347] : memref<256xf32, #tpu.memory_space<vmem>>[vector<16xi32>], vector<16xf32>,
      %sub3A_349 = arith.subf %get3A_343, %gather3A_348 : vector<16xf32>
      %mul3A_350 = arith.mulf %sub3A_349, %sub3A_349 : vector<16xf32>
      %add3A_351 = arith.constant 208 : i32
      %add3A_352 = arith.addi %shift_left3A_198, %add3A_351 : i32
      %get3A_353 = arith.index_cast %shift_right_arithmetic3A_196 : i32 to index
      %get3A_354 = arith.index_cast %add3A_352 : i32 to index
      %get3A_355 = tpu.vector_load %arg7[%get3A_353, %get3A_354] {strides = array<i32>} : memref<64x512xf32, #tpu.memory_space<vmem>>, vector<16xf32>,
      %mul3A_356 = arith.constant 2.550000e+02 : f32
      %mul3A_357 = vector.broadcast %mul3A_356 : f32 to vector<16xf32>
      %mul3A_358 = arith.mulf %get3A_355, %mul3A_357 : vector<16xf32>
      %convert_element_type3A_359 = arith.fptosi %mul3A_358 : vector<16xf32> to vector<16xi32>
      %gather3A_360 = tpu.vector_load_idx %arg5[%convert_element_type3A_359] : memref<256xf32, #tpu.memory_space<vmem>>[vector<16xi32>], vector<16xf32>,
      %sub3A_361 = arith.subf %get3A_355, %gather3A_360 : vector<16xf32>
      %mul3A_362 = arith.mulf %sub3A_361, %sub3A_361 : vector<16xf32>
      %add3A_363 = arith.constant 224 : i32
      %add3A_364 = arith.addi %shift_left3A_198, %add3A_363 : i32
      %get3A_365 = arith.index_cast %shift_right_arithmetic3A_196 : i32 to index
      %get3A_366 = arith.index_cast %add3A_364 : i32 to index
      %get3A_367 = tpu.vector_load %arg7[%get3A_365, %get3A_366] {strides = array<i32>} : memref<64x512xf32, #tpu.memory_space<vmem>>, vector<16xf32>,
      %mul3A_368 = arith.constant 2.550000e+02 : f32
      %mul3A_369 = vector.broadcast %mul3A_368 : f32 to vector<16xf32>
      %mul3A_370 = arith.mulf %get3A_367, %mul3A_369 : vector<16xf32>
      %convert_element_type3A_371 = arith.fptosi %mul3A_370 : vector<16xf32> to vector<16xi32>
      %gather3A_372 = tpu.vector_load_idx %arg5[%convert_element_type3A_371] : memref<256xf32, #tpu.memory_space<vmem>>[vector<16xi32>], vector<16xf32>,
      %sub3A_373 = arith.subf %get3A_367, %gather3A_372 : vector<16xf32>
      %mul3A_374 = arith.mulf %sub3A_373, %sub3A_373 : vector<16xf32>
      %add3A_375 = arith.constant 240 : i32
      %add3A_376 = arith.addi %shift_left3A_198, %add3A_375 : i32
      %get3A_377 = arith.index_cast %shift_right_arithmetic3A_196 : i32 to index
      %get3A_378 = arith.index_cast %add3A_376 : i32 to index
      %get3A_379 = tpu.vector_load %arg7[%get3A_377, %get3A_378] {strides = array<i32>} : memref<64x512xf32, #tpu.memory_space<vmem>>, vector<16xf32>,
      %mul3A_380 = arith.constant 2.550000e+02 : f32
      %mul3A_381 = vector.broadcast %mul3A_380 : f32 to vector<16xf32>
      %mul3A_382 = arith.mulf %get3A_379, %mul3A_381 : vector<16xf32>
      %convert_element_type3A_383 = arith.fptosi %mul3A_382 : vector<16xf32> to vector<16xi32>
      %gather3A_384 = tpu.vector_load_idx %arg5[%convert_element_type3A_383] : memref<256xf32, #tpu.memory_space<vmem>>[vector<16xi32>], vector<16xf32>,
      %sub3A_385 = arith.subf %get3A_379, %gather3A_384 : vector<16xf32>
      %mul3A_386 = arith.mulf %sub3A_385, %sub3A_385 : vector<16xf32>
      %add3A_387 = arith.addf %mul3A_206, %mul3A_218 : vector<16xf32>
      %add3A_388 = arith.addf %mul3A_230, %mul3A_242 : vector<16xf32>
      %add3A_389 = arith.addf %mul3A_254, %mul3A_266 : vector<16xf32>
      %add3A_390 = arith.addf %mul3A_278, %mul3A_290 : vector<16xf32>
      %add3A_391 = arith.addf %mul3A_302, %mul3A_314 : vector<16xf32>
      %add3A_392 = arith.addf %mul3A_326, %mul3A_338 : vector<16xf32>
      %add3A_393 = arith.addf %mul3A_350, %mul3A_362 : vector<16xf32>
      %add3A_394 = arith.addf %mul3A_374, %mul3A_386 : vector<16xf32>
      %add3A_395 = arith.addf %add3A_387, %add3A_388 : vector<16xf32>
      %add3A_396 = arith.addf %add3A_389, %add3A_390 : vector<16xf32>
      %add3A_397 = arith.addf %add3A_391, %add3A_392 : vector<16xf32>
      %add3A_398 = arith.addf %add3A_393, %add3A_394 : vector<16xf32>
      %add3A_399 = arith.addf %add3A_395, %add3A_396 : vector<16xf32>
      %add3A_400 = arith.addf %add3A_397, %add3A_398 : vector<16xf32>
      %add3A_401 = arith.addf %add3A_399, %add3A_400 : vector<16xf32>
      %add3A_402 = arith.addf %scan3A_195, %add3A_401 : vector<16xf32>
      scf.yield %add3A_402 : vector<16xf32>
    }
    %scan3A_134 = arith.constant 128 : i32
    %add3A_135 = arith.constant 576 : i32
    %add3A_136 = arith.addi %mul3A_2, %add3A_135 : i32
    %dma_start3A_137 = arith.constant 0 : i32
    %dma_start3A_138 = tpu.memref_slice %arg2[%add3A_136, %dma_start3A_137] : memref<24576x512xf32, #tpu.memory_space<hbm>> -> memref<64x512xf32, #tpu.memory_space<hbm>>
    %dma_start3A_139 = arith.constant 0 : i32
    %dma_start3A_140 = tpu.memref_slice %arg2[%add3A_136, %dma_start3A_139] : memref<24576x512xf32, #tpu.memory_space<hbm>> -> memref<64x512xf32, #tpu.memory_space<hbm>>
    tpu.enqueue_dma source(%dma_start3A_140 : memref<64x512xf32, #tpu.memory_space<hbm>>) target(%arg7 : memref<64x512xf32, #tpu.memory_space<vmem>>) target_semaphore(%arg10 : memref<!tpu.dma_semaphore, #tpu.memory_space<semaphore_mem>>)
    %dma_wait3A_141 = arith.constant 0 : i32
    %dma_wait3A_142 = tpu.memref_slice %arg2[%add3A_120, %dma_wait3A_141] : memref<24576x512xf32, #tpu.memory_space<hbm>> -> memref<64x512xf32, #tpu.memory_space<hbm>>
    %dma_wait3A_143 = arith.constant 0 : i32
    %dma_wait3A_144 = tpu.memref_slice %arg2[%add3A_120, %dma_wait3A_143] : memref<24576x512xf32, #tpu.memory_space<hbm>> -> memref<64x512xf32, #tpu.memory_space<hbm>>
    tpu.wait_dma2 semaphore(%arg9 : memref<!tpu.dma_semaphore, #tpu.memory_space<semaphore_mem>>) src(%dma_wait3A_144 : memref<64x512xf32, #tpu.memory_space<hbm>>) dst(%arg6 : memref<64x512xf32, #tpu.memory_space<vmem>>)
    %scan3A_145 = arith.constant 0 : i32
    %scan3A_146 = arith.constant 128 : i32
    %scan3A_147 = arith.addi %scan3A_145, %scan3A_146 : i32
    %scan3A_148 = arith.constant 1 : i32
    %scan3A_149 = scf.for %scan3A_194 = %scan3A_145 to %scan3A_147 step %scan3A_148 iter_args(%scan3A_195 = %scan3A_133) -> (vector<16xf32>)  : i32 {
      %shift_right_arithmetic3A = arith.constant 1 : i32
      %shift_right_arithmetic3A_196 = arith.shrsi %scan3A_194, %shift_right_arithmetic3A : i32
      %and3A = arith.constant 1 : i32
      %and3A_197 = arith.andi %scan3A_194, %and3A : i32
      %shift_left3A = arith.constant 8 : i32
      %shift_left3A_198 = arith.shli %and3A_197, %shift_left3A : i32
      %add3A_199 = arith.constant 0 : i32
      %add3A_200 = arith.addi %shift_left3A_198, %add3A_199 : i32
      %get3A = arith.index_cast %shift_right_arithmetic3A_196 : i32 to index
      %get3A_201 = arith.index_cast %add3A_200 : i32 to index
      %get3A_202 = tpu.vector_load %arg6[%get3A, %get3A_201] {strides = array<i32>} : memref<64x512xf32, #tpu.memory_space<vmem>>, vector<16xf32>,
      %mul3A_203 = arith.constant 2.550000e+02 : f32
      %mul3A_204 = vector.broadcast %mul3A_203 : f32 to vector<16xf32>
      %mul3A_205 = arith.mulf %get3A_202, %mul3A_204 : vector<16xf32>
      %convert_element_type3A = arith.fptosi %mul3A_205 : vector<16xf32> to vector<16xi32>
      %gather3A = tpu.vector_load_idx %arg5[%convert_element_type3A] : memref<256xf32, #tpu.memory_space<vmem>>[vector<16xi32>], vector<16xf32>,
      %sub3A = arith.subf %get3A_202, %gather3A : vector<16xf32>
      %mul3A_206 = arith.mulf %sub3A, %sub3A : vector<16xf32>
      %add3A_207 = arith.constant 16 : i32
      %add3A_208 = arith.addi %shift_left3A_198, %add3A_207 : i32
      %get3A_209 = arith.index_cast %shift_right_arithmetic3A_196 : i32 to index
      %get3A_210 = arith.index_cast %add3A_208 : i32 to index
      %get3A_211 = tpu.vector_load %arg6[%get3A_209, %get3A_210] {strides = array<i32>} : memref<64x512xf32, #tpu.memory_space<vmem>>, vector<16xf32>,
      %mul3A_212 = arith.constant 2.550000e+02 : f32
      %mul3A_213 = vector.broadcast %mul3A_212 : f32 to vector<16xf32>
      %mul3A_214 = arith.mulf %get3A_211, %mul3A_213 : vector<16xf32>
      %convert_element_type3A_215 = arith.fptosi %mul3A_214 : vector<16xf32> to vector<16xi32>
      %gather3A_216 = tpu.vector_load_idx %arg5[%convert_element_type3A_215] : memref<256xf32, #tpu.memory_space<vmem>>[vector<16xi32>], vector<16xf32>,
      %sub3A_217 = arith.subf %get3A_211, %gather3A_216 : vector<16xf32>
      %mul3A_218 = arith.mulf %sub3A_217, %sub3A_217 : vector<16xf32>
      %add3A_219 = arith.constant 32 : i32
      %add3A_220 = arith.addi %shift_left3A_198, %add3A_219 : i32
      %get3A_221 = arith.index_cast %shift_right_arithmetic3A_196 : i32 to index
      %get3A_222 = arith.index_cast %add3A_220 : i32 to index
      %get3A_223 = tpu.vector_load %arg6[%get3A_221, %get3A_222] {strides = array<i32>} : memref<64x512xf32, #tpu.memory_space<vmem>>, vector<16xf32>,
      %mul3A_224 = arith.constant 2.550000e+02 : f32
      %mul3A_225 = vector.broadcast %mul3A_224 : f32 to vector<16xf32>
      %mul3A_226 = arith.mulf %get3A_223, %mul3A_225 : vector<16xf32>
      %convert_element_type3A_227 = arith.fptosi %mul3A_226 : vector<16xf32> to vector<16xi32>
      %gather3A_228 = tpu.vector_load_idx %arg5[%convert_element_type3A_227] : memref<256xf32, #tpu.memory_space<vmem>>[vector<16xi32>], vector<16xf32>,
      %sub3A_229 = arith.subf %get3A_223, %gather3A_228 : vector<16xf32>
      %mul3A_230 = arith.mulf %sub3A_229, %sub3A_229 : vector<16xf32>
      %add3A_231 = arith.constant 48 : i32
      %add3A_232 = arith.addi %shift_left3A_198, %add3A_231 : i32
      %get3A_233 = arith.index_cast %shift_right_arithmetic3A_196 : i32 to index
      %get3A_234 = arith.index_cast %add3A_232 : i32 to index
      %get3A_235 = tpu.vector_load %arg6[%get3A_233, %get3A_234] {strides = array<i32>} : memref<64x512xf32, #tpu.memory_space<vmem>>, vector<16xf32>,
      %mul3A_236 = arith.constant 2.550000e+02 : f32
      %mul3A_237 = vector.broadcast %mul3A_236 : f32 to vector<16xf32>
      %mul3A_238 = arith.mulf %get3A_235, %mul3A_237 : vector<16xf32>
      %convert_element_type3A_239 = arith.fptosi %mul3A_238 : vector<16xf32> to vector<16xi32>
      %gather3A_240 = tpu.vector_load_idx %arg5[%convert_element_type3A_239] : memref<256xf32, #tpu.memory_space<vmem>>[vector<16xi32>], vector<16xf32>,
      %sub3A_241 = arith.subf %get3A_235, %gather3A_240 : vector<16xf32>
      %mul3A_242 = arith.mulf %sub3A_241, %sub3A_241 : vector<16xf32>
      %add3A_243 = arith.constant 64 : i32
      %add3A_244 = arith.addi %shift_left3A_198, %add3A_243 : i32
      %get3A_245 = arith.index_cast %shift_right_arithmetic3A_196 : i32 to index
      %get3A_246 = arith.index_cast %add3A_244 : i32 to index
      %get3A_247 = tpu.vector_load %arg6[%get3A_245, %get3A_246] {strides = array<i32>} : memref<64x512xf32, #tpu.memory_space<vmem>>, vector<16xf32>,
      %mul3A_248 = arith.constant 2.550000e+02 : f32
      %mul3A_249 = vector.broadcast %mul3A_248 : f32 to vector<16xf32>
      %mul3A_250 = arith.mulf %get3A_247, %mul3A_249 : vector<16xf32>
      %convert_element_type3A_251 = arith.fptosi %mul3A_250 : vector<16xf32> to vector<16xi32>
      %gather3A_252 = tpu.vector_load_idx %arg5[%convert_element_type3A_251] : memref<256xf32, #tpu.memory_space<vmem>>[vector<16xi32>], vector<16xf32>,
      %sub3A_253 = arith.subf %get3A_247, %gather3A_252 : vector<16xf32>
      %mul3A_254 = arith.mulf %sub3A_253, %sub3A_253 : vector<16xf32>
      %add3A_255 = arith.constant 80 : i32
      %add3A_256 = arith.addi %shift_left3A_198, %add3A_255 : i32
      %get3A_257 = arith.index_cast %shift_right_arithmetic3A_196 : i32 to index
      %get3A_258 = arith.index_cast %add3A_256 : i32 to index
      %get3A_259 = tpu.vector_load %arg6[%get3A_257, %get3A_258] {strides = array<i32>} : memref<64x512xf32, #tpu.memory_space<vmem>>, vector<16xf32>,
      %mul3A_260 = arith.constant 2.550000e+02 : f32
      %mul3A_261 = vector.broadcast %mul3A_260 : f32 to vector<16xf32>
      %mul3A_262 = arith.mulf %get3A_259, %mul3A_261 : vector<16xf32>
      %convert_element_type3A_263 = arith.fptosi %mul3A_262 : vector<16xf32> to vector<16xi32>
      %gather3A_264 = tpu.vector_load_idx %arg5[%convert_element_type3A_263] : memref<256xf32, #tpu.memory_space<vmem>>[vector<16xi32>], vector<16xf32>,
      %sub3A_265 = arith.subf %get3A_259, %gather3A_264 : vector<16xf32>
      %mul3A_266 = arith.mulf %sub3A_265, %sub3A_265 : vector<16xf32>
      %add3A_267 = arith.constant 96 : i32
      %add3A_268 = arith.addi %shift_left3A_198, %add3A_267 : i32
      %get3A_269 = arith.index_cast %shift_right_arithmetic3A_196 : i32 to index
      %get3A_270 = arith.index_cast %add3A_268 : i32 to index
      %get3A_271 = tpu.vector_load %arg6[%get3A_269, %get3A_270] {strides = array<i32>} : memref<64x512xf32, #tpu.memory_space<vmem>>, vector<16xf32>,
      %mul3A_272 = arith.constant 2.550000e+02 : f32
      %mul3A_273 = vector.broadcast %mul3A_272 : f32 to vector<16xf32>
      %mul3A_274 = arith.mulf %get3A_271, %mul3A_273 : vector<16xf32>
      %convert_element_type3A_275 = arith.fptosi %mul3A_274 : vector<16xf32> to vector<16xi32>
      %gather3A_276 = tpu.vector_load_idx %arg5[%convert_element_type3A_275] : memref<256xf32, #tpu.memory_space<vmem>>[vector<16xi32>], vector<16xf32>,
      %sub3A_277 = arith.subf %get3A_271, %gather3A_276 : vector<16xf32>
      %mul3A_278 = arith.mulf %sub3A_277, %sub3A_277 : vector<16xf32>
      %add3A_279 = arith.constant 112 : i32
      %add3A_280 = arith.addi %shift_left3A_198, %add3A_279 : i32
      %get3A_281 = arith.index_cast %shift_right_arithmetic3A_196 : i32 to index
      %get3A_282 = arith.index_cast %add3A_280 : i32 to index
      %get3A_283 = tpu.vector_load %arg6[%get3A_281, %get3A_282] {strides = array<i32>} : memref<64x512xf32, #tpu.memory_space<vmem>>, vector<16xf32>,
      %mul3A_284 = arith.constant 2.550000e+02 : f32
      %mul3A_285 = vector.broadcast %mul3A_284 : f32 to vector<16xf32>
      %mul3A_286 = arith.mulf %get3A_283, %mul3A_285 : vector<16xf32>
      %convert_element_type3A_287 = arith.fptosi %mul3A_286 : vector<16xf32> to vector<16xi32>
      %gather3A_288 = tpu.vector_load_idx %arg5[%convert_element_type3A_287] : memref<256xf32, #tpu.memory_space<vmem>>[vector<16xi32>], vector<16xf32>,
      %sub3A_289 = arith.subf %get3A_283, %gather3A_288 : vector<16xf32>
      %mul3A_290 = arith.mulf %sub3A_289, %sub3A_289 : vector<16xf32>
      %add3A_291 = arith.constant 128 : i32
      %add3A_292 = arith.addi %shift_left3A_198, %add3A_291 : i32
      %get3A_293 = arith.index_cast %shift_right_arithmetic3A_196 : i32 to index
      %get3A_294 = arith.index_cast %add3A_292 : i32 to index
      %get3A_295 = tpu.vector_load %arg6[%get3A_293, %get3A_294] {strides = array<i32>} : memref<64x512xf32, #tpu.memory_space<vmem>>, vector<16xf32>,
      %mul3A_296 = arith.constant 2.550000e+02 : f32
      %mul3A_297 = vector.broadcast %mul3A_296 : f32 to vector<16xf32>
      %mul3A_298 = arith.mulf %get3A_295, %mul3A_297 : vector<16xf32>
      %convert_element_type3A_299 = arith.fptosi %mul3A_298 : vector<16xf32> to vector<16xi32>
      %gather3A_300 = tpu.vector_load_idx %arg5[%convert_element_type3A_299] : memref<256xf32, #tpu.memory_space<vmem>>[vector<16xi32>], vector<16xf32>,
      %sub3A_301 = arith.subf %get3A_295, %gather3A_300 : vector<16xf32>
      %mul3A_302 = arith.mulf %sub3A_301, %sub3A_301 : vector<16xf32>
      %add3A_303 = arith.constant 144 : i32
      %add3A_304 = arith.addi %shift_left3A_198, %add3A_303 : i32
      %get3A_305 = arith.index_cast %shift_right_arithmetic3A_196 : i32 to index
      %get3A_306 = arith.index_cast %add3A_304 : i32 to index
      %get3A_307 = tpu.vector_load %arg6[%get3A_305, %get3A_306] {strides = array<i32>} : memref<64x512xf32, #tpu.memory_space<vmem>>, vector<16xf32>,
      %mul3A_308 = arith.constant 2.550000e+02 : f32
      %mul3A_309 = vector.broadcast %mul3A_308 : f32 to vector<16xf32>
      %mul3A_310 = arith.mulf %get3A_307, %mul3A_309 : vector<16xf32>
      %convert_element_type3A_311 = arith.fptosi %mul3A_310 : vector<16xf32> to vector<16xi32>
      %gather3A_312 = tpu.vector_load_idx %arg5[%convert_element_type3A_311] : memref<256xf32, #tpu.memory_space<vmem>>[vector<16xi32>], vector<16xf32>,
      %sub3A_313 = arith.subf %get3A_307, %gather3A_312 : vector<16xf32>
      %mul3A_314 = arith.mulf %sub3A_313, %sub3A_313 : vector<16xf32>
      %add3A_315 = arith.constant 160 : i32
      %add3A_316 = arith.addi %shift_left3A_198, %add3A_315 : i32
      %get3A_317 = arith.index_cast %shift_right_arithmetic3A_196 : i32 to index
      %get3A_318 = arith.index_cast %add3A_316 : i32 to index
      %get3A_319 = tpu.vector_load %arg6[%get3A_317, %get3A_318] {strides = array<i32>} : memref<64x512xf32, #tpu.memory_space<vmem>>, vector<16xf32>,
      %mul3A_320 = arith.constant 2.550000e+02 : f32
      %mul3A_321 = vector.broadcast %mul3A_320 : f32 to vector<16xf32>
      %mul3A_322 = arith.mulf %get3A_319, %mul3A_321 : vector<16xf32>
      %convert_element_type3A_323 = arith.fptosi %mul3A_322 : vector<16xf32> to vector<16xi32>
      %gather3A_324 = tpu.vector_load_idx %arg5[%convert_element_type3A_323] : memref<256xf32, #tpu.memory_space<vmem>>[vector<16xi32>], vector<16xf32>,
      %sub3A_325 = arith.subf %get3A_319, %gather3A_324 : vector<16xf32>
      %mul3A_326 = arith.mulf %sub3A_325, %sub3A_325 : vector<16xf32>
      %add3A_327 = arith.constant 176 : i32
      %add3A_328 = arith.addi %shift_left3A_198, %add3A_327 : i32
      %get3A_329 = arith.index_cast %shift_right_arithmetic3A_196 : i32 to index
      %get3A_330 = arith.index_cast %add3A_328 : i32 to index
      %get3A_331 = tpu.vector_load %arg6[%get3A_329, %get3A_330] {strides = array<i32>} : memref<64x512xf32, #tpu.memory_space<vmem>>, vector<16xf32>,
      %mul3A_332 = arith.constant 2.550000e+02 : f32
      %mul3A_333 = vector.broadcast %mul3A_332 : f32 to vector<16xf32>
      %mul3A_334 = arith.mulf %get3A_331, %mul3A_333 : vector<16xf32>
      %convert_element_type3A_335 = arith.fptosi %mul3A_334 : vector<16xf32> to vector<16xi32>
      %gather3A_336 = tpu.vector_load_idx %arg5[%convert_element_type3A_335] : memref<256xf32, #tpu.memory_space<vmem>>[vector<16xi32>], vector<16xf32>,
      %sub3A_337 = arith.subf %get3A_331, %gather3A_336 : vector<16xf32>
      %mul3A_338 = arith.mulf %sub3A_337, %sub3A_337 : vector<16xf32>
      %add3A_339 = arith.constant 192 : i32
      %add3A_340 = arith.addi %shift_left3A_198, %add3A_339 : i32
      %get3A_341 = arith.index_cast %shift_right_arithmetic3A_196 : i32 to index
      %get3A_342 = arith.index_cast %add3A_340 : i32 to index
      %get3A_343 = tpu.vector_load %arg6[%get3A_341, %get3A_342] {strides = array<i32>} : memref<64x512xf32, #tpu.memory_space<vmem>>, vector<16xf32>,
      %mul3A_344 = arith.constant 2.550000e+02 : f32
      %mul3A_345 = vector.broadcast %mul3A_344 : f32 to vector<16xf32>
      %mul3A_346 = arith.mulf %get3A_343, %mul3A_345 : vector<16xf32>
      %convert_element_type3A_347 = arith.fptosi %mul3A_346 : vector<16xf32> to vector<16xi32>
      %gather3A_348 = tpu.vector_load_idx %arg5[%convert_element_type3A_347] : memref<256xf32, #tpu.memory_space<vmem>>[vector<16xi32>], vector<16xf32>,
      %sub3A_349 = arith.subf %get3A_343, %gather3A_348 : vector<16xf32>
      %mul3A_350 = arith.mulf %sub3A_349, %sub3A_349 : vector<16xf32>
      %add3A_351 = arith.constant 208 : i32
      %add3A_352 = arith.addi %shift_left3A_198, %add3A_351 : i32
      %get3A_353 = arith.index_cast %shift_right_arithmetic3A_196 : i32 to index
      %get3A_354 = arith.index_cast %add3A_352 : i32 to index
      %get3A_355 = tpu.vector_load %arg6[%get3A_353, %get3A_354] {strides = array<i32>} : memref<64x512xf32, #tpu.memory_space<vmem>>, vector<16xf32>,
      %mul3A_356 = arith.constant 2.550000e+02 : f32
      %mul3A_357 = vector.broadcast %mul3A_356 : f32 to vector<16xf32>
      %mul3A_358 = arith.mulf %get3A_355, %mul3A_357 : vector<16xf32>
      %convert_element_type3A_359 = arith.fptosi %mul3A_358 : vector<16xf32> to vector<16xi32>
      %gather3A_360 = tpu.vector_load_idx %arg5[%convert_element_type3A_359] : memref<256xf32, #tpu.memory_space<vmem>>[vector<16xi32>], vector<16xf32>,
      %sub3A_361 = arith.subf %get3A_355, %gather3A_360 : vector<16xf32>
      %mul3A_362 = arith.mulf %sub3A_361, %sub3A_361 : vector<16xf32>
      %add3A_363 = arith.constant 224 : i32
      %add3A_364 = arith.addi %shift_left3A_198, %add3A_363 : i32
      %get3A_365 = arith.index_cast %shift_right_arithmetic3A_196 : i32 to index
      %get3A_366 = arith.index_cast %add3A_364 : i32 to index
      %get3A_367 = tpu.vector_load %arg6[%get3A_365, %get3A_366] {strides = array<i32>} : memref<64x512xf32, #tpu.memory_space<vmem>>, vector<16xf32>,
      %mul3A_368 = arith.constant 2.550000e+02 : f32
      %mul3A_369 = vector.broadcast %mul3A_368 : f32 to vector<16xf32>
      %mul3A_370 = arith.mulf %get3A_367, %mul3A_369 : vector<16xf32>
      %convert_element_type3A_371 = arith.fptosi %mul3A_370 : vector<16xf32> to vector<16xi32>
      %gather3A_372 = tpu.vector_load_idx %arg5[%convert_element_type3A_371] : memref<256xf32, #tpu.memory_space<vmem>>[vector<16xi32>], vector<16xf32>,
      %sub3A_373 = arith.subf %get3A_367, %gather3A_372 : vector<16xf32>
      %mul3A_374 = arith.mulf %sub3A_373, %sub3A_373 : vector<16xf32>
      %add3A_375 = arith.constant 240 : i32
      %add3A_376 = arith.addi %shift_left3A_198, %add3A_375 : i32
      %get3A_377 = arith.index_cast %shift_right_arithmetic3A_196 : i32 to index
      %get3A_378 = arith.index_cast %add3A_376 : i32 to index
      %get3A_379 = tpu.vector_load %arg6[%get3A_377, %get3A_378] {strides = array<i32>} : memref<64x512xf32, #tpu.memory_space<vmem>>, vector<16xf32>,
      %mul3A_380 = arith.constant 2.550000e+02 : f32
      %mul3A_381 = vector.broadcast %mul3A_380 : f32 to vector<16xf32>
      %mul3A_382 = arith.mulf %get3A_379, %mul3A_381 : vector<16xf32>
      %convert_element_type3A_383 = arith.fptosi %mul3A_382 : vector<16xf32> to vector<16xi32>
      %gather3A_384 = tpu.vector_load_idx %arg5[%convert_element_type3A_383] : memref<256xf32, #tpu.memory_space<vmem>>[vector<16xi32>], vector<16xf32>,
      %sub3A_385 = arith.subf %get3A_379, %gather3A_384 : vector<16xf32>
      %mul3A_386 = arith.mulf %sub3A_385, %sub3A_385 : vector<16xf32>
      %add3A_387 = arith.addf %mul3A_206, %mul3A_218 : vector<16xf32>
      %add3A_388 = arith.addf %mul3A_230, %mul3A_242 : vector<16xf32>
      %add3A_389 = arith.addf %mul3A_254, %mul3A_266 : vector<16xf32>
      %add3A_390 = arith.addf %mul3A_278, %mul3A_290 : vector<16xf32>
      %add3A_391 = arith.addf %mul3A_302, %mul3A_314 : vector<16xf32>
      %add3A_392 = arith.addf %mul3A_326, %mul3A_338 : vector<16xf32>
      %add3A_393 = arith.addf %mul3A_350, %mul3A_362 : vector<16xf32>
      %add3A_394 = arith.addf %mul3A_374, %mul3A_386 : vector<16xf32>
      %add3A_395 = arith.addf %add3A_387, %add3A_388 : vector<16xf32>
      %add3A_396 = arith.addf %add3A_389, %add3A_390 : vector<16xf32>
      %add3A_397 = arith.addf %add3A_391, %add3A_392 : vector<16xf32>
      %add3A_398 = arith.addf %add3A_393, %add3A_394 : vector<16xf32>
      %add3A_399 = arith.addf %add3A_395, %add3A_396 : vector<16xf32>
      %add3A_400 = arith.addf %add3A_397, %add3A_398 : vector<16xf32>
      %add3A_401 = arith.addf %add3A_399, %add3A_400 : vector<16xf32>
      %add3A_402 = arith.addf %scan3A_195, %add3A_401 : vector<16xf32>
      scf.yield %add3A_402 : vector<16xf32>
    }
    %scan3A_150 = arith.constant 128 : i32
    %add3A_151 = arith.constant 640 : i32
    %add3A_152 = arith.addi %mul3A_2, %add3A_151 : i32
    %dma_start3A_153 = arith.constant 0 : i32
    %dma_start3A_154 = tpu.memref_slice %arg2[%add3A_152, %dma_start3A_153] : memref<24576x512xf32, #tpu.memory_space<hbm>> -> memref<64x512xf32, #tpu.memory_space<hbm>>
    %dma_start3A_155 = arith.constant 0 : i32
    %dma_start3A_156 = tpu.memref_slice %arg2[%add3A_152, %dma_start3A_155] : memref<24576x512xf32, #tpu.memory_space<hbm>> -> memref<64x512xf32, #tpu.memory_space<hbm>>
    tpu.enqueue_dma source(%dma_start3A_156 : memref<64x512xf32, #tpu.memory_space<hbm>>) target(%arg6 : memref<64x512xf32, #tpu.memory_space<vmem>>) target_semaphore(%arg9 : memref<!tpu.dma_semaphore, #tpu.memory_space<semaphore_mem>>)
    %dma_wait3A_157 = arith.constant 0 : i32
    %dma_wait3A_158 = tpu.memref_slice %arg2[%add3A_136, %dma_wait3A_157] : memref<24576x512xf32, #tpu.memory_space<hbm>> -> memref<64x512xf32, #tpu.memory_space<hbm>>
    %dma_wait3A_159 = arith.constant 0 : i32
    %dma_wait3A_160 = tpu.memref_slice %arg2[%add3A_136, %dma_wait3A_159] : memref<24576x512xf32, #tpu.memory_space<hbm>> -> memref<64x512xf32, #tpu.memory_space<hbm>>
    tpu.wait_dma2 semaphore(%arg10 : memref<!tpu.dma_semaphore, #tpu.memory_space<semaphore_mem>>) src(%dma_wait3A_160 : memref<64x512xf32, #tpu.memory_space<hbm>>) dst(%arg7 : memref<64x512xf32, #tpu.memory_space<vmem>>)
    %scan3A_161 = arith.constant 0 : i32
    %scan3A_162 = arith.constant 128 : i32
    %scan3A_163 = arith.addi %scan3A_161, %scan3A_162 : i32
    %scan3A_164 = arith.constant 1 : i32
    %scan3A_165 = scf.for %scan3A_194 = %scan3A_161 to %scan3A_163 step %scan3A_164 iter_args(%scan3A_195 = %scan3A_149) -> (vector<16xf32>)  : i32 {
      %shift_right_arithmetic3A = arith.constant 1 : i32
      %shift_right_arithmetic3A_196 = arith.shrsi %scan3A_194, %shift_right_arithmetic3A : i32
      %and3A = arith.constant 1 : i32
      %and3A_197 = arith.andi %scan3A_194, %and3A : i32
      %shift_left3A = arith.constant 8 : i32
      %shift_left3A_198 = arith.shli %and3A_197, %shift_left3A : i32
      %add3A_199 = arith.constant 0 : i32
      %add3A_200 = arith.addi %shift_left3A_198, %add3A_199 : i32
      %get3A = arith.index_cast %shift_right_arithmetic3A_196 : i32 to index
      %get3A_201 = arith.index_cast %add3A_200 : i32 to index
      %get3A_202 = tpu.vector_load %arg7[%get3A, %get3A_201] {strides = array<i32>} : memref<64x512xf32, #tpu.memory_space<vmem>>, vector<16xf32>,
      %mul3A_203 = arith.constant 2.550000e+02 : f32
      %mul3A_204 = vector.broadcast %mul3A_203 : f32 to vector<16xf32>
      %mul3A_205 = arith.mulf %get3A_202, %mul3A_204 : vector<16xf32>
      %convert_element_type3A = arith.fptosi %mul3A_205 : vector<16xf32> to vector<16xi32>
      %gather3A = tpu.vector_load_idx %arg5[%convert_element_type3A] : memref<256xf32, #tpu.memory_space<vmem>>[vector<16xi32>], vector<16xf32>,
      %sub3A = arith.subf %get3A_202, %gather3A : vector<16xf32>
      %mul3A_206 = arith.mulf %sub3A, %sub3A : vector<16xf32>
      %add3A_207 = arith.constant 16 : i32
      %add3A_208 = arith.addi %shift_left3A_198, %add3A_207 : i32
      %get3A_209 = arith.index_cast %shift_right_arithmetic3A_196 : i32 to index
      %get3A_210 = arith.index_cast %add3A_208 : i32 to index
      %get3A_211 = tpu.vector_load %arg7[%get3A_209, %get3A_210] {strides = array<i32>} : memref<64x512xf32, #tpu.memory_space<vmem>>, vector<16xf32>,
      %mul3A_212 = arith.constant 2.550000e+02 : f32
      %mul3A_213 = vector.broadcast %mul3A_212 : f32 to vector<16xf32>
      %mul3A_214 = arith.mulf %get3A_211, %mul3A_213 : vector<16xf32>
      %convert_element_type3A_215 = arith.fptosi %mul3A_214 : vector<16xf32> to vector<16xi32>
      %gather3A_216 = tpu.vector_load_idx %arg5[%convert_element_type3A_215] : memref<256xf32, #tpu.memory_space<vmem>>[vector<16xi32>], vector<16xf32>,
      %sub3A_217 = arith.subf %get3A_211, %gather3A_216 : vector<16xf32>
      %mul3A_218 = arith.mulf %sub3A_217, %sub3A_217 : vector<16xf32>
      %add3A_219 = arith.constant 32 : i32
      %add3A_220 = arith.addi %shift_left3A_198, %add3A_219 : i32
      %get3A_221 = arith.index_cast %shift_right_arithmetic3A_196 : i32 to index
      %get3A_222 = arith.index_cast %add3A_220 : i32 to index
      %get3A_223 = tpu.vector_load %arg7[%get3A_221, %get3A_222] {strides = array<i32>} : memref<64x512xf32, #tpu.memory_space<vmem>>, vector<16xf32>,
      %mul3A_224 = arith.constant 2.550000e+02 : f32
      %mul3A_225 = vector.broadcast %mul3A_224 : f32 to vector<16xf32>
      %mul3A_226 = arith.mulf %get3A_223, %mul3A_225 : vector<16xf32>
      %convert_element_type3A_227 = arith.fptosi %mul3A_226 : vector<16xf32> to vector<16xi32>
      %gather3A_228 = tpu.vector_load_idx %arg5[%convert_element_type3A_227] : memref<256xf32, #tpu.memory_space<vmem>>[vector<16xi32>], vector<16xf32>,
      %sub3A_229 = arith.subf %get3A_223, %gather3A_228 : vector<16xf32>
      %mul3A_230 = arith.mulf %sub3A_229, %sub3A_229 : vector<16xf32>
      %add3A_231 = arith.constant 48 : i32
      %add3A_232 = arith.addi %shift_left3A_198, %add3A_231 : i32
      %get3A_233 = arith.index_cast %shift_right_arithmetic3A_196 : i32 to index
      %get3A_234 = arith.index_cast %add3A_232 : i32 to index
      %get3A_235 = tpu.vector_load %arg7[%get3A_233, %get3A_234] {strides = array<i32>} : memref<64x512xf32, #tpu.memory_space<vmem>>, vector<16xf32>,
      %mul3A_236 = arith.constant 2.550000e+02 : f32
      %mul3A_237 = vector.broadcast %mul3A_236 : f32 to vector<16xf32>
      %mul3A_238 = arith.mulf %get3A_235, %mul3A_237 : vector<16xf32>
      %convert_element_type3A_239 = arith.fptosi %mul3A_238 : vector<16xf32> to vector<16xi32>
      %gather3A_240 = tpu.vector_load_idx %arg5[%convert_element_type3A_239] : memref<256xf32, #tpu.memory_space<vmem>>[vector<16xi32>], vector<16xf32>,
      %sub3A_241 = arith.subf %get3A_235, %gather3A_240 : vector<16xf32>
      %mul3A_242 = arith.mulf %sub3A_241, %sub3A_241 : vector<16xf32>
      %add3A_243 = arith.constant 64 : i32
      %add3A_244 = arith.addi %shift_left3A_198, %add3A_243 : i32
      %get3A_245 = arith.index_cast %shift_right_arithmetic3A_196 : i32 to index
      %get3A_246 = arith.index_cast %add3A_244 : i32 to index
      %get3A_247 = tpu.vector_load %arg7[%get3A_245, %get3A_246] {strides = array<i32>} : memref<64x512xf32, #tpu.memory_space<vmem>>, vector<16xf32>,
      %mul3A_248 = arith.constant 2.550000e+02 : f32
      %mul3A_249 = vector.broadcast %mul3A_248 : f32 to vector<16xf32>
      %mul3A_250 = arith.mulf %get3A_247, %mul3A_249 : vector<16xf32>
      %convert_element_type3A_251 = arith.fptosi %mul3A_250 : vector<16xf32> to vector<16xi32>
      %gather3A_252 = tpu.vector_load_idx %arg5[%convert_element_type3A_251] : memref<256xf32, #tpu.memory_space<vmem>>[vector<16xi32>], vector<16xf32>,
      %sub3A_253 = arith.subf %get3A_247, %gather3A_252 : vector<16xf32>
      %mul3A_254 = arith.mulf %sub3A_253, %sub3A_253 : vector<16xf32>
      %add3A_255 = arith.constant 80 : i32
      %add3A_256 = arith.addi %shift_left3A_198, %add3A_255 : i32
      %get3A_257 = arith.index_cast %shift_right_arithmetic3A_196 : i32 to index
      %get3A_258 = arith.index_cast %add3A_256 : i32 to index
      %get3A_259 = tpu.vector_load %arg7[%get3A_257, %get3A_258] {strides = array<i32>} : memref<64x512xf32, #tpu.memory_space<vmem>>, vector<16xf32>,
      %mul3A_260 = arith.constant 2.550000e+02 : f32
      %mul3A_261 = vector.broadcast %mul3A_260 : f32 to vector<16xf32>
      %mul3A_262 = arith.mulf %get3A_259, %mul3A_261 : vector<16xf32>
      %convert_element_type3A_263 = arith.fptosi %mul3A_262 : vector<16xf32> to vector<16xi32>
      %gather3A_264 = tpu.vector_load_idx %arg5[%convert_element_type3A_263] : memref<256xf32, #tpu.memory_space<vmem>>[vector<16xi32>], vector<16xf32>,
      %sub3A_265 = arith.subf %get3A_259, %gather3A_264 : vector<16xf32>
      %mul3A_266 = arith.mulf %sub3A_265, %sub3A_265 : vector<16xf32>
      %add3A_267 = arith.constant 96 : i32
      %add3A_268 = arith.addi %shift_left3A_198, %add3A_267 : i32
      %get3A_269 = arith.index_cast %shift_right_arithmetic3A_196 : i32 to index
      %get3A_270 = arith.index_cast %add3A_268 : i32 to index
      %get3A_271 = tpu.vector_load %arg7[%get3A_269, %get3A_270] {strides = array<i32>} : memref<64x512xf32, #tpu.memory_space<vmem>>, vector<16xf32>,
      %mul3A_272 = arith.constant 2.550000e+02 : f32
      %mul3A_273 = vector.broadcast %mul3A_272 : f32 to vector<16xf32>
      %mul3A_274 = arith.mulf %get3A_271, %mul3A_273 : vector<16xf32>
      %convert_element_type3A_275 = arith.fptosi %mul3A_274 : vector<16xf32> to vector<16xi32>
      %gather3A_276 = tpu.vector_load_idx %arg5[%convert_element_type3A_275] : memref<256xf32, #tpu.memory_space<vmem>>[vector<16xi32>], vector<16xf32>,
      %sub3A_277 = arith.subf %get3A_271, %gather3A_276 : vector<16xf32>
      %mul3A_278 = arith.mulf %sub3A_277, %sub3A_277 : vector<16xf32>
      %add3A_279 = arith.constant 112 : i32
      %add3A_280 = arith.addi %shift_left3A_198, %add3A_279 : i32
      %get3A_281 = arith.index_cast %shift_right_arithmetic3A_196 : i32 to index
      %get3A_282 = arith.index_cast %add3A_280 : i32 to index
      %get3A_283 = tpu.vector_load %arg7[%get3A_281, %get3A_282] {strides = array<i32>} : memref<64x512xf32, #tpu.memory_space<vmem>>, vector<16xf32>,
      %mul3A_284 = arith.constant 2.550000e+02 : f32
      %mul3A_285 = vector.broadcast %mul3A_284 : f32 to vector<16xf32>
      %mul3A_286 = arith.mulf %get3A_283, %mul3A_285 : vector<16xf32>
      %convert_element_type3A_287 = arith.fptosi %mul3A_286 : vector<16xf32> to vector<16xi32>
      %gather3A_288 = tpu.vector_load_idx %arg5[%convert_element_type3A_287] : memref<256xf32, #tpu.memory_space<vmem>>[vector<16xi32>], vector<16xf32>,
      %sub3A_289 = arith.subf %get3A_283, %gather3A_288 : vector<16xf32>
      %mul3A_290 = arith.mulf %sub3A_289, %sub3A_289 : vector<16xf32>
      %add3A_291 = arith.constant 128 : i32
      %add3A_292 = arith.addi %shift_left3A_198, %add3A_291 : i32
      %get3A_293 = arith.index_cast %shift_right_arithmetic3A_196 : i32 to index
      %get3A_294 = arith.index_cast %add3A_292 : i32 to index
      %get3A_295 = tpu.vector_load %arg7[%get3A_293, %get3A_294] {strides = array<i32>} : memref<64x512xf32, #tpu.memory_space<vmem>>, vector<16xf32>,
      %mul3A_296 = arith.constant 2.550000e+02 : f32
      %mul3A_297 = vector.broadcast %mul3A_296 : f32 to vector<16xf32>
      %mul3A_298 = arith.mulf %get3A_295, %mul3A_297 : vector<16xf32>
      %convert_element_type3A_299 = arith.fptosi %mul3A_298 : vector<16xf32> to vector<16xi32>
      %gather3A_300 = tpu.vector_load_idx %arg5[%convert_element_type3A_299] : memref<256xf32, #tpu.memory_space<vmem>>[vector<16xi32>], vector<16xf32>,
      %sub3A_301 = arith.subf %get3A_295, %gather3A_300 : vector<16xf32>
      %mul3A_302 = arith.mulf %sub3A_301, %sub3A_301 : vector<16xf32>
      %add3A_303 = arith.constant 144 : i32
      %add3A_304 = arith.addi %shift_left3A_198, %add3A_303 : i32
      %get3A_305 = arith.index_cast %shift_right_arithmetic3A_196 : i32 to index
      %get3A_306 = arith.index_cast %add3A_304 : i32 to index
      %get3A_307 = tpu.vector_load %arg7[%get3A_305, %get3A_306] {strides = array<i32>} : memref<64x512xf32, #tpu.memory_space<vmem>>, vector<16xf32>,
      %mul3A_308 = arith.constant 2.550000e+02 : f32
      %mul3A_309 = vector.broadcast %mul3A_308 : f32 to vector<16xf32>
      %mul3A_310 = arith.mulf %get3A_307, %mul3A_309 : vector<16xf32>
      %convert_element_type3A_311 = arith.fptosi %mul3A_310 : vector<16xf32> to vector<16xi32>
      %gather3A_312 = tpu.vector_load_idx %arg5[%convert_element_type3A_311] : memref<256xf32, #tpu.memory_space<vmem>>[vector<16xi32>], vector<16xf32>,
      %sub3A_313 = arith.subf %get3A_307, %gather3A_312 : vector<16xf32>
      %mul3A_314 = arith.mulf %sub3A_313, %sub3A_313 : vector<16xf32>
      %add3A_315 = arith.constant 160 : i32
      %add3A_316 = arith.addi %shift_left3A_198, %add3A_315 : i32
      %get3A_317 = arith.index_cast %shift_right_arithmetic3A_196 : i32 to index
      %get3A_318 = arith.index_cast %add3A_316 : i32 to index
      %get3A_319 = tpu.vector_load %arg7[%get3A_317, %get3A_318] {strides = array<i32>} : memref<64x512xf32, #tpu.memory_space<vmem>>, vector<16xf32>,
      %mul3A_320 = arith.constant 2.550000e+02 : f32
      %mul3A_321 = vector.broadcast %mul3A_320 : f32 to vector<16xf32>
      %mul3A_322 = arith.mulf %get3A_319, %mul3A_321 : vector<16xf32>
      %convert_element_type3A_323 = arith.fptosi %mul3A_322 : vector<16xf32> to vector<16xi32>
      %gather3A_324 = tpu.vector_load_idx %arg5[%convert_element_type3A_323] : memref<256xf32, #tpu.memory_space<vmem>>[vector<16xi32>], vector<16xf32>,
      %sub3A_325 = arith.subf %get3A_319, %gather3A_324 : vector<16xf32>
      %mul3A_326 = arith.mulf %sub3A_325, %sub3A_325 : vector<16xf32>
      %add3A_327 = arith.constant 176 : i32
      %add3A_328 = arith.addi %shift_left3A_198, %add3A_327 : i32
      %get3A_329 = arith.index_cast %shift_right_arithmetic3A_196 : i32 to index
      %get3A_330 = arith.index_cast %add3A_328 : i32 to index
      %get3A_331 = tpu.vector_load %arg7[%get3A_329, %get3A_330] {strides = array<i32>} : memref<64x512xf32, #tpu.memory_space<vmem>>, vector<16xf32>,
      %mul3A_332 = arith.constant 2.550000e+02 : f32
      %mul3A_333 = vector.broadcast %mul3A_332 : f32 to vector<16xf32>
      %mul3A_334 = arith.mulf %get3A_331, %mul3A_333 : vector<16xf32>
      %convert_element_type3A_335 = arith.fptosi %mul3A_334 : vector<16xf32> to vector<16xi32>
      %gather3A_336 = tpu.vector_load_idx %arg5[%convert_element_type3A_335] : memref<256xf32, #tpu.memory_space<vmem>>[vector<16xi32>], vector<16xf32>,
      %sub3A_337 = arith.subf %get3A_331, %gather3A_336 : vector<16xf32>
      %mul3A_338 = arith.mulf %sub3A_337, %sub3A_337 : vector<16xf32>
      %add3A_339 = arith.constant 192 : i32
      %add3A_340 = arith.addi %shift_left3A_198, %add3A_339 : i32
      %get3A_341 = arith.index_cast %shift_right_arithmetic3A_196 : i32 to index
      %get3A_342 = arith.index_cast %add3A_340 : i32 to index
      %get3A_343 = tpu.vector_load %arg7[%get3A_341, %get3A_342] {strides = array<i32>} : memref<64x512xf32, #tpu.memory_space<vmem>>, vector<16xf32>,
      %mul3A_344 = arith.constant 2.550000e+02 : f32
      %mul3A_345 = vector.broadcast %mul3A_344 : f32 to vector<16xf32>
      %mul3A_346 = arith.mulf %get3A_343, %mul3A_345 : vector<16xf32>
      %convert_element_type3A_347 = arith.fptosi %mul3A_346 : vector<16xf32> to vector<16xi32>
      %gather3A_348 = tpu.vector_load_idx %arg5[%convert_element_type3A_347] : memref<256xf32, #tpu.memory_space<vmem>>[vector<16xi32>], vector<16xf32>,
      %sub3A_349 = arith.subf %get3A_343, %gather3A_348 : vector<16xf32>
      %mul3A_350 = arith.mulf %sub3A_349, %sub3A_349 : vector<16xf32>
      %add3A_351 = arith.constant 208 : i32
      %add3A_352 = arith.addi %shift_left3A_198, %add3A_351 : i32
      %get3A_353 = arith.index_cast %shift_right_arithmetic3A_196 : i32 to index
      %get3A_354 = arith.index_cast %add3A_352 : i32 to index
      %get3A_355 = tpu.vector_load %arg7[%get3A_353, %get3A_354] {strides = array<i32>} : memref<64x512xf32, #tpu.memory_space<vmem>>, vector<16xf32>,
      %mul3A_356 = arith.constant 2.550000e+02 : f32
      %mul3A_357 = vector.broadcast %mul3A_356 : f32 to vector<16xf32>
      %mul3A_358 = arith.mulf %get3A_355, %mul3A_357 : vector<16xf32>
      %convert_element_type3A_359 = arith.fptosi %mul3A_358 : vector<16xf32> to vector<16xi32>
      %gather3A_360 = tpu.vector_load_idx %arg5[%convert_element_type3A_359] : memref<256xf32, #tpu.memory_space<vmem>>[vector<16xi32>], vector<16xf32>,
      %sub3A_361 = arith.subf %get3A_355, %gather3A_360 : vector<16xf32>
      %mul3A_362 = arith.mulf %sub3A_361, %sub3A_361 : vector<16xf32>
      %add3A_363 = arith.constant 224 : i32
      %add3A_364 = arith.addi %shift_left3A_198, %add3A_363 : i32
      %get3A_365 = arith.index_cast %shift_right_arithmetic3A_196 : i32 to index
      %get3A_366 = arith.index_cast %add3A_364 : i32 to index
      %get3A_367 = tpu.vector_load %arg7[%get3A_365, %get3A_366] {strides = array<i32>} : memref<64x512xf32, #tpu.memory_space<vmem>>, vector<16xf32>,
      %mul3A_368 = arith.constant 2.550000e+02 : f32
      %mul3A_369 = vector.broadcast %mul3A_368 : f32 to vector<16xf32>
      %mul3A_370 = arith.mulf %get3A_367, %mul3A_369 : vector<16xf32>
      %convert_element_type3A_371 = arith.fptosi %mul3A_370 : vector<16xf32> to vector<16xi32>
      %gather3A_372 = tpu.vector_load_idx %arg5[%convert_element_type3A_371] : memref<256xf32, #tpu.memory_space<vmem>>[vector<16xi32>], vector<16xf32>,
      %sub3A_373 = arith.subf %get3A_367, %gather3A_372 : vector<16xf32>
      %mul3A_374 = arith.mulf %sub3A_373, %sub3A_373 : vector<16xf32>
      %add3A_375 = arith.constant 240 : i32
      %add3A_376 = arith.addi %shift_left3A_198, %add3A_375 : i32
      %get3A_377 = arith.index_cast %shift_right_arithmetic3A_196 : i32 to index
      %get3A_378 = arith.index_cast %add3A_376 : i32 to index
      %get3A_379 = tpu.vector_load %arg7[%get3A_377, %get3A_378] {strides = array<i32>} : memref<64x512xf32, #tpu.memory_space<vmem>>, vector<16xf32>,
      %mul3A_380 = arith.constant 2.550000e+02 : f32
      %mul3A_381 = vector.broadcast %mul3A_380 : f32 to vector<16xf32>
      %mul3A_382 = arith.mulf %get3A_379, %mul3A_381 : vector<16xf32>
      %convert_element_type3A_383 = arith.fptosi %mul3A_382 : vector<16xf32> to vector<16xi32>
      %gather3A_384 = tpu.vector_load_idx %arg5[%convert_element_type3A_383] : memref<256xf32, #tpu.memory_space<vmem>>[vector<16xi32>], vector<16xf32>,
      %sub3A_385 = arith.subf %get3A_379, %gather3A_384 : vector<16xf32>
      %mul3A_386 = arith.mulf %sub3A_385, %sub3A_385 : vector<16xf32>
      %add3A_387 = arith.addf %mul3A_206, %mul3A_218 : vector<16xf32>
      %add3A_388 = arith.addf %mul3A_230, %mul3A_242 : vector<16xf32>
      %add3A_389 = arith.addf %mul3A_254, %mul3A_266 : vector<16xf32>
      %add3A_390 = arith.addf %mul3A_278, %mul3A_290 : vector<16xf32>
      %add3A_391 = arith.addf %mul3A_302, %mul3A_314 : vector<16xf32>
      %add3A_392 = arith.addf %mul3A_326, %mul3A_338 : vector<16xf32>
      %add3A_393 = arith.addf %mul3A_350, %mul3A_362 : vector<16xf32>
      %add3A_394 = arith.addf %mul3A_374, %mul3A_386 : vector<16xf32>
      %add3A_395 = arith.addf %add3A_387, %add3A_388 : vector<16xf32>
      %add3A_396 = arith.addf %add3A_389, %add3A_390 : vector<16xf32>
      %add3A_397 = arith.addf %add3A_391, %add3A_392 : vector<16xf32>
      %add3A_398 = arith.addf %add3A_393, %add3A_394 : vector<16xf32>
      %add3A_399 = arith.addf %add3A_395, %add3A_396 : vector<16xf32>
      %add3A_400 = arith.addf %add3A_397, %add3A_398 : vector<16xf32>
      %add3A_401 = arith.addf %add3A_399, %add3A_400 : vector<16xf32>
      %add3A_402 = arith.addf %scan3A_195, %add3A_401 : vector<16xf32>
      scf.yield %add3A_402 : vector<16xf32>
    }
    %scan3A_166 = arith.constant 128 : i32
    %add3A_167 = arith.constant 704 : i32
    %add3A_168 = arith.addi %mul3A_2, %add3A_167 : i32
    %dma_start3A_169 = arith.constant 0 : i32
    %dma_start3A_170 = tpu.memref_slice %arg2[%add3A_168, %dma_start3A_169] : memref<24576x512xf32, #tpu.memory_space<hbm>> -> memref<64x512xf32, #tpu.memory_space<hbm>>
    %dma_start3A_171 = arith.constant 0 : i32
    %dma_start3A_172 = tpu.memref_slice %arg2[%add3A_168, %dma_start3A_171] : memref<24576x512xf32, #tpu.memory_space<hbm>> -> memref<64x512xf32, #tpu.memory_space<hbm>>
    tpu.enqueue_dma source(%dma_start3A_172 : memref<64x512xf32, #tpu.memory_space<hbm>>) target(%arg7 : memref<64x512xf32, #tpu.memory_space<vmem>>) target_semaphore(%arg10 : memref<!tpu.dma_semaphore, #tpu.memory_space<semaphore_mem>>)
    %dma_wait3A_173 = arith.constant 0 : i32
    %dma_wait3A_174 = tpu.memref_slice %arg2[%add3A_152, %dma_wait3A_173] : memref<24576x512xf32, #tpu.memory_space<hbm>> -> memref<64x512xf32, #tpu.memory_space<hbm>>
    %dma_wait3A_175 = arith.constant 0 : i32
    %dma_wait3A_176 = tpu.memref_slice %arg2[%add3A_152, %dma_wait3A_175] : memref<24576x512xf32, #tpu.memory_space<hbm>> -> memref<64x512xf32, #tpu.memory_space<hbm>>
    tpu.wait_dma2 semaphore(%arg9 : memref<!tpu.dma_semaphore, #tpu.memory_space<semaphore_mem>>) src(%dma_wait3A_176 : memref<64x512xf32, #tpu.memory_space<hbm>>) dst(%arg6 : memref<64x512xf32, #tpu.memory_space<vmem>>)
    %scan3A_177 = arith.constant 0 : i32
    %scan3A_178 = arith.constant 128 : i32
    %scan3A_179 = arith.addi %scan3A_177, %scan3A_178 : i32
    %scan3A_180 = arith.constant 1 : i32
    %scan3A_181 = scf.for %scan3A_194 = %scan3A_177 to %scan3A_179 step %scan3A_180 iter_args(%scan3A_195 = %scan3A_165) -> (vector<16xf32>)  : i32 {
      %shift_right_arithmetic3A = arith.constant 1 : i32
      %shift_right_arithmetic3A_196 = arith.shrsi %scan3A_194, %shift_right_arithmetic3A : i32
      %and3A = arith.constant 1 : i32
      %and3A_197 = arith.andi %scan3A_194, %and3A : i32
      %shift_left3A = arith.constant 8 : i32
      %shift_left3A_198 = arith.shli %and3A_197, %shift_left3A : i32
      %add3A_199 = arith.constant 0 : i32
      %add3A_200 = arith.addi %shift_left3A_198, %add3A_199 : i32
      %get3A = arith.index_cast %shift_right_arithmetic3A_196 : i32 to index
      %get3A_201 = arith.index_cast %add3A_200 : i32 to index
      %get3A_202 = tpu.vector_load %arg6[%get3A, %get3A_201] {strides = array<i32>} : memref<64x512xf32, #tpu.memory_space<vmem>>, vector<16xf32>,
      %mul3A_203 = arith.constant 2.550000e+02 : f32
      %mul3A_204 = vector.broadcast %mul3A_203 : f32 to vector<16xf32>
      %mul3A_205 = arith.mulf %get3A_202, %mul3A_204 : vector<16xf32>
      %convert_element_type3A = arith.fptosi %mul3A_205 : vector<16xf32> to vector<16xi32>
      %gather3A = tpu.vector_load_idx %arg5[%convert_element_type3A] : memref<256xf32, #tpu.memory_space<vmem>>[vector<16xi32>], vector<16xf32>,
      %sub3A = arith.subf %get3A_202, %gather3A : vector<16xf32>
      %mul3A_206 = arith.mulf %sub3A, %sub3A : vector<16xf32>
      %add3A_207 = arith.constant 16 : i32
      %add3A_208 = arith.addi %shift_left3A_198, %add3A_207 : i32
      %get3A_209 = arith.index_cast %shift_right_arithmetic3A_196 : i32 to index
      %get3A_210 = arith.index_cast %add3A_208 : i32 to index
      %get3A_211 = tpu.vector_load %arg6[%get3A_209, %get3A_210] {strides = array<i32>} : memref<64x512xf32, #tpu.memory_space<vmem>>, vector<16xf32>,
      %mul3A_212 = arith.constant 2.550000e+02 : f32
      %mul3A_213 = vector.broadcast %mul3A_212 : f32 to vector<16xf32>
      %mul3A_214 = arith.mulf %get3A_211, %mul3A_213 : vector<16xf32>
      %convert_element_type3A_215 = arith.fptosi %mul3A_214 : vector<16xf32> to vector<16xi32>
      %gather3A_216 = tpu.vector_load_idx %arg5[%convert_element_type3A_215] : memref<256xf32, #tpu.memory_space<vmem>>[vector<16xi32>], vector<16xf32>,
      %sub3A_217 = arith.subf %get3A_211, %gather3A_216 : vector<16xf32>
      %mul3A_218 = arith.mulf %sub3A_217, %sub3A_217 : vector<16xf32>
      %add3A_219 = arith.constant 32 : i32
      %add3A_220 = arith.addi %shift_left3A_198, %add3A_219 : i32
      %get3A_221 = arith.index_cast %shift_right_arithmetic3A_196 : i32 to index
      %get3A_222 = arith.index_cast %add3A_220 : i32 to index
      %get3A_223 = tpu.vector_load %arg6[%get3A_221, %get3A_222] {strides = array<i32>} : memref<64x512xf32, #tpu.memory_space<vmem>>, vector<16xf32>,
      %mul3A_224 = arith.constant 2.550000e+02 : f32
      %mul3A_225 = vector.broadcast %mul3A_224 : f32 to vector<16xf32>
      %mul3A_226 = arith.mulf %get3A_223, %mul3A_225 : vector<16xf32>
      %convert_element_type3A_227 = arith.fptosi %mul3A_226 : vector<16xf32> to vector<16xi32>
      %gather3A_228 = tpu.vector_load_idx %arg5[%convert_element_type3A_227] : memref<256xf32, #tpu.memory_space<vmem>>[vector<16xi32>], vector<16xf32>,
      %sub3A_229 = arith.subf %get3A_223, %gather3A_228 : vector<16xf32>
      %mul3A_230 = arith.mulf %sub3A_229, %sub3A_229 : vector<16xf32>
      %add3A_231 = arith.constant 48 : i32
      %add3A_232 = arith.addi %shift_left3A_198, %add3A_231 : i32
      %get3A_233 = arith.index_cast %shift_right_arithmetic3A_196 : i32 to index
      %get3A_234 = arith.index_cast %add3A_232 : i32 to index
      %get3A_235 = tpu.vector_load %arg6[%get3A_233, %get3A_234] {strides = array<i32>} : memref<64x512xf32, #tpu.memory_space<vmem>>, vector<16xf32>,
      %mul3A_236 = arith.constant 2.550000e+02 : f32
      %mul3A_237 = vector.broadcast %mul3A_236 : f32 to vector<16xf32>
      %mul3A_238 = arith.mulf %get3A_235, %mul3A_237 : vector<16xf32>
      %convert_element_type3A_239 = arith.fptosi %mul3A_238 : vector<16xf32> to vector<16xi32>
      %gather3A_240 = tpu.vector_load_idx %arg5[%convert_element_type3A_239] : memref<256xf32, #tpu.memory_space<vmem>>[vector<16xi32>], vector<16xf32>,
      %sub3A_241 = arith.subf %get3A_235, %gather3A_240 : vector<16xf32>
      %mul3A_242 = arith.mulf %sub3A_241, %sub3A_241 : vector<16xf32>
      %add3A_243 = arith.constant 64 : i32
      %add3A_244 = arith.addi %shift_left3A_198, %add3A_243 : i32
      %get3A_245 = arith.index_cast %shift_right_arithmetic3A_196 : i32 to index
      %get3A_246 = arith.index_cast %add3A_244 : i32 to index
      %get3A_247 = tpu.vector_load %arg6[%get3A_245, %get3A_246] {strides = array<i32>} : memref<64x512xf32, #tpu.memory_space<vmem>>, vector<16xf32>,
      %mul3A_248 = arith.constant 2.550000e+02 : f32
      %mul3A_249 = vector.broadcast %mul3A_248 : f32 to vector<16xf32>
      %mul3A_250 = arith.mulf %get3A_247, %mul3A_249 : vector<16xf32>
      %convert_element_type3A_251 = arith.fptosi %mul3A_250 : vector<16xf32> to vector<16xi32>
      %gather3A_252 = tpu.vector_load_idx %arg5[%convert_element_type3A_251] : memref<256xf32, #tpu.memory_space<vmem>>[vector<16xi32>], vector<16xf32>,
      %sub3A_253 = arith.subf %get3A_247, %gather3A_252 : vector<16xf32>
      %mul3A_254 = arith.mulf %sub3A_253, %sub3A_253 : vector<16xf32>
      %add3A_255 = arith.constant 80 : i32
      %add3A_256 = arith.addi %shift_left3A_198, %add3A_255 : i32
      %get3A_257 = arith.index_cast %shift_right_arithmetic3A_196 : i32 to index
      %get3A_258 = arith.index_cast %add3A_256 : i32 to index
      %get3A_259 = tpu.vector_load %arg6[%get3A_257, %get3A_258] {strides = array<i32>} : memref<64x512xf32, #tpu.memory_space<vmem>>, vector<16xf32>,
      %mul3A_260 = arith.constant 2.550000e+02 : f32
      %mul3A_261 = vector.broadcast %mul3A_260 : f32 to vector<16xf32>
      %mul3A_262 = arith.mulf %get3A_259, %mul3A_261 : vector<16xf32>
      %convert_element_type3A_263 = arith.fptosi %mul3A_262 : vector<16xf32> to vector<16xi32>
      %gather3A_264 = tpu.vector_load_idx %arg5[%convert_element_type3A_263] : memref<256xf32, #tpu.memory_space<vmem>>[vector<16xi32>], vector<16xf32>,
      %sub3A_265 = arith.subf %get3A_259, %gather3A_264 : vector<16xf32>
      %mul3A_266 = arith.mulf %sub3A_265, %sub3A_265 : vector<16xf32>
      %add3A_267 = arith.constant 96 : i32
      %add3A_268 = arith.addi %shift_left3A_198, %add3A_267 : i32
      %get3A_269 = arith.index_cast %shift_right_arithmetic3A_196 : i32 to index
      %get3A_270 = arith.index_cast %add3A_268 : i32 to index
      %get3A_271 = tpu.vector_load %arg6[%get3A_269, %get3A_270] {strides = array<i32>} : memref<64x512xf32, #tpu.memory_space<vmem>>, vector<16xf32>,
      %mul3A_272 = arith.constant 2.550000e+02 : f32
      %mul3A_273 = vector.broadcast %mul3A_272 : f32 to vector<16xf32>
      %mul3A_274 = arith.mulf %get3A_271, %mul3A_273 : vector<16xf32>
      %convert_element_type3A_275 = arith.fptosi %mul3A_274 : vector<16xf32> to vector<16xi32>
      %gather3A_276 = tpu.vector_load_idx %arg5[%convert_element_type3A_275] : memref<256xf32, #tpu.memory_space<vmem>>[vector<16xi32>], vector<16xf32>,
      %sub3A_277 = arith.subf %get3A_271, %gather3A_276 : vector<16xf32>
      %mul3A_278 = arith.mulf %sub3A_277, %sub3A_277 : vector<16xf32>
      %add3A_279 = arith.constant 112 : i32
      %add3A_280 = arith.addi %shift_left3A_198, %add3A_279 : i32
      %get3A_281 = arith.index_cast %shift_right_arithmetic3A_196 : i32 to index
      %get3A_282 = arith.index_cast %add3A_280 : i32 to index
      %get3A_283 = tpu.vector_load %arg6[%get3A_281, %get3A_282] {strides = array<i32>} : memref<64x512xf32, #tpu.memory_space<vmem>>, vector<16xf32>,
      %mul3A_284 = arith.constant 2.550000e+02 : f32
      %mul3A_285 = vector.broadcast %mul3A_284 : f32 to vector<16xf32>
      %mul3A_286 = arith.mulf %get3A_283, %mul3A_285 : vector<16xf32>
      %convert_element_type3A_287 = arith.fptosi %mul3A_286 : vector<16xf32> to vector<16xi32>
      %gather3A_288 = tpu.vector_load_idx %arg5[%convert_element_type3A_287] : memref<256xf32, #tpu.memory_space<vmem>>[vector<16xi32>], vector<16xf32>,
      %sub3A_289 = arith.subf %get3A_283, %gather3A_288 : vector<16xf32>
      %mul3A_290 = arith.mulf %sub3A_289, %sub3A_289 : vector<16xf32>
      %add3A_291 = arith.constant 128 : i32
      %add3A_292 = arith.addi %shift_left3A_198, %add3A_291 : i32
      %get3A_293 = arith.index_cast %shift_right_arithmetic3A_196 : i32 to index
      %get3A_294 = arith.index_cast %add3A_292 : i32 to index
      %get3A_295 = tpu.vector_load %arg6[%get3A_293, %get3A_294] {strides = array<i32>} : memref<64x512xf32, #tpu.memory_space<vmem>>, vector<16xf32>,
      %mul3A_296 = arith.constant 2.550000e+02 : f32
      %mul3A_297 = vector.broadcast %mul3A_296 : f32 to vector<16xf32>
      %mul3A_298 = arith.mulf %get3A_295, %mul3A_297 : vector<16xf32>
      %convert_element_type3A_299 = arith.fptosi %mul3A_298 : vector<16xf32> to vector<16xi32>
      %gather3A_300 = tpu.vector_load_idx %arg5[%convert_element_type3A_299] : memref<256xf32, #tpu.memory_space<vmem>>[vector<16xi32>], vector<16xf32>,
      %sub3A_301 = arith.subf %get3A_295, %gather3A_300 : vector<16xf32>
      %mul3A_302 = arith.mulf %sub3A_301, %sub3A_301 : vector<16xf32>
      %add3A_303 = arith.constant 144 : i32
      %add3A_304 = arith.addi %shift_left3A_198, %add3A_303 : i32
      %get3A_305 = arith.index_cast %shift_right_arithmetic3A_196 : i32 to index
      %get3A_306 = arith.index_cast %add3A_304 : i32 to index
      %get3A_307 = tpu.vector_load %arg6[%get3A_305, %get3A_306] {strides = array<i32>} : memref<64x512xf32, #tpu.memory_space<vmem>>, vector<16xf32>,
      %mul3A_308 = arith.constant 2.550000e+02 : f32
      %mul3A_309 = vector.broadcast %mul3A_308 : f32 to vector<16xf32>
      %mul3A_310 = arith.mulf %get3A_307, %mul3A_309 : vector<16xf32>
      %convert_element_type3A_311 = arith.fptosi %mul3A_310 : vector<16xf32> to vector<16xi32>
      %gather3A_312 = tpu.vector_load_idx %arg5[%convert_element_type3A_311] : memref<256xf32, #tpu.memory_space<vmem>>[vector<16xi32>], vector<16xf32>,
      %sub3A_313 = arith.subf %get3A_307, %gather3A_312 : vector<16xf32>
      %mul3A_314 = arith.mulf %sub3A_313, %sub3A_313 : vector<16xf32>
      %add3A_315 = arith.constant 160 : i32
      %add3A_316 = arith.addi %shift_left3A_198, %add3A_315 : i32
      %get3A_317 = arith.index_cast %shift_right_arithmetic3A_196 : i32 to index
      %get3A_318 = arith.index_cast %add3A_316 : i32 to index
      %get3A_319 = tpu.vector_load %arg6[%get3A_317, %get3A_318] {strides = array<i32>} : memref<64x512xf32, #tpu.memory_space<vmem>>, vector<16xf32>,
      %mul3A_320 = arith.constant 2.550000e+02 : f32
      %mul3A_321 = vector.broadcast %mul3A_320 : f32 to vector<16xf32>
      %mul3A_322 = arith.mulf %get3A_319, %mul3A_321 : vector<16xf32>
      %convert_element_type3A_323 = arith.fptosi %mul3A_322 : vector<16xf32> to vector<16xi32>
      %gather3A_324 = tpu.vector_load_idx %arg5[%convert_element_type3A_323] : memref<256xf32, #tpu.memory_space<vmem>>[vector<16xi32>], vector<16xf32>,
      %sub3A_325 = arith.subf %get3A_319, %gather3A_324 : vector<16xf32>
      %mul3A_326 = arith.mulf %sub3A_325, %sub3A_325 : vector<16xf32>
      %add3A_327 = arith.constant 176 : i32
      %add3A_328 = arith.addi %shift_left3A_198, %add3A_327 : i32
      %get3A_329 = arith.index_cast %shift_right_arithmetic3A_196 : i32 to index
      %get3A_330 = arith.index_cast %add3A_328 : i32 to index
      %get3A_331 = tpu.vector_load %arg6[%get3A_329, %get3A_330] {strides = array<i32>} : memref<64x512xf32, #tpu.memory_space<vmem>>, vector<16xf32>,
      %mul3A_332 = arith.constant 2.550000e+02 : f32
      %mul3A_333 = vector.broadcast %mul3A_332 : f32 to vector<16xf32>
      %mul3A_334 = arith.mulf %get3A_331, %mul3A_333 : vector<16xf32>
      %convert_element_type3A_335 = arith.fptosi %mul3A_334 : vector<16xf32> to vector<16xi32>
      %gather3A_336 = tpu.vector_load_idx %arg5[%convert_element_type3A_335] : memref<256xf32, #tpu.memory_space<vmem>>[vector<16xi32>], vector<16xf32>,
      %sub3A_337 = arith.subf %get3A_331, %gather3A_336 : vector<16xf32>
      %mul3A_338 = arith.mulf %sub3A_337, %sub3A_337 : vector<16xf32>
      %add3A_339 = arith.constant 192 : i32
      %add3A_340 = arith.addi %shift_left3A_198, %add3A_339 : i32
      %get3A_341 = arith.index_cast %shift_right_arithmetic3A_196 : i32 to index
      %get3A_342 = arith.index_cast %add3A_340 : i32 to index
      %get3A_343 = tpu.vector_load %arg6[%get3A_341, %get3A_342] {strides = array<i32>} : memref<64x512xf32, #tpu.memory_space<vmem>>, vector<16xf32>,
      %mul3A_344 = arith.constant 2.550000e+02 : f32
      %mul3A_345 = vector.broadcast %mul3A_344 : f32 to vector<16xf32>
      %mul3A_346 = arith.mulf %get3A_343, %mul3A_345 : vector<16xf32>
      %convert_element_type3A_347 = arith.fptosi %mul3A_346 : vector<16xf32> to vector<16xi32>
      %gather3A_348 = tpu.vector_load_idx %arg5[%convert_element_type3A_347] : memref<256xf32, #tpu.memory_space<vmem>>[vector<16xi32>], vector<16xf32>,
      %sub3A_349 = arith.subf %get3A_343, %gather3A_348 : vector<16xf32>
      %mul3A_350 = arith.mulf %sub3A_349, %sub3A_349 : vector<16xf32>
      %add3A_351 = arith.constant 208 : i32
      %add3A_352 = arith.addi %shift_left3A_198, %add3A_351 : i32
      %get3A_353 = arith.index_cast %shift_right_arithmetic3A_196 : i32 to index
      %get3A_354 = arith.index_cast %add3A_352 : i32 to index
      %get3A_355 = tpu.vector_load %arg6[%get3A_353, %get3A_354] {strides = array<i32>} : memref<64x512xf32, #tpu.memory_space<vmem>>, vector<16xf32>,
      %mul3A_356 = arith.constant 2.550000e+02 : f32
      %mul3A_357 = vector.broadcast %mul3A_356 : f32 to vector<16xf32>
      %mul3A_358 = arith.mulf %get3A_355, %mul3A_357 : vector<16xf32>
      %convert_element_type3A_359 = arith.fptosi %mul3A_358 : vector<16xf32> to vector<16xi32>
      %gather3A_360 = tpu.vector_load_idx %arg5[%convert_element_type3A_359] : memref<256xf32, #tpu.memory_space<vmem>>[vector<16xi32>], vector<16xf32>,
      %sub3A_361 = arith.subf %get3A_355, %gather3A_360 : vector<16xf32>
      %mul3A_362 = arith.mulf %sub3A_361, %sub3A_361 : vector<16xf32>
      %add3A_363 = arith.constant 224 : i32
      %add3A_364 = arith.addi %shift_left3A_198, %add3A_363 : i32
      %get3A_365 = arith.index_cast %shift_right_arithmetic3A_196 : i32 to index
      %get3A_366 = arith.index_cast %add3A_364 : i32 to index
      %get3A_367 = tpu.vector_load %arg6[%get3A_365, %get3A_366] {strides = array<i32>} : memref<64x512xf32, #tpu.memory_space<vmem>>, vector<16xf32>,
      %mul3A_368 = arith.constant 2.550000e+02 : f32
      %mul3A_369 = vector.broadcast %mul3A_368 : f32 to vector<16xf32>
      %mul3A_370 = arith.mulf %get3A_367, %mul3A_369 : vector<16xf32>
      %convert_element_type3A_371 = arith.fptosi %mul3A_370 : vector<16xf32> to vector<16xi32>
      %gather3A_372 = tpu.vector_load_idx %arg5[%convert_element_type3A_371] : memref<256xf32, #tpu.memory_space<vmem>>[vector<16xi32>], vector<16xf32>,
      %sub3A_373 = arith.subf %get3A_367, %gather3A_372 : vector<16xf32>
      %mul3A_374 = arith.mulf %sub3A_373, %sub3A_373 : vector<16xf32>
      %add3A_375 = arith.constant 240 : i32
      %add3A_376 = arith.addi %shift_left3A_198, %add3A_375 : i32
      %get3A_377 = arith.index_cast %shift_right_arithmetic3A_196 : i32 to index
      %get3A_378 = arith.index_cast %add3A_376 : i32 to index
      %get3A_379 = tpu.vector_load %arg6[%get3A_377, %get3A_378] {strides = array<i32>} : memref<64x512xf32, #tpu.memory_space<vmem>>, vector<16xf32>,
      %mul3A_380 = arith.constant 2.550000e+02 : f32
      %mul3A_381 = vector.broadcast %mul3A_380 : f32 to vector<16xf32>
      %mul3A_382 = arith.mulf %get3A_379, %mul3A_381 : vector<16xf32>
      %convert_element_type3A_383 = arith.fptosi %mul3A_382 : vector<16xf32> to vector<16xi32>
      %gather3A_384 = tpu.vector_load_idx %arg5[%convert_element_type3A_383] : memref<256xf32, #tpu.memory_space<vmem>>[vector<16xi32>], vector<16xf32>,
      %sub3A_385 = arith.subf %get3A_379, %gather3A_384 : vector<16xf32>
      %mul3A_386 = arith.mulf %sub3A_385, %sub3A_385 : vector<16xf32>
      %add3A_387 = arith.addf %mul3A_206, %mul3A_218 : vector<16xf32>
      %add3A_388 = arith.addf %mul3A_230, %mul3A_242 : vector<16xf32>
      %add3A_389 = arith.addf %mul3A_254, %mul3A_266 : vector<16xf32>
      %add3A_390 = arith.addf %mul3A_278, %mul3A_290 : vector<16xf32>
      %add3A_391 = arith.addf %mul3A_302, %mul3A_314 : vector<16xf32>
      %add3A_392 = arith.addf %mul3A_326, %mul3A_338 : vector<16xf32>
      %add3A_393 = arith.addf %mul3A_350, %mul3A_362 : vector<16xf32>
      %add3A_394 = arith.addf %mul3A_374, %mul3A_386 : vector<16xf32>
      %add3A_395 = arith.addf %add3A_387, %add3A_388 : vector<16xf32>
      %add3A_396 = arith.addf %add3A_389, %add3A_390 : vector<16xf32>
      %add3A_397 = arith.addf %add3A_391, %add3A_392 : vector<16xf32>
      %add3A_398 = arith.addf %add3A_393, %add3A_394 : vector<16xf32>
      %add3A_399 = arith.addf %add3A_395, %add3A_396 : vector<16xf32>
      %add3A_400 = arith.addf %add3A_397, %add3A_398 : vector<16xf32>
      %add3A_401 = arith.addf %add3A_399, %add3A_400 : vector<16xf32>
      %add3A_402 = arith.addf %scan3A_195, %add3A_401 : vector<16xf32>
      scf.yield %add3A_402 : vector<16xf32>
    }
    %scan3A_182 = arith.constant 128 : i32
    %dma_wait3A_183 = arith.constant 0 : i32
    %dma_wait3A_184 = tpu.memref_slice %arg2[%add3A_168, %dma_wait3A_183] : memref<24576x512xf32, #tpu.memory_space<hbm>> -> memref<64x512xf32, #tpu.memory_space<hbm>>
    %dma_wait3A_185 = arith.constant 0 : i32
    %dma_wait3A_186 = tpu.memref_slice %arg2[%add3A_168, %dma_wait3A_185] : memref<24576x512xf32, #tpu.memory_space<hbm>> -> memref<64x512xf32, #tpu.memory_space<hbm>>
    tpu.wait_dma2 semaphore(%arg10 : memref<!tpu.dma_semaphore, #tpu.memory_space<semaphore_mem>>) src(%dma_wait3A_186 : memref<64x512xf32, #tpu.memory_space<hbm>>) dst(%arg7 : memref<64x512xf32, #tpu.memory_space<vmem>>)
    %scan3A_187 = arith.constant 0 : i32
    %scan3A_188 = arith.constant 128 : i32
    %scan3A_189 = arith.addi %scan3A_187, %scan3A_188 : i32
    %scan3A_190 = arith.constant 1 : i32
    %scan3A_191 = scf.for %scan3A_194 = %scan3A_187 to %scan3A_189 step %scan3A_190 iter_args(%scan3A_195 = %scan3A_181) -> (vector<16xf32>)  : i32 {
      %shift_right_arithmetic3A = arith.constant 1 : i32
      %shift_right_arithmetic3A_196 = arith.shrsi %scan3A_194, %shift_right_arithmetic3A : i32
      %and3A = arith.constant 1 : i32
      %and3A_197 = arith.andi %scan3A_194, %and3A : i32
      %shift_left3A = arith.constant 8 : i32
      %shift_left3A_198 = arith.shli %and3A_197, %shift_left3A : i32
      %add3A_199 = arith.constant 0 : i32
      %add3A_200 = arith.addi %shift_left3A_198, %add3A_199 : i32
      %get3A = arith.index_cast %shift_right_arithmetic3A_196 : i32 to index
      %get3A_201 = arith.index_cast %add3A_200 : i32 to index
      %get3A_202 = tpu.vector_load %arg7[%get3A, %get3A_201] {strides = array<i32>} : memref<64x512xf32, #tpu.memory_space<vmem>>, vector<16xf32>,
      %mul3A_203 = arith.constant 2.550000e+02 : f32
      %mul3A_204 = vector.broadcast %mul3A_203 : f32 to vector<16xf32>
      %mul3A_205 = arith.mulf %get3A_202, %mul3A_204 : vector<16xf32>
      %convert_element_type3A = arith.fptosi %mul3A_205 : vector<16xf32> to vector<16xi32>
      %gather3A = tpu.vector_load_idx %arg5[%convert_element_type3A] : memref<256xf32, #tpu.memory_space<vmem>>[vector<16xi32>], vector<16xf32>,
      %sub3A = arith.subf %get3A_202, %gather3A : vector<16xf32>
      %mul3A_206 = arith.mulf %sub3A, %sub3A : vector<16xf32>
      %add3A_207 = arith.constant 16 : i32
      %add3A_208 = arith.addi %shift_left3A_198, %add3A_207 : i32
      %get3A_209 = arith.index_cast %shift_right_arithmetic3A_196 : i32 to index
      %get3A_210 = arith.index_cast %add3A_208 : i32 to index
      %get3A_211 = tpu.vector_load %arg7[%get3A_209, %get3A_210] {strides = array<i32>} : memref<64x512xf32, #tpu.memory_space<vmem>>, vector<16xf32>,
      %mul3A_212 = arith.constant 2.550000e+02 : f32
      %mul3A_213 = vector.broadcast %mul3A_212 : f32 to vector<16xf32>
      %mul3A_214 = arith.mulf %get3A_211, %mul3A_213 : vector<16xf32>
      %convert_element_type3A_215 = arith.fptosi %mul3A_214 : vector<16xf32> to vector<16xi32>
      %gather3A_216 = tpu.vector_load_idx %arg5[%convert_element_type3A_215] : memref<256xf32, #tpu.memory_space<vmem>>[vector<16xi32>], vector<16xf32>,
      %sub3A_217 = arith.subf %get3A_211, %gather3A_216 : vector<16xf32>
      %mul3A_218 = arith.mulf %sub3A_217, %sub3A_217 : vector<16xf32>
      %add3A_219 = arith.constant 32 : i32
      %add3A_220 = arith.addi %shift_left3A_198, %add3A_219 : i32
      %get3A_221 = arith.index_cast %shift_right_arithmetic3A_196 : i32 to index
      %get3A_222 = arith.index_cast %add3A_220 : i32 to index
      %get3A_223 = tpu.vector_load %arg7[%get3A_221, %get3A_222] {strides = array<i32>} : memref<64x512xf32, #tpu.memory_space<vmem>>, vector<16xf32>,
      %mul3A_224 = arith.constant 2.550000e+02 : f32
      %mul3A_225 = vector.broadcast %mul3A_224 : f32 to vector<16xf32>
      %mul3A_226 = arith.mulf %get3A_223, %mul3A_225 : vector<16xf32>
      %convert_element_type3A_227 = arith.fptosi %mul3A_226 : vector<16xf32> to vector<16xi32>
      %gather3A_228 = tpu.vector_load_idx %arg5[%convert_element_type3A_227] : memref<256xf32, #tpu.memory_space<vmem>>[vector<16xi32>], vector<16xf32>,
      %sub3A_229 = arith.subf %get3A_223, %gather3A_228 : vector<16xf32>
      %mul3A_230 = arith.mulf %sub3A_229, %sub3A_229 : vector<16xf32>
      %add3A_231 = arith.constant 48 : i32
      %add3A_232 = arith.addi %shift_left3A_198, %add3A_231 : i32
      %get3A_233 = arith.index_cast %shift_right_arithmetic3A_196 : i32 to index
      %get3A_234 = arith.index_cast %add3A_232 : i32 to index
      %get3A_235 = tpu.vector_load %arg7[%get3A_233, %get3A_234] {strides = array<i32>} : memref<64x512xf32, #tpu.memory_space<vmem>>, vector<16xf32>,
      %mul3A_236 = arith.constant 2.550000e+02 : f32
      %mul3A_237 = vector.broadcast %mul3A_236 : f32 to vector<16xf32>
      %mul3A_238 = arith.mulf %get3A_235, %mul3A_237 : vector<16xf32>
      %convert_element_type3A_239 = arith.fptosi %mul3A_238 : vector<16xf32> to vector<16xi32>
      %gather3A_240 = tpu.vector_load_idx %arg5[%convert_element_type3A_239] : memref<256xf32, #tpu.memory_space<vmem>>[vector<16xi32>], vector<16xf32>,
      %sub3A_241 = arith.subf %get3A_235, %gather3A_240 : vector<16xf32>
      %mul3A_242 = arith.mulf %sub3A_241, %sub3A_241 : vector<16xf32>
      %add3A_243 = arith.constant 64 : i32
      %add3A_244 = arith.addi %shift_left3A_198, %add3A_243 : i32
      %get3A_245 = arith.index_cast %shift_right_arithmetic3A_196 : i32 to index
      %get3A_246 = arith.index_cast %add3A_244 : i32 to index
      %get3A_247 = tpu.vector_load %arg7[%get3A_245, %get3A_246] {strides = array<i32>} : memref<64x512xf32, #tpu.memory_space<vmem>>, vector<16xf32>,
      %mul3A_248 = arith.constant 2.550000e+02 : f32
      %mul3A_249 = vector.broadcast %mul3A_248 : f32 to vector<16xf32>
      %mul3A_250 = arith.mulf %get3A_247, %mul3A_249 : vector<16xf32>
      %convert_element_type3A_251 = arith.fptosi %mul3A_250 : vector<16xf32> to vector<16xi32>
      %gather3A_252 = tpu.vector_load_idx %arg5[%convert_element_type3A_251] : memref<256xf32, #tpu.memory_space<vmem>>[vector<16xi32>], vector<16xf32>,
      %sub3A_253 = arith.subf %get3A_247, %gather3A_252 : vector<16xf32>
      %mul3A_254 = arith.mulf %sub3A_253, %sub3A_253 : vector<16xf32>
      %add3A_255 = arith.constant 80 : i32
      %add3A_256 = arith.addi %shift_left3A_198, %add3A_255 : i32
      %get3A_257 = arith.index_cast %shift_right_arithmetic3A_196 : i32 to index
      %get3A_258 = arith.index_cast %add3A_256 : i32 to index
      %get3A_259 = tpu.vector_load %arg7[%get3A_257, %get3A_258] {strides = array<i32>} : memref<64x512xf32, #tpu.memory_space<vmem>>, vector<16xf32>,
      %mul3A_260 = arith.constant 2.550000e+02 : f32
      %mul3A_261 = vector.broadcast %mul3A_260 : f32 to vector<16xf32>
      %mul3A_262 = arith.mulf %get3A_259, %mul3A_261 : vector<16xf32>
      %convert_element_type3A_263 = arith.fptosi %mul3A_262 : vector<16xf32> to vector<16xi32>
      %gather3A_264 = tpu.vector_load_idx %arg5[%convert_element_type3A_263] : memref<256xf32, #tpu.memory_space<vmem>>[vector<16xi32>], vector<16xf32>,
      %sub3A_265 = arith.subf %get3A_259, %gather3A_264 : vector<16xf32>
      %mul3A_266 = arith.mulf %sub3A_265, %sub3A_265 : vector<16xf32>
      %add3A_267 = arith.constant 96 : i32
      %add3A_268 = arith.addi %shift_left3A_198, %add3A_267 : i32
      %get3A_269 = arith.index_cast %shift_right_arithmetic3A_196 : i32 to index
      %get3A_270 = arith.index_cast %add3A_268 : i32 to index
      %get3A_271 = tpu.vector_load %arg7[%get3A_269, %get3A_270] {strides = array<i32>} : memref<64x512xf32, #tpu.memory_space<vmem>>, vector<16xf32>,
      %mul3A_272 = arith.constant 2.550000e+02 : f32
      %mul3A_273 = vector.broadcast %mul3A_272 : f32 to vector<16xf32>
      %mul3A_274 = arith.mulf %get3A_271, %mul3A_273 : vector<16xf32>
      %convert_element_type3A_275 = arith.fptosi %mul3A_274 : vector<16xf32> to vector<16xi32>
      %gather3A_276 = tpu.vector_load_idx %arg5[%convert_element_type3A_275] : memref<256xf32, #tpu.memory_space<vmem>>[vector<16xi32>], vector<16xf32>,
      %sub3A_277 = arith.subf %get3A_271, %gather3A_276 : vector<16xf32>
      %mul3A_278 = arith.mulf %sub3A_277, %sub3A_277 : vector<16xf32>
      %add3A_279 = arith.constant 112 : i32
      %add3A_280 = arith.addi %shift_left3A_198, %add3A_279 : i32
      %get3A_281 = arith.index_cast %shift_right_arithmetic3A_196 : i32 to index
      %get3A_282 = arith.index_cast %add3A_280 : i32 to index
      %get3A_283 = tpu.vector_load %arg7[%get3A_281, %get3A_282] {strides = array<i32>} : memref<64x512xf32, #tpu.memory_space<vmem>>, vector<16xf32>,
      %mul3A_284 = arith.constant 2.550000e+02 : f32
      %mul3A_285 = vector.broadcast %mul3A_284 : f32 to vector<16xf32>
      %mul3A_286 = arith.mulf %get3A_283, %mul3A_285 : vector<16xf32>
      %convert_element_type3A_287 = arith.fptosi %mul3A_286 : vector<16xf32> to vector<16xi32>
      %gather3A_288 = tpu.vector_load_idx %arg5[%convert_element_type3A_287] : memref<256xf32, #tpu.memory_space<vmem>>[vector<16xi32>], vector<16xf32>,
      %sub3A_289 = arith.subf %get3A_283, %gather3A_288 : vector<16xf32>
      %mul3A_290 = arith.mulf %sub3A_289, %sub3A_289 : vector<16xf32>
      %add3A_291 = arith.constant 128 : i32
      %add3A_292 = arith.addi %shift_left3A_198, %add3A_291 : i32
      %get3A_293 = arith.index_cast %shift_right_arithmetic3A_196 : i32 to index
      %get3A_294 = arith.index_cast %add3A_292 : i32 to index
      %get3A_295 = tpu.vector_load %arg7[%get3A_293, %get3A_294] {strides = array<i32>} : memref<64x512xf32, #tpu.memory_space<vmem>>, vector<16xf32>,
      %mul3A_296 = arith.constant 2.550000e+02 : f32
      %mul3A_297 = vector.broadcast %mul3A_296 : f32 to vector<16xf32>
      %mul3A_298 = arith.mulf %get3A_295, %mul3A_297 : vector<16xf32>
      %convert_element_type3A_299 = arith.fptosi %mul3A_298 : vector<16xf32> to vector<16xi32>
      %gather3A_300 = tpu.vector_load_idx %arg5[%convert_element_type3A_299] : memref<256xf32, #tpu.memory_space<vmem>>[vector<16xi32>], vector<16xf32>,
      %sub3A_301 = arith.subf %get3A_295, %gather3A_300 : vector<16xf32>
      %mul3A_302 = arith.mulf %sub3A_301, %sub3A_301 : vector<16xf32>
      %add3A_303 = arith.constant 144 : i32
      %add3A_304 = arith.addi %shift_left3A_198, %add3A_303 : i32
      %get3A_305 = arith.index_cast %shift_right_arithmetic3A_196 : i32 to index
      %get3A_306 = arith.index_cast %add3A_304 : i32 to index
      %get3A_307 = tpu.vector_load %arg7[%get3A_305, %get3A_306] {strides = array<i32>} : memref<64x512xf32, #tpu.memory_space<vmem>>, vector<16xf32>,
      %mul3A_308 = arith.constant 2.550000e+02 : f32
      %mul3A_309 = vector.broadcast %mul3A_308 : f32 to vector<16xf32>
      %mul3A_310 = arith.mulf %get3A_307, %mul3A_309 : vector<16xf32>
      %convert_element_type3A_311 = arith.fptosi %mul3A_310 : vector<16xf32> to vector<16xi32>
      %gather3A_312 = tpu.vector_load_idx %arg5[%convert_element_type3A_311] : memref<256xf32, #tpu.memory_space<vmem>>[vector<16xi32>], vector<16xf32>,
      %sub3A_313 = arith.subf %get3A_307, %gather3A_312 : vector<16xf32>
      %mul3A_314 = arith.mulf %sub3A_313, %sub3A_313 : vector<16xf32>
      %add3A_315 = arith.constant 160 : i32
      %add3A_316 = arith.addi %shift_left3A_198, %add3A_315 : i32
      %get3A_317 = arith.index_cast %shift_right_arithmetic3A_196 : i32 to index
      %get3A_318 = arith.index_cast %add3A_316 : i32 to index
      %get3A_319 = tpu.vector_load %arg7[%get3A_317, %get3A_318] {strides = array<i32>} : memref<64x512xf32, #tpu.memory_space<vmem>>, vector<16xf32>,
      %mul3A_320 = arith.constant 2.550000e+02 : f32
      %mul3A_321 = vector.broadcast %mul3A_320 : f32 to vector<16xf32>
      %mul3A_322 = arith.mulf %get3A_319, %mul3A_321 : vector<16xf32>
      %convert_element_type3A_323 = arith.fptosi %mul3A_322 : vector<16xf32> to vector<16xi32>
      %gather3A_324 = tpu.vector_load_idx %arg5[%convert_element_type3A_323] : memref<256xf32, #tpu.memory_space<vmem>>[vector<16xi32>], vector<16xf32>,
      %sub3A_325 = arith.subf %get3A_319, %gather3A_324 : vector<16xf32>
      %mul3A_326 = arith.mulf %sub3A_325, %sub3A_325 : vector<16xf32>
      %add3A_327 = arith.constant 176 : i32
      %add3A_328 = arith.addi %shift_left3A_198, %add3A_327 : i32
      %get3A_329 = arith.index_cast %shift_right_arithmetic3A_196 : i32 to index
      %get3A_330 = arith.index_cast %add3A_328 : i32 to index
      %get3A_331 = tpu.vector_load %arg7[%get3A_329, %get3A_330] {strides = array<i32>} : memref<64x512xf32, #tpu.memory_space<vmem>>, vector<16xf32>,
      %mul3A_332 = arith.constant 2.550000e+02 : f32
      %mul3A_333 = vector.broadcast %mul3A_332 : f32 to vector<16xf32>
      %mul3A_334 = arith.mulf %get3A_331, %mul3A_333 : vector<16xf32>
      %convert_element_type3A_335 = arith.fptosi %mul3A_334 : vector<16xf32> to vector<16xi32>
      %gather3A_336 = tpu.vector_load_idx %arg5[%convert_element_type3A_335] : memref<256xf32, #tpu.memory_space<vmem>>[vector<16xi32>], vector<16xf32>,
      %sub3A_337 = arith.subf %get3A_331, %gather3A_336 : vector<16xf32>
      %mul3A_338 = arith.mulf %sub3A_337, %sub3A_337 : vector<16xf32>
      %add3A_339 = arith.constant 192 : i32
      %add3A_340 = arith.addi %shift_left3A_198, %add3A_339 : i32
      %get3A_341 = arith.index_cast %shift_right_arithmetic3A_196 : i32 to index
      %get3A_342 = arith.index_cast %add3A_340 : i32 to index
      %get3A_343 = tpu.vector_load %arg7[%get3A_341, %get3A_342] {strides = array<i32>} : memref<64x512xf32, #tpu.memory_space<vmem>>, vector<16xf32>,
      %mul3A_344 = arith.constant 2.550000e+02 : f32
      %mul3A_345 = vector.broadcast %mul3A_344 : f32 to vector<16xf32>
      %mul3A_346 = arith.mulf %get3A_343, %mul3A_345 : vector<16xf32>
      %convert_element_type3A_347 = arith.fptosi %mul3A_346 : vector<16xf32> to vector<16xi32>
      %gather3A_348 = tpu.vector_load_idx %arg5[%convert_element_type3A_347] : memref<256xf32, #tpu.memory_space<vmem>>[vector<16xi32>], vector<16xf32>,
      %sub3A_349 = arith.subf %get3A_343, %gather3A_348 : vector<16xf32>
      %mul3A_350 = arith.mulf %sub3A_349, %sub3A_349 : vector<16xf32>
      %add3A_351 = arith.constant 208 : i32
      %add3A_352 = arith.addi %shift_left3A_198, %add3A_351 : i32
      %get3A_353 = arith.index_cast %shift_right_arithmetic3A_196 : i32 to index
      %get3A_354 = arith.index_cast %add3A_352 : i32 to index
      %get3A_355 = tpu.vector_load %arg7[%get3A_353, %get3A_354] {strides = array<i32>} : memref<64x512xf32, #tpu.memory_space<vmem>>, vector<16xf32>,
      %mul3A_356 = arith.constant 2.550000e+02 : f32
      %mul3A_357 = vector.broadcast %mul3A_356 : f32 to vector<16xf32>
      %mul3A_358 = arith.mulf %get3A_355, %mul3A_357 : vector<16xf32>
      %convert_element_type3A_359 = arith.fptosi %mul3A_358 : vector<16xf32> to vector<16xi32>
      %gather3A_360 = tpu.vector_load_idx %arg5[%convert_element_type3A_359] : memref<256xf32, #tpu.memory_space<vmem>>[vector<16xi32>], vector<16xf32>,
      %sub3A_361 = arith.subf %get3A_355, %gather3A_360 : vector<16xf32>
      %mul3A_362 = arith.mulf %sub3A_361, %sub3A_361 : vector<16xf32>
      %add3A_363 = arith.constant 224 : i32
      %add3A_364 = arith.addi %shift_left3A_198, %add3A_363 : i32
      %get3A_365 = arith.index_cast %shift_right_arithmetic3A_196 : i32 to index
      %get3A_366 = arith.index_cast %add3A_364 : i32 to index
      %get3A_367 = tpu.vector_load %arg7[%get3A_365, %get3A_366] {strides = array<i32>} : memref<64x512xf32, #tpu.memory_space<vmem>>, vector<16xf32>,
      %mul3A_368 = arith.constant 2.550000e+02 : f32
      %mul3A_369 = vector.broadcast %mul3A_368 : f32 to vector<16xf32>
      %mul3A_370 = arith.mulf %get3A_367, %mul3A_369 : vector<16xf32>
      %convert_element_type3A_371 = arith.fptosi %mul3A_370 : vector<16xf32> to vector<16xi32>
      %gather3A_372 = tpu.vector_load_idx %arg5[%convert_element_type3A_371] : memref<256xf32, #tpu.memory_space<vmem>>[vector<16xi32>], vector<16xf32>,
      %sub3A_373 = arith.subf %get3A_367, %gather3A_372 : vector<16xf32>
      %mul3A_374 = arith.mulf %sub3A_373, %sub3A_373 : vector<16xf32>
      %add3A_375 = arith.constant 240 : i32
      %add3A_376 = arith.addi %shift_left3A_198, %add3A_375 : i32
      %get3A_377 = arith.index_cast %shift_right_arithmetic3A_196 : i32 to index
      %get3A_378 = arith.index_cast %add3A_376 : i32 to index
      %get3A_379 = tpu.vector_load %arg7[%get3A_377, %get3A_378] {strides = array<i32>} : memref<64x512xf32, #tpu.memory_space<vmem>>, vector<16xf32>,
      %mul3A_380 = arith.constant 2.550000e+02 : f32
      %mul3A_381 = vector.broadcast %mul3A_380 : f32 to vector<16xf32>
      %mul3A_382 = arith.mulf %get3A_379, %mul3A_381 : vector<16xf32>
      %convert_element_type3A_383 = arith.fptosi %mul3A_382 : vector<16xf32> to vector<16xi32>
      %gather3A_384 = tpu.vector_load_idx %arg5[%convert_element_type3A_383] : memref<256xf32, #tpu.memory_space<vmem>>[vector<16xi32>], vector<16xf32>,
      %sub3A_385 = arith.subf %get3A_379, %gather3A_384 : vector<16xf32>
      %mul3A_386 = arith.mulf %sub3A_385, %sub3A_385 : vector<16xf32>
      %add3A_387 = arith.addf %mul3A_206, %mul3A_218 : vector<16xf32>
      %add3A_388 = arith.addf %mul3A_230, %mul3A_242 : vector<16xf32>
      %add3A_389 = arith.addf %mul3A_254, %mul3A_266 : vector<16xf32>
      %add3A_390 = arith.addf %mul3A_278, %mul3A_290 : vector<16xf32>
      %add3A_391 = arith.addf %mul3A_302, %mul3A_314 : vector<16xf32>
      %add3A_392 = arith.addf %mul3A_326, %mul3A_338 : vector<16xf32>
      %add3A_393 = arith.addf %mul3A_350, %mul3A_362 : vector<16xf32>
      %add3A_394 = arith.addf %mul3A_374, %mul3A_386 : vector<16xf32>
      %add3A_395 = arith.addf %add3A_387, %add3A_388 : vector<16xf32>
      %add3A_396 = arith.addf %add3A_389, %add3A_390 : vector<16xf32>
      %add3A_397 = arith.addf %add3A_391, %add3A_392 : vector<16xf32>
      %add3A_398 = arith.addf %add3A_393, %add3A_394 : vector<16xf32>
      %add3A_399 = arith.addf %add3A_395, %add3A_396 : vector<16xf32>
      %add3A_400 = arith.addf %add3A_397, %add3A_398 : vector<16xf32>
      %add3A_401 = arith.addf %add3A_399, %add3A_400 : vector<16xf32>
      %add3A_402 = arith.addf %scan3A_195, %add3A_401 : vector<16xf32>
      scf.yield %add3A_402 : vector<16xf32>
    }
    %scan3A_192 = arith.constant 128 : i32
    %swap3A = arith.constant 0 : index
    %swap3A_193 = tpu.vector_load %arg8[%swap3A] {strides = array<i32>} : memref<16xf32, #tpu.memory_space<vmem>>, vector<16xf32>,
    tpu.vector_store %arg8[%swap3A], %scan3A_191 {strides = array<i32>} : memref<16xf32, #tpu.memory_space<vmem>>, vector<16xf32>,
    "tpu.region"() ({
      %run_scoped3A = tpu.sem_alloc : memref<!tpu.dma_semaphore, #tpu.memory_space<semaphore_mem>>
      %dma_start3A_194 = arith.constant 0 : i32
      %dma_start3A_195 = tpu.memref_slice %arg4[%add3A, %dma_start3A_194] : memref<32x16xf32, #tpu.memory_space<hbm>> -> memref<1x16xf32, #tpu.memory_space<hbm>>
      %dma_start3A_196 = tpu.memref_squeeze %dma_start3A_195 : memref<1x16xf32, #tpu.memory_space<hbm>> -> memref<16xf32, #tpu.memory_space<hbm>>
      %dma_start3A_197 = arith.constant 0 : i32
      %dma_start3A_198 = tpu.memref_slice %arg4[%add3A, %dma_start3A_197] : memref<32x16xf32, #tpu.memory_space<hbm>> -> memref<1x16xf32, #tpu.memory_space<hbm>>
      %dma_start3A_199 = tpu.memref_squeeze %dma_start3A_198 : memref<1x16xf32, #tpu.memory_space<hbm>> -> memref<16xf32, #tpu.memory_space<hbm>>
      tpu.enqueue_dma source(%arg8 : memref<16xf32, #tpu.memory_space<vmem>>) target(%dma_start3A_199 : memref<16xf32, #tpu.memory_space<hbm>>) target_semaphore(%run_scoped3A : memref<!tpu.dma_semaphore, #tpu.memory_space<semaphore_mem>>)
      %dma_wait3A_200 = arith.constant 0 : i32
      %dma_wait3A_201 = tpu.memref_slice %arg4[%add3A, %dma_wait3A_200] : memref<32x16xf32, #tpu.memory_space<hbm>> -> memref<1x16xf32, #tpu.memory_space<hbm>>
      %dma_wait3A_202 = tpu.memref_squeeze %dma_wait3A_201 : memref<1x16xf32, #tpu.memory_space<hbm>> -> memref<16xf32, #tpu.memory_space<hbm>>
      %dma_wait3A_203 = arith.constant 0 : i32
      %dma_wait3A_204 = tpu.memref_slice %arg4[%add3A, %dma_wait3A_203] : memref<32x16xf32, #tpu.memory_space<hbm>> -> memref<1x16xf32, #tpu.memory_space<hbm>>
      %dma_wait3A_205 = tpu.memref_squeeze %dma_wait3A_204 : memref<1x16xf32, #tpu.memory_space<hbm>> -> memref<16xf32, #tpu.memory_space<hbm>>
      tpu.wait_dma2 semaphore(%run_scoped3A : memref<!tpu.dma_semaphore, #tpu.memory_space<semaphore_mem>>) src(%arg8 : memref<16xf32, #tpu.memory_space<vmem>>) dst(%dma_wait3A_205 : memref<16xf32, #tpu.memory_space<hbm>>)
      tpu.yield
    }) : () -> ()
    return
  }
}

module attributes {stable_mosaic.version = 14 : i64} {
  func.func @body(%arg0: memref<32x16xf32, #tpu.memory_space<vmem>>, %arg1: memref<1x1xf32, #tpu.memory_space<smem>>, %arg2: memref<1x1xf32, #tpu.memory_space<smem>>) attributes {dimension_semantics = [], scalar_prefetch = 0 : i64, scratch_operands = 0 : i64, tpu.core_type = #tpu.core_type<tc>} {
    %get3A = arith.constant 0 : index
    %get3A_0 = arith.constant 0 : index
    %get3A_1 = vector.load %arg0[%get3A, %get3A_0] : memref<32x16xf32, #tpu.memory_space<vmem>>, vector<32x16xf32>
    %reduce_sum3A = vector.shape_cast %get3A_1 : vector<32x16xf32> to vector<1x32x16xf32>
    %reduce_sum3A_2 = arith.constant dense<0.000000e+00> : vector<1xf32>
    %reduce_sum3A_3 = vector.multi_reduction <add>, %reduce_sum3A, %reduce_sum3A_2 [1, 2] : vector<1x32x16xf32> to vector<1xf32>
    %reduce_sum3A_4 = vector.shape_cast %reduce_sum3A_3 : vector<1xf32> to vector<1x1x1xf32>
    %reduce_sum3A_5 = vector.extract %reduce_sum3A_4[0, 0, 0] : f32 from vector<1x1x1xf32>
    %get3A_6 = arith.constant 0 : index
    %get3A_7 = arith.constant 0 : index
    %get3A_8 = memref.load %arg1[%get3A_6, %get3A_7] : memref<1x1xf32, #tpu.memory_space<smem>>
    %add3A = arith.addf %reduce_sum3A_5, %get3A_8 : f32
    %mul3A = arith.constant 7.9472862E-8 : f32
    %mul3A_9 = arith.mulf %add3A, %mul3A : f32
    %swap3A = arith.constant 0 : index
    %swap3A_10 = arith.constant 0 : index
    %swap3A_11 = memref.load %arg2[%swap3A, %swap3A_10] : memref<1x1xf32, #tpu.memory_space<smem>>
    memref.store %mul3A_9, %arg2[%swap3A, %swap3A_10] : memref<1x1xf32, #tpu.memory_space<smem>>
    return
  }
}

module attributes {stable_mosaic.version = 14 : i64} {
  func.func @body(%arg0: i32, %arg1: memref<2048x512xf32, #tpu.memory_space<vmem>>, %arg2: memref<1x1xf32, #tpu.memory_space<smem>>) attributes {dimension_semantics = [#tpu.dimension_semantics<arbitrary>], iteration_bounds = array<i64: 12>, scalar_prefetch = 0 : i64, scratch_operands = 0 : i64, tpu.core_type = #tpu.core_type<tc>, window_params = [{transform_indices = @transform_0, window_bounds = array<i64: 2048, 512>}, {transform_indices = @transform_1, window_bounds = array<i64: 1, 1>}]} {
    %eq3A = arith.constant 0 : i32
    %eq3A_0 = arith.cmpi eq, %arg0, %eq3A : i32
    %convert_element_type3A = arith.extui %eq3A_0 : i1 to i32
    %cond3A = arith.constant 0 : i32
    %cond3A_1 = arith.cmpi ne, %convert_element_type3A, %cond3A : i32
    scf.if %cond3A_1 {
      %swap3A_13 = arith.constant 0.000000e+00 : f32
      %swap3A_14 = arith.constant 0 : index
      %swap3A_15 = arith.constant 0 : index
      %swap3A_16 = memref.load %arg2[%swap3A_14, %swap3A_15] : memref<1x1xf32, #tpu.memory_space<smem>>
      memref.store %swap3A_13, %arg2[%swap3A_14, %swap3A_15] : memref<1x1xf32, #tpu.memory_space<smem>>
    } else {
    }
    %get3A = arith.constant 0 : index
    %get3A_2 = arith.constant 0 : index
    %get3A_3 = memref.load %arg2[%get3A, %get3A_2] : memref<1x1xf32, #tpu.memory_space<smem>>
    %get3A_4 = arith.constant 0 : index
    %get3A_5 = arith.constant 0 : index
    %get3A_6 = vector.load %arg1[%get3A_4, %get3A_5] : memref<2048x512xf32, #tpu.memory_space<vmem>>, vector<2048x512xf32>
    %reduce_sum3A = vector.shape_cast %get3A_6 : vector<2048x512xf32> to vector<1x2048x512xf32>
    %reduce_sum3A_7 = arith.constant dense<0.000000e+00> : vector<1xf32>
    %reduce_sum3A_8 = vector.multi_reduction <add>, %reduce_sum3A, %reduce_sum3A_7 [1, 2] : vector<1x2048x512xf32> to vector<1xf32>
    %reduce_sum3A_9 = vector.shape_cast %reduce_sum3A_8 : vector<1xf32> to vector<1x1x1xf32>
    %reduce_sum3A_10 = vector.extract %reduce_sum3A_9[0, 0, 0] : f32 from vector<1x1x1xf32>
    %add3A = arith.addf %get3A_3, %reduce_sum3A_10 : f32
    %swap3A = arith.constant 0 : index
    %swap3A_11 = arith.constant 0 : index
    %swap3A_12 = memref.load %arg2[%swap3A, %swap3A_11] : memref<1x1xf32, #tpu.memory_space<smem>>
    memref.store %add3A, %arg2[%swap3A, %swap3A_11] : memref<1x1xf32, #tpu.memory_space<smem>>
    return
  }
  func.func @transform_0(%arg0: i32) -> (i32, i32) {
    %c0_i32 = arith.constant 0 : i32
    %c0_i32_0 = arith.constant 0 : i32
    return %arg0, %c0_i32 : i32, i32
  }
  func.func @transform_1(%arg0: i32) -> (i32, i32) {
    %c0_i32 = arith.constant 0 : i32
    %c0_i32_0 = arith.constant 0 : i32
    %c0_i32_1 = arith.constant 0 : i32
    return %c0_i32, %c0_i32_0 : i32, i32
  }
}

</mosaic_0001>

<sc_bundles>
// kernel: kernel.5.cloned.1.call-start
scs
__scs_entry_jumppad:
0x0: {  	(pc) =	sbr.rel $0x88, $3  }
0x1: {  	(tag) =	ssettag $0x0;
	lr =	simm.s32 $0x1  }
0x2: {  	[smem:$0x3F9F] =	sst lr;
	_ =	strace $0xD0000000  }
0x3: {  	_ = 	snop  }
0x4: {  	_ = 	snop  }
0x5: {  	_ = 	snop  }
0x6: {  	_ = 	snop  }
0x7: {  	_ = 	snop  }
__scs_overlays_trampoline_lowered:
0x8: {  	[smem:$0x3FAE] =	sst s0  }
0x9: {  	[smem:$0x3FAF] =	sst s1  }
0xa: {  	[smem:$0x3FB0] =	sst s2  }
0xb: {  	[smem:$0x3FB1] =	sst s3  }
0xc: {  	[smem:$0x3FB2] =	sst s4  }
0xd: {  	[smem:$0x3FB3] =	sst s5  }
0xe: {  	[smem:$0x3FB4] =	sst s6  }
0xf: {  	[smem:$0x3FB5] =	sst s7  }
0x10: {  	[smem:$0x3FB6] =	sst s8  }
0x11: {  	[smem:$0x3FB7] =	sst s9;
	s0 =	simm.s32 @!p0 $0x0  }
0x12: {  	s1 =	sld [smem:$0x3F9D];
	s0 =	simm.s32 @p0 $0x1  }
0x13: {  	[smem:$0x3FB8] =	sst s0;
	s0 =	simm.s32 @!p1 $0x0  }
0x14: {  	s2 =	sld [smem:$0x3F9C];
	s0 =	simm.s32 @p1 $0x1  }
0x15: {  	[smem:$0x3FB9] =	sst s0;
	s0 =	simm.s32 @!p2 $0x0  }
0x16: {  	s3 =	sld [smem:$0x3FDB];
	s0 =	simm.s32 @p2 $0x1  }
0x17: {  	s4 =	simm.s32 $0x1BF5;
	[smem:$0x3FBB] =	sst s0  }
0x18: {  	s0 =	sld [smem:$0x3F9E];
	_ =	swait.ge [sflag:s4], $0x0  }
0x19: {  	s7 =	sld [smem:$0x3F9F]  }
0x1a: {  	s8 =	sadd.s32 $0xFFFFE003, lr  }
0x1b: {  	s9 =	sadd.s32 $0xFFFFFEF7, lr;
	s5 =	simm.s32 $0xFFFFFFFF;
	p2 =	slt.u32 s8, $0xFFFFF086  }
0x1c: {  	p1 =	slt.u32 s9, $0xF7A;
	s5 =	simm.s32 @!p2 $0x0  }
0x1d: {  	s5 =	simm.s32 @p1 $0x1;
	p0 =	seq.s32 s7, s2  }
0x1e: {  	s7 =	smul.u32 @!p0 $0xF7A, s2;
	p2 =	seq.s32 @!p0 s5, $0x0  }
0x1f: {  	s9 =	smul.u32 $0xF7A, s1;
	s8 =	simm.s32 @!p0 $0x1BF5;
	p2 =	por !p2, p0  }
0x20: {  	[sflag:s8] =	ssyncset.s32 @!p0 $0xFFFFF086;
	s6 =	sadd.s32 @!p0 s3, s7;
	s7 =	simm.s32 @!p0 $0x108  }
0x21: {  	s3 =	sadd.s32 s3, s9;
	s6 =	sadd.s32 @!p0 $0x88, s6;
	s7 =	simm.s32 @p2 $0x1082  }
0x22: {  	[simem:s7], [sflag:s8] =	dma.local @!p0 [hbm:s6], $0xF7A  }
0x23: {  	s9 =	sor.u32 $0xD0000000, s2;
	s6 =	simm.s32 $0x108;
	_ =	swait.ge @!p0 [sflag:s8], $0x0  }
0x24: {  	s3 =	sadd.s32 $0x88, s3;
	s6 =	simm.s32 @!p1 $0x1082;
	[sflag:s4] =	ssyncset.s32 $0xFFFFF086  }
0x25: {  	[simem:s6], [sflag:s4] =	dma.local [hbm:s3], $0xF7A  }
0x26: {  	[smem:$0x3F9F] =	sst s1;
	(tag) =	ssettag s2;
	_ =	strace s9  }
0x27: {  	s1 =	sld [smem:$0x3FAF]  }
0x28: {  	s2 =	sld [smem:$0x3FB0]  }
0x29: {  	s4 =	sld [smem:$0x3FB2]  }
0x2a: {  	p0 =	seq.s32 s5, $0x0;
	s5 =	sld [smem:$0x3FB3]  }
0x2b: {  	s6 =	sld [smem:$0x3FB4]  }
0x2c: {  	s7 =	sld [smem:$0x3FB5]  }
0x2d: {  	s3 =	simm.s32 $0x108;
	s8 =	sld [smem:$0x3FB6]  }
0x2e: {  	s3 =	simm.s32 @!p0 $0x1082;
	s9 =	sld [smem:$0x3FB7]  }
0x2f: {  	lr =	sadd.s32 s0, s3;
	s0 =	sld [smem:$0x3FAE]  }
0x30: {  	s3 =	sld [smem:$0x3FB1]  }
0x31: {  	[smem:$0x3FBA] =	sst s10  }
0x32: {  	s10 =	sld [smem:$0x3FB8];
	_ =	sdelay $0x3  }
0x33: {  	p0 =	seq.s32 s10, $0x1;
	s10 =	sld [smem:$0x3FBA];
	_ =	sdelay $0x3  }
0x34: {  	[smem:$0x3FBA] =	sst s10  }
0x35: {  	s10 =	sld [smem:$0x3FB9];
	_ =	sdelay $0x3  }
0x36: {  	p1 =	seq.s32 s10, $0x1;
	s10 =	sld [smem:$0x3FBA];
	_ =	sdelay $0x3  }
0x37: {  	[smem:$0x3FBA] =	sst s10  }
0x38: {  	s10 =	sld [smem:$0x3FBB]  }
0x39: {  	_ = 	snop;
	(pc) =	sbr.ind lr, $3  }
0x3a: {  	_ = 	snop  }
0x3b: {  	_ = 	snop  }
0x3c: {  	p2 =	seq.s32 s10, $0x1;
	s10 =	sld [smem:$0x3FBA]  }
0x3d: {  	_ =	shalt  }
0x3e: {  	_ =	shalt  }
0x3f: {  	_ =	shalt  }
0x40: {  	_ =	shalt  }
0x41: {  	_ =	shalt  }
0x42: {  	_ =	shalt  }
0x43: {  	_ =	shalt  }
0x44: {  	_ =	shalt  }
0x45: {  	_ =	shalt  }
0x46: {  	_ =	shalt  }
0x47: {  	_ =	shalt  }
0x48: {  	_ =	shalt  }
0x49: {  	_ =	shalt  }
0x4a: {  	_ =	shalt  }
0x4b: {  	_ =	shalt  }
0x4c: {  	_ =	shalt  }
0x4d: {  	_ =	shalt  }
0x4e: {  	_ =	shalt  }
0x4f: {  	_ =	shalt  }
0x50: {  	_ =	shalt  }
0x51: {  	_ =	shalt  }
0x52: {  	_ =	shalt  }
0x53: {  	_ =	shalt  }
0x54: {  	_ =	shalt  }
0x55: {  	_ =	shalt  }
0x56: {  	_ =	shalt  }
0x57: {  	_ =	shalt  }
0x58: {  	_ =	shalt  }
0x59: {  	_ =	shalt  }
0x5a: {  	_ =	shalt  }
0x5b: {  	_ =	shalt  }
0x5c: {  	_ =	shalt  }
0x5d: {  	_ =	shalt  }
0x5e: {  	_ =	shalt  }
0x5f: {  	_ =	shalt  }
0x60: {  	_ =	shalt  }
0x61: {  	_ =	shalt  }
0x62: {  	_ =	shalt  }
0x63: {  	_ =	shalt  }
0x64: {  	_ =	shalt  }
0x65: {  	_ =	shalt  }
0x66: {  	_ =	shalt  }
0x67: {  	_ =	shalt  }
0x68: {  	_ =	shalt  }
0x69: {  	_ =	shalt  }
0x6a: {  	_ =	shalt  }
0x6b: {  	_ =	shalt  }
0x6c: {  	_ =	shalt  }
0x6d: {  	_ =	shalt  }
0x6e: {  	_ =	shalt  }
0x6f: {  	_ =	shalt  }
0x70: {  	_ =	shalt  }
0x71: {  	_ =	shalt  }
0x72: {  	_ =	shalt  }
0x73: {  	_ =	shalt  }
0x74: {  	_ =	shalt  }
0x75: {  	_ =	shalt  }
0x76: {  	_ =	shalt  }
0x77: {  	_ =	shalt  }
0x78: {  	_ =	shalt  }
0x79: {  	_ =	shalt  }
0x7a: {  	_ =	shalt  }
0x7b: {  	_ =	shalt  }
0x7c: {  	_ =	shalt  }
0x7d: {  	_ =	shalt  }
0x7e: {  	_ =	shalt  }
0x7f: {  	_ =	shalt  }
0x80: {  	_ =	shalt  }
0x81: {  	_ =	shalt  }
0x82: {  	_ =	shalt  }
0x83: {  	_ =	shalt  }
0x84: {  	_ =	shalt  }
0x85: {  	_ =	shalt  }
0x86: {  	_ =	shalt  }
0x87: {  	_ =	shalt  }
.Lfunc_end0:
.L_simem_size_0:
called_computation_lowered:
.L_overlay_start_0:
0x88: {  	s2 =	sld [smem:$0x3FD9]  }
0x89: {  	s3 =	sld [smem:$0x3FFE];
	_ =	sdelay $0x1  }
0x8a: {  	s1 =	srdreg.scid  }
0x8b: {  	s0 =	sand.u32 $0x1, s1  }
0x8c: {  	s17 =	sshll.u32 s0, $0xA;
	s2 =	sadd.s32 s3, s2  }
0x8d: {  	s2 =	sadd.s32 s2, s17  }
0x8e: {  	[smem:$0x3FC6] =	sst s2  }
0x8f: {  	_ = 	snop  }
0x90: {  	s2 =	sld [smem:$0x3FC9]  }
0x91: {  	s18 =	sld [smem:$0x3FC8];
	(tm) =	ssettm $0x1  }
0x92: {  	s4 =	sld [smem:$0x3FFB];
	_ =	sdelay $0x3  }
0x93: {  	_ =	strace s4  }
0x94: {  	s4 =	sld [smem:$0x3FFC];
	_ =	sdelay $0x3  }
0x95: {  	_ =	strace s4  }
0x96: {  	s4 =	sld [smem:$0x3FFD];
	_ =	sdelay $0x3  }
0x97: {  	_ =	strace s4  }
0x98: {  	_ =	strace $0x8FFFFFFF  }
0x99: {  	s19 =	sld [smem:$0x3FDB];
	_ =	sdelay $0x1  }
0x9a: {  	s5 =	simm.s32 $_scs_section_size  }
0x9b: {  	s6 =	simm.s32 $_size__tile_overlayer_lowered;
	s7 =	simm.s32 $_tile_overlayer_lowered  }
0x9c: {  	s22 =	simm.s32 $0x1BFF;
	s21 =	sshll.u32 s7, $0x1;
	s4 =	sadd.s32 s5, s19  }
0x9d: {  	s8 =	simm.s32 $0x0;
	s20 =	sshll.u32 s6, $0x1;
	s6 =	sadd.s32 s21, s4  }
0x9e: {  	[timem:s8], [sflag:s22] =	dma.local [hbm:s6], s20  }
0x9f: {  	_ =	swait.ge [sflag:s22], s20  }
0xa0: {  	s5 =	ssub.s32 $0x0, s20;
	[sflag:s22] =	ssyncset.done $0x0  }
0xa1: {  	[sflag:s22] =	ssyncadd.s32 s5;
	_ =	sdelay $0x1  }
0xa2: {  	s23 =	simm.s32 $0x1B8B  }
0xa3: {  	_ =	swait.ge [sflag:s23], $0x1  }
0xa4: {  	[sflag:s23] =	ssyncset.done $0x0  }
0xa5: {  	s25 =	simm.s32 $0x1B8E;
	s24 =	sld [smem:$0x3FFE];
	[sflag:s23] =	ssyncadd.s32 $0xFFFFFFFF  }
0xa6: {  	s26 =	simm.s32 $execute0_lowered;
	[smem:$0x3FD2] =	sst s25  }
0xa7: {  	s6 =	sshll.u32 s26, $0x1;
	_ =	strace $0x80000046;
	[dreg:$0x1] =	wrdreg $0xFFFFFFFF  }
0xa8: {  	s28 =	simm.s32 $_size_execute0_lowered;
	s4 =	sadd.s32 s4, s6;
	[dreg:$0x0] =	wrdreg $0x0  }
0xa9: {  	s6 =	sshll.u32 s28, $0x1;
	[dreg:$0x2] =	wrdreg s4  }
0xaa: {  	[dreg:$0x3] =	wrdreg s6  }
0xab: {  	[dreg:$0x4] =	wrdreg $0xC0  }
0xac: {  	_ =	task [dreg:s8], $0x5FFFF  }
0xad: {  	[dreg:$0x1] =	wrdreg $0xFFFFFFFF  }
0xae: {  	[dreg:$0x0] =	wrdreg $0x60  }
0xaf: {  	[dreg:$0x2] =	wrdreg s2  }
0xb0: {  	[dreg:$0x3] =	wrdreg s18  }
0xb1: {  	[dreg:$0x4] =	wrdreg s24  }
0xb2: {  	[dreg:$0x5] =	wrdreg $0x9  }
0xb3: {  	_ =	task.clear_ibuf [dreg:s8], $0x6FFFF;
	_ =	strace $0x90000046  }
0xb4: {  	s29 =	simm.s32 $0x9;
	_ =	strace $0x80000048  }
0xb5: {  	_ =	swait.ge [sflag:s29], $0x1  }
0xb6: {  	[sflag:s29] =	ssyncadd.s32 $0xFFFFFFFF  }
0xb7: {  	_ =	strace $0x90000048  }
0xb8: {  	_ =	sfence  }
0xb9: {  	s30 =	sld [smem:$0x0];
	_ =	sdelay $0x2  }
0xba: {  	s31 =	sshll.u32 s1, $0xD;
	s1 =	sshrl.u32 s1, $0x2  }
0xbb: {  	s3 =	sand.u32 $0x4000, s31;
	s1 =	sadd.s32 s1, s30  }
0xbc: {  	s0 =	sor.u32 s3, s0;
	s1 =	sshll.u32 s1, $0x11  }
0xbd: {  	s0 =	sor.u32 s1, s0  }
0xbe: {  	s0 =	sadd.s32 $0x8F2B, s0  }
0xbf: {  	[sflag:s0] =	ssyncadd.remote.s32 $0x1  }
0xc0: {  	_ =	sfence.sel $0xFFFF  }
0xc1: {  	[dreg:$0x0] =	wrdreg $0xFFFFFFFF;
	(pc) =	sbr.abs _section_cstart, $3  }
0xc2: {  	[dreg:$0x1] =	wrdreg $0xFFFFFFFF  }
0xc3: {  	_ =	task.clear_ibuf [dreg:s8], $0x2FFFF;
	_ =	strace $0x9FFFFFFF  }
0xc4: {  	(tm) =	ssettm $0x7FFFFFFF  }
0xc5: {  	_ =	shalt  }
tec
execute0_lowered:
.L_overlay_start_1:
0x0: {  	(tag) =	ssettag $0x1  }
0x1: {  	s7 =	rddreg [dreg:$0x0]  }
0x2: {  	s2 =	rddreg [dreg:$0x1];
	s1 =	srdreg.scid  }
0x3: {  	s0 =	stileid.u32;
	s4 =	rddreg [dreg:$0x2]  }
0x4: {  	s3 =	simm.s32 $0x0;
	s18 =	simm.s32 $0x3;
	s19 =	simm.s32 $0x100  }
0x5: {  	s20 =	simm.s32 $0x8100;
	s21 =	simm.s32 $0x1;
	s22 =	simm.s32 $0x2  }
0x6: {  	s23 =	simm.s32 $0x10100;
	s5 =	sand.u32 $0x1, s1;
	s6 =	sshll.u32 s0, $0x1  }
0x7: {  	s24 =	simm.s32 $0x0;
	[smem:$0x7FF] =	sst s3;
	s6 =	sor.u32 s5, s6  }
0x8: {  	s5 =	ssub.s32 $0x2, s5;
	_ =	strace $0x80000047;
	s8 =	smul.u32 $0xC000, s6  }
0x9: {  	s9 =	sshll.u32 s6, $0x4;
	s6 =	smul.u32 $0x60000, s6;
	s30 =	sshrl.u32 s5, $0x1  }
0xa: {  	s16 =	sadd.s32 s9, s4;
	s17 =	ssub.s32 s5, s30;
	s4 =	sadd.s32 s7, s8  }
0xb: {  	s31 =	sshrl.u32 s6, $0x3;
	s16 =	sadd.s32 $0x600, s16;
	s17 =	smax.u32 s17, $0x1  }
0xc: {  	s5 =	sadd.s32 $0x1000, s4;
	s6 =	sadd.s32 $0x2000, s4;
	s15 =	sadd.s32 s7, s31  }
0xd: {  	s7 =	sadd.s32 $0x3000, s4;
	s8 =	sadd.s32 $0x4000, s15;
	s9 =	sadd.s32 $0x5000, s15  }
0xe: {  	s10 =	sadd.s32 $0x6000, s15;
	s11 =	sadd.s32 $0x7000, s15;
	s12 =	sadd.s32 $0x8000, s15  }
0xf: {  	s13 =	sadd.s32 $0x9000, s15;
	s14 =	sadd.s32 $0xA000, s15;
	s15 =	sadd.s32 $0xB000, s15  }
.LBB2_1:
0x10: {  	[tilespmem:s3], [sflag:$0x3] =	stream.linear.gather [hbm4b:s2+s3], $0x100, $0x38;
	[tilespmem:$0x10180] =	vst v63  }
0x11: {  	_ =	swait.ge [sflag:s18], $0x100  }
0x12: {  	[sflag:s18] =	ssyncset.done $0x0  }
0x13: {  	[sflag:s18] =	ssyncadd.s32 $0xFFFFFF00  }
0x14: {  	[tilespmem:s19], [sflag:$0x1] =	stream.linear.gather [hbm4b:s4+s3], $0x8000, $0x38;
	[tilespmem:$0x10180] =	vst v63  }
0x15: {  	s25 =	sand.u32 $0x2000, s3;
	s26 =	simm.s32 $0x0;
	s28 =	simm.s32 $0x0  }
0x16: {  	[tilespmem:s20], [sflag:$0x2] =	stream.linear.gather [hbm4b:s5+s3], $0x8000, $0x38;
	[tilespmem:$0x10180] =	vst v63  }
0x17: {  	s26 =	sand.u32 $0x7000, s26;
	s25 =	sshrl.u32 s25, $0x2;
	_ =	swait.ge [sflag:s21], $0x8000  }
0x18: {  	s28 =	sand.u32 $0x380, s28;
	s25 =	sor.u32 s25, s26;
	[sflag:s21] =	ssyncset.done $0x0  }
0x19: {  	s26 =	sor.u32 s25, s28;
	[sflag:s21] =	ssyncadd.s32 $0xFFFF8000  }
0x1a: {  	v0 =	vld [tilespmem:s26+$0x500]  }
0x1b: {  	v4 =	vld [tilespmem:s26+$0x140]  }
0x1c: {  	v3 =	vld [tilespmem:s26+$0x170]  }
0x1d: {  	v2 =	vld [tilespmem:s26+$0x150]  }
0x1e: {  	v1 =	vld [tilespmem:s26+$0x160]  }
0x1f: {  	v15 =	vld [tilespmem:s26+$0x100];
	_ =	sdelay $0x1  }
0x20: {  	v8 =	vld [tilespmem:s26+$0x550];
	v5 =	vmul.f32 $2.550000000e+02, v0;
	v6 =	vmul.f32 $2.550000000e+02, v4  }
0x21: {  	v14 =	vld [tilespmem:s26+$0x560];
	v7 =	vmul.f32 $2.550000000e+02, v3;
	v10 =	vmul.f32 $2.550000000e+02, v2  }
0x22: {  	s30 =	simm.s32 $0x2000;
	v25 =	vld [tilespmem:s26+$0x530];
	v12 =	vmul.f32 $2.550000000e+02, v1;
	v5 =	vtrunc.f32 v5  }
0x23: {  	s31 =	simm.s32 $0x100;
	s25 =	sand.u32 $0x2000, s30;
	v19 =	vld [tilespmem:s26+$0x120];
	v13 =	vmul.f32 $2.550000000e+02, v15;
	v5 =	vcvt.f32.s32 v5  }
0x24: {  	s29 =	simm.s32 $0x40;
	s28 =	sand.u32 $0x7000, s31;
	s25 =	sshrl.u32 s25, $0x2;
	v22 =	vld [tilespmem:s26+$0x510];
	v6 =	vtrunc.f32 v6;
	v7 =	vtrunc.f32 v7  }
0x25: {  	s29 =	sand.u32 $0x380, s29;
	s25 =	sor.u32 s25, s28;
	v28 =	vld [tilespmem:s26+$0x520];
	v10 =	vtrunc.f32 v10;
	v18 =	vtrunc.f32 v12  }
0x26: {  	s25 =	sor.u32 s25, s29;
	v30 =	vld [tilespmem:s26+$0x540];
	v9 =	vcvt.f32.s32 v6;
	v6 =	vmul.f32 $2.550000000e+02, v8  }
0x27: {  	v43 =	vld [tilespmem:s25+$0x500];
	v12 =	vmul.f32 $2.550000000e+02, v25;
	v7 =	vcvt.f32.s32 v7  }
0x28: {  	v16 =	vld [tilespmem:s26+$0x130];
	v35 =	vcvt.f32.s32 v10;
	v6 =	vtrunc.f32 v6  }
0x29: {  	v10 =	vtrunc.f32 v12;
	v11 =	vcvt.f32.s32 v6;
	v5 =	vld.idx.msk [tilespmem:v5+s3+$0x0], $0xffff  }
0x2a: {  	v26 =	vld [tilespmem:s26+$0x110];
	v17 =	vmul.f32 $2.550000000e+02, v14;
	v23 =	vcvt.f32.s32 v10  }
0x2b: {  	v24 =	vmul.f32 $2.550000000e+02, v28;
	v33 =	vmul.f32 $2.550000000e+02, v30;
	v6 =	vld [tilespmem:s26+$0x570]  }
0x2c: {  	v38 =	vmul.f32 $2.550000000e+02, v43;
	v20 =	vld.idx.msk [tilespmem:v9+s3+$0x0], $0xffff;
	v9 =	vmul.f32 $2.550000000e+02, v22  }
0x2d: {  	v17 =	vtrunc.f32 v17;
	v12 =	vmul.f32 $2.550000000e+02, v19;
	v7 =	vld.idx.msk [tilespmem:v7+s3+$0x0], $0xffff  }
0x2e: {  	v13 =	vtrunc.f32 v13;
	v35 =	vld.idx.msk [tilespmem:v35+s3+$0x0], $0xffff;
	v9 =	vtrunc.f32 v9;
	v0 =	vsub.f32 v0, v5  }
0x2f: {  	v21 =	vld.idx.msk [tilespmem:v11+s3+$0x0], $0xffff;
	v27 =	vcvt.f32.s32 v9;
	v9 =	vtrunc.f32 v12  }
0x30: {  	v36 =	vld.idx.msk [tilespmem:v23+s3+$0x0], $0xffff;
	v5 =	vmul.f32 $2.550000000e+02, v16;
	v10 =	vmul.f32 v0, v0  }
0x31: {  	v12 =	vld [tilespmem:s25+$0x170];
	v0 =	vcvt.f32.s32 v17;
	v17 =	vcvt.f32.s32 v9  }
0x32: {  	v13 =	vcvt.f32.s32 v13;
	v31 =	vmul.f32 $2.550000000e+02, v6;
	v11 =	vld [tilespmem:s25+$0x550];
	v7 =	vsub.f32 v3, v7  }
0x33: {  	v3 =	vld [tilespmem:s25+$0x160];
	v20 =	vsub.f32 v4, v20;
	v29 =	vtrunc.f32 v5;
	v5 =	vmul.f32 $2.550000000e+02, v26  }
0x34: {  	v9 =	vld [tilespmem:s25+$0x560];
	v4 =	vmul.f32 v7, v7;
	v8 =	vsub.f32 v8, v21;
	v21 =	vtrunc.f32 v33  }
0x35: {  	v32 =	vtrunc.f32 v5;
	v5 =	vmul.f32 v20, v20;
	v20 =	vld [tilespmem:s25+$0x140]  }
0x36: {  	v7 =	vld [tilespmem:s25+$0x150];
	v37 =	vmul.f32 $2.550000000e+02, v12;
	v32 =	vcvt.f32.s32 v32  }
0x37: {  	v44 =	vmul.f32 $2.550000000e+02, v11;
	v21 =	vcvt.f32.s32 v21;
	v34 =	vld.idx.msk [tilespmem:v17+s3+$0x0], $0xffff  }
0x38: {  	v17 =	vcvt.f32.s32 v29;
	v29 =	vld.idx.msk [tilespmem:v13+s3+$0x0], $0xffff;
	v13 =	vtrunc.f32 v24  }
0x39: {  	v0 =	vld.idx.msk [tilespmem:v0+s3+$0x0], $0xffff;
	v24 =	vcvt.f32.s32 v18;
	v60 =	vcvt.f32.s32 v13  }
0x3a: {  	v27 =	vld.idx.msk [tilespmem:v27+s3+$0x0], $0xffff;
	v18 =	vtrunc.f32 v31;
	v31 =	vmul.f32 $2.550000000e+02, v20  }
0x3b: {  	v23 =	vmul.f32 $2.550000000e+02, v3;
	v37 =	vtrunc.f32 v37;
	v13 =	vld [tilespmem:s25+$0x100]  }
0x3c: {  	v39 =	vcvt.f32.s32 v18;
	v32 =	vld.idx.msk [tilespmem:v32+s3+$0x0], $0xffff;
	v18 =	vtrunc.f32 v31  }
0x3d: {  	v47 =	vcvt.f32.s32 v37;
	v41 =	vcvt.f32.s32 v18;
	v18 =	vld [tilespmem:s25+$0x120]  }
0x3e: {  	v0 =	vsub.f32 v14, v0;
	v14 =	vmul.f32 $2.550000000e+02, v7;
	v31 =	vld.idx.msk [tilespmem:v17+s3+$0x0], $0xffff;
	v17 =	vtrunc.f32 v38  }
0x3f: {  	v8 =	vmul.f32 v8, v8;
	v22 =	vsub.f32 v22, v27;
	v38 =	vcvt.f32.s32 v17;
	v33 =	vld.idx.msk [tilespmem:v60+s3+$0x0], $0xffff  }
0x40: {  	v23 =	vtrunc.f32 v23;
	v15 =	vsub.f32 v15, v29;
	v45 =	vtrunc.f32 v14;
	v14 =	vld [tilespmem:s25+$0x530]  }
0x41: {  	v46 =	vmul.f32 $2.550000000e+02, v9;
	v40 =	vld.idx.msk [tilespmem:v21+s3+$0x0], $0xffff;
	v27 =	vmul.f32 v22, v22  }
0x42: {  	v22 =	vtrunc.f32 v44;
	v19 =	vsub.f32 v19, v34;
	v42 =	vmul.f32 v15, v15;
	v15 =	vld [tilespmem:s25+$0x510]  }
0x43: {  	v34 =	vld.idx.msk [tilespmem:v47+s3+$0x0], $0xffff;
	v29 =	vmul.f32 $2.550000000e+02, v13;
	v21 =	vmul.f32 v0, v0;
	v31 =	vsub.f32 v16, v31  }
0x44: {  	v62 =	vmul.f32 v19, v19;
	v26 =	vsub.f32 v26, v32;
	v32 =	vld.idx.msk [tilespmem:v41+s3+$0x0], $0xffff;
	v41 =	vmul.f32 $2.550000000e+02, v18  }
0x45: {  	v28 =	vsub.f32 v28, v33;
	v63 =	vmul.f32 $2.550000000e+02, v14;
	v48 =	vld.idx.msk [tilespmem:v38+s3+$0x0], $0xffff;
	v61 =	vmul.f32 v31, v31  }
0x46: {  	v17 =	vld [tilespmem:s25+$0x130];
	v31 =	vsub.f32 v25, v36;
	v38 =	vcvt.f32.s32 v22;
	v22 =	vmul.f32 v26, v26  }
0x47: {  	v19 =	vld [tilespmem:s25+$0x520];
	v26 =	vsub.f32 v30, v40;
	v30 =	vmul.f32 $2.550000000e+02, v15;
	v40 =	vtrunc.f32 v46  }
0x48: {  	v16 =	vld [tilespmem:s25+$0x110];
	v36 =	vmul.f32 v28, v28;
	v37 =	vadd.f32 v22, v42;
	v22 =	vcvt.f32.s32 v45  }
0x49: {  	v0 =	vimm.f32 $0.0e+00;
	v33 =	vld.idx.msk [tilespmem:v39+s3+$0x0], $0xffff;
	v42 =	vtrunc.f32 v30;
	v30 =	vtrunc.f32 v63  }
0x4a: {  	s29 =	simm.s32 $0x2;
	s26 =	simm.s32 $0x4000;
	v25 =	vld [tilespmem:s25+$0x570];
	v39 =	vadd.f32 v61, v62;
	v30 =	vcvt.f32.s32 v30;
	v28 =	vsub.f32 v43, v48  }
.LBB2_2:
0x4b: {  	s30 =	sand.u32 $0x2000, s26  }
0x4c: {  	s31 =	sshll.u32 s29, $0x8;
	v42 =	vcvt.f32.s32 v42;
	v38 =	vld.idx.msk [tilespmem:v38+s3+$0x0], $0xffff;
	v31 =	vmul.f32 v31, v31;
	v37 =	vadd.f32 v39, v37;
	s1 =	smov.u32 s29;
	s28 =	sadd.s32 $0x1, s29  }
0x4d: {  	v20 =	vsub.f32 v20, v32;
	s31 =	sand.u32 $0x7000, s31;
	s1 =	sshll.u32 s1, $0x6;
	s30 =	sshrl.u32 s30, $0x2;
	v32 =	vmul.f32 v28, v28;
	v39 =	vmul.f32 $2.550000000e+02, v19;
	v24 =	vld.idx.msk [tilespmem:v24+s3+$0x0], $0xffff  }
0x4e: {  	p0 =	sne.s32 s29, $0x7F;
	v43 =	vmul.f32 $2.550000000e+02, v17;
	v40 =	vcvt.f32.s32 v40;
	s1 =	sand.u32 $0x380, s1;
	s30 =	sor.u32 s30, s31;
	v31 =	vadd.f32 v31, v36  }
0x4f: {  	v29 =	vtrunc.f32 v29;
	v36 =	vtrunc.f32 v41;
	v33 =	vsub.f32 v6, v33;
	v6 =	vmovc v25;
	v41 =	vld [tilespmem:s25+$0x540];
	s25 =	sor.u32 s30, s1  }
0x50: {  	v25 =	vcvt.f32.s32 v29;
	v29 =	vtrunc.f32 v43;
	v34 =	vsub.f32 v12, v34;
	v28 =	vld [tilespmem:s25+$0x500]  }
0x51: {  	v44 =	vmul.f32 $2.550000000e+02, v16;
	v36 =	vcvt.f32.s32 v36;
	v35 =	vsub.f32 v2, v35;
	v2 =	vmovc v7;
	v43 =	vld [tilespmem:s25+$0x550]  }
0x52: {  	v33 =	vmul.f32 v33, v33;
	v7 =	vadd.f32 v27, v10;
	v10 =	vmovc v32;
	v34 =	vmul.f32 v34, v34;
	v12 =	vld [tilespmem:s25+$0x170]  }
0x53: {  	v32 =	vsub.f32 v11, v38;
	v38 =	vmul.f32 $2.550000000e+02, v6;
	v46 =	vsub.f32 v1, v24;
	v1 =	vmovc v3;
	v27 =	vld [tilespmem:s25+$0x560]  }
0x54: {  	v26 =	vmul.f32 v26, v26;
	v24 =	vtrunc.f32 v44;
	v31 =	vadd.f32 v31, v7;
	v3 =	vld [tilespmem:s25+$0x160]  }
0x55: {  	v44 =	vmul.f32 v20, v20;
	v35 =	vmul.f32 v35, v35;
	v21 =	vadd.f32 v33, v21;
	v7 =	vld [tilespmem:s25+$0x150]  }
0x56: {  	v26 =	vadd.f32 v8, v26;
	v33 =	vmul.f32 $2.550000000e+02, v41;
	v45 =	vmul.f32 v46, v46;
	v40 =	vld.idx.msk [tilespmem:v40+s3+$0x0], $0xffff;
	v11 =	vmovc v43  }
0x57: {  	v8 =	vmul.f32 v32, v32;
	v43 =	vcvt.f32.s32 v24;
	v24 =	vadd.f32 v35, v5;
	v5 =	vmovc v44;
	v20 =	vld [tilespmem:s25+$0x140]  }
0x58: {  	v29 =	vcvt.f32.s32 v29;
	v33 =	vtrunc.f32 v33;
	v35 =	vadd.f32 v4, v45;
	v4 =	vmovc v34;
	v32 =	vld.idx.msk [tilespmem:v36+s3+$0x0], $0xffff  }
0x59: {  	v21 =	vadd.f32 v21, v26;
	v34 =	vtrunc.f32 v39;
	v33 =	vcvt.f32.s32 v33;
	v25 =	vld.idx.msk [tilespmem:v25+s3+$0x0], $0xffff  }
0x5a: {  	v34 =	vcvt.f32.s32 v34;
	v35 =	vadd.f32 v35, v24;
	v26 =	vmul.f32 $2.550000000e+02, v3;
	v30 =	vld.idx.msk [tilespmem:v30+s3+$0x0], $0xffff  }
0x5b: {  	v21 =	vadd.f32 v21, v31;
	v24 =	vcvt.f32.s32 v23;
	v23 =	vtrunc.f32 v38;
	v36 =	vld.idx.msk [tilespmem:v42+s3+$0x0], $0xffff  }
0x5c: {  	v39 =	vmul.f32 $2.550000000e+02, v12;
	v35 =	vadd.f32 v35, v37;
	v31 =	vld [tilespmem:s25+$0x100];
	v38 =	vmul.f32 $2.550000000e+02, v20  }
0x5d: {  	v37 =	vmul.f32 $2.550000000e+02, v28;
	v40 =	vsub.f32 v9, v40;
	v9 =	vmovc v27;
	v42 =	vld.idx.msk [tilespmem:v43+s3+$0x0], $0xffff;
	v43 =	vcvt.f32.s32 v23  }
0x5e: {  	v27 =	vmul.f32 $2.550000000e+02, v7;
	v23 =	vtrunc.f32 v38;
	v38 =	vld.idx.msk [tilespmem:v29+s3+$0x0], $0xffff;
	v29 =	vadd.f32 v21, v35  }
0x5f: {  	v21 =	vtrunc.f32 v37;
	v35 =	vcvt.f32.s32 v23;
	v23 =	vsub.f32 v13, v25;
	v25 =	vld.idx.msk [tilespmem:v33+s3+$0x0], $0xffff  }
0x60: {  	v33 =	vcvt.f32.s32 v21;
	v21 =	vmul.f32 v40, v40;
	v34 =	vld.idx.msk [tilespmem:v34+s3+$0x0], $0xffff;
	v0 =	vadd.f32 v29, v0  }
0x61: {  	v39 =	vtrunc.f32 v39;
	v37 =	vld [tilespmem:s25+$0x120];
	v44 =	vmul.f32 v23, v23;
	v13 =	vmov v31  }
0x62: {  	v45 =	vmul.f32 $2.550000000e+02, v11;
	v46 =	vsub.f32 v18, v32;
	v29 =	vmul.f32 $2.550000000e+02, v13;
	v40 =	vld [tilespmem:s25+$0x130]  }
0x63: {  	v47 =	vtrunc.f32 v27;
	v49 =	vsub.f32 v15, v36;
	v23 =	vtrunc.f32 v26;
	v15 =	vld [tilespmem:s25+$0x510]  }
0x64: {  	v36 =	vmul.f32 $2.550000000e+02, v9;
	v31 =	vsub.f32 v14, v30;
	v50 =	vsub.f32 v17, v38;
	v14 =	vld [tilespmem:s25+$0x530]  }
0x65: {  	v30 =	vcvt.f32.s32 v39;
	v32 =	vsub.f32 v16, v42;
	v27 =	vmul.f32 v49, v49;
	v16 =	vld [tilespmem:s25+$0x110]  }
0x66: {  	v26 =	vsub.f32 v41, v25;
	v39 =	vmul.f32 v50, v50;
	v48 =	vld.idx.msk [tilespmem:v33+s3+$0x0], $0xffff;
	v33 =	vtrunc.f32 v45;
	v18 =	vmovc v37  }
0x67: {  	v38 =	vcvt.f32.s32 v33;
	v25 =	vld [tilespmem:s25+$0x570];
	v33 =	vmul.f32 v32, v32;
	v17 =	vmov v40  }
.Ltmp0:
0x68: {  	v41 =	vmul.f32 v46, v46;
	v45 =	vsub.f32 v19, v34;
	v32 =	vld.idx.msk [tilespmem:v35+s3+$0x0], $0xffff;
	v35 =	vmul.f32 $2.550000000e+02, v15;
	(pc) =	sbr.rel @p0 .LBB2_2-.Ltmp0, $4  }
0x69: {  	v40 =	vtrunc.f32 v36;
	v19 =	vld [tilespmem:s25+$0x520];
	v46 =	vmul.f32 $2.550000000e+02, v14;
	v37 =	vadd.f32 v33, v44  }
0x6a: {  	v39 =	vadd.f32 v39, v41;
	v44 =	vcvt.f32.s32 v47;
	v42 =	vtrunc.f32 v35;
	v33 =	vld.idx.msk [tilespmem:v43+s3+$0x0], $0xffff  }
0x6b: {  	v36 =	vmul.f32 v45, v45;
	v34 =	vld.idx.msk [tilespmem:v30+s3+$0x0], $0xffff;
	v30 =	vtrunc.f32 v46  }
0x6c: {  	s26 =	sadd.s32 $0x2000, s26;
	s29 =	smov.u32 s28;
	v41 =	vmul.f32 $2.550000000e+02, v18;
	v28 =	vsub.f32 v28, v48;
	v30 =	vcvt.f32.s32 v30;
	v35 =	vld.idx.msk [tilespmem:v22+s3+$0x0], $0xffff;
	v22 =	vmovc v44  }
0x6d: {  	v42 =	vcvt.f32.s32 v42  }
0x6e: {  	v43 =	vmul.f32 $2.550000000e+02, v17;
	v40 =	vcvt.f32.s32 v40  }
0x6f: {  	v29 =	vtrunc.f32 v29;
	v45 =	vmul.f32 $2.550000000e+02, v16  }
0x70: {  	v44 =	vld [tilespmem:s25+$0x540];
	v48 =	vmul.f32 $2.550000000e+02, v25;
	v23 =	vcvt.f32.s32 v23  }
0x71: {  	v38 =	vld.idx.msk [tilespmem:v38+s3+$0x0], $0xffff;
	v41 =	vtrunc.f32 v41;
	v29 =	vcvt.f32.s32 v29  }
0x72: {  	v24 =	vld.idx.msk [tilespmem:v24+s3+$0x0], $0xffff;
	v46 =	vmul.f32 $2.550000000e+02, v19;
	v41 =	vcvt.f32.s32 v41  }
0x73: {  	v22 =	vld.idx.msk [tilespmem:v22+s3+$0x0], $0xffff;
	v43 =	vtrunc.f32 v43;
	v45 =	vtrunc.f32 v45  }
0x74: {  	v30 =	vld.idx.msk [tilespmem:v30+s3+$0x0], $0xffff;
	v48 =	vtrunc.f32 v48;
	v45 =	vcvt.f32.s32 v45  }
0x75: {  	v43 =	vcvt.f32.s32 v43;
	v47 =	vmul.f32 $2.550000000e+02, v44;
	v40 =	vld.idx.msk [tilespmem:v40+s3+$0x0], $0xffff  }
0x76: {  	v46 =	vtrunc.f32 v46;
	v48 =	vcvt.f32.s32 v48;
	v42 =	vld.idx.msk [tilespmem:v42+s3+$0x0], $0xffff  }
0x77: {  	v46 =	vcvt.f32.s32 v46;
	v23 =	vld.idx.msk [tilespmem:v23+s3+$0x0], $0xffff;
	v47 =	vtrunc.f32 v47  }
0x78: {  	v29 =	vld.idx.msk [tilespmem:v29+s3+$0x0], $0xffff;
	v47 =	vcvt.f32.s32 v47  }
0x79: {  	v37 =	vadd.f32 v39, v37;
	v31 =	vmul.f32 v31, v31;
	v20 =	vsub.f32 v20, v32;
	v41 =	vld.idx.msk [tilespmem:v41+s3+$0x0], $0xffff  }
0x7a: {  	v61 =	vmul.f32 v28, v28;
	v28 =	vsub.f32 v6, v33;
	v12 =	vsub.f32 v12, v34;
	v45 =	vld.idx.msk [tilespmem:v45+s3+$0x0], $0xffff  }
0x7b: {  	v10 =	vadd.f32 v27, v10;
	v31 =	vadd.f32 v31, v36;
	v43 =	vld.idx.msk [tilespmem:v43+s3+$0x0], $0xffff  }
0x7c: {  	v2 =	vsub.f32 v2, v35;
	v6 =	vmul.f32 v12, v12;
	v12 =	vmul.f32 v28, v28;
	v60 =	vld.idx.msk [tilespmem:v48+s3+$0x0], $0xffff  }
0x7d: {  	s1 =	simm.s32 $0x0;
	v11 =	vsub.f32 v11, v38;
	v1 =	vsub.f32 v1, v24;
	v24 =	vmul.f32 v26, v26;
	v46 =	vld.idx.msk [tilespmem:v46+s3+$0x0], $0xffff  }
0x7e: {  	v26 =	vadd.f32 v31, v10;
	v10 =	vmul.f32 v20, v20;
	v7 =	vsub.f32 v7, v22;
	v47 =	vld.idx.msk [tilespmem:v47+s3+$0x0], $0xffff;
	[tilespmem:s19], [sflag:$0x1] =	stream.linear.gather [hbm4b:s6+s1], $0x8000, $0x38  }
0x7f: {  	s28 =	simm.s32 $0x0;
	s26 =	simm.s32 $0x0;
	v2 =	vmul.f32 v2, v2;
	v14 =	vsub.f32 v14, v30;
	v20 =	vmul.f32 v1, v1;
	s1 =	sand.u32 $0x2000, s1  }
0x80: {  	s25 =	sand.u32 $0x7000, s28;
	v12 =	vadd.f32 v12, v21;
	v8 =	vadd.f32 v8, v24;
	_ =	swait.ge [sflag:s22], $0x8000;
	s1 =	sshrl.u32 s1, $0x2  }
0x81: {  	s26 =	sand.u32 $0x380, s26;
	v5 =	vadd.f32 v2, v5;
	v4 =	vadd.f32 v4, v20;
	[sflag:s22] =	ssyncset.done $0x0;
	s1 =	sor.u32 s1, s25  }
0x82: {  	v8 =	vadd.f32 v12, v8;
	v9 =	vsub.f32 v9, v40;
	[sflag:s22] =	ssyncadd.s32 $0xFFFF8000;
	s26 =	sor.u32 s1, s26  }
0x83: {  	v21 =	vmul.f32 v11, v11;
	v11 =	vsub.f32 v15, v42;
	v3 =	vsub.f32 v3, v23;
	v15 =	vld [tilespmem:s26+$0x8500]  }
0x84: {  	v24 =	vmul.f32 v14, v14;
	v4 =	vadd.f32 v4, v5;
	v16 =	vsub.f32 v16, v45;
	v27 =	vld [tilespmem:s26+$0x8140]  }
0x85: {  	v20 =	vmul.f32 v7, v7;
	v5 =	vadd.f32 v8, v26;
	v1 =	vsub.f32 v13, v29;
	v30 =	vld [tilespmem:s26+$0x8550]  }
0x86: {  	v13 =	vmul.f32 v9, v9;
	v29 =	vmul.f32 v16, v16;
	v16 =	vsub.f32 v25, v60;
	v25 =	vld [tilespmem:s26+$0x8170]  }
0x87: {  	v9 =	vsub.f32 v18, v41;
	v18 =	vmul.f32 v1, v1;
	v1 =	vsub.f32 v17, v43;
	v34 =	vld [tilespmem:s26+$0x8100]  }
0x88: {  	v11 =	vmul.f32 v11, v11;
	v4 =	vadd.f32 v4, v37;
	v17 =	vsub.f32 v19, v46;
	v26 =	vld [tilespmem:s26+$0x8110]  }
0x89: {  	v63 =	vmul.f32 v3, v3;
	v28 =	vmul.f32 v1, v1;
	v40 =	vld [tilespmem:s26+$0x8520];
	v1 =	vsub.f32 v44, v47  }
0x8a: {  	v9 =	vmul.f32 v9, v9;
	v49 =	vadd.f32 v5, v4;
	v17 =	vmul.f32 v17, v17;
	v5 =	vld [tilespmem:s26+$0x8570]  }
0x8b: {  	v31 =	vmul.f32 v16, v16;
	v42 =	vld [tilespmem:s26+$0x8540];
	v62 =	vmul.f32 v1, v1  }
0x8c: {  	v19 =	vmul.f32 $2.550000000e+02, v15;
	v16 =	vmul.f32 $2.550000000e+02, v27  }
0x8d: {  	v22 =	vmul.f32 $2.550000000e+02, v25;
	v23 =	vmul.f32 $2.550000000e+02, v30  }
0x8e: {  	s30 =	simm.s32 $0x2000;
	v2 =	vld [tilespmem:s26+$0x8150];
	v13 =	vadd.f32 v31, v13;
	v48 =	vmul.f32 $2.550000000e+02, v34;
	v31 =	vmul.f32 $2.550000000e+02, v40  }
0x8f: {  	s31 =	simm.s32 $0x100;
	s1 =	sand.u32 $0x2000, s30;
	v54 =	vmul.f32 $2.550000000e+02, v26;
	v55 =	vmul.f32 $2.550000000e+02, v5  }
0x90: {  	s28 =	simm.s32 $0x40;
	s25 =	sand.u32 $0x7000, s31;
	v14 =	vld [tilespmem:s26+$0x8560];
	s1 =	sshrl.u32 s1, $0x2;
	v56 =	vmul.f32 $2.550000000e+02, v42;
	v19 =	vtrunc.f32 v19  }
0x91: {  	s28 =	sand.u32 $0x380, s28;
	v36 =	vld [tilespmem:s26+$0x8510];
	s1 =	sor.u32 s1, s25;
	v16 =	vtrunc.f32 v16;
	v7 =	vcvt.f32.s32 v19  }
0x92: {  	v10 =	vadd.f32 v20, v10;
	s25 =	sor.u32 s1, s28;
	v1 =	vld [tilespmem:s26+$0x8160];
	v3 =	vtrunc.f32 v22;
	v8 =	vtrunc.f32 v23  }
0x93: {  	v35 =	vadd.f32 v6, v63;
	v20 =	vld [tilespmem:s25+$0x8140];
	v23 =	vmul.f32 $2.550000000e+02, v2;
	v12 =	vcvt.f32.s32 v16  }
0x94: {  	v22 =	vld [tilespmem:s26+$0x8530];
	v33 =	vtrunc.f32 v54;
	v3 =	vcvt.f32.s32 v3  }
0x95: {  	v35 =	vadd.f32 v35, v10;
	v44 =	vld [tilespmem:s25+$0x8500];
	v4 =	vtrunc.f32 v23;
	v23 =	vmul.f32 $2.550000000e+02, v14  }
0x96: {  	v18 =	vadd.f32 v29, v18;
	v31 =	vtrunc.f32 v31;
	v19 =	vld [tilespmem:s26+$0x8120];
	v8 =	vcvt.f32.s32 v8  }
0x97: {  	v9 =	vadd.f32 v28, v9;
	v47 =	vmul.f32 $2.550000000e+02, v1;
	v23 =	vtrunc.f32 v23;
	v7 =	vld.idx.msk [tilespmem:v7+s3+$0x0], $0xffff  }
0x98: {  	v17 =	vadd.f32 v24, v17;
	v16 =	vld [tilespmem:s26+$0x8130];
	v60 =	vmul.f32 $2.550000000e+02, v20;
	v23 =	vcvt.f32.s32 v23  }
0x99: {  	v18 =	vadd.f32 v9, v18;
	v51 =	vmul.f32 $2.550000000e+02, v22;
	v50 =	vld.idx.msk [tilespmem:v12+s3+$0x0], $0xffff;
	v12 =	vmul.f32 $2.550000000e+02, v36  }
0x9a: {  	v21 =	vadd.f32 v21, v62;
	v62 =	vmul.f32 $2.550000000e+02, v44;
	v28 =	vcvt.f32.s32 v4  }
0x9b: {  	v18 =	vadd.f32 v35, v18;
	v3 =	vld.idx.msk [tilespmem:v3+s3+$0x0], $0xffff;
	v4 =	vtrunc.f32 v12;
	v12 =	vtrunc.f32 v51  }
0x9c: {  	v52 =	vcvt.f32.s32 v12;
	v53 =	vcvt.f32.s32 v4;
	v12 =	vld [tilespmem:s25+$0x8170];
	v7 =	vsub.f32 v15, v7  }
0x9d: {  	v29 =	vtrunc.f32 v47;
	v24 =	vmul.f32 $2.550000000e+02, v19;
	v15 =	vld.idx.msk [tilespmem:v8+s3+$0x0], $0xffff;
	v8 =	vadd.f32 v11, v61  }
0x9e: {  	v4 =	vmul.f32 $2.550000000e+02, v16;
	v23 =	vld.idx.msk [tilespmem:v23+s3+$0x0], $0xffff;
	v27 =	vsub.f32 v27, v50;
	v9 =	vmul.f32 v7, v7  }
0x9f: {  	v11 =	vld [tilespmem:s25+$0x8550];
	v17 =	vadd.f32 v17, v8;
	v7 =	vtrunc.f32 v24;
	v8 =	vtrunc.f32 v48  }
0xa0: {  	v13 =	vadd.f32 v13, v21;
	v6 =	vmul.f32 v27, v27;
	v38 =	vcvt.f32.s32 v8;
	v8 =	vld [tilespmem:s25+$0x8560]  }
0xa1: {  	v27 =	vcvt.f32.s32 v33;
	v24 =	vcvt.f32.s32 v7;
	v7 =	vsub.f32 v25, v3;
	v3 =	vld [tilespmem:s25+$0x8160]  }
0xa2: {  	v25 =	vtrunc.f32 v4;
	v61 =	vmul.f32 $2.550000000e+02, v12;
	v17 =	vadd.f32 v13, v17;
	v59 =	vld.idx.msk [tilespmem:v53+s3+$0x0], $0xffff  }
0xa3: {  	v25 =	vcvt.f32.s32 v25;
	v13 =	vld [tilespmem:s25+$0x8100];
	v4 =	vmul.f32 v7, v7;
	v15 =	vsub.f32 v30, v15  }
0xa4: {  	v7 =	vld [tilespmem:s25+$0x8150];
	v37 =	vtrunc.f32 v61;
	v17 =	vadd.f32 v17, v18;
	v18 =	vtrunc.f32 v60  }
0xa5: {  	v10 =	vmul.f32 v15, v15;
	v15 =	vcvt.f32.s32 v31;
	v31 =	vld.idx.msk [tilespmem:v52+s3+$0x0], $0xffff  }
0xa6: {  	v53 =	vmul.f32 $2.550000000e+02, v11;
	v35 =	vcvt.f32.s32 v18;
	v18 =	vld [tilespmem:s25+$0x8120]  }
0xa7: {  	v0 =	vadd.f32 v49, v0;
	v58 =	vmul.f32 $2.550000000e+02, v3;
	v30 =	vld.idx.msk [tilespmem:v24+s3+$0x0], $0xffff;
	v24 =	vtrunc.f32 v56  }
0xa8: {  	v27 =	vld.idx.msk [tilespmem:v27+s3+$0x0], $0xffff;
	v56 =	vcvt.f32.s32 v37;
	v57 =	vcvt.f32.s32 v24  }
0xa9: {  	v0 =	vadd.f32 v17, v0;
	v17 =	vld [tilespmem:s25+$0x8130];
	v24 =	vcvt.f32.s32 v29;
	v29 =	vtrunc.f32 v55  }
0xaa: {  	v14 =	vsub.f32 v14, v23;
	v21 =	vld.idx.msk [tilespmem:v38+s3+$0x0], $0xffff;
	v23 =	vmul.f32 $2.550000000e+02, v7;
	v55 =	vmul.f32 $2.550000000e+02, v8  }
0xab: {  	v25 =	vld.idx.msk [tilespmem:v25+s3+$0x0], $0xffff;
	v63 =	vcvt.f32.s32 v29;
	v29 =	vtrunc.f32 v62  }
0xac: {  	v39 =	vcvt.f32.s32 v29;
	v29 =	vmul.f32 $2.550000000e+02, v13;
	v52 =	vld.idx.msk [tilespmem:v15+s3+$0x0], $0xffff  }
0xad: {  	v36 =	vsub.f32 v36, v59;
	v54 =	vtrunc.f32 v23;
	v23 =	vtrunc.f32 v58;
	v15 =	vld [tilespmem:s25+$0x8510]  }
0xae: {  	v31 =	vsub.f32 v22, v31;
	v41 =	vtrunc.f32 v55;
	v26 =	vsub.f32 v26, v27;
	v32 =	vld.idx.msk [tilespmem:v35+s3+$0x0], $0xffff  }
0xaf: {  	v27 =	vmul.f32 v36, v36;
	v34 =	vsub.f32 v34, v21;
	v21 =	vmul.f32 v14, v14;
	v14 =	vld [tilespmem:s25+$0x8530]  }
0xb0: {  	v35 =	vld.idx.msk [tilespmem:v28+s3+$0x0], $0xffff;
	v19 =	vsub.f32 v19, v30;
	v25 =	vsub.f32 v16, v25;
	v22 =	vmul.f32 v26, v26  }
0xb1: {  	v33 =	vld.idx.msk [tilespmem:v57+s3+$0x0], $0xffff;
	v34 =	vmul.f32 v34, v34;
	v57 =	vtrunc.f32 v53  }
0xb2: {  	v60 =	vmul.f32 v19, v19;
	v58 =	vmul.f32 v25, v25;
	v30 =	vld.idx.msk [tilespmem:v39+s3+$0x0], $0xffff  }
0xb3: {  	v16 =	vld [tilespmem:s25+$0x8110];
	v38 =	vcvt.f32.s32 v57;
	v59 =	vmul.f32 $2.550000000e+02, v15  }
0xb4: {  	v19 =	vld [tilespmem:s25+$0x8520];
	v61 =	vsub.f32 v40, v52;
	v37 =	vadd.f32 v22, v34;
	v62 =	vmul.f32 $2.550000000e+02, v14  }
0xb5: {  	v25 =	vld [tilespmem:s25+$0x8570];
	v22 =	vcvt.f32.s32 v54;
	v40 =	vadd.f32 v58, v60;
	v43 =	vtrunc.f32 v59  }
0xb6: {  	v36 =	vmul.f32 v61, v61;
	v26 =	vsub.f32 v42, v33;
	v33 =	vld.idx.msk [tilespmem:v63+s3+$0x0], $0xffff;
	v63 =	vtrunc.f32 v62  }
0xb7: {  	s29 =	simm.s32 $0x2;
	s26 =	simm.s32 $0x4000;
	v34 =	vld.idx.msk [tilespmem:v56+s3+$0x0], $0xffff;
	v42 =	vmul.f32 $2.550000000e+02, v18;
	v39 =	vsub.f32 v44, v30;
	v30 =	vcvt.f32.s32 v63  }
.LBB2_4:
0xb8: {  	s1 =	sand.u32 $0x2000, s26  }
0xb9: {  	s30 =	sshll.u32 s29, $0x8;
	v43 =	vcvt.f32.s32 v43;
	v38 =	vld.idx.msk [tilespmem:v38+s3+$0x0], $0xffff;
	v28 =	vmul.f32 v31, v31;
	v31 =	vadd.f32 v40, v37;
	s31 =	smov.u32 s29;
	s28 =	sadd.s32 $0x1, s29  }
0xba: {  	v20 =	vsub.f32 v20, v32;
	s30 =	sand.u32 $0x7000, s30;
	s31 =	sshll.u32 s31, $0x6;
	s1 =	sshrl.u32 s1, $0x2;
	v32 =	vmul.f32 v39, v39;
	v37 =	vmul.f32 $2.550000000e+02, v19;
	v24 =	vld.idx.msk [tilespmem:v24+s3+$0x0], $0xffff  }
0xbb: {  	p0 =	sne.s32 s29, $0x7F;
	v40 =	vcvt.f32.s32 v41;
	v39 =	vmul.f32 $2.550000000e+02, v17;
	s31 =	sand.u32 $0x380, s31;
	s1 =	sor.u32 s1, s30;
	v36 =	vadd.f32 v28, v36  }
0xbc: {  	v29 =	vtrunc.f32 v29;
	v41 =	vtrunc.f32 v42;
	v33 =	vsub.f32 v5, v33;
	v5 =	vmovc v25;
	v42 =	vld [tilespmem:s25+$0x8540];
	s25 =	sor.u32 s1, s31  }
0xbd: {  	v25 =	vcvt.f32.s32 v29;
	v29 =	vtrunc.f32 v39;
	v34 =	vsub.f32 v12, v34;
	v28 =	vld [tilespmem:s25+$0x8500]  }
0xbe: {  	v44 =	vmul.f32 $2.550000000e+02, v16;
	v41 =	vcvt.f32.s32 v41;
	v35 =	vsub.f32 v2, v35;
	v2 =	vmovc v7;
	v39 =	vld [tilespmem:s25+$0x8550]  }
0xbf: {  	v33 =	vmul.f32 v33, v33;
	v7 =	vadd.f32 v27, v9;
	v9 =	vmovc v32;
	v34 =	vmul.f32 v34, v34;
	v12 =	vld [tilespmem:s25+$0x8170]  }
0xc0: {  	v32 =	vsub.f32 v11, v38;
	v38 =	vmul.f32 $2.550000000e+02, v5;
	v46 =	vsub.f32 v1, v24;
	v1 =	vmovc v3;
	v27 =	vld [tilespmem:s25+$0x8560]  }
0xc1: {  	v26 =	vmul.f32 v26, v26;
	v24 =	vtrunc.f32 v44;
	v36 =	vadd.f32 v36, v7;
	v3 =	vld [tilespmem:s25+$0x8160]  }
0xc2: {  	v44 =	vmul.f32 v20, v20;
	v35 =	vmul.f32 v35, v35;
	v21 =	vadd.f32 v33, v21;
	v7 =	vld [tilespmem:s25+$0x8150]  }
0xc3: {  	v26 =	vadd.f32 v10, v26;
	v33 =	vmul.f32 $2.550000000e+02, v42;
	v45 =	vmul.f32 v46, v46;
	v40 =	vld.idx.msk [tilespmem:v40+s3+$0x0], $0xffff;
	v11 =	vmovc v39  }
0xc4: {  	v10 =	vmul.f32 v32, v32;
	v39 =	vcvt.f32.s32 v24;
	v24 =	vadd.f32 v35, v6;
	v6 =	vmovc v44;
	v20 =	vld [tilespmem:s25+$0x8140]  }
0xc5: {  	v29 =	vcvt.f32.s32 v29;
	v33 =	vtrunc.f32 v33;
	v35 =	vadd.f32 v4, v45;
	v4 =	vmovc v34;
	v32 =	vld.idx.msk [tilespmem:v41+s3+$0x0], $0xffff  }
0xc6: {  	v21 =	vadd.f32 v21, v26;
	v34 =	vtrunc.f32 v37;
	v33 =	vcvt.f32.s32 v33;
	v25 =	vld.idx.msk [tilespmem:v25+s3+$0x0], $0xffff  }
0xc7: {  	v34 =	vcvt.f32.s32 v34;
	v35 =	vadd.f32 v35, v24;
	v26 =	vmul.f32 $2.550000000e+02, v3;
	v30 =	vld.idx.msk [tilespmem:v30+s3+$0x0], $0xffff  }
0xc8: {  	v21 =	vadd.f32 v21, v36;
	v24 =	vcvt.f32.s32 v23;
	v23 =	vtrunc.f32 v38;
	v37 =	vld.idx.msk [tilespmem:v43+s3+$0x0], $0xffff  }
0xc9: {  	v41 =	vmul.f32 $2.550000000e+02, v12;
	v31 =	vadd.f32 v35, v31;
	v36 =	vld [tilespmem:s25+$0x8100];
	v38 =	vmul.f32 $2.550000000e+02, v20  }
0xca: {  	v44 =	vcvt.f32.s32 v23;
	v35 =	vmul.f32 $2.550000000e+02, v28;
	v40 =	vsub.f32 v8, v40;
	v8 =	vmovc v27;
	v39 =	vld.idx.msk [tilespmem:v39+s3+$0x0], $0xffff  }
0xcb: {  	v27 =	vmul.f32 $2.550000000e+02, v7;
	v23 =	vtrunc.f32 v38;
	v38 =	vld.idx.msk [tilespmem:v29+s3+$0x0], $0xffff;
	v29 =	vadd.f32 v21, v31  }
0xcc: {  	v21 =	vtrunc.f32 v35;
	v43 =	vcvt.f32.s32 v23;
	v23 =	vsub.f32 v13, v25;
	v25 =	vld.idx.msk [tilespmem:v33+s3+$0x0], $0xffff  }
0xcd: {  	v33 =	vcvt.f32.s32 v21;
	v21 =	vmul.f32 v40, v40;
	v34 =	vld.idx.msk [tilespmem:v34+s3+$0x0], $0xffff;
	v0 =	vadd.f32 v29, v0  }
0xce: {  	v40 =	vtrunc.f32 v41;
	v35 =	vld [tilespmem:s25+$0x8120];
	v45 =	vmul.f32 v23, v23;
	v13 =	vmov v36  }
0xcf: {  	v46 =	vsub.f32 v18, v32;
	v41 =	vmul.f32 $2.550000000e+02, v11;
	v29 =	vmul.f32 $2.550000000e+02, v13;
	v36 =	vld [tilespmem:s25+$0x8130]  }
0xd0: {  	v47 =	vtrunc.f32 v27;
	v48 =	vsub.f32 v15, v37;
	v23 =	vtrunc.f32 v26;
	v15 =	vld [tilespmem:s25+$0x8510]  }
0xd1: {  	v31 =	vsub.f32 v14, v30;
	v37 =	vmul.f32 $2.550000000e+02, v8;
	v49 =	vsub.f32 v17, v38;
	v14 =	vld [tilespmem:s25+$0x8530]  }
0xd2: {  	v30 =	vcvt.f32.s32 v40;
	v32 =	vsub.f32 v16, v39;
	v27 =	vmul.f32 v48, v48;
	v16 =	vld [tilespmem:s25+$0x8110]  }
0xd3: {  	v26 =	vsub.f32 v42, v25;
	v40 =	vmul.f32 v49, v49;
	v39 =	vld.idx.msk [tilespmem:v33+s3+$0x0], $0xffff;
	v33 =	vtrunc.f32 v41;
	v18 =	vmovc v35  }
0xd4: {  	v38 =	vcvt.f32.s32 v33;
	v25 =	vld [tilespmem:s25+$0x8570];
	v33 =	vmul.f32 v32, v32;
	v17 =	vmov v36  }
.Ltmp1:
0xd5: {  	v42 =	vsub.f32 v19, v34;
	v36 =	vmul.f32 v46, v46;
	v32 =	vld.idx.msk [tilespmem:v43+s3+$0x0], $0xffff;
	v35 =	vmul.f32 $2.550000000e+02, v15;
	(pc) =	sbr.rel @p0 .LBB2_4-.Ltmp1, $4  }
0xd6: {  	v41 =	vtrunc.f32 v37;
	v19 =	vld [tilespmem:s25+$0x8520];
	v46 =	vmul.f32 $2.550000000e+02, v14;
	v37 =	vadd.f32 v33, v45  }
0xd7: {  	v45 =	vcvt.f32.s32 v47;
	v40 =	vadd.f32 v40, v36;
	v43 =	vtrunc.f32 v35;
	v33 =	vld.idx.msk [tilespmem:v44+s3+$0x0], $0xffff  }
0xd8: {  	v36 =	vmul.f32 v42, v42;
	v34 =	vld.idx.msk [tilespmem:v30+s3+$0x0], $0xffff;
	v30 =	vtrunc.f32 v46  }
0xd9: {  	s26 =	sadd.s32 $0x2000, s26;
	s29 =	smov.u32 s28;
	v42 =	vmul.f32 $2.550000000e+02, v18;
	v39 =	vsub.f32 v28, v39;
	v30 =	vcvt.f32.s32 v30;
	v35 =	vld.idx.msk [tilespmem:v22+s3+$0x0], $0xffff;
	v22 =	vmovc v45  }
0xda: {  	v28 =	vcvt.f32.s32 v43  }
0xdb: {  	v62 =	vmul.f32 $2.550000000e+02, v17;
	v41 =	vcvt.f32.s32 v41  }
0xdc: {  	v29 =	vtrunc.f32 v29;
	v45 =	vmul.f32 $2.550000000e+02, v16  }
0xdd: {  	v44 =	vld [tilespmem:s25+$0x8540];
	v48 =	vmul.f32 $2.550000000e+02, v25;
	v23 =	vcvt.f32.s32 v23  }
0xde: {  	v38 =	vld.idx.msk [tilespmem:v38+s3+$0x0], $0xffff;
	v42 =	vtrunc.f32 v42;
	v29 =	vcvt.f32.s32 v29  }
0xdf: {  	v24 =	vld.idx.msk [tilespmem:v24+s3+$0x0], $0xffff;
	v46 =	vmul.f32 $2.550000000e+02, v19;
	v42 =	vcvt.f32.s32 v42  }
0xe0: {  	v22 =	vld.idx.msk [tilespmem:v22+s3+$0x0], $0xffff;
	v43 =	vtrunc.f32 v62;
	v45 =	vtrunc.f32 v45  }
0xe1: {  	v30 =	vld.idx.msk [tilespmem:v30+s3+$0x0], $0xffff;
	v48 =	vtrunc.f32 v48;
	v45 =	vcvt.f32.s32 v45  }
0xe2: {  	v43 =	vcvt.f32.s32 v43;
	v47 =	vmul.f32 $2.550000000e+02, v44;
	v41 =	vld.idx.msk [tilespmem:v41+s3+$0x0], $0xffff  }
0xe3: {  	v46 =	vtrunc.f32 v46;
	v48 =	vcvt.f32.s32 v48;
	v28 =	vld.idx.msk [tilespmem:v28+s3+$0x0], $0xffff  }
0xe4: {  	v46 =	vcvt.f32.s32 v46;
	v49 =	vld.idx.msk [tilespmem:v23+s3+$0x0], $0xffff;
	v47 =	vtrunc.f32 v47  }
0xe5: {  	v29 =	vld.idx.msk [tilespmem:v29+s3+$0x0], $0xffff;
	v47 =	vcvt.f32.s32 v47  }
0xe6: {  	v42 =	vld.idx.msk [tilespmem:v42+s3+$0x0], $0xffff  }
0xe7: {  	v37 =	vadd.f32 v40, v37;
	v31 =	vmul.f32 v31, v31;
	v45 =	vld.idx.msk [tilespmem:v45+s3+$0x0], $0xffff  }
0xe8: {  	v9 =	vadd.f32 v27, v9;
	v5 =	vsub.f32 v5, v33;
	v43 =	vld.idx.msk [tilespmem:v43+s3+$0x0], $0xffff  }
0xe9: {  	v31 =	vadd.f32 v31, v36;
	v12 =	vsub.f32 v12, v34;
	v63 =	vld.idx.msk [tilespmem:v48+s3+$0x0], $0xffff  }
0xea: {  	v32 =	vsub.f32 v20, v32;
	s1 =	simm.s32 $0x0;
	v2 =	vsub.f32 v2, v35;
	v5 =	vmul.f32 v5, v5;
	v46 =	vld.idx.msk [tilespmem:v46+s3+$0x0], $0xffff  }
0xeb: {  	v9 =	vadd.f32 v31, v9;
	v20 =	vmul.f32 v12, v12;
	v1 =	vsub.f32 v1, v24;
	v47 =	vld.idx.msk [tilespmem:v47+s3+$0x0], $0xffff;
	[tilespmem:s20], [sflag:$0x2] =	stream.linear.gather [hbm4b:s7+s1], $0x8000, $0x38  }
0xec: {  	s28 =	simm.s32 $0x0;
	s26 =	simm.s32 $0x0;
	v11 =	vsub.f32 v11, v38;
	v12 =	vmul.f32 v26, v26;
	v7 =	vsub.f32 v7, v22;
	s1 =	sand.u32 $0x2000, s1  }
0xed: {  	s25 =	sand.u32 $0x7000, s28;
	v2 =	vmul.f32 v2, v2;
	v5 =	vadd.f32 v5, v21;
	v21 =	vmul.f32 v1, v1;
	_ =	swait.ge [sflag:s21], $0x8000;
	s1 =	sshrl.u32 s1, $0x2  }
0xee: {  	s26 =	sand.u32 $0x380, s26;
	v23 =	vmul.f32 v32, v32;
	v14 =	vsub.f32 v14, v30;
	v10 =	vadd.f32 v10, v12;
	[sflag:s21] =	ssyncset.done $0x0;
	s1 =	sor.u32 s1, s25  }
0xef: {  	v24 =	vmul.f32 v11, v11;
	v6 =	vadd.f32 v2, v6;
	v4 =	vadd.f32 v4, v21;
	[sflag:s21] =	ssyncadd.s32 $0xFFFF8000;
	s26 =	sor.u32 s1, s26  }
0xf0: {  	v12 =	vmul.f32 v14, v14;
	v1 =	vsub.f32 v13, v29;
	v13 =	vsub.f32 v15, v28;
	v15 =	vld [tilespmem:s26+$0x500]  }
0xf1: {  	v48 =	vmul.f32 v39, v39;
	v5 =	vadd.f32 v5, v10;
	v16 =	vsub.f32 v16, v45;
	v26 =	vld [tilespmem:s26+$0x140]  }
0xf2: {  	v21 =	vmul.f32 v7, v7;
	v8 =	vsub.f32 v8, v41;
	v3 =	vsub.f32 v3, v49;
	v29 =	vld [tilespmem:s26+$0x550]  }
0xf3: {  	v4 =	vadd.f32 v4, v6;
	v28 =	vmul.f32 v16, v16;
	v16 =	vsub.f32 v25, v63;
	v25 =	vld [tilespmem:s26+$0x170]  }
0xf4: {  	v11 =	vsub.f32 v18, v42;
	v18 =	vmul.f32 v1, v1;
	v1 =	vsub.f32 v17, v43;
	v14 =	vld [tilespmem:s26+$0x560]  }
0xf5: {  	v8 =	vmul.f32 v8, v8;
	v6 =	vmul.f32 v3, v3;
	v17 =	vsub.f32 v19, v46;
	v2 =	vld [tilespmem:s26+$0x150]  }
0xf6: {  	v13 =	vmul.f32 v13, v13;
	v27 =	vmul.f32 v1, v1;
	v32 =	vld [tilespmem:s26+$0x100];
	v1 =	vsub.f32 v44, v47  }
0xf7: {  	v5 =	vadd.f32 v5, v9;
	v11 =	vmul.f32 v11, v11;
	v17 =	vmul.f32 v17, v17;
	v35 =	vld [tilespmem:s26+$0x510]  }
0xf8: {  	v4 =	vadd.f32 v4, v37;
	v30 =	vmul.f32 v16, v16;
	v41 =	vld [tilespmem:s26+$0x520];
	v31 =	vmul.f32 v1, v1  }
0xf9: {  	v36 =	vld [tilespmem:s26+$0x110];
	v19 =	vmul.f32 $2.550000000e+02, v15;
	v16 =	vmul.f32 $2.550000000e+02, v26  }
0xfa: {  	s30 =	simm.s32 $0x2000;
	v54 =	vadd.f32 v5, v4;
	v22 =	vmul.f32 $2.550000000e+02, v25;
	v50 =	vmul.f32 $2.550000000e+02, v29  }
0xfb: {  	s31 =	simm.s32 $0x100;
	v13 =	vadd.f32 v13, v48;
	s1 =	sand.u32 $0x2000, s30;
	v51 =	vmul.f32 $2.550000000e+02, v2;
	v53 =	vmul.f32 $2.550000000e+02, v32  }
0xfc: {  	s28 =	simm.s32 $0x40;
	s25 =	sand.u32 $0x7000, s31;
	v5 =	vld [tilespmem:s26+$0x570];
	v18 =	vadd.f32 v28, v18;
	s1 =	sshrl.u32 s1, $0x2;
	v55 =	vmul.f32 $2.550000000e+02, v14;
	v56 =	vmul.f32 $2.550000000e+02, v35  }
0xfd: {  	s28 =	sand.u32 $0x380, s28;
	v11 =	vadd.f32 v27, v11;
	v40 =	vld [tilespmem:s26+$0x540];
	s1 =	sor.u32 s1, s25;
	v58 =	vmul.f32 $2.550000000e+02, v41;
	v19 =	vtrunc.f32 v19  }
0xfe: {  	s25 =	sor.u32 s1, s28;
	v1 =	vld [tilespmem:s26+$0x160];
	v24 =	vadd.f32 v24, v31;
	v31 =	vmul.f32 $2.550000000e+02, v36;
	v7 =	vcvt.f32.s32 v19  }
0xff: {  	v12 =	vadd.f32 v12, v17;
	v44 =	vld [tilespmem:s25+$0x500];
	v16 =	vtrunc.f32 v16;
	v3 =	vtrunc.f32 v22  }
0x100: {  	v18 =	vadd.f32 v11, v18;
	v11 =	vld [tilespmem:s25+$0x550];
	v9 =	vtrunc.f32 v50;
	v10 =	vcvt.f32.s32 v16  }
0x101: {  	v13 =	vadd.f32 v12, v13;
	v12 =	vld [tilespmem:s25+$0x170];
	v4 =	vtrunc.f32 v51;
	v33 =	vtrunc.f32 v55  }
0x102: {  	v21 =	vadd.f32 v21, v23;
	v22 =	vld [tilespmem:s26+$0x530];
	v23 =	vtrunc.f32 v31;
	v3 =	vcvt.f32.s32 v3  }
0x103: {  	v31 =	vmul.f32 $2.550000000e+02, v40;
	v16 =	vld [tilespmem:s26+$0x130];
	v9 =	vcvt.f32.s32 v9  }
0x104: {  	v52 =	vmul.f32 $2.550000000e+02, v1;
	v33 =	vcvt.f32.s32 v33;
	v7 =	vld.idx.msk [tilespmem:v7+s3+$0x0], $0xffff  }
0x105: {  	v19 =	vld [tilespmem:s26+$0x120];
	v28 =	vcvt.f32.s32 v4;
	v4 =	vtrunc.f32 v56  }
0x106: {  	v23 =	vcvt.f32.s32 v23;
	v62 =	vmul.f32 $2.550000000e+02, v12;
	v10 =	vld.idx.msk [tilespmem:v10+s3+$0x0], $0xffff  }
0x107: {  	v60 =	vadd.f32 v20, v6;
	v57 =	vcvt.f32.s32 v4;
	v27 =	vmul.f32 $2.550000000e+02, v22  }
0x108: {  	v0 =	vadd.f32 v54, v0;
	v63 =	vmul.f32 $2.550000000e+02, v44;
	v54 =	vmul.f32 $2.550000000e+02, v11;
	v3 =	vld.idx.msk [tilespmem:v3+s3+$0x0], $0xffff  }
0x109: {  	v20 =	vld [tilespmem:s25+$0x140];
	v4 =	vmul.f32 $2.550000000e+02, v16;
	v17 =	vtrunc.f32 v27;
	v7 =	vsub.f32 v15, v7  }
0x10a: {  	v21 =	vadd.f32 v60, v21;
	v27 =	vmul.f32 $2.550000000e+02, v19;
	v33 =	vld.idx.msk [tilespmem:v33+s3+$0x0], $0xffff;
	v17 =	vcvt.f32.s32 v17  }
0x10b: {  	v15 =	vld.idx.msk [tilespmem:v9+s3+$0x0], $0xffff;
	v10 =	vsub.f32 v26, v10;
	v26 =	vmul.f32 $2.550000000e+02, v5;
	v9 =	vmul.f32 v7, v7  }
0x10c: {  	v48 =	vld.idx.msk [tilespmem:v23+s3+$0x0], $0xffff;
	v7 =	vtrunc.f32 v27;
	v27 =	vadd.f32 v30, v8;
	v8 =	vtrunc.f32 v53  }
0x10d: {  	v34 =	vld.idx.msk [tilespmem:v57+s3+$0x0], $0xffff;
	v6 =	vmul.f32 v10, v10;
	v30 =	vcvt.f32.s32 v7;
	v7 =	vsub.f32 v25, v3  }
0x10e: {  	v18 =	vadd.f32 v21, v18;
	v21 =	vtrunc.f32 v26;
	v59 =	vcvt.f32.s32 v8;
	v8 =	vld [tilespmem:s25+$0x560]  }
0x10f: {  	v25 =	vtrunc.f32 v4;
	v3 =	vld [tilespmem:s25+$0x160];
	v24 =	vadd.f32 v27, v24;
	v4 =	vmul.f32 v7, v7  }
0x110: {  	v7 =	vld [tilespmem:s25+$0x150];
	v10 =	vsub.f32 v29, v15;
	v15 =	vcvt.f32.s32 v25;
	v25 =	vtrunc.f32 v31  }
0x111: {  	v29 =	vtrunc.f32 v58;
	v31 =	vld.idx.msk [tilespmem:v17+s3+$0x0], $0xffff;
	v25 =	vcvt.f32.s32 v25  }
0x112: {  	v26 =	vmul.f32 $2.550000000e+02, v20;
	v29 =	vcvt.f32.s32 v29;
	v17 =	vadd.f32 v24, v13;
	v13 =	vld [tilespmem:s25+$0x100]  }
0x113: {  	v37 =	vtrunc.f32 v52;
	v49 =	vcvt.f32.s32 v21;
	v30 =	vld.idx.msk [tilespmem:v30+s3+$0x0], $0xffff  }
0x114: {  	v21 =	vtrunc.f32 v63;
	v17 =	vadd.f32 v17, v18;
	v18 =	vtrunc.f32 v26;
	v27 =	vld.idx.msk [tilespmem:v59+s3+$0x0], $0xffff  }
0x115: {  	v36 =	vsub.f32 v36, v48;
	v24 =	vcvt.f32.s32 v37;
	v51 =	vcvt.f32.s32 v18;
	v18 =	vld [tilespmem:s25+$0x120]  }
0x116: {  	v14 =	vsub.f32 v14, v33;
	v10 =	vmul.f32 v10, v10;
	v61 =	vmul.f32 $2.550000000e+02, v3;
	v26 =	vld.idx.msk [tilespmem:v15+s3+$0x0], $0xffff  }
0x117: {  	v56 =	vmul.f32 $2.550000000e+02, v8;
	v31 =	vsub.f32 v22, v31;
	v22 =	vmul.f32 v36, v36;
	v50 =	vld.idx.msk [tilespmem:v25+s3+$0x0], $0xffff  }
0x118: {  	v15 =	vmul.f32 $2.550000000e+02, v7;
	v25 =	vcvt.f32.s32 v21;
	v52 =	vld.idx.msk [tilespmem:v29+s3+$0x0], $0xffff  }
0x119: {  	v34 =	vsub.f32 v35, v34;
	v21 =	vmul.f32 v14, v14;
	v29 =	vmul.f32 $2.550000000e+02, v13;
	v14 =	vld [tilespmem:s25+$0x530]  }
0x11a: {  	v35 =	vld.idx.msk [tilespmem:v28+s3+$0x0], $0xffff;
	v55 =	vtrunc.f32 v15;
	v23 =	vsub.f32 v32, v27;
	v27 =	vtrunc.f32 v62  }
0x11b: {  	v15 =	vld [tilespmem:s25+$0x510];
	v19 =	vsub.f32 v19, v30;
	v42 =	vmul.f32 $2.550000000e+02, v18;
	v57 =	vcvt.f32.s32 v27  }
0x11c: {  	v33 =	vld.idx.msk [tilespmem:v49+s3+$0x0], $0xffff;
	v27 =	vmul.f32 v34, v34;
	v53 =	vmul.f32 v23, v23  }
0x11d: {  	v0 =	vadd.f32 v17, v0;
	v17 =	vld [tilespmem:s25+$0x130];
	v23 =	vtrunc.f32 v61;
	v60 =	vmul.f32 v19, v19  }
0x11e: {  	v26 =	vsub.f32 v16, v26;
	v62 =	vmul.f32 $2.550000000e+02, v14;
	v30 =	vld.idx.msk [tilespmem:v25+s3+$0x0], $0xffff;
	v25 =	vtrunc.f32 v54  }
0x11f: {  	v32 =	vld.idx.msk [tilespmem:v51+s3+$0x0], $0xffff;
	v61 =	vsub.f32 v41, v52;
	v41 =	vtrunc.f32 v56;
	v38 =	vcvt.f32.s32 v25  }
0x120: {  	v16 =	vld [tilespmem:s25+$0x110];
	v58 =	vmul.f32 v26, v26;
	v59 =	vmul.f32 $2.550000000e+02, v15  }
0x121: {  	v19 =	vld [tilespmem:s25+$0x520];
	v37 =	vadd.f32 v22, v53;
	v22 =	vcvt.f32.s32 v55;
	v63 =	vtrunc.f32 v62  }
0x122: {  	v26 =	vsub.f32 v40, v50;
	v25 =	vld [tilespmem:s25+$0x570];
	v36 =	vmul.f32 v61, v61;
	v43 =	vtrunc.f32 v59  }
0x123: {  	s29 =	simm.s32 $0x2;
	s26 =	simm.s32 $0x4000;
	v40 =	vadd.f32 v58, v60;
	v34 =	vld.idx.msk [tilespmem:v57+s3+$0x0], $0xffff;
	v39 =	vsub.f32 v44, v30;
	v30 =	vcvt.f32.s32 v63  }
.LBB2_6:
0x124: {  	s1 =	sand.u32 $0x2000, s26  }
0x125: {  	s30 =	sshll.u32 s29, $0x8;
	v43 =	vcvt.f32.s32 v43;
	v38 =	vld.idx.msk [tilespmem:v38+s3+$0x0], $0xffff;
	v28 =	vmul.f32 v31, v31;
	v31 =	vadd.f32 v40, v37;
	s31 =	smov.u32 s29;
	s28 =	sadd.s32 $0x1, s29  }
0x126: {  	v20 =	vsub.f32 v20, v32;
	s30 =	sand.u32 $0x7000, s30;
	s31 =	sshll.u32 s31, $0x6;
	s1 =	sshrl.u32 s1, $0x2;
	v32 =	vmul.f32 v39, v39;
	v37 =	vmul.f32 $2.550000000e+02, v19;
	v24 =	vld.idx.msk [tilespmem:v24+s3+$0x0], $0xffff  }
0x127: {  	p0 =	sne.s32 s29, $0x7F;
	v40 =	vcvt.f32.s32 v41;
	v39 =	vmul.f32 $2.550000000e+02, v17;
	s31 =	sand.u32 $0x380, s31;
	s1 =	sor.u32 s1, s30;
	v36 =	vadd.f32 v28, v36  }
0x128: {  	v29 =	vtrunc.f32 v29;
	v41 =	vtrunc.f32 v42;
	v33 =	vsub.f32 v5, v33;
	v5 =	vmovc v25;
	v42 =	vld [tilespmem:s25+$0x540];
	s25 =	sor.u32 s1, s31  }
0x129: {  	v25 =	vcvt.f32.s32 v29;
	v29 =	vtrunc.f32 v39;
	v34 =	vsub.f32 v12, v34;
	v28 =	vld [tilespmem:s25+$0x500]  }
0x12a: {  	v44 =	vmul.f32 $2.550000000e+02, v16;
	v41 =	vcvt.f32.s32 v41;
	v35 =	vsub.f32 v2, v35;
	v2 =	vmovc v7;
	v39 =	vld [tilespmem:s25+$0x550]  }
0x12b: {  	v33 =	vmul.f32 v33, v33;
	v7 =	vadd.f32 v27, v9;
	v9 =	vmovc v32;
	v34 =	vmul.f32 v34, v34;
	v12 =	vld [tilespmem:s25+$0x170]  }
0x12c: {  	v32 =	vsub.f32 v11, v38;
	v38 =	vmul.f32 $2.550000000e+02, v5;
	v46 =	vsub.f32 v1, v24;
	v1 =	vmovc v3;
	v27 =	vld [tilespmem:s25+$0x560]  }
0x12d: {  	v26 =	vmul.f32 v26, v26;
	v24 =	vtrunc.f32 v44;
	v36 =	vadd.f32 v36, v7;
	v3 =	vld [tilespmem:s25+$0x160]  }
0x12e: {  	v44 =	vmul.f32 v20, v20;
	v35 =	vmul.f32 v35, v35;
	v21 =	vadd.f32 v33, v21;
	v7 =	vld [tilespmem:s25+$0x150]  }
0x12f: {  	v26 =	vadd.f32 v10, v26;
	v33 =	vmul.f32 $2.550000000e+02, v42;
	v45 =	vmul.f32 v46, v46;
	v40 =	vld.idx.msk [tilespmem:v40+s3+$0x0], $0xffff;
	v11 =	vmovc v39  }
0x130: {  	v10 =	vmul.f32 v32, v32;
	v39 =	vcvt.f32.s32 v24;
	v24 =	vadd.f32 v35, v6;
	v6 =	vmovc v44;
	v20 =	vld [tilespmem:s25+$0x140]  }
0x131: {  	v29 =	vcvt.f32.s32 v29;
	v33 =	vtrunc.f32 v33;
	v35 =	vadd.f32 v4, v45;
	v4 =	vmovc v34;
	v32 =	vld.idx.msk [tilespmem:v41+s3+$0x0], $0xffff  }
0x132: {  	v21 =	vadd.f32 v21, v26;
	v34 =	vtrunc.f32 v37;
	v33 =	vcvt.f32.s32 v33;
	v25 =	vld.idx.msk [tilespmem:v25+s3+$0x0], $0xffff  }
0x133: {  	v34 =	vcvt.f32.s32 v34;
	v35 =	vadd.f32 v35, v24;
	v26 =	vmul.f32 $2.550000000e+02, v3;
	v30 =	vld.idx.msk [tilespmem:v30+s3+$0x0], $0xffff  }
0x134: {  	v21 =	vadd.f32 v21, v36;
	v24 =	vcvt.f32.s32 v23;
	v23 =	vtrunc.f32 v38;
	v37 =	vld.idx.msk [tilespmem:v43+s3+$0x0], $0xffff  }
0x135: {  	v41 =	vmul.f32 $2.550000000e+02, v12;
	v31 =	vadd.f32 v35, v31;
	v36 =	vld [tilespmem:s25+$0x100];
	v38 =	vmul.f32 $2.550000000e+02, v20  }
0x136: {  	v44 =	vcvt.f32.s32 v23;
	v35 =	vmul.f32 $2.550000000e+02, v28;
	v40 =	vsub.f32 v8, v40;
	v8 =	vmovc v27;
	v39 =	vld.idx.msk [tilespmem:v39+s3+$0x0], $0xffff  }
0x137: {  	v27 =	vmul.f32 $2.550000000e+02, v7;
	v23 =	vtrunc.f32 v38;
	v38 =	vld.idx.msk [tilespmem:v29+s3+$0x0], $0xffff;
	v29 =	vadd.f32 v21, v31  }
0x138: {  	v21 =	vtrunc.f32 v35;
	v43 =	vcvt.f32.s32 v23;
	v23 =	vsub.f32 v13, v25;
	v25 =	vld.idx.msk [tilespmem:v33+s3+$0x0], $0xffff  }
0x139: {  	v33 =	vcvt.f32.s32 v21;
	v21 =	vmul.f32 v40, v40;
	v34 =	vld.idx.msk [tilespmem:v34+s3+$0x0], $0xffff;
	v0 =	vadd.f32 v29, v0  }
0x13a: {  	v40 =	vtrunc.f32 v41;
	v35 =	vld [tilespmem:s25+$0x120];
	v45 =	vmul.f32 v23, v23;
	v13 =	vmov v36  }
0x13b: {  	v46 =	vsub.f32 v18, v32;
	v41 =	vmul.f32 $2.550000000e+02, v11;
	v29 =	vmul.f32 $2.550000000e+02, v13;
	v36 =	vld [tilespmem:s25+$0x130]  }
0x13c: {  	v47 =	vtrunc.f32 v27;
	v48 =	vsub.f32 v15, v37;
	v23 =	vtrunc.f32 v26;
	v15 =	vld [tilespmem:s25+$0x510]  }
0x13d: {  	v31 =	vsub.f32 v14, v30;
	v37 =	vmul.f32 $2.550000000e+02, v8;
	v49 =	vsub.f32 v17, v38;
	v14 =	vld [tilespmem:s25+$0x530]  }
0x13e: {  	v30 =	vcvt.f32.s32 v40;
	v32 =	vsub.f32 v16, v39;
	v27 =	vmul.f32 v48, v48;
	v16 =	vld [tilespmem:s25+$0x110]  }
0x13f: {  	v26 =	vsub.f32 v42, v25;
	v40 =	vmul.f32 v49, v49;
	v39 =	vld.idx.msk [tilespmem:v33+s3+$0x0], $0xffff;
	v33 =	vtrunc.f32 v41;
	v18 =	vmovc v35  }
0x140: {  	v38 =	vcvt.f32.s32 v33;
	v25 =	vld [tilespmem:s25+$0x570];
	v33 =	vmul.f32 v32, v32;
	v17 =	vmov v36  }
.Ltmp2:
0x141: {  	v42 =	vsub.f32 v19, v34;
	v36 =	vmul.f32 v46, v46;
	v32 =	vld.idx.msk [tilespmem:v43+s3+$0x0], $0xffff;
	v35 =	vmul.f32 $2.550000000e+02, v15;
	(pc) =	sbr.rel @p0 .LBB2_6-.Ltmp2, $4  }
0x142: {  	v41 =	vtrunc.f32 v37;
	v19 =	vld [tilespmem:s25+$0x520];
	v46 =	vmul.f32 $2.550000000e+02, v14;
	v37 =	vadd.f32 v33, v45  }
0x143: {  	v45 =	vcvt.f32.s32 v47;
	v40 =	vadd.f32 v40, v36;
	v43 =	vtrunc.f32 v35;
	v33 =	vld.idx.msk [tilespmem:v44+s3+$0x0], $0xffff  }
0x144: {  	v36 =	vmul.f32 v42, v42;
	v34 =	vld.idx.msk [tilespmem:v30+s3+$0x0], $0xffff;
	v30 =	vtrunc.f32 v46  }
0x145: {  	s26 =	sadd.s32 $0x2000, s26;
	s29 =	smov.u32 s28;
	v42 =	vmul.f32 $2.550000000e+02, v18;
	v39 =	vsub.f32 v28, v39;
	v30 =	vcvt.f32.s32 v30;
	v35 =	vld.idx.msk [tilespmem:v22+s3+$0x0], $0xffff;
	v22 =	vmovc v45  }
0x146: {  	v28 =	vcvt.f32.s32 v43  }
0x147: {  	v62 =	vmul.f32 $2.550000000e+02, v17;
	v41 =	vcvt.f32.s32 v41  }
0x148: {  	v29 =	vtrunc.f32 v29;
	v45 =	vmul.f32 $2.550000000e+02, v16  }
0x149: {  	v44 =	vld [tilespmem:s25+$0x540];
	v48 =	vmul.f32 $2.550000000e+02, v25;
	v23 =	vcvt.f32.s32 v23  }
0x14a: {  	v38 =	vld.idx.msk [tilespmem:v38+s3+$0x0], $0xffff;
	v42 =	vtrunc.f32 v42;
	v29 =	vcvt.f32.s32 v29  }
0x14b: {  	v24 =	vld.idx.msk [tilespmem:v24+s3+$0x0], $0xffff;
	v46 =	vmul.f32 $2.550000000e+02, v19;
	v42 =	vcvt.f32.s32 v42  }
0x14c: {  	v22 =	vld.idx.msk [tilespmem:v22+s3+$0x0], $0xffff;
	v43 =	vtrunc.f32 v62;
	v45 =	vtrunc.f32 v45  }
0x14d: {  	v30 =	vld.idx.msk [tilespmem:v30+s3+$0x0], $0xffff;
	v48 =	vtrunc.f32 v48;
	v45 =	vcvt.f32.s32 v45  }
0x14e: {  	v43 =	vcvt.f32.s32 v43;
	v47 =	vmul.f32 $2.550000000e+02, v44;
	v41 =	vld.idx.msk [tilespmem:v41+s3+$0x0], $0xffff  }
0x14f: {  	v46 =	vtrunc.f32 v46;
	v48 =	vcvt.f32.s32 v48;
	v28 =	vld.idx.msk [tilespmem:v28+s3+$0x0], $0xffff  }
0x150: {  	v46 =	vcvt.f32.s32 v46;
	v49 =	vld.idx.msk [tilespmem:v23+s3+$0x0], $0xffff;
	v47 =	vtrunc.f32 v47  }
0x151: {  	v29 =	vld.idx.msk [tilespmem:v29+s3+$0x0], $0xffff;
	v47 =	vcvt.f32.s32 v47  }
0x152: {  	v42 =	vld.idx.msk [tilespmem:v42+s3+$0x0], $0xffff  }
0x153: {  	v37 =	vadd.f32 v40, v37;
	v31 =	vmul.f32 v31, v31;
	v45 =	vld.idx.msk [tilespmem:v45+s3+$0x0], $0xffff  }
0x154: {  	v9 =	vadd.f32 v27, v9;
	v5 =	vsub.f32 v5, v33;
	v43 =	vld.idx.msk [tilespmem:v43+s3+$0x0], $0xffff  }
0x155: {  	v31 =	vadd.f32 v31, v36;
	v12 =	vsub.f32 v12, v34;
	v63 =	vld.idx.msk [tilespmem:v48+s3+$0x0], $0xffff  }
0x156: {  	v32 =	vsub.f32 v20, v32;
	s1 =	simm.s32 $0x0;
	v2 =	vsub.f32 v2, v35;
	v5 =	vmul.f32 v5, v5;
	v46 =	vld.idx.msk [tilespmem:v46+s3+$0x0], $0xffff  }
0x157: {  	v9 =	vadd.f32 v31, v9;
	v20 =	vmul.f32 v12, v12;
	v1 =	vsub.f32 v1, v24;
	v47 =	vld.idx.msk [tilespmem:v47+s3+$0x0], $0xffff;
	[tilespmem:s19], [sflag:$0x1] =	stream.linear.gather [hbm4b:s8+s1], $0x8000, $0x38  }
0x158: {  	s28 =	simm.s32 $0x0;
	s26 =	simm.s32 $0x0;
	v11 =	vsub.f32 v11, v38;
	v12 =	vmul.f32 v26, v26;
	v7 =	vsub.f32 v7, v22;
	s1 =	sand.u32 $0x2000, s1  }
0x159: {  	s25 =	sand.u32 $0x7000, s28;
	v2 =	vmul.f32 v2, v2;
	v5 =	vadd.f32 v5, v21;
	v21 =	vmul.f32 v1, v1;
	_ =	swait.ge [sflag:s22], $0x8000;
	s1 =	sshrl.u32 s1, $0x2  }
0x15a: {  	s26 =	sand.u32 $0x380, s26;
	v23 =	vmul.f32 v32, v32;
	v14 =	vsub.f32 v14, v30;
	v10 =	vadd.f32 v10, v12;
	[sflag:s22] =	ssyncset.done $0x0;
	s1 =	sor.u32 s1, s25  }
0x15b: {  	v24 =	vmul.f32 v11, v11;
	v6 =	vadd.f32 v2, v6;
	v4 =	vadd.f32 v4, v21;
	[sflag:s22] =	ssyncadd.s32 $0xFFFF8000;
	s26 =	sor.u32 s1, s26  }
0x15c: {  	v12 =	vmul.f32 v14, v14;
	v1 =	vsub.f32 v13, v29;
	v13 =	vsub.f32 v15, v28;
	v15 =	vld [tilespmem:s26+$0x8500]  }
0x15d: {  	v48 =	vmul.f32 v39, v39;
	v5 =	vadd.f32 v5, v10;
	v16 =	vsub.f32 v16, v45;
	v26 =	vld [tilespmem:s26+$0x8140]  }
0x15e: {  	v21 =	vmul.f32 v7, v7;
	v8 =	vsub.f32 v8, v41;
	v3 =	vsub.f32 v3, v49;
	v29 =	vld [tilespmem:s26+$0x8550]  }
0x15f: {  	v4 =	vadd.f32 v4, v6;
	v28 =	vmul.f32 v16, v16;
	v16 =	vsub.f32 v25, v63;
	v25 =	vld [tilespmem:s26+$0x8170]  }
0x160: {  	v11 =	vsub.f32 v18, v42;
	v18 =	vmul.f32 v1, v1;
	v1 =	vsub.f32 v17, v43;
	v14 =	vld [tilespmem:s26+$0x8560]  }
0x161: {  	v8 =	vmul.f32 v8, v8;
	v6 =	vmul.f32 v3, v3;
	v17 =	vsub.f32 v19, v46;
	v2 =	vld [tilespmem:s26+$0x8150]  }
0x162: {  	v13 =	vmul.f32 v13, v13;
	v27 =	vmul.f32 v1, v1;
	v32 =	vld [tilespmem:s26+$0x8100];
	v1 =	vsub.f32 v44, v47  }
0x163: {  	v5 =	vadd.f32 v5, v9;
	v11 =	vmul.f32 v11, v11;
	v17 =	vmul.f32 v17, v17;
	v35 =	vld [tilespmem:s26+$0x8510]  }
0x164: {  	v4 =	vadd.f32 v4, v37;
	v30 =	vmul.f32 v16, v16;
	v41 =	vld [tilespmem:s26+$0x8520];
	v31 =	vmul.f32 v1, v1  }
0x165: {  	v36 =	vld [tilespmem:s26+$0x8110];
	v19 =	vmul.f32 $2.550000000e+02, v15;
	v16 =	vmul.f32 $2.550000000e+02, v26  }
0x166: {  	s30 =	simm.s32 $0x2000;
	v54 =	vadd.f32 v5, v4;
	v22 =	vmul.f32 $2.550000000e+02, v25;
	v50 =	vmul.f32 $2.550000000e+02, v29  }
0x167: {  	s31 =	simm.s32 $0x100;
	v13 =	vadd.f32 v13, v48;
	s1 =	sand.u32 $0x2000, s30;
	v51 =	vmul.f32 $2.550000000e+02, v2;
	v53 =	vmul.f32 $2.550000000e+02, v32  }
0x168: {  	s28 =	simm.s32 $0x40;
	s25 =	sand.u32 $0x7000, s31;
	v5 =	vld [tilespmem:s26+$0x8570];
	v18 =	vadd.f32 v28, v18;
	s1 =	sshrl.u32 s1, $0x2;
	v55 =	vmul.f32 $2.550000000e+02, v14;
	v56 =	vmul.f32 $2.550000000e+02, v35  }
0x169: {  	s28 =	sand.u32 $0x380, s28;
	v11 =	vadd.f32 v27, v11;
	v40 =	vld [tilespmem:s26+$0x8540];
	s1 =	sor.u32 s1, s25;
	v58 =	vmul.f32 $2.550000000e+02, v41;
	v19 =	vtrunc.f32 v19  }
0x16a: {  	s25 =	sor.u32 s1, s28;
	v1 =	vld [tilespmem:s26+$0x8160];
	v24 =	vadd.f32 v24, v31;
	v31 =	vmul.f32 $2.550000000e+02, v36;
	v7 =	vcvt.f32.s32 v19  }
0x16b: {  	v12 =	vadd.f32 v12, v17;
	v44 =	vld [tilespmem:s25+$0x8500];
	v16 =	vtrunc.f32 v16;
	v3 =	vtrunc.f32 v22  }
0x16c: {  	v18 =	vadd.f32 v11, v18;
	v11 =	vld [tilespmem:s25+$0x8550];
	v9 =	vtrunc.f32 v50;
	v10 =	vcvt.f32.s32 v16  }
0x16d: {  	v13 =	vadd.f32 v12, v13;
	v12 =	vld [tilespmem:s25+$0x8170];
	v4 =	vtrunc.f32 v51;
	v33 =	vtrunc.f32 v55  }
0x16e: {  	v21 =	vadd.f32 v21, v23;
	v22 =	vld [tilespmem:s26+$0x8530];
	v23 =	vtrunc.f32 v31;
	v3 =	vcvt.f32.s32 v3  }
0x16f: {  	v31 =	vmul.f32 $2.550000000e+02, v40;
	v16 =	vld [tilespmem:s26+$0x8130];
	v9 =	vcvt.f32.s32 v9  }
0x170: {  	v52 =	vmul.f32 $2.550000000e+02, v1;
	v33 =	vcvt.f32.s32 v33;
	v7 =	vld.idx.msk [tilespmem:v7+s3+$0x0], $0xffff  }
0x171: {  	v19 =	vld [tilespmem:s26+$0x8120];
	v28 =	vcvt.f32.s32 v4;
	v4 =	vtrunc.f32 v56  }
0x172: {  	v23 =	vcvt.f32.s32 v23;
	v62 =	vmul.f32 $2.550000000e+02, v12;
	v10 =	vld.idx.msk [tilespmem:v10+s3+$0x0], $0xffff  }
0x173: {  	v60 =	vadd.f32 v20, v6;
	v57 =	vcvt.f32.s32 v4;
	v27 =	vmul.f32 $2.550000000e+02, v22  }
0x174: {  	v0 =	vadd.f32 v54, v0;
	v63 =	vmul.f32 $2.550000000e+02, v44;
	v54 =	vmul.f32 $2.550000000e+02, v11;
	v3 =	vld.idx.msk [tilespmem:v3+s3+$0x0], $0xffff  }
0x175: {  	v20 =	vld [tilespmem:s25+$0x8140];
	v4 =	vmul.f32 $2.550000000e+02, v16;
	v17 =	vtrunc.f32 v27;
	v7 =	vsub.f32 v15, v7  }
0x176: {  	v21 =	vadd.f32 v60, v21;
	v27 =	vmul.f32 $2.550000000e+02, v19;
	v33 =	vld.idx.msk [tilespmem:v33+s3+$0x0], $0xffff;
	v17 =	vcvt.f32.s32 v17  }
0x177: {  	v15 =	vld.idx.msk [tilespmem:v9+s3+$0x0], $0xffff;
	v10 =	vsub.f32 v26, v10;
	v26 =	vmul.f32 $2.550000000e+02, v5;
	v9 =	vmul.f32 v7, v7  }
0x178: {  	v48 =	vld.idx.msk [tilespmem:v23+s3+$0x0], $0xffff;
	v7 =	vtrunc.f32 v27;
	v27 =	vadd.f32 v30, v8;
	v8 =	vtrunc.f32 v53  }
0x179: {  	v34 =	vld.idx.msk [tilespmem:v57+s3+$0x0], $0xffff;
	v6 =	vmul.f32 v10, v10;
	v30 =	vcvt.f32.s32 v7;
	v7 =	vsub.f32 v25, v3  }
0x17a: {  	v18 =	vadd.f32 v21, v18;
	v21 =	vtrunc.f32 v26;
	v59 =	vcvt.f32.s32 v8;
	v8 =	vld [tilespmem:s25+$0x8560]  }
0x17b: {  	v25 =	vtrunc.f32 v4;
	v3 =	vld [tilespmem:s25+$0x8160];
	v24 =	vadd.f32 v27, v24;
	v4 =	vmul.f32 v7, v7  }
0x17c: {  	v7 =	vld [tilespmem:s25+$0x8150];
	v10 =	vsub.f32 v29, v15;
	v15 =	vcvt.f32.s32 v25;
	v25 =	vtrunc.f32 v31  }
0x17d: {  	v29 =	vtrunc.f32 v58;
	v31 =	vld.idx.msk [tilespmem:v17+s3+$0x0], $0xffff;
	v25 =	vcvt.f32.s32 v25  }
0x17e: {  	v26 =	vmul.f32 $2.550000000e+02, v20;
	v29 =	vcvt.f32.s32 v29;
	v17 =	vadd.f32 v24, v13;
	v13 =	vld [tilespmem:s25+$0x8100]  }
0x17f: {  	v37 =	vtrunc.f32 v52;
	v49 =	vcvt.f32.s32 v21;
	v30 =	vld.idx.msk [tilespmem:v30+s3+$0x0], $0xffff  }
0x180: {  	v21 =	vtrunc.f32 v63;
	v17 =	vadd.f32 v17, v18;
	v18 =	vtrunc.f32 v26;
	v27 =	vld.idx.msk [tilespmem:v59+s3+$0x0], $0xffff  }
0x181: {  	v36 =	vsub.f32 v36, v48;
	v24 =	vcvt.f32.s32 v37;
	v51 =	vcvt.f32.s32 v18;
	v18 =	vld [tilespmem:s25+$0x8120]  }
0x182: {  	v14 =	vsub.f32 v14, v33;
	v10 =	vmul.f32 v10, v10;
	v61 =	vmul.f32 $2.550000000e+02, v3;
	v26 =	vld.idx.msk [tilespmem:v15+s3+$0x0], $0xffff  }
0x183: {  	v56 =	vmul.f32 $2.550000000e+02, v8;
	v31 =	vsub.f32 v22, v31;
	v22 =	vmul.f32 v36, v36;
	v50 =	vld.idx.msk [tilespmem:v25+s3+$0x0], $0xffff  }
0x184: {  	v15 =	vmul.f32 $2.550000000e+02, v7;
	v25 =	vcvt.f32.s32 v21;
	v52 =	vld.idx.msk [tilespmem:v29+s3+$0x0], $0xffff  }
0x185: {  	v34 =	vsub.f32 v35, v34;
	v21 =	vmul.f32 v14, v14;
	v29 =	vmul.f32 $2.550000000e+02, v13;
	v14 =	vld [tilespmem:s25+$0x8530]  }
0x186: {  	v35 =	vld.idx.msk [tilespmem:v28+s3+$0x0], $0xffff;
	v55 =	vtrunc.f32 v15;
	v23 =	vsub.f32 v32, v27;
	v27 =	vtrunc.f32 v62  }
0x187: {  	v15 =	vld [tilespmem:s25+$0x8510];
	v19 =	vsub.f32 v19, v30;
	v42 =	vmul.f32 $2.550000000e+02, v18;
	v57 =	vcvt.f32.s32 v27  }
0x188: {  	v33 =	vld.idx.msk [tilespmem:v49+s3+$0x0], $0xffff;
	v27 =	vmul.f32 v34, v34;
	v53 =	vmul.f32 v23, v23  }
0x189: {  	v0 =	vadd.f32 v17, v0;
	v17 =	vld [tilespmem:s25+$0x8130];
	v23 =	vtrunc.f32 v61;
	v60 =	vmul.f32 v19, v19  }
0x18a: {  	v26 =	vsub.f32 v16, v26;
	v62 =	vmul.f32 $2.550000000e+02, v14;
	v30 =	vld.idx.msk [tilespmem:v25+s3+$0x0], $0xffff;
	v25 =	vtrunc.f32 v54  }
0x18b: {  	v32 =	vld.idx.msk [tilespmem:v51+s3+$0x0], $0xffff;
	v61 =	vsub.f32 v41, v52;
	v41 =	vtrunc.f32 v56;
	v38 =	vcvt.f32.s32 v25  }
0x18c: {  	v16 =	vld [tilespmem:s25+$0x8110];
	v58 =	vmul.f32 v26, v26;
	v59 =	vmul.f32 $2.550000000e+02, v15  }
0x18d: {  	v19 =	vld [tilespmem:s25+$0x8520];
	v37 =	vadd.f32 v22, v53;
	v22 =	vcvt.f32.s32 v55;
	v63 =	vtrunc.f32 v62  }
0x18e: {  	v26 =	vsub.f32 v40, v50;
	v25 =	vld [tilespmem:s25+$0x8570];
	v36 =	vmul.f32 v61, v61;
	v43 =	vtrunc.f32 v59  }
0x18f: {  	s29 =	simm.s32 $0x2;
	s26 =	simm.s32 $0x4000;
	v40 =	vadd.f32 v58, v60;
	v34 =	vld.idx.msk [tilespmem:v57+s3+$0x0], $0xffff;
	v39 =	vsub.f32 v44, v30;
	v30 =	vcvt.f32.s32 v63  }
.LBB2_8:
0x190: {  	s1 =	sand.u32 $0x2000, s26  }
0x191: {  	s30 =	sshll.u32 s29, $0x8;
	v43 =	vcvt.f32.s32 v43;
	v38 =	vld.idx.msk [tilespmem:v38+s3+$0x0], $0xffff;
	v28 =	vmul.f32 v31, v31;
	v31 =	vadd.f32 v40, v37;
	s31 =	smov.u32 s29;
	s28 =	sadd.s32 $0x1, s29  }
0x192: {  	v20 =	vsub.f32 v20, v32;
	s30 =	sand.u32 $0x7000, s30;
	s31 =	sshll.u32 s31, $0x6;
	s1 =	sshrl.u32 s1, $0x2;
	v32 =	vmul.f32 v39, v39;
	v37 =	vmul.f32 $2.550000000e+02, v19;
	v24 =	vld.idx.msk [tilespmem:v24+s3+$0x0], $0xffff  }
0x193: {  	p0 =	sne.s32 s29, $0x7F;
	v40 =	vcvt.f32.s32 v41;
	v39 =	vmul.f32 $2.550000000e+02, v17;
	s31 =	sand.u32 $0x380, s31;
	s1 =	sor.u32 s1, s30;
	v36 =	vadd.f32 v28, v36  }
0x194: {  	v29 =	vtrunc.f32 v29;
	v41 =	vtrunc.f32 v42;
	v33 =	vsub.f32 v5, v33;
	v5 =	vmovc v25;
	v42 =	vld [tilespmem:s25+$0x8540];
	s25 =	sor.u32 s1, s31  }
0x195: {  	v25 =	vcvt.f32.s32 v29;
	v29 =	vtrunc.f32 v39;
	v34 =	vsub.f32 v12, v34;
	v28 =	vld [tilespmem:s25+$0x8500]  }
0x196: {  	v44 =	vmul.f32 $2.550000000e+02, v16;
	v41 =	vcvt.f32.s32 v41;
	v35 =	vsub.f32 v2, v35;
	v2 =	vmovc v7;
	v39 =	vld [tilespmem:s25+$0x8550]  }
0x197: {  	v33 =	vmul.f32 v33, v33;
	v7 =	vadd.f32 v27, v9;
	v9 =	vmovc v32;
	v34 =	vmul.f32 v34, v34;
	v12 =	vld [tilespmem:s25+$0x8170]  }
0x198: {  	v32 =	vsub.f32 v11, v38;
	v38 =	vmul.f32 $2.550000000e+02, v5;
	v46 =	vsub.f32 v1, v24;
	v1 =	vmovc v3;
	v27 =	vld [tilespmem:s25+$0x8560]  }
0x199: {  	v26 =	vmul.f32 v26, v26;
	v24 =	vtrunc.f32 v44;
	v36 =	vadd.f32 v36, v7;
	v3 =	vld [tilespmem:s25+$0x8160]  }
0x19a: {  	v44 =	vmul.f32 v20, v20;
	v35 =	vmul.f32 v35, v35;
	v21 =	vadd.f32 v33, v21;
	v7 =	vld [tilespmem:s25+$0x8150]  }
0x19b: {  	v26 =	vadd.f32 v10, v26;
	v33 =	vmul.f32 $2.550000000e+02, v42;
	v45 =	vmul.f32 v46, v46;
	v40 =	vld.idx.msk [tilespmem:v40+s3+$0x0], $0xffff;
	v11 =	vmovc v39  }
0x19c: {  	v10 =	vmul.f32 v32, v32;
	v39 =	vcvt.f32.s32 v24;
	v24 =	vadd.f32 v35, v6;
	v6 =	vmovc v44;
	v20 =	vld [tilespmem:s25+$0x8140]  }
0x19d: {  	v29 =	vcvt.f32.s32 v29;
	v33 =	vtrunc.f32 v33;
	v35 =	vadd.f32 v4, v45;
	v4 =	vmovc v34;
	v32 =	vld.idx.msk [tilespmem:v41+s3+$0x0], $0xffff  }
0x19e: {  	v21 =	vadd.f32 v21, v26;
	v34 =	vtrunc.f32 v37;
	v33 =	vcvt.f32.s32 v33;
	v25 =	vld.idx.msk [tilespmem:v25+s3+$0x0], $0xffff  }
0x19f: {  	v34 =	vcvt.f32.s32 v34;
	v35 =	vadd.f32 v35, v24;
	v26 =	vmul.f32 $2.550000000e+02, v3;
	v30 =	vld.idx.msk [tilespmem:v30+s3+$0x0], $0xffff  }
0x1a0: {  	v21 =	vadd.f32 v21, v36;
	v24 =	vcvt.f32.s32 v23;
	v23 =	vtrunc.f32 v38;
	v37 =	vld.idx.msk [tilespmem:v43+s3+$0x0], $0xffff  }
0x1a1: {  	v41 =	vmul.f32 $2.550000000e+02, v12;
	v31 =	vadd.f32 v35, v31;
	v36 =	vld [tilespmem:s25+$0x8100];
	v38 =	vmul.f32 $2.550000000e+02, v20  }
0x1a2: {  	v44 =	vcvt.f32.s32 v23;
	v35 =	vmul.f32 $2.550000000e+02, v28;
	v40 =	vsub.f32 v8, v40;
	v8 =	vmovc v27;
	v39 =	vld.idx.msk [tilespmem:v39+s3+$0x0], $0xffff  }
0x1a3: {  	v27 =	vmul.f32 $2.550000000e+02, v7;
	v23 =	vtrunc.f32 v38;
	v38 =	vld.idx.msk [tilespmem:v29+s3+$0x0], $0xffff;
	v29 =	vadd.f32 v21, v31  }
0x1a4: {  	v21 =	vtrunc.f32 v35;
	v43 =	vcvt.f32.s32 v23;
	v23 =	vsub.f32 v13, v25;
	v25 =	vld.idx.msk [tilespmem:v33+s3+$0x0], $0xffff  }
0x1a5: {  	v33 =	vcvt.f32.s32 v21;
	v21 =	vmul.f32 v40, v40;
	v34 =	vld.idx.msk [tilespmem:v34+s3+$0x0], $0xffff;
	v0 =	vadd.f32 v29, v0  }
0x1a6: {  	v40 =	vtrunc.f32 v41;
	v35 =	vld [tilespmem:s25+$0x8120];
	v45 =	vmul.f32 v23, v23;
	v13 =	vmov v36  }
0x1a7: {  	v46 =	vsub.f32 v18, v32;
	v41 =	vmul.f32 $2.550000000e+02, v11;
	v29 =	vmul.f32 $2.550000000e+02, v13;
	v36 =	vld [tilespmem:s25+$0x8130]  }
0x1a8: {  	v47 =	vtrunc.f32 v27;
	v48 =	vsub.f32 v15, v37;
	v23 =	vtrunc.f32 v26;
	v15 =	vld [tilespmem:s25+$0x8510]  }
0x1a9: {  	v31 =	vsub.f32 v14, v30;
	v37 =	vmul.f32 $2.550000000e+02, v8;
	v49 =	vsub.f32 v17, v38;
	v14 =	vld [tilespmem:s25+$0x8530]  }
0x1aa: {  	v30 =	vcvt.f32.s32 v40;
	v32 =	vsub.f32 v16, v39;
	v27 =	vmul.f32 v48, v48;
	v16 =	vld [tilespmem:s25+$0x8110]  }
0x1ab: {  	v26 =	vsub.f32 v42, v25;
	v40 =	vmul.f32 v49, v49;
	v39 =	vld.idx.msk [tilespmem:v33+s3+$0x0], $0xffff;
	v33 =	vtrunc.f32 v41;
	v18 =	vmovc v35  }
0x1ac: {  	v38 =	vcvt.f32.s32 v33;
	v25 =	vld [tilespmem:s25+$0x8570];
	v33 =	vmul.f32 v32, v32;
	v17 =	vmov v36  }
.Ltmp3:
0x1ad: {  	v42 =	vsub.f32 v19, v34;
	v36 =	vmul.f32 v46, v46;
	v32 =	vld.idx.msk [tilespmem:v43+s3+$0x0], $0xffff;
	v35 =	vmul.f32 $2.550000000e+02, v15;
	(pc) =	sbr.rel @p0 .LBB2_8-.Ltmp3, $4  }
0x1ae: {  	v41 =	vtrunc.f32 v37;
	v19 =	vld [tilespmem:s25+$0x8520];
	v46 =	vmul.f32 $2.550000000e+02, v14;
	v37 =	vadd.f32 v33, v45  }
0x1af: {  	v45 =	vcvt.f32.s32 v47;
	v40 =	vadd.f32 v40, v36;
	v43 =	vtrunc.f32 v35;
	v33 =	vld.idx.msk [tilespmem:v44+s3+$0x0], $0xffff  }
0x1b0: {  	v36 =	vmul.f32 v42, v42;
	v34 =	vld.idx.msk [tilespmem:v30+s3+$0x0], $0xffff;
	v30 =	vtrunc.f32 v46  }
0x1b1: {  	s26 =	sadd.s32 $0x2000, s26;
	s29 =	smov.u32 s28;
	v42 =	vmul.f32 $2.550000000e+02, v18;
	v39 =	vsub.f32 v28, v39;
	v30 =	vcvt.f32.s32 v30;
	v35 =	vld.idx.msk [tilespmem:v22+s3+$0x0], $0xffff;
	v22 =	vmovc v45  }
0x1b2: {  	v28 =	vcvt.f32.s32 v43  }
0x1b3: {  	v62 =	vmul.f32 $2.550000000e+02, v17;
	v41 =	vcvt.f32.s32 v41  }
0x1b4: {  	v29 =	vtrunc.f32 v29;
	v45 =	vmul.f32 $2.550000000e+02, v16  }
0x1b5: {  	v44 =	vld [tilespmem:s25+$0x8540];
	v48 =	vmul.f32 $2.550000000e+02, v25;
	v23 =	vcvt.f32.s32 v23  }
0x1b6: {  	v38 =	vld.idx.msk [tilespmem:v38+s3+$0x0], $0xffff;
	v42 =	vtrunc.f32 v42;
	v29 =	vcvt.f32.s32 v29  }
0x1b7: {  	v24 =	vld.idx.msk [tilespmem:v24+s3+$0x0], $0xffff;
	v46 =	vmul.f32 $2.550000000e+02, v19;
	v42 =	vcvt.f32.s32 v42  }
0x1b8: {  	v22 =	vld.idx.msk [tilespmem:v22+s3+$0x0], $0xffff;
	v43 =	vtrunc.f32 v62;
	v45 =	vtrunc.f32 v45  }
0x1b9: {  	v30 =	vld.idx.msk [tilespmem:v30+s3+$0x0], $0xffff;
	v48 =	vtrunc.f32 v48;
	v45 =	vcvt.f32.s32 v45  }
0x1ba: {  	v43 =	vcvt.f32.s32 v43;
	v47 =	vmul.f32 $2.550000000e+02, v44;
	v41 =	vld.idx.msk [tilespmem:v41+s3+$0x0], $0xffff  }
0x1bb: {  	v46 =	vtrunc.f32 v46;
	v48 =	vcvt.f32.s32 v48;
	v28 =	vld.idx.msk [tilespmem:v28+s3+$0x0], $0xffff  }
0x1bc: {  	v46 =	vcvt.f32.s32 v46;
	v49 =	vld.idx.msk [tilespmem:v23+s3+$0x0], $0xffff;
	v47 =	vtrunc.f32 v47  }
0x1bd: {  	v29 =	vld.idx.msk [tilespmem:v29+s3+$0x0], $0xffff;
	v47 =	vcvt.f32.s32 v47  }
0x1be: {  	v42 =	vld.idx.msk [tilespmem:v42+s3+$0x0], $0xffff  }
0x1bf: {  	v37 =	vadd.f32 v40, v37;
	v31 =	vmul.f32 v31, v31;
	v45 =	vld.idx.msk [tilespmem:v45+s3+$0x0], $0xffff  }
0x1c0: {  	v9 =	vadd.f32 v27, v9;
	v5 =	vsub.f32 v5, v33;
	v43 =	vld.idx.msk [tilespmem:v43+s3+$0x0], $0xffff  }
0x1c1: {  	v31 =	vadd.f32 v31, v36;
	v12 =	vsub.f32 v12, v34;
	v63 =	vld.idx.msk [tilespmem:v48+s3+$0x0], $0xffff  }
0x1c2: {  	v32 =	vsub.f32 v20, v32;
	s1 =	simm.s32 $0x0;
	v2 =	vsub.f32 v2, v35;
	v5 =	vmul.f32 v5, v5;
	v46 =	vld.idx.msk [tilespmem:v46+s3+$0x0], $0xffff  }
0x1c3: {  	v9 =	vadd.f32 v31, v9;
	v20 =	vmul.f32 v12, v12;
	v1 =	vsub.f32 v1, v24;
	v47 =	vld.idx.msk [tilespmem:v47+s3+$0x0], $0xffff;
	[tilespmem:s20], [sflag:$0x2] =	stream.linear.gather [hbm4b:s9+s1], $0x8000, $0x38  }
0x1c4: {  	s28 =	simm.s32 $0x0;
	s26 =	simm.s32 $0x0;
	v11 =	vsub.f32 v11, v38;
	v12 =	vmul.f32 v26, v26;
	v7 =	vsub.f32 v7, v22;
	s1 =	sand.u32 $0x2000, s1  }
0x1c5: {  	s25 =	sand.u32 $0x7000, s28;
	v2 =	vmul.f32 v2, v2;
	v5 =	vadd.f32 v5, v21;
	v21 =	vmul.f32 v1, v1;
	_ =	swait.ge [sflag:s21], $0x8000;
	s1 =	sshrl.u32 s1, $0x2  }
0x1c6: {  	s26 =	sand.u32 $0x380, s26;
	v23 =	vmul.f32 v32, v32;
	v14 =	vsub.f32 v14, v30;
	v10 =	vadd.f32 v10, v12;
	[sflag:s21] =	ssyncset.done $0x0;
	s1 =	sor.u32 s1, s25  }
0x1c7: {  	v24 =	vmul.f32 v11, v11;
	v6 =	vadd.f32 v2, v6;
	v4 =	vadd.f32 v4, v21;
	[sflag:s21] =	ssyncadd.s32 $0xFFFF8000;
	s26 =	sor.u32 s1, s26  }
0x1c8: {  	v12 =	vmul.f32 v14, v14;
	v1 =	vsub.f32 v13, v29;
	v13 =	vsub.f32 v15, v28;
	v15 =	vld [tilespmem:s26+$0x500]  }
0x1c9: {  	v48 =	vmul.f32 v39, v39;
	v5 =	vadd.f32 v5, v10;
	v16 =	vsub.f32 v16, v45;
	v26 =	vld [tilespmem:s26+$0x140]  }
0x1ca: {  	v21 =	vmul.f32 v7, v7;
	v8 =	vsub.f32 v8, v41;
	v3 =	vsub.f32 v3, v49;
	v29 =	vld [tilespmem:s26+$0x550]  }
0x1cb: {  	v4 =	vadd.f32 v4, v6;
	v28 =	vmul.f32 v16, v16;
	v16 =	vsub.f32 v25, v63;
	v25 =	vld [tilespmem:s26+$0x170]  }
0x1cc: {  	v11 =	vsub.f32 v18, v42;
	v18 =	vmul.f32 v1, v1;
	v1 =	vsub.f32 v17, v43;
	v14 =	vld [tilespmem:s26+$0x560]  }
0x1cd: {  	v8 =	vmul.f32 v8, v8;
	v6 =	vmul.f32 v3, v3;
	v17 =	vsub.f32 v19, v46;
	v2 =	vld [tilespmem:s26+$0x150]  }
0x1ce: {  	v13 =	vmul.f32 v13, v13;
	v27 =	vmul.f32 v1, v1;
	v32 =	vld [tilespmem:s26+$0x100];
	v1 =	vsub.f32 v44, v47  }
0x1cf: {  	v5 =	vadd.f32 v5, v9;
	v11 =	vmul.f32 v11, v11;
	v17 =	vmul.f32 v17, v17;
	v35 =	vld [tilespmem:s26+$0x510]  }
0x1d0: {  	v4 =	vadd.f32 v4, v37;
	v30 =	vmul.f32 v16, v16;
	v41 =	vld [tilespmem:s26+$0x520];
	v31 =	vmul.f32 v1, v1  }
0x1d1: {  	v36 =	vld [tilespmem:s26+$0x110];
	v19 =	vmul.f32 $2.550000000e+02, v15;
	v16 =	vmul.f32 $2.550000000e+02, v26  }
0x1d2: {  	s30 =	simm.s32 $0x2000;
	v54 =	vadd.f32 v5, v4;
	v22 =	vmul.f32 $2.550000000e+02, v25;
	v50 =	vmul.f32 $2.550000000e+02, v29  }
0x1d3: {  	s31 =	simm.s32 $0x100;
	v13 =	vadd.f32 v13, v48;
	s1 =	sand.u32 $0x2000, s30;
	v51 =	vmul.f32 $2.550000000e+02, v2;
	v53 =	vmul.f32 $2.550000000e+02, v32  }
0x1d4: {  	s28 =	simm.s32 $0x40;
	s25 =	sand.u32 $0x7000, s31;
	v5 =	vld [tilespmem:s26+$0x570];
	v18 =	vadd.f32 v28, v18;
	s1 =	sshrl.u32 s1, $0x2;
	v55 =	vmul.f32 $2.550000000e+02, v14;
	v56 =	vmul.f32 $2.550000000e+02, v35  }
0x1d5: {  	s28 =	sand.u32 $0x380, s28;
	v11 =	vadd.f32 v27, v11;
	v40 =	vld [tilespmem:s26+$0x540];
	s1 =	sor.u32 s1, s25;
	v58 =	vmul.f32 $2.550000000e+02, v41;
	v19 =	vtrunc.f32 v19  }
0x1d6: {  	s25 =	sor.u32 s1, s28;
	v1 =	vld [tilespmem:s26+$0x160];
	v24 =	vadd.f32 v24, v31;
	v31 =	vmul.f32 $2.550000000e+02, v36;
	v7 =	vcvt.f32.s32 v19  }
0x1d7: {  	v12 =	vadd.f32 v12, v17;
	v44 =	vld [tilespmem:s25+$0x500];
	v16 =	vtrunc.f32 v16;
	v3 =	vtrunc.f32 v22  }
0x1d8: {  	v18 =	vadd.f32 v11, v18;
	v11 =	vld [tilespmem:s25+$0x550];
	v9 =	vtrunc.f32 v50;
	v10 =	vcvt.f32.s32 v16  }
0x1d9: {  	v13 =	vadd.f32 v12, v13;
	v12 =	vld [tilespmem:s25+$0x170];
	v4 =	vtrunc.f32 v51;
	v33 =	vtrunc.f32 v55  }
0x1da: {  	v21 =	vadd.f32 v21, v23;
	v22 =	vld [tilespmem:s26+$0x530];
	v23 =	vtrunc.f32 v31;
	v3 =	vcvt.f32.s32 v3  }
0x1db: {  	v31 =	vmul.f32 $2.550000000e+02, v40;
	v16 =	vld [tilespmem:s26+$0x130];
	v9 =	vcvt.f32.s32 v9  }
0x1dc: {  	v52 =	vmul.f32 $2.550000000e+02, v1;
	v33 =	vcvt.f32.s32 v33;
	v7 =	vld.idx.msk [tilespmem:v7+s3+$0x0], $0xffff  }
0x1dd: {  	v19 =	vld [tilespmem:s26+$0x120];
	v28 =	vcvt.f32.s32 v4;
	v4 =	vtrunc.f32 v56  }
0x1de: {  	v23 =	vcvt.f32.s32 v23;
	v62 =	vmul.f32 $2.550000000e+02, v12;
	v10 =	vld.idx.msk [tilespmem:v10+s3+$0x0], $0xffff  }
0x1df: {  	v60 =	vadd.f32 v20, v6;
	v57 =	vcvt.f32.s32 v4;
	v27 =	vmul.f32 $2.550000000e+02, v22  }
0x1e0: {  	v0 =	vadd.f32 v54, v0;
	v63 =	vmul.f32 $2.550000000e+02, v44;
	v54 =	vmul.f32 $2.550000000e+02, v11;
	v3 =	vld.idx.msk [tilespmem:v3+s3+$0x0], $0xffff  }
0x1e1: {  	v20 =	vld [tilespmem:s25+$0x140];
	v4 =	vmul.f32 $2.550000000e+02, v16;
	v17 =	vtrunc.f32 v27;
	v7 =	vsub.f32 v15, v7  }
0x1e2: {  	v21 =	vadd.f32 v60, v21;
	v27 =	vmul.f32 $2.550000000e+02, v19;
	v33 =	vld.idx.msk [tilespmem:v33+s3+$0x0], $0xffff;
	v17 =	vcvt.f32.s32 v17  }
0x1e3: {  	v15 =	vld.idx.msk [tilespmem:v9+s3+$0x0], $0xffff;
	v10 =	vsub.f32 v26, v10;
	v26 =	vmul.f32 $2.550000000e+02, v5;
	v9 =	vmul.f32 v7, v7  }
0x1e4: {  	v48 =	vld.idx.msk [tilespmem:v23+s3+$0x0], $0xffff;
	v7 =	vtrunc.f32 v27;
	v27 =	vadd.f32 v30, v8;
	v8 =	vtrunc.f32 v53  }
0x1e5: {  	v34 =	vld.idx.msk [tilespmem:v57+s3+$0x0], $0xffff;
	v6 =	vmul.f32 v10, v10;
	v30 =	vcvt.f32.s32 v7;
	v7 =	vsub.f32 v25, v3  }
0x1e6: {  	v18 =	vadd.f32 v21, v18;
	v21 =	vtrunc.f32 v26;
	v59 =	vcvt.f32.s32 v8;
	v8 =	vld [tilespmem:s25+$0x560]  }
0x1e7: {  	v25 =	vtrunc.f32 v4;
	v3 =	vld [tilespmem:s25+$0x160];
	v24 =	vadd.f32 v27, v24;
	v4 =	vmul.f32 v7, v7  }
0x1e8: {  	v7 =	vld [tilespmem:s25+$0x150];
	v10 =	vsub.f32 v29, v15;
	v15 =	vcvt.f32.s32 v25;
	v25 =	vtrunc.f32 v31  }
0x1e9: {  	v29 =	vtrunc.f32 v58;
	v31 =	vld.idx.msk [tilespmem:v17+s3+$0x0], $0xffff;
	v25 =	vcvt.f32.s32 v25  }
0x1ea: {  	v26 =	vmul.f32 $2.550000000e+02, v20;
	v29 =	vcvt.f32.s32 v29;
	v17 =	vadd.f32 v24, v13;
	v13 =	vld [tilespmem:s25+$0x100]  }
0x1eb: {  	v37 =	vtrunc.f32 v52;
	v49 =	vcvt.f32.s32 v21;
	v30 =	vld.idx.msk [tilespmem:v30+s3+$0x0], $0xffff  }
0x1ec: {  	v21 =	vtrunc.f32 v63;
	v17 =	vadd.f32 v17, v18;
	v18 =	vtrunc.f32 v26;
	v27 =	vld.idx.msk [tilespmem:v59+s3+$0x0], $0xffff  }
0x1ed: {  	v36 =	vsub.f32 v36, v48;
	v24 =	vcvt.f32.s32 v37;
	v51 =	vcvt.f32.s32 v18;
	v18 =	vld [tilespmem:s25+$0x120]  }
0x1ee: {  	v14 =	vsub.f32 v14, v33;
	v10 =	vmul.f32 v10, v10;
	v61 =	vmul.f32 $2.550000000e+02, v3;
	v26 =	vld.idx.msk [tilespmem:v15+s3+$0x0], $0xffff  }
0x1ef: {  	v56 =	vmul.f32 $2.550000000e+02, v8;
	v31 =	vsub.f32 v22, v31;
	v22 =	vmul.f32 v36, v36;
	v50 =	vld.idx.msk [tilespmem:v25+s3+$0x0], $0xffff  }
0x1f0: {  	v15 =	vmul.f32 $2.550000000e+02, v7;
	v25 =	vcvt.f32.s32 v21;
	v52 =	vld.idx.msk [tilespmem:v29+s3+$0x0], $0xffff  }
0x1f1: {  	v34 =	vsub.f32 v35, v34;
	v21 =	vmul.f32 v14, v14;
	v29 =	vmul.f32 $2.550000000e+02, v13;
	v14 =	vld [tilespmem:s25+$0x530]  }
0x1f2: {  	v35 =	vld.idx.msk [tilespmem:v28+s3+$0x0], $0xffff;
	v55 =	vtrunc.f32 v15;
	v23 =	vsub.f32 v32, v27;
	v27 =	vtrunc.f32 v62  }
0x1f3: {  	v15 =	vld [tilespmem:s25+$0x510];
	v19 =	vsub.f32 v19, v30;
	v42 =	vmul.f32 $2.550000000e+02, v18;
	v57 =	vcvt.f32.s32 v27  }
0x1f4: {  	v33 =	vld.idx.msk [tilespmem:v49+s3+$0x0], $0xffff;
	v27 =	vmul.f32 v34, v34;
	v53 =	vmul.f32 v23, v23  }
0x1f5: {  	v0 =	vadd.f32 v17, v0;
	v17 =	vld [tilespmem:s25+$0x130];
	v23 =	vtrunc.f32 v61;
	v60 =	vmul.f32 v19, v19  }
0x1f6: {  	v26 =	vsub.f32 v16, v26;
	v62 =	vmul.f32 $2.550000000e+02, v14;
	v30 =	vld.idx.msk [tilespmem:v25+s3+$0x0], $0xffff;
	v25 =	vtrunc.f32 v54  }
0x1f7: {  	v32 =	vld.idx.msk [tilespmem:v51+s3+$0x0], $0xffff;
	v61 =	vsub.f32 v41, v52;
	v41 =	vtrunc.f32 v56;
	v38 =	vcvt.f32.s32 v25  }
0x1f8: {  	v16 =	vld [tilespmem:s25+$0x110];
	v58 =	vmul.f32 v26, v26;
	v59 =	vmul.f32 $2.550000000e+02, v15  }
0x1f9: {  	v19 =	vld [tilespmem:s25+$0x520];
	v37 =	vadd.f32 v22, v53;
	v22 =	vcvt.f32.s32 v55;
	v63 =	vtrunc.f32 v62  }
0x1fa: {  	v26 =	vsub.f32 v40, v50;
	v25 =	vld [tilespmem:s25+$0x570];
	v36 =	vmul.f32 v61, v61;
	v43 =	vtrunc.f32 v59  }
0x1fb: {  	s29 =	simm.s32 $0x2;
	s26 =	simm.s32 $0x4000;
	v40 =	vadd.f32 v58, v60;
	v34 =	vld.idx.msk [tilespmem:v57+s3+$0x0], $0xffff;
	v39 =	vsub.f32 v44, v30;
	v30 =	vcvt.f32.s32 v63  }
.LBB2_10:
0x1fc: {  	s1 =	sand.u32 $0x2000, s26  }
0x1fd: {  	s30 =	sshll.u32 s29, $0x8;
	v43 =	vcvt.f32.s32 v43;
	v38 =	vld.idx.msk [tilespmem:v38+s3+$0x0], $0xffff;
	v28 =	vmul.f32 v31, v31;
	v31 =	vadd.f32 v40, v37;
	s31 =	smov.u32 s29;
	s28 =	sadd.s32 $0x1, s29  }
0x1fe: {  	v20 =	vsub.f32 v20, v32;
	s30 =	sand.u32 $0x7000, s30;
	s31 =	sshll.u32 s31, $0x6;
	s1 =	sshrl.u32 s1, $0x2;
	v32 =	vmul.f32 v39, v39;
	v37 =	vmul.f32 $2.550000000e+02, v19;
	v24 =	vld.idx.msk [tilespmem:v24+s3+$0x0], $0xffff  }
0x1ff: {  	p0 =	sne.s32 s29, $0x7F;
	v40 =	vcvt.f32.s32 v41;
	v39 =	vmul.f32 $2.550000000e+02, v17;
	s31 =	sand.u32 $0x380, s31;
	s1 =	sor.u32 s1, s30;
	v36 =	vadd.f32 v28, v36  }
0x200: {  	v29 =	vtrunc.f32 v29;
	v41 =	vtrunc.f32 v42;
	v33 =	vsub.f32 v5, v33;
	v5 =	vmovc v25;
	v42 =	vld [tilespmem:s25+$0x540];
	s25 =	sor.u32 s1, s31  }
0x201: {  	v25 =	vcvt.f32.s32 v29;
	v29 =	vtrunc.f32 v39;
	v34 =	vsub.f32 v12, v34;
	v28 =	vld [tilespmem:s25+$0x500]  }
0x202: {  	v44 =	vmul.f32 $2.550000000e+02, v16;
	v41 =	vcvt.f32.s32 v41;
	v35 =	vsub.f32 v2, v35;
	v2 =	vmovc v7;
	v39 =	vld [tilespmem:s25+$0x550]  }
0x203: {  	v33 =	vmul.f32 v33, v33;
	v7 =	vadd.f32 v27, v9;
	v9 =	vmovc v32;
	v34 =	vmul.f32 v34, v34;
	v12 =	vld [tilespmem:s25+$0x170]  }
0x204: {  	v32 =	vsub.f32 v11, v38;
	v38 =	vmul.f32 $2.550000000e+02, v5;
	v46 =	vsub.f32 v1, v24;
	v1 =	vmovc v3;
	v27 =	vld [tilespmem:s25+$0x560]  }
0x205: {  	v26 =	vmul.f32 v26, v26;
	v24 =	vtrunc.f32 v44;
	v36 =	vadd.f32 v36, v7;
	v3 =	vld [tilespmem:s25+$0x160]  }
0x206: {  	v44 =	vmul.f32 v20, v20;
	v35 =	vmul.f32 v35, v35;
	v21 =	vadd.f32 v33, v21;
	v7 =	vld [tilespmem:s25+$0x150]  }
0x207: {  	v26 =	vadd.f32 v10, v26;
	v33 =	vmul.f32 $2.550000000e+02, v42;
	v45 =	vmul.f32 v46, v46;
	v40 =	vld.idx.msk [tilespmem:v40+s3+$0x0], $0xffff;
	v11 =	vmovc v39  }
0x208: {  	v10 =	vmul.f32 v32, v32;
	v39 =	vcvt.f32.s32 v24;
	v24 =	vadd.f32 v35, v6;
	v6 =	vmovc v44;
	v20 =	vld [tilespmem:s25+$0x140]  }
0x209: {  	v29 =	vcvt.f32.s32 v29;
	v33 =	vtrunc.f32 v33;
	v35 =	vadd.f32 v4, v45;
	v4 =	vmovc v34;
	v32 =	vld.idx.msk [tilespmem:v41+s3+$0x0], $0xffff  }
0x20a: {  	v21 =	vadd.f32 v21, v26;
	v34 =	vtrunc.f32 v37;
	v33 =	vcvt.f32.s32 v33;
	v25 =	vld.idx.msk [tilespmem:v25+s3+$0x0], $0xffff  }
0x20b: {  	v34 =	vcvt.f32.s32 v34;
	v35 =	vadd.f32 v35, v24;
	v26 =	vmul.f32 $2.550000000e+02, v3;
	v30 =	vld.idx.msk [tilespmem:v30+s3+$0x0], $0xffff  }
0x20c: {  	v21 =	vadd.f32 v21, v36;
	v24 =	vcvt.f32.s32 v23;
	v23 =	vtrunc.f32 v38;
	v37 =	vld.idx.msk [tilespmem:v43+s3+$0x0], $0xffff  }
0x20d: {  	v41 =	vmul.f32 $2.550000000e+02, v12;
	v31 =	vadd.f32 v35, v31;
	v36 =	vld [tilespmem:s25+$0x100];
	v38 =	vmul.f32 $2.550000000e+02, v20  }
0x20e: {  	v44 =	vcvt.f32.s32 v23;
	v35 =	vmul.f32 $2.550000000e+02, v28;
	v40 =	vsub.f32 v8, v40;
	v8 =	vmovc v27;
	v39 =	vld.idx.msk [tilespmem:v39+s3+$0x0], $0xffff  }
0x20f: {  	v27 =	vmul.f32 $2.550000000e+02, v7;
	v23 =	vtrunc.f32 v38;
	v38 =	vld.idx.msk [tilespmem:v29+s3+$0x0], $0xffff;
	v29 =	vadd.f32 v21, v31  }
0x210: {  	v21 =	vtrunc.f32 v35;
	v43 =	vcvt.f32.s32 v23;
	v23 =	vsub.f32 v13, v25;
	v25 =	vld.idx.msk [tilespmem:v33+s3+$0x0], $0xffff  }
0x211: {  	v33 =	vcvt.f32.s32 v21;
	v21 =	vmul.f32 v40, v40;
	v34 =	vld.idx.msk [tilespmem:v34+s3+$0x0], $0xffff;
	v0 =	vadd.f32 v29, v0  }
0x212: {  	v40 =	vtrunc.f32 v41;
	v35 =	vld [tilespmem:s25+$0x120];
	v45 =	vmul.f32 v23, v23;
	v13 =	vmov v36  }
0x213: {  	v46 =	vsub.f32 v18, v32;
	v41 =	vmul.f32 $2.550000000e+02, v11;
	v29 =	vmul.f32 $2.550000000e+02, v13;
	v36 =	vld [tilespmem:s25+$0x130]  }
0x214: {  	v47 =	vtrunc.f32 v27;
	v48 =	vsub.f32 v15, v37;
	v23 =	vtrunc.f32 v26;
	v15 =	vld [tilespmem:s25+$0x510]  }
0x215: {  	v31 =	vsub.f32 v14, v30;
	v37 =	vmul.f32 $2.550000000e+02, v8;
	v49 =	vsub.f32 v17, v38;
	v14 =	vld [tilespmem:s25+$0x530]  }
0x216: {  	v30 =	vcvt.f32.s32 v40;
	v32 =	vsub.f32 v16, v39;
	v27 =	vmul.f32 v48, v48;
	v16 =	vld [tilespmem:s25+$0x110]  }
0x217: {  	v26 =	vsub.f32 v42, v25;
	v40 =	vmul.f32 v49, v49;
	v39 =	vld.idx.msk [tilespmem:v33+s3+$0x0], $0xffff;
	v33 =	vtrunc.f32 v41;
	v18 =	vmovc v35  }
0x218: {  	v38 =	vcvt.f32.s32 v33;
	v25 =	vld [tilespmem:s25+$0x570];
	v33 =	vmul.f32 v32, v32;
	v17 =	vmov v36  }
.Ltmp4:
0x219: {  	v42 =	vsub.f32 v19, v34;
	v36 =	vmul.f32 v46, v46;
	v32 =	vld.idx.msk [tilespmem:v43+s3+$0x0], $0xffff;
	v35 =	vmul.f32 $2.550000000e+02, v15;
	(pc) =	sbr.rel @p0 .LBB2_10-.Ltmp4, $4  }
0x21a: {  	v41 =	vtrunc.f32 v37;
	v19 =	vld [tilespmem:s25+$0x520];
	v46 =	vmul.f32 $2.550000000e+02, v14;
	v37 =	vadd.f32 v33, v45  }
0x21b: {  	v45 =	vcvt.f32.s32 v47;
	v40 =	vadd.f32 v40, v36;
	v43 =	vtrunc.f32 v35;
	v33 =	vld.idx.msk [tilespmem:v44+s3+$0x0], $0xffff  }
0x21c: {  	v36 =	vmul.f32 v42, v42;
	v34 =	vld.idx.msk [tilespmem:v30+s3+$0x0], $0xffff;
	v30 =	vtrunc.f32 v46  }
0x21d: {  	s26 =	sadd.s32 $0x2000, s26;
	s29 =	smov.u32 s28;
	v42 =	vmul.f32 $2.550000000e+02, v18;
	v39 =	vsub.f32 v28, v39;
	v30 =	vcvt.f32.s32 v30;
	v35 =	vld.idx.msk [tilespmem:v22+s3+$0x0], $0xffff;
	v22 =	vmovc v45  }
0x21e: {  	v28 =	vcvt.f32.s32 v43  }
0x21f: {  	v62 =	vmul.f32 $2.550000000e+02, v17;
	v41 =	vcvt.f32.s32 v41  }
0x220: {  	v29 =	vtrunc.f32 v29;
	v45 =	vmul.f32 $2.550000000e+02, v16  }
0x221: {  	v44 =	vld [tilespmem:s25+$0x540];
	v48 =	vmul.f32 $2.550000000e+02, v25;
	v23 =	vcvt.f32.s32 v23  }
0x222: {  	v38 =	vld.idx.msk [tilespmem:v38+s3+$0x0], $0xffff;
	v42 =	vtrunc.f32 v42;
	v29 =	vcvt.f32.s32 v29  }
0x223: {  	v24 =	vld.idx.msk [tilespmem:v24+s3+$0x0], $0xffff;
	v46 =	vmul.f32 $2.550000000e+02, v19;
	v42 =	vcvt.f32.s32 v42  }
0x224: {  	v22 =	vld.idx.msk [tilespmem:v22+s3+$0x0], $0xffff;
	v43 =	vtrunc.f32 v62;
	v45 =	vtrunc.f32 v45  }
0x225: {  	v30 =	vld.idx.msk [tilespmem:v30+s3+$0x0], $0xffff;
	v48 =	vtrunc.f32 v48;
	v45 =	vcvt.f32.s32 v45  }
0x226: {  	v43 =	vcvt.f32.s32 v43;
	v47 =	vmul.f32 $2.550000000e+02, v44;
	v41 =	vld.idx.msk [tilespmem:v41+s3+$0x0], $0xffff  }
0x227: {  	v46 =	vtrunc.f32 v46;
	v48 =	vcvt.f32.s32 v48;
	v28 =	vld.idx.msk [tilespmem:v28+s3+$0x0], $0xffff  }
0x228: {  	v46 =	vcvt.f32.s32 v46;
	v49 =	vld.idx.msk [tilespmem:v23+s3+$0x0], $0xffff;
	v47 =	vtrunc.f32 v47  }
0x229: {  	v29 =	vld.idx.msk [tilespmem:v29+s3+$0x0], $0xffff;
	v47 =	vcvt.f32.s32 v47  }
0x22a: {  	v42 =	vld.idx.msk [tilespmem:v42+s3+$0x0], $0xffff  }
0x22b: {  	v37 =	vadd.f32 v40, v37;
	v31 =	vmul.f32 v31, v31;
	v45 =	vld.idx.msk [tilespmem:v45+s3+$0x0], $0xffff  }
0x22c: {  	v9 =	vadd.f32 v27, v9;
	v5 =	vsub.f32 v5, v33;
	v43 =	vld.idx.msk [tilespmem:v43+s3+$0x0], $0xffff  }
0x22d: {  	v31 =	vadd.f32 v31, v36;
	v12 =	vsub.f32 v12, v34;
	v63 =	vld.idx.msk [tilespmem:v48+s3+$0x0], $0xffff  }
0x22e: {  	v32 =	vsub.f32 v20, v32;
	s1 =	simm.s32 $0x0;
	v2 =	vsub.f32 v2, v35;
	v5 =	vmul.f32 v5, v5;
	v46 =	vld.idx.msk [tilespmem:v46+s3+$0x0], $0xffff  }
0x22f: {  	v9 =	vadd.f32 v31, v9;
	v20 =	vmul.f32 v12, v12;
	v1 =	vsub.f32 v1, v24;
	v47 =	vld.idx.msk [tilespmem:v47+s3+$0x0], $0xffff;
	[tilespmem:s19], [sflag:$0x1] =	stream.linear.gather [hbm4b:s10+s1], $0x8000, $0x38  }
0x230: {  	s28 =	simm.s32 $0x0;
	s26 =	simm.s32 $0x0;
	v11 =	vsub.f32 v11, v38;
	v12 =	vmul.f32 v26, v26;
	v7 =	vsub.f32 v7, v22;
	s1 =	sand.u32 $0x2000, s1  }
0x231: {  	s25 =	sand.u32 $0x7000, s28;
	v2 =	vmul.f32 v2, v2;
	v5 =	vadd.f32 v5, v21;
	v21 =	vmul.f32 v1, v1;
	_ =	swait.ge [sflag:s22], $0x8000;
	s1 =	sshrl.u32 s1, $0x2  }
0x232: {  	s26 =	sand.u32 $0x380, s26;
	v23 =	vmul.f32 v32, v32;
	v14 =	vsub.f32 v14, v30;
	v10 =	vadd.f32 v10, v12;
	[sflag:s22] =	ssyncset.done $0x0;
	s1 =	sor.u32 s1, s25  }
0x233: {  	v24 =	vmul.f32 v11, v11;
	v6 =	vadd.f32 v2, v6;
	v4 =	vadd.f32 v4, v21;
	[sflag:s22] =	ssyncadd.s32 $0xFFFF8000;
	s26 =	sor.u32 s1, s26  }
0x234: {  	v12 =	vmul.f32 v14, v14;
	v1 =	vsub.f32 v13, v29;
	v13 =	vsub.f32 v15, v28;
	v15 =	vld [tilespmem:s26+$0x8500]  }
0x235: {  	v48 =	vmul.f32 v39, v39;
	v5 =	vadd.f32 v5, v10;
	v16 =	vsub.f32 v16, v45;
	v26 =	vld [tilespmem:s26+$0x8140]  }
0x236: {  	v21 =	vmul.f32 v7, v7;
	v8 =	vsub.f32 v8, v41;
	v3 =	vsub.f32 v3, v49;
	v29 =	vld [tilespmem:s26+$0x8550]  }
0x237: {  	v4 =	vadd.f32 v4, v6;
	v28 =	vmul.f32 v16, v16;
	v16 =	vsub.f32 v25, v63;
	v25 =	vld [tilespmem:s26+$0x8170]  }
0x238: {  	v11 =	vsub.f32 v18, v42;
	v18 =	vmul.f32 v1, v1;
	v1 =	vsub.f32 v17, v43;
	v14 =	vld [tilespmem:s26+$0x8560]  }
0x239: {  	v8 =	vmul.f32 v8, v8;
	v6 =	vmul.f32 v3, v3;
	v17 =	vsub.f32 v19, v46;
	v2 =	vld [tilespmem:s26+$0x8150]  }
0x23a: {  	v13 =	vmul.f32 v13, v13;
	v27 =	vmul.f32 v1, v1;
	v32 =	vld [tilespmem:s26+$0x8100];
	v1 =	vsub.f32 v44, v47  }
0x23b: {  	v5 =	vadd.f32 v5, v9;
	v11 =	vmul.f32 v11, v11;
	v17 =	vmul.f32 v17, v17;
	v35 =	vld [tilespmem:s26+$0x8510]  }
0x23c: {  	v4 =	vadd.f32 v4, v37;
	v30 =	vmul.f32 v16, v16;
	v41 =	vld [tilespmem:s26+$0x8520];
	v31 =	vmul.f32 v1, v1  }
0x23d: {  	v36 =	vld [tilespmem:s26+$0x8110];
	v19 =	vmul.f32 $2.550000000e+02, v15;
	v16 =	vmul.f32 $2.550000000e+02, v26  }
0x23e: {  	s30 =	simm.s32 $0x2000;
	v54 =	vadd.f32 v5, v4;
	v22 =	vmul.f32 $2.550000000e+02, v25;
	v50 =	vmul.f32 $2.550000000e+02, v29  }
0x23f: {  	s31 =	simm.s32 $0x100;
	v13 =	vadd.f32 v13, v48;
	s1 =	sand.u32 $0x2000, s30;
	v51 =	vmul.f32 $2.550000000e+02, v2;
	v53 =	vmul.f32 $2.550000000e+02, v32  }
0x240: {  	s28 =	simm.s32 $0x40;
	s25 =	sand.u32 $0x7000, s31;
	v5 =	vld [tilespmem:s26+$0x8570];
	v18 =	vadd.f32 v28, v18;
	s1 =	sshrl.u32 s1, $0x2;
	v55 =	vmul.f32 $2.550000000e+02, v14;
	v56 =	vmul.f32 $2.550000000e+02, v35  }
0x241: {  	s28 =	sand.u32 $0x380, s28;
	v11 =	vadd.f32 v27, v11;
	v40 =	vld [tilespmem:s26+$0x8540];
	s1 =	sor.u32 s1, s25;
	v58 =	vmul.f32 $2.550000000e+02, v41;
	v19 =	vtrunc.f32 v19  }
0x242: {  	s25 =	sor.u32 s1, s28;
	v1 =	vld [tilespmem:s26+$0x8160];
	v24 =	vadd.f32 v24, v31;
	v31 =	vmul.f32 $2.550000000e+02, v36;
	v7 =	vcvt.f32.s32 v19  }
0x243: {  	v12 =	vadd.f32 v12, v17;
	v44 =	vld [tilespmem:s25+$0x8500];
	v16 =	vtrunc.f32 v16;
	v3 =	vtrunc.f32 v22  }
0x244: {  	v18 =	vadd.f32 v11, v18;
	v11 =	vld [tilespmem:s25+$0x8550];
	v9 =	vtrunc.f32 v50;
	v10 =	vcvt.f32.s32 v16  }
0x245: {  	v13 =	vadd.f32 v12, v13;
	v12 =	vld [tilespmem:s25+$0x8170];
	v4 =	vtrunc.f32 v51;
	v33 =	vtrunc.f32 v55  }
0x246: {  	v21 =	vadd.f32 v21, v23;
	v22 =	vld [tilespmem:s26+$0x8530];
	v23 =	vtrunc.f32 v31;
	v3 =	vcvt.f32.s32 v3  }
0x247: {  	v31 =	vmul.f32 $2.550000000e+02, v40;
	v16 =	vld [tilespmem:s26+$0x8130];
	v9 =	vcvt.f32.s32 v9  }
0x248: {  	v52 =	vmul.f32 $2.550000000e+02, v1;
	v33 =	vcvt.f32.s32 v33;
	v7 =	vld.idx.msk [tilespmem:v7+s3+$0x0], $0xffff  }
0x249: {  	v19 =	vld [tilespmem:s26+$0x8120];
	v28 =	vcvt.f32.s32 v4;
	v4 =	vtrunc.f32 v56  }
0x24a: {  	v23 =	vcvt.f32.s32 v23;
	v62 =	vmul.f32 $2.550000000e+02, v12;
	v10 =	vld.idx.msk [tilespmem:v10+s3+$0x0], $0xffff  }
0x24b: {  	v60 =	vadd.f32 v20, v6;
	v57 =	vcvt.f32.s32 v4;
	v27 =	vmul.f32 $2.550000000e+02, v22  }
0x24c: {  	v0 =	vadd.f32 v54, v0;
	v63 =	vmul.f32 $2.550000000e+02, v44;
	v54 =	vmul.f32 $2.550000000e+02, v11;
	v3 =	vld.idx.msk [tilespmem:v3+s3+$0x0], $0xffff  }
0x24d: {  	v20 =	vld [tilespmem:s25+$0x8140];
	v4 =	vmul.f32 $2.550000000e+02, v16;
	v17 =	vtrunc.f32 v27;
	v7 =	vsub.f32 v15, v7  }
0x24e: {  	v21 =	vadd.f32 v60, v21;
	v27 =	vmul.f32 $2.550000000e+02, v19;
	v33 =	vld.idx.msk [tilespmem:v33+s3+$0x0], $0xffff;
	v17 =	vcvt.f32.s32 v17  }
0x24f: {  	v15 =	vld.idx.msk [tilespmem:v9+s3+$0x0], $0xffff;
	v10 =	vsub.f32 v26, v10;
	v26 =	vmul.f32 $2.550000000e+02, v5;
	v9 =	vmul.f32 v7, v7  }
0x250: {  	v48 =	vld.idx.msk [tilespmem:v23+s3+$0x0], $0xffff;
	v7 =	vtrunc.f32 v27;
	v27 =	vadd.f32 v30, v8;
	v8 =	vtrunc.f32 v53  }
0x251: {  	v34 =	vld.idx.msk [tilespmem:v57+s3+$0x0], $0xffff;
	v6 =	vmul.f32 v10, v10;
	v30 =	vcvt.f32.s32 v7;
	v7 =	vsub.f32 v25, v3  }
0x252: {  	v18 =	vadd.f32 v21, v18;
	v21 =	vtrunc.f32 v26;
	v59 =	vcvt.f32.s32 v8;
	v8 =	vld [tilespmem:s25+$0x8560]  }
0x253: {  	v25 =	vtrunc.f32 v4;
	v3 =	vld [tilespmem:s25+$0x8160];
	v24 =	vadd.f32 v27, v24;
	v4 =	vmul.f32 v7, v7  }
0x254: {  	v7 =	vld [tilespmem:s25+$0x8150];
	v10 =	vsub.f32 v29, v15;
	v15 =	vcvt.f32.s32 v25;
	v25 =	vtrunc.f32 v31  }
0x255: {  	v29 =	vtrunc.f32 v58;
	v31 =	vld.idx.msk [tilespmem:v17+s3+$0x0], $0xffff;
	v25 =	vcvt.f32.s32 v25  }
0x256: {  	v26 =	vmul.f32 $2.550000000e+02, v20;
	v29 =	vcvt.f32.s32 v29;
	v17 =	vadd.f32 v24, v13;
	v13 =	vld [tilespmem:s25+$0x8100]  }
0x257: {  	v37 =	vtrunc.f32 v52;
	v49 =	vcvt.f32.s32 v21;
	v30 =	vld.idx.msk [tilespmem:v30+s3+$0x0], $0xffff  }
0x258: {  	v21 =	vtrunc.f32 v63;
	v17 =	vadd.f32 v17, v18;
	v18 =	vtrunc.f32 v26;
	v27 =	vld.idx.msk [tilespmem:v59+s3+$0x0], $0xffff  }
0x259: {  	v36 =	vsub.f32 v36, v48;
	v24 =	vcvt.f32.s32 v37;
	v51 =	vcvt.f32.s32 v18;
	v18 =	vld [tilespmem:s25+$0x8120]  }
0x25a: {  	v14 =	vsub.f32 v14, v33;
	v10 =	vmul.f32 v10, v10;
	v61 =	vmul.f32 $2.550000000e+02, v3;
	v26 =	vld.idx.msk [tilespmem:v15+s3+$0x0], $0xffff  }
0x25b: {  	v56 =	vmul.f32 $2.550000000e+02, v8;
	v31 =	vsub.f32 v22, v31;
	v22 =	vmul.f32 v36, v36;
	v50 =	vld.idx.msk [tilespmem:v25+s3+$0x0], $0xffff  }
0x25c: {  	v15 =	vmul.f32 $2.550000000e+02, v7;
	v25 =	vcvt.f32.s32 v21;
	v52 =	vld.idx.msk [tilespmem:v29+s3+$0x0], $0xffff  }
0x25d: {  	v34 =	vsub.f32 v35, v34;
	v21 =	vmul.f32 v14, v14;
	v29 =	vmul.f32 $2.550000000e+02, v13;
	v14 =	vld [tilespmem:s25+$0x8530]  }
0x25e: {  	v35 =	vld.idx.msk [tilespmem:v28+s3+$0x0], $0xffff;
	v55 =	vtrunc.f32 v15;
	v23 =	vsub.f32 v32, v27;
	v27 =	vtrunc.f32 v62  }
0x25f: {  	v15 =	vld [tilespmem:s25+$0x8510];
	v19 =	vsub.f32 v19, v30;
	v42 =	vmul.f32 $2.550000000e+02, v18;
	v57 =	vcvt.f32.s32 v27  }
0x260: {  	v33 =	vld.idx.msk [tilespmem:v49+s3+$0x0], $0xffff;
	v27 =	vmul.f32 v34, v34;
	v53 =	vmul.f32 v23, v23  }
0x261: {  	v0 =	vadd.f32 v17, v0;
	v17 =	vld [tilespmem:s25+$0x8130];
	v23 =	vtrunc.f32 v61;
	v60 =	vmul.f32 v19, v19  }
0x262: {  	v26 =	vsub.f32 v16, v26;
	v62 =	vmul.f32 $2.550000000e+02, v14;
	v30 =	vld.idx.msk [tilespmem:v25+s3+$0x0], $0xffff;
	v25 =	vtrunc.f32 v54  }
0x263: {  	v32 =	vld.idx.msk [tilespmem:v51+s3+$0x0], $0xffff;
	v61 =	vsub.f32 v41, v52;
	v41 =	vtrunc.f32 v56;
	v38 =	vcvt.f32.s32 v25  }
0x264: {  	v16 =	vld [tilespmem:s25+$0x8110];
	v58 =	vmul.f32 v26, v26;
	v59 =	vmul.f32 $2.550000000e+02, v15  }
0x265: {  	v19 =	vld [tilespmem:s25+$0x8520];
	v37 =	vadd.f32 v22, v53;
	v22 =	vcvt.f32.s32 v55;
	v63 =	vtrunc.f32 v62  }
0x266: {  	v26 =	vsub.f32 v40, v50;
	v25 =	vld [tilespmem:s25+$0x8570];
	v36 =	vmul.f32 v61, v61;
	v43 =	vtrunc.f32 v59  }
0x267: {  	s29 =	simm.s32 $0x2;
	s26 =	simm.s32 $0x4000;
	v40 =	vadd.f32 v58, v60;
	v34 =	vld.idx.msk [tilespmem:v57+s3+$0x0], $0xffff;
	v39 =	vsub.f32 v44, v30;
	v30 =	vcvt.f32.s32 v63  }
.LBB2_12:
0x268: {  	s1 =	sand.u32 $0x2000, s26  }
0x269: {  	s30 =	sshll.u32 s29, $0x8;
	v43 =	vcvt.f32.s32 v43;
	v38 =	vld.idx.msk [tilespmem:v38+s3+$0x0], $0xffff;
	v28 =	vmul.f32 v31, v31;
	v31 =	vadd.f32 v40, v37;
	s31 =	smov.u32 s29;
	s28 =	sadd.s32 $0x1, s29  }
0x26a: {  	v20 =	vsub.f32 v20, v32;
	s30 =	sand.u32 $0x7000, s30;
	s31 =	sshll.u32 s31, $0x6;
	s1 =	sshrl.u32 s1, $0x2;
	v32 =	vmul.f32 v39, v39;
	v37 =	vmul.f32 $2.550000000e+02, v19;
	v24 =	vld.idx.msk [tilespmem:v24+s3+$0x0], $0xffff  }
0x26b: {  	p0 =	sne.s32 s29, $0x7F;
	v40 =	vcvt.f32.s32 v41;
	v39 =	vmul.f32 $2.550000000e+02, v17;
	s31 =	sand.u32 $0x380, s31;
	s1 =	sor.u32 s1, s30;
	v36 =	vadd.f32 v28, v36  }
0x26c: {  	v29 =	vtrunc.f32 v29;
	v41 =	vtrunc.f32 v42;
	v33 =	vsub.f32 v5, v33;
	v5 =	vmovc v25;
	v42 =	vld [tilespmem:s25+$0x8540];
	s25 =	sor.u32 s1, s31  }
0x26d: {  	v25 =	vcvt.f32.s32 v29;
	v29 =	vtrunc.f32 v39;
	v34 =	vsub.f32 v12, v34;
	v28 =	vld [tilespmem:s25+$0x8500]  }
0x26e: {  	v44 =	vmul.f32 $2.550000000e+02, v16;
	v41 =	vcvt.f32.s32 v41;
	v35 =	vsub.f32 v2, v35;
	v2 =	vmovc v7;
	v39 =	vld [tilespmem:s25+$0x8550]  }
0x26f: {  	v33 =	vmul.f32 v33, v33;
	v7 =	vadd.f32 v27, v9;
	v9 =	vmovc v32;
	v34 =	vmul.f32 v34, v34;
	v12 =	vld [tilespmem:s25+$0x8170]  }
0x270: {  	v32 =	vsub.f32 v11, v38;
	v38 =	vmul.f32 $2.550000000e+02, v5;
	v46 =	vsub.f32 v1, v24;
	v1 =	vmovc v3;
	v27 =	vld [tilespmem:s25+$0x8560]  }
0x271: {  	v26 =	vmul.f32 v26, v26;
	v24 =	vtrunc.f32 v44;
	v36 =	vadd.f32 v36, v7;
	v3 =	vld [tilespmem:s25+$0x8160]  }
0x272: {  	v44 =	vmul.f32 v20, v20;
	v35 =	vmul.f32 v35, v35;
	v21 =	vadd.f32 v33, v21;
	v7 =	vld [tilespmem:s25+$0x8150]  }
0x273: {  	v26 =	vadd.f32 v10, v26;
	v33 =	vmul.f32 $2.550000000e+02, v42;
	v45 =	vmul.f32 v46, v46;
	v40 =	vld.idx.msk [tilespmem:v40+s3+$0x0], $0xffff;
	v11 =	vmovc v39  }
0x274: {  	v10 =	vmul.f32 v32, v32;
	v39 =	vcvt.f32.s32 v24;
	v24 =	vadd.f32 v35, v6;
	v6 =	vmovc v44;
	v20 =	vld [tilespmem:s25+$0x8140]  }
0x275: {  	v29 =	vcvt.f32.s32 v29;
	v33 =	vtrunc.f32 v33;
	v35 =	vadd.f32 v4, v45;
	v4 =	vmovc v34;
	v32 =	vld.idx.msk [tilespmem:v41+s3+$0x0], $0xffff  }
0x276: {  	v21 =	vadd.f32 v21, v26;
	v34 =	vtrunc.f32 v37;
	v33 =	vcvt.f32.s32 v33;
	v25 =	vld.idx.msk [tilespmem:v25+s3+$0x0], $0xffff  }
0x277: {  	v34 =	vcvt.f32.s32 v34;
	v35 =	vadd.f32 v35, v24;
	v26 =	vmul.f32 $2.550000000e+02, v3;
	v30 =	vld.idx.msk [tilespmem:v30+s3+$0x0], $0xffff  }
0x278: {  	v21 =	vadd.f32 v21, v36;
	v24 =	vcvt.f32.s32 v23;
	v23 =	vtrunc.f32 v38;
	v37 =	vld.idx.msk [tilespmem:v43+s3+$0x0], $0xffff  }
0x279: {  	v41 =	vmul.f32 $2.550000000e+02, v12;
	v31 =	vadd.f32 v35, v31;
	v36 =	vld [tilespmem:s25+$0x8100];
	v38 =	vmul.f32 $2.550000000e+02, v20  }
0x27a: {  	v44 =	vcvt.f32.s32 v23;
	v35 =	vmul.f32 $2.550000000e+02, v28;
	v40 =	vsub.f32 v8, v40;
	v8 =	vmovc v27;
	v39 =	vld.idx.msk [tilespmem:v39+s3+$0x0], $0xffff  }
0x27b: {  	v27 =	vmul.f32 $2.550000000e+02, v7;
	v23 =	vtrunc.f32 v38;
	v38 =	vld.idx.msk [tilespmem:v29+s3+$0x0], $0xffff;
	v29 =	vadd.f32 v21, v31  }
0x27c: {  	v21 =	vtrunc.f32 v35;
	v43 =	vcvt.f32.s32 v23;
	v23 =	vsub.f32 v13, v25;
	v25 =	vld.idx.msk [tilespmem:v33+s3+$0x0], $0xffff  }
0x27d: {  	v33 =	vcvt.f32.s32 v21;
	v21 =	vmul.f32 v40, v40;
	v34 =	vld.idx.msk [tilespmem:v34+s3+$0x0], $0xffff;
	v0 =	vadd.f32 v29, v0  }
0x27e: {  	v40 =	vtrunc.f32 v41;
	v35 =	vld [tilespmem:s25+$0x8120];
	v45 =	vmul.f32 v23, v23;
	v13 =	vmov v36  }
0x27f: {  	v46 =	vsub.f32 v18, v32;
	v41 =	vmul.f32 $2.550000000e+02, v11;
	v29 =	vmul.f32 $2.550000000e+02, v13;
	v36 =	vld [tilespmem:s25+$0x8130]  }
0x280: {  	v47 =	vtrunc.f32 v27;
	v48 =	vsub.f32 v15, v37;
	v23 =	vtrunc.f32 v26;
	v15 =	vld [tilespmem:s25+$0x8510]  }
0x281: {  	v31 =	vsub.f32 v14, v30;
	v37 =	vmul.f32 $2.550000000e+02, v8;
	v49 =	vsub.f32 v17, v38;
	v14 =	vld [tilespmem:s25+$0x8530]  }
0x282: {  	v30 =	vcvt.f32.s32 v40;
	v32 =	vsub.f32 v16, v39;
	v27 =	vmul.f32 v48, v48;
	v16 =	vld [tilespmem:s25+$0x8110]  }
0x283: {  	v26 =	vsub.f32 v42, v25;
	v40 =	vmul.f32 v49, v49;
	v39 =	vld.idx.msk [tilespmem:v33+s3+$0x0], $0xffff;
	v33 =	vtrunc.f32 v41;
	v18 =	vmovc v35  }
0x284: {  	v38 =	vcvt.f32.s32 v33;
	v25 =	vld [tilespmem:s25+$0x8570];
	v33 =	vmul.f32 v32, v32;
	v17 =	vmov v36  }
.Ltmp5:
0x285: {  	v42 =	vsub.f32 v19, v34;
	v36 =	vmul.f32 v46, v46;
	v32 =	vld.idx.msk [tilespmem:v43+s3+$0x0], $0xffff;
	v35 =	vmul.f32 $2.550000000e+02, v15;
	(pc) =	sbr.rel @p0 .LBB2_12-.Ltmp5, $4  }
0x286: {  	v41 =	vtrunc.f32 v37;
	v19 =	vld [tilespmem:s25+$0x8520];
	v46 =	vmul.f32 $2.550000000e+02, v14;
	v37 =	vadd.f32 v33, v45  }
0x287: {  	v45 =	vcvt.f32.s32 v47;
	v40 =	vadd.f32 v40, v36;
	v43 =	vtrunc.f32 v35;
	v33 =	vld.idx.msk [tilespmem:v44+s3+$0x0], $0xffff  }
0x288: {  	v36 =	vmul.f32 v42, v42;
	v34 =	vld.idx.msk [tilespmem:v30+s3+$0x0], $0xffff;
	v30 =	vtrunc.f32 v46  }
0x289: {  	s26 =	sadd.s32 $0x2000, s26;
	s29 =	smov.u32 s28;
	v42 =	vmul.f32 $2.550000000e+02, v18;
	v39 =	vsub.f32 v28, v39;
	v30 =	vcvt.f32.s32 v30;
	v35 =	vld.idx.msk [tilespmem:v22+s3+$0x0], $0xffff;
	v22 =	vmovc v45  }
0x28a: {  	v28 =	vcvt.f32.s32 v43  }
0x28b: {  	v62 =	vmul.f32 $2.550000000e+02, v17;
	v41 =	vcvt.f32.s32 v41  }
0x28c: {  	v29 =	vtrunc.f32 v29;
	v45 =	vmul.f32 $2.550000000e+02, v16  }
0x28d: {  	v44 =	vld [tilespmem:s25+$0x8540];
	v48 =	vmul.f32 $2.550000000e+02, v25;
	v23 =	vcvt.f32.s32 v23  }
0x28e: {  	v38 =	vld.idx.msk [tilespmem:v38+s3+$0x0], $0xffff;
	v42 =	vtrunc.f32 v42;
	v29 =	vcvt.f32.s32 v29  }
0x28f: {  	v24 =	vld.idx.msk [tilespmem:v24+s3+$0x0], $0xffff;
	v46 =	vmul.f32 $2.550000000e+02, v19;
	v42 =	vcvt.f32.s32 v42  }
0x290: {  	v22 =	vld.idx.msk [tilespmem:v22+s3+$0x0], $0xffff;
	v43 =	vtrunc.f32 v62;
	v45 =	vtrunc.f32 v45  }
0x291: {  	v30 =	vld.idx.msk [tilespmem:v30+s3+$0x0], $0xffff;
	v48 =	vtrunc.f32 v48;
	v45 =	vcvt.f32.s32 v45  }
0x292: {  	v43 =	vcvt.f32.s32 v43;
	v47 =	vmul.f32 $2.550000000e+02, v44;
	v41 =	vld.idx.msk [tilespmem:v41+s3+$0x0], $0xffff  }
0x293: {  	v46 =	vtrunc.f32 v46;
	v48 =	vcvt.f32.s32 v48;
	v28 =	vld.idx.msk [tilespmem:v28+s3+$0x0], $0xffff  }
0x294: {  	v46 =	vcvt.f32.s32 v46;
	v49 =	vld.idx.msk [tilespmem:v23+s3+$0x0], $0xffff;
	v47 =	vtrunc.f32 v47  }
0x295: {  	v29 =	vld.idx.msk [tilespmem:v29+s3+$0x0], $0xffff;
	v47 =	vcvt.f32.s32 v47  }
0x296: {  	v42 =	vld.idx.msk [tilespmem:v42+s3+$0x0], $0xffff  }
0x297: {  	v37 =	vadd.f32 v40, v37;
	v31 =	vmul.f32 v31, v31;
	v45 =	vld.idx.msk [tilespmem:v45+s3+$0x0], $0xffff  }
0x298: {  	v9 =	vadd.f32 v27, v9;
	v5 =	vsub.f32 v5, v33;
	v43 =	vld.idx.msk [tilespmem:v43+s3+$0x0], $0xffff  }
0x299: {  	v31 =	vadd.f32 v31, v36;
	v12 =	vsub.f32 v12, v34;
	v63 =	vld.idx.msk [tilespmem:v48+s3+$0x0], $0xffff  }
0x29a: {  	v32 =	vsub.f32 v20, v32;
	s1 =	simm.s32 $0x0;
	v2 =	vsub.f32 v2, v35;
	v5 =	vmul.f32 v5, v5;
	v46 =	vld.idx.msk [tilespmem:v46+s3+$0x0], $0xffff  }
0x29b: {  	v9 =	vadd.f32 v31, v9;
	v20 =	vmul.f32 v12, v12;
	v1 =	vsub.f32 v1, v24;
	v47 =	vld.idx.msk [tilespmem:v47+s3+$0x0], $0xffff;
	[tilespmem:s20], [sflag:$0x2] =	stream.linear.gather [hbm4b:s11+s1], $0x8000, $0x38  }
0x29c: {  	s28 =	simm.s32 $0x0;
	s26 =	simm.s32 $0x0;
	v11 =	vsub.f32 v11, v38;
	v12 =	vmul.f32 v26, v26;
	v7 =	vsub.f32 v7, v22;
	s1 =	sand.u32 $0x2000, s1  }
0x29d: {  	s25 =	sand.u32 $0x7000, s28;
	v2 =	vmul.f32 v2, v2;
	v5 =	vadd.f32 v5, v21;
	v21 =	vmul.f32 v1, v1;
	_ =	swait.ge [sflag:s21], $0x8000;
	s1 =	sshrl.u32 s1, $0x2  }
0x29e: {  	s26 =	sand.u32 $0x380, s26;
	v23 =	vmul.f32 v32, v32;
	v14 =	vsub.f32 v14, v30;
	v10 =	vadd.f32 v10, v12;
	[sflag:s21] =	ssyncset.done $0x0;
	s1 =	sor.u32 s1, s25  }
0x29f: {  	v24 =	vmul.f32 v11, v11;
	v6 =	vadd.f32 v2, v6;
	v4 =	vadd.f32 v4, v21;
	[sflag:s21] =	ssyncadd.s32 $0xFFFF8000;
	s26 =	sor.u32 s1, s26  }
0x2a0: {  	v12 =	vmul.f32 v14, v14;
	v1 =	vsub.f32 v13, v29;
	v13 =	vsub.f32 v15, v28;
	v15 =	vld [tilespmem:s26+$0x500]  }
0x2a1: {  	v48 =	vmul.f32 v39, v39;
	v5 =	vadd.f32 v5, v10;
	v16 =	vsub.f32 v16, v45;
	v26 =	vld [tilespmem:s26+$0x140]  }
0x2a2: {  	v21 =	vmul.f32 v7, v7;
	v8 =	vsub.f32 v8, v41;
	v3 =	vsub.f32 v3, v49;
	v29 =	vld [tilespmem:s26+$0x550]  }
0x2a3: {  	v4 =	vadd.f32 v4, v6;
	v28 =	vmul.f32 v16, v16;
	v16 =	vsub.f32 v25, v63;
	v25 =	vld [tilespmem:s26+$0x170]  }
0x2a4: {  	v11 =	vsub.f32 v18, v42;
	v18 =	vmul.f32 v1, v1;
	v1 =	vsub.f32 v17, v43;
	v14 =	vld [tilespmem:s26+$0x560]  }
0x2a5: {  	v8 =	vmul.f32 v8, v8;
	v6 =	vmul.f32 v3, v3;
	v17 =	vsub.f32 v19, v46;
	v2 =	vld [tilespmem:s26+$0x150]  }
0x2a6: {  	v13 =	vmul.f32 v13, v13;
	v27 =	vmul.f32 v1, v1;
	v32 =	vld [tilespmem:s26+$0x100];
	v1 =	vsub.f32 v44, v47  }
0x2a7: {  	v5 =	vadd.f32 v5, v9;
	v11 =	vmul.f32 v11, v11;
	v17 =	vmul.f32 v17, v17;
	v35 =	vld [tilespmem:s26+$0x510]  }
0x2a8: {  	v4 =	vadd.f32 v4, v37;
	v30 =	vmul.f32 v16, v16;
	v41 =	vld [tilespmem:s26+$0x520];
	v31 =	vmul.f32 v1, v1  }
0x2a9: {  	v36 =	vld [tilespmem:s26+$0x110];
	v19 =	vmul.f32 $2.550000000e+02, v15;
	v16 =	vmul.f32 $2.550000000e+02, v26  }
0x2aa: {  	s30 =	simm.s32 $0x2000;
	v54 =	vadd.f32 v5, v4;
	v22 =	vmul.f32 $2.550000000e+02, v25;
	v50 =	vmul.f32 $2.550000000e+02, v29  }
0x2ab: {  	s31 =	simm.s32 $0x100;
	v13 =	vadd.f32 v13, v48;
	s1 =	sand.u32 $0x2000, s30;
	v51 =	vmul.f32 $2.550000000e+02, v2;
	v53 =	vmul.f32 $2.550000000e+02, v32  }
0x2ac: {  	s28 =	simm.s32 $0x40;
	s25 =	sand.u32 $0x7000, s31;
	v5 =	vld [tilespmem:s26+$0x570];
	v18 =	vadd.f32 v28, v18;
	s1 =	sshrl.u32 s1, $0x2;
	v55 =	vmul.f32 $2.550000000e+02, v14;
	v56 =	vmul.f32 $2.550000000e+02, v35  }
0x2ad: {  	s28 =	sand.u32 $0x380, s28;
	v11 =	vadd.f32 v27, v11;
	v40 =	vld [tilespmem:s26+$0x540];
	s1 =	sor.u32 s1, s25;
	v58 =	vmul.f32 $2.550000000e+02, v41;
	v19 =	vtrunc.f32 v19  }
0x2ae: {  	s25 =	sor.u32 s1, s28;
	v1 =	vld [tilespmem:s26+$0x160];
	v24 =	vadd.f32 v24, v31;
	v31 =	vmul.f32 $2.550000000e+02, v36;
	v7 =	vcvt.f32.s32 v19  }
0x2af: {  	v12 =	vadd.f32 v12, v17;
	v44 =	vld [tilespmem:s25+$0x500];
	v16 =	vtrunc.f32 v16;
	v3 =	vtrunc.f32 v22  }
0x2b0: {  	v18 =	vadd.f32 v11, v18;
	v11 =	vld [tilespmem:s25+$0x550];
	v9 =	vtrunc.f32 v50;
	v10 =	vcvt.f32.s32 v16  }
0x2b1: {  	v13 =	vadd.f32 v12, v13;
	v12 =	vld [tilespmem:s25+$0x170];
	v4 =	vtrunc.f32 v51;
	v33 =	vtrunc.f32 v55  }
0x2b2: {  	v21 =	vadd.f32 v21, v23;
	v22 =	vld [tilespmem:s26+$0x530];
	v23 =	vtrunc.f32 v31;
	v3 =	vcvt.f32.s32 v3  }
0x2b3: {  	v31 =	vmul.f32 $2.550000000e+02, v40;
	v16 =	vld [tilespmem:s26+$0x130];
	v9 =	vcvt.f32.s32 v9  }
0x2b4: {  	v52 =	vmul.f32 $2.550000000e+02, v1;
	v33 =	vcvt.f32.s32 v33;
	v7 =	vld.idx.msk [tilespmem:v7+s3+$0x0], $0xffff  }
0x2b5: {  	v19 =	vld [tilespmem:s26+$0x120];
	v28 =	vcvt.f32.s32 v4;
	v4 =	vtrunc.f32 v56  }
0x2b6: {  	v23 =	vcvt.f32.s32 v23;
	v62 =	vmul.f32 $2.550000000e+02, v12;
	v10 =	vld.idx.msk [tilespmem:v10+s3+$0x0], $0xffff  }
0x2b7: {  	v60 =	vadd.f32 v20, v6;
	v57 =	vcvt.f32.s32 v4;
	v27 =	vmul.f32 $2.550000000e+02, v22  }
0x2b8: {  	v0 =	vadd.f32 v54, v0;
	v63 =	vmul.f32 $2.550000000e+02, v44;
	v54 =	vmul.f32 $2.550000000e+02, v11;
	v3 =	vld.idx.msk [tilespmem:v3+s3+$0x0], $0xffff  }
0x2b9: {  	v20 =	vld [tilespmem:s25+$0x140];
	v4 =	vmul.f32 $2.550000000e+02, v16;
	v17 =	vtrunc.f32 v27;
	v7 =	vsub.f32 v15, v7  }
0x2ba: {  	v21 =	vadd.f32 v60, v21;
	v27 =	vmul.f32 $2.550000000e+02, v19;
	v33 =	vld.idx.msk [tilespmem:v33+s3+$0x0], $0xffff;
	v17 =	vcvt.f32.s32 v17  }
0x2bb: {  	v15 =	vld.idx.msk [tilespmem:v9+s3+$0x0], $0xffff;
	v10 =	vsub.f32 v26, v10;
	v26 =	vmul.f32 $2.550000000e+02, v5;
	v9 =	vmul.f32 v7, v7  }
0x2bc: {  	v48 =	vld.idx.msk [tilespmem:v23+s3+$0x0], $0xffff;
	v7 =	vtrunc.f32 v27;
	v27 =	vadd.f32 v30, v8;
	v8 =	vtrunc.f32 v53  }
0x2bd: {  	v34 =	vld.idx.msk [tilespmem:v57+s3+$0x0], $0xffff;
	v6 =	vmul.f32 v10, v10;
	v30 =	vcvt.f32.s32 v7;
	v7 =	vsub.f32 v25, v3  }
0x2be: {  	v18 =	vadd.f32 v21, v18;
	v21 =	vtrunc.f32 v26;
	v59 =	vcvt.f32.s32 v8;
	v8 =	vld [tilespmem:s25+$0x560]  }
0x2bf: {  	v25 =	vtrunc.f32 v4;
	v3 =	vld [tilespmem:s25+$0x160];
	v24 =	vadd.f32 v27, v24;
	v4 =	vmul.f32 v7, v7  }
0x2c0: {  	v7 =	vld [tilespmem:s25+$0x150];
	v10 =	vsub.f32 v29, v15;
	v15 =	vcvt.f32.s32 v25;
	v25 =	vtrunc.f32 v31  }
0x2c1: {  	v29 =	vtrunc.f32 v58;
	v31 =	vld.idx.msk [tilespmem:v17+s3+$0x0], $0xffff;
	v25 =	vcvt.f32.s32 v25  }
0x2c2: {  	v26 =	vmul.f32 $2.550000000e+02, v20;
	v29 =	vcvt.f32.s32 v29;
	v17 =	vadd.f32 v24, v13;
	v13 =	vld [tilespmem:s25+$0x100]  }
0x2c3: {  	v37 =	vtrunc.f32 v52;
	v49 =	vcvt.f32.s32 v21;
	v30 =	vld.idx.msk [tilespmem:v30+s3+$0x0], $0xffff  }
0x2c4: {  	v21 =	vtrunc.f32 v63;
	v17 =	vadd.f32 v17, v18;
	v18 =	vtrunc.f32 v26;
	v27 =	vld.idx.msk [tilespmem:v59+s3+$0x0], $0xffff  }
0x2c5: {  	v36 =	vsub.f32 v36, v48;
	v24 =	vcvt.f32.s32 v37;
	v51 =	vcvt.f32.s32 v18;
	v18 =	vld [tilespmem:s25+$0x120]  }
0x2c6: {  	v14 =	vsub.f32 v14, v33;
	v10 =	vmul.f32 v10, v10;
	v61 =	vmul.f32 $2.550000000e+02, v3;
	v26 =	vld.idx.msk [tilespmem:v15+s3+$0x0], $0xffff  }
0x2c7: {  	v56 =	vmul.f32 $2.550000000e+02, v8;
	v31 =	vsub.f32 v22, v31;
	v22 =	vmul.f32 v36, v36;
	v50 =	vld.idx.msk [tilespmem:v25+s3+$0x0], $0xffff  }
0x2c8: {  	v15 =	vmul.f32 $2.550000000e+02, v7;
	v25 =	vcvt.f32.s32 v21;
	v52 =	vld.idx.msk [tilespmem:v29+s3+$0x0], $0xffff  }
0x2c9: {  	v34 =	vsub.f32 v35, v34;
	v21 =	vmul.f32 v14, v14;
	v29 =	vmul.f32 $2.550000000e+02, v13;
	v14 =	vld [tilespmem:s25+$0x530]  }
0x2ca: {  	v35 =	vld.idx.msk [tilespmem:v28+s3+$0x0], $0xffff;
	v55 =	vtrunc.f32 v15;
	v23 =	vsub.f32 v32, v27;
	v27 =	vtrunc.f32 v62  }
0x2cb: {  	v15 =	vld [tilespmem:s25+$0x510];
	v19 =	vsub.f32 v19, v30;
	v42 =	vmul.f32 $2.550000000e+02, v18;
	v57 =	vcvt.f32.s32 v27  }
0x2cc: {  	v33 =	vld.idx.msk [tilespmem:v49+s3+$0x0], $0xffff;
	v27 =	vmul.f32 v34, v34;
	v53 =	vmul.f32 v23, v23  }
0x2cd: {  	v0 =	vadd.f32 v17, v0;
	v17 =	vld [tilespmem:s25+$0x130];
	v23 =	vtrunc.f32 v61;
	v60 =	vmul.f32 v19, v19  }
0x2ce: {  	v26 =	vsub.f32 v16, v26;
	v62 =	vmul.f32 $2.550000000e+02, v14;
	v30 =	vld.idx.msk [tilespmem:v25+s3+$0x0], $0xffff;
	v25 =	vtrunc.f32 v54  }
0x2cf: {  	v32 =	vld.idx.msk [tilespmem:v51+s3+$0x0], $0xffff;
	v61 =	vsub.f32 v41, v52;
	v41 =	vtrunc.f32 v56;
	v38 =	vcvt.f32.s32 v25  }
0x2d0: {  	v16 =	vld [tilespmem:s25+$0x110];
	v58 =	vmul.f32 v26, v26;
	v59 =	vmul.f32 $2.550000000e+02, v15  }
0x2d1: {  	v19 =	vld [tilespmem:s25+$0x520];
	v37 =	vadd.f32 v22, v53;
	v22 =	vcvt.f32.s32 v55;
	v63 =	vtrunc.f32 v62  }
0x2d2: {  	v26 =	vsub.f32 v40, v50;
	v25 =	vld [tilespmem:s25+$0x570];
	v36 =	vmul.f32 v61, v61;
	v43 =	vtrunc.f32 v59  }
0x2d3: {  	s29 =	simm.s32 $0x2;
	s26 =	simm.s32 $0x4000;
	v40 =	vadd.f32 v58, v60;
	v34 =	vld.idx.msk [tilespmem:v57+s3+$0x0], $0xffff;
	v39 =	vsub.f32 v44, v30;
	v30 =	vcvt.f32.s32 v63  }
.LBB2_14:
0x2d4: {  	s1 =	sand.u32 $0x2000, s26  }
0x2d5: {  	s30 =	sshll.u32 s29, $0x8;
	v43 =	vcvt.f32.s32 v43;
	v38 =	vld.idx.msk [tilespmem:v38+s3+$0x0], $0xffff;
	v28 =	vmul.f32 v31, v31;
	v31 =	vadd.f32 v40, v37;
	s31 =	smov.u32 s29;
	s28 =	sadd.s32 $0x1, s29  }
0x2d6: {  	v20 =	vsub.f32 v20, v32;
	s30 =	sand.u32 $0x7000, s30;
	s31 =	sshll.u32 s31, $0x6;
	s1 =	sshrl.u32 s1, $0x2;
	v32 =	vmul.f32 v39, v39;
	v37 =	vmul.f32 $2.550000000e+02, v19;
	v24 =	vld.idx.msk [tilespmem:v24+s3+$0x0], $0xffff  }
0x2d7: {  	p0 =	sne.s32 s29, $0x7F;
	v40 =	vcvt.f32.s32 v41;
	v39 =	vmul.f32 $2.550000000e+02, v17;
	s31 =	sand.u32 $0x380, s31;
	s1 =	sor.u32 s1, s30;
	v36 =	vadd.f32 v28, v36  }
0x2d8: {  	v29 =	vtrunc.f32 v29;
	v41 =	vtrunc.f32 v42;
	v33 =	vsub.f32 v5, v33;
	v5 =	vmovc v25;
	v42 =	vld [tilespmem:s25+$0x540];
	s25 =	sor.u32 s1, s31  }
0x2d9: {  	v25 =	vcvt.f32.s32 v29;
	v29 =	vtrunc.f32 v39;
	v34 =	vsub.f32 v12, v34;
	v28 =	vld [tilespmem:s25+$0x500]  }
0x2da: {  	v44 =	vmul.f32 $2.550000000e+02, v16;
	v41 =	vcvt.f32.s32 v41;
	v35 =	vsub.f32 v2, v35;
	v2 =	vmovc v7;
	v39 =	vld [tilespmem:s25+$0x550]  }
0x2db: {  	v33 =	vmul.f32 v33, v33;
	v7 =	vadd.f32 v27, v9;
	v9 =	vmovc v32;
	v34 =	vmul.f32 v34, v34;
	v12 =	vld [tilespmem:s25+$0x170]  }
0x2dc: {  	v32 =	vsub.f32 v11, v38;
	v38 =	vmul.f32 $2.550000000e+02, v5;
	v46 =	vsub.f32 v1, v24;
	v1 =	vmovc v3;
	v27 =	vld [tilespmem:s25+$0x560]  }
0x2dd: {  	v26 =	vmul.f32 v26, v26;
	v24 =	vtrunc.f32 v44;
	v36 =	vadd.f32 v36, v7;
	v3 =	vld [tilespmem:s25+$0x160]  }
0x2de: {  	v44 =	vmul.f32 v20, v20;
	v35 =	vmul.f32 v35, v35;
	v21 =	vadd.f32 v33, v21;
	v7 =	vld [tilespmem:s25+$0x150]  }
0x2df: {  	v26 =	vadd.f32 v10, v26;
	v33 =	vmul.f32 $2.550000000e+02, v42;
	v45 =	vmul.f32 v46, v46;
	v40 =	vld.idx.msk [tilespmem:v40+s3+$0x0], $0xffff;
	v11 =	vmovc v39  }
0x2e0: {  	v10 =	vmul.f32 v32, v32;
	v39 =	vcvt.f32.s32 v24;
	v24 =	vadd.f32 v35, v6;
	v6 =	vmovc v44;
	v20 =	vld [tilespmem:s25+$0x140]  }
0x2e1: {  	v29 =	vcvt.f32.s32 v29;
	v33 =	vtrunc.f32 v33;
	v35 =	vadd.f32 v4, v45;
	v4 =	vmovc v34;
	v32 =	vld.idx.msk [tilespmem:v41+s3+$0x0], $0xffff  }
0x2e2: {  	v21 =	vadd.f32 v21, v26;
	v34 =	vtrunc.f32 v37;
	v33 =	vcvt.f32.s32 v33;
	v25 =	vld.idx.msk [tilespmem:v25+s3+$0x0], $0xffff  }
0x2e3: {  	v34 =	vcvt.f32.s32 v34;
	v35 =	vadd.f32 v35, v24;
	v26 =	vmul.f32 $2.550000000e+02, v3;
	v30 =	vld.idx.msk [tilespmem:v30+s3+$0x0], $0xffff  }
0x2e4: {  	v21 =	vadd.f32 v21, v36;
	v24 =	vcvt.f32.s32 v23;
	v23 =	vtrunc.f32 v38;
	v37 =	vld.idx.msk [tilespmem:v43+s3+$0x0], $0xffff  }
0x2e5: {  	v41 =	vmul.f32 $2.550000000e+02, v12;
	v31 =	vadd.f32 v35, v31;
	v36 =	vld [tilespmem:s25+$0x100];
	v38 =	vmul.f32 $2.550000000e+02, v20  }
0x2e6: {  	v44 =	vcvt.f32.s32 v23;
	v35 =	vmul.f32 $2.550000000e+02, v28;
	v40 =	vsub.f32 v8, v40;
	v8 =	vmovc v27;
	v39 =	vld.idx.msk [tilespmem:v39+s3+$0x0], $0xffff  }
0x2e7: {  	v27 =	vmul.f32 $2.550000000e+02, v7;
	v23 =	vtrunc.f32 v38;
	v38 =	vld.idx.msk [tilespmem:v29+s3+$0x0], $0xffff;
	v29 =	vadd.f32 v21, v31  }
0x2e8: {  	v21 =	vtrunc.f32 v35;
	v43 =	vcvt.f32.s32 v23;
	v23 =	vsub.f32 v13, v25;
	v25 =	vld.idx.msk [tilespmem:v33+s3+$0x0], $0xffff  }
0x2e9: {  	v33 =	vcvt.f32.s32 v21;
	v21 =	vmul.f32 v40, v40;
	v34 =	vld.idx.msk [tilespmem:v34+s3+$0x0], $0xffff;
	v0 =	vadd.f32 v29, v0  }
0x2ea: {  	v40 =	vtrunc.f32 v41;
	v35 =	vld [tilespmem:s25+$0x120];
	v45 =	vmul.f32 v23, v23;
	v13 =	vmov v36  }
0x2eb: {  	v46 =	vsub.f32 v18, v32;
	v41 =	vmul.f32 $2.550000000e+02, v11;
	v29 =	vmul.f32 $2.550000000e+02, v13;
	v36 =	vld [tilespmem:s25+$0x130]  }
0x2ec: {  	v47 =	vtrunc.f32 v27;
	v48 =	vsub.f32 v15, v37;
	v23 =	vtrunc.f32 v26;
	v15 =	vld [tilespmem:s25+$0x510]  }
0x2ed: {  	v31 =	vsub.f32 v14, v30;
	v37 =	vmul.f32 $2.550000000e+02, v8;
	v49 =	vsub.f32 v17, v38;
	v14 =	vld [tilespmem:s25+$0x530]  }
0x2ee: {  	v30 =	vcvt.f32.s32 v40;
	v32 =	vsub.f32 v16, v39;
	v27 =	vmul.f32 v48, v48;
	v16 =	vld [tilespmem:s25+$0x110]  }
0x2ef: {  	v26 =	vsub.f32 v42, v25;
	v40 =	vmul.f32 v49, v49;
	v39 =	vld.idx.msk [tilespmem:v33+s3+$0x0], $0xffff;
	v33 =	vtrunc.f32 v41;
	v18 =	vmovc v35  }
0x2f0: {  	v38 =	vcvt.f32.s32 v33;
	v25 =	vld [tilespmem:s25+$0x570];
	v33 =	vmul.f32 v32, v32;
	v17 =	vmov v36  }
.Ltmp6:
0x2f1: {  	v42 =	vsub.f32 v19, v34;
	v36 =	vmul.f32 v46, v46;
	v32 =	vld.idx.msk [tilespmem:v43+s3+$0x0], $0xffff;
	v35 =	vmul.f32 $2.550000000e+02, v15;
	(pc) =	sbr.rel @p0 .LBB2_14-.Ltmp6, $4  }
0x2f2: {  	v41 =	vtrunc.f32 v37;
	v19 =	vld [tilespmem:s25+$0x520];
	v46 =	vmul.f32 $2.550000000e+02, v14;
	v37 =	vadd.f32 v33, v45  }
0x2f3: {  	v45 =	vcvt.f32.s32 v47;
	v40 =	vadd.f32 v40, v36;
	v43 =	vtrunc.f32 v35;
	v33 =	vld.idx.msk [tilespmem:v44+s3+$0x0], $0xffff  }
0x2f4: {  	v36 =	vmul.f32 v42, v42;
	v34 =	vld.idx.msk [tilespmem:v30+s3+$0x0], $0xffff;
	v30 =	vtrunc.f32 v46  }
0x2f5: {  	s26 =	sadd.s32 $0x2000, s26;
	s29 =	smov.u32 s28;
	v42 =	vmul.f32 $2.550000000e+02, v18;
	v39 =	vsub.f32 v28, v39;
	v30 =	vcvt.f32.s32 v30;
	v35 =	vld.idx.msk [tilespmem:v22+s3+$0x0], $0xffff;
	v22 =	vmovc v45  }
0x2f6: {  	v28 =	vcvt.f32.s32 v43  }
0x2f7: {  	v62 =	vmul.f32 $2.550000000e+02, v17;
	v41 =	vcvt.f32.s32 v41  }
0x2f8: {  	v29 =	vtrunc.f32 v29;
	v45 =	vmul.f32 $2.550000000e+02, v16  }
0x2f9: {  	v44 =	vld [tilespmem:s25+$0x540];
	v48 =	vmul.f32 $2.550000000e+02, v25;
	v23 =	vcvt.f32.s32 v23  }
0x2fa: {  	v38 =	vld.idx.msk [tilespmem:v38+s3+$0x0], $0xffff;
	v42 =	vtrunc.f32 v42;
	v29 =	vcvt.f32.s32 v29  }
0x2fb: {  	v24 =	vld.idx.msk [tilespmem:v24+s3+$0x0], $0xffff;
	v46 =	vmul.f32 $2.550000000e+02, v19;
	v42 =	vcvt.f32.s32 v42  }
0x2fc: {  	v22 =	vld.idx.msk [tilespmem:v22+s3+$0x0], $0xffff;
	v43 =	vtrunc.f32 v62;
	v45 =	vtrunc.f32 v45  }
0x2fd: {  	v30 =	vld.idx.msk [tilespmem:v30+s3+$0x0], $0xffff;
	v48 =	vtrunc.f32 v48;
	v45 =	vcvt.f32.s32 v45  }
0x2fe: {  	v43 =	vcvt.f32.s32 v43;
	v47 =	vmul.f32 $2.550000000e+02, v44;
	v41 =	vld.idx.msk [tilespmem:v41+s3+$0x0], $0xffff  }
0x2ff: {  	v46 =	vtrunc.f32 v46;
	v48 =	vcvt.f32.s32 v48;
	v28 =	vld.idx.msk [tilespmem:v28+s3+$0x0], $0xffff  }
0x300: {  	v46 =	vcvt.f32.s32 v46;
	v49 =	vld.idx.msk [tilespmem:v23+s3+$0x0], $0xffff;
	v47 =	vtrunc.f32 v47  }
0x301: {  	v29 =	vld.idx.msk [tilespmem:v29+s3+$0x0], $0xffff;
	v47 =	vcvt.f32.s32 v47  }
0x302: {  	v42 =	vld.idx.msk [tilespmem:v42+s3+$0x0], $0xffff  }
0x303: {  	v37 =	vadd.f32 v40, v37;
	v31 =	vmul.f32 v31, v31;
	v45 =	vld.idx.msk [tilespmem:v45+s3+$0x0], $0xffff  }
0x304: {  	v9 =	vadd.f32 v27, v9;
	v5 =	vsub.f32 v5, v33;
	v43 =	vld.idx.msk [tilespmem:v43+s3+$0x0], $0xffff  }
0x305: {  	v31 =	vadd.f32 v31, v36;
	v12 =	vsub.f32 v12, v34;
	v63 =	vld.idx.msk [tilespmem:v48+s3+$0x0], $0xffff  }
0x306: {  	v32 =	vsub.f32 v20, v32;
	s1 =	simm.s32 $0x0;
	v2 =	vsub.f32 v2, v35;
	v5 =	vmul.f32 v5, v5;
	v46 =	vld.idx.msk [tilespmem:v46+s3+$0x0], $0xffff  }
0x307: {  	v9 =	vadd.f32 v31, v9;
	v20 =	vmul.f32 v12, v12;
	v1 =	vsub.f32 v1, v24;
	v47 =	vld.idx.msk [tilespmem:v47+s3+$0x0], $0xffff;
	[tilespmem:s19], [sflag:$0x1] =	stream.linear.gather [hbm4b:s12+s1], $0x8000, $0x38  }
0x308: {  	s28 =	simm.s32 $0x0;
	s26 =	simm.s32 $0x0;
	v11 =	vsub.f32 v11, v38;
	v12 =	vmul.f32 v26, v26;
	v7 =	vsub.f32 v7, v22;
	s1 =	sand.u32 $0x2000, s1  }
0x309: {  	s25 =	sand.u32 $0x7000, s28;
	v2 =	vmul.f32 v2, v2;
	v5 =	vadd.f32 v5, v21;
	v21 =	vmul.f32 v1, v1;
	_ =	swait.ge [sflag:s22], $0x8000;
	s1 =	sshrl.u32 s1, $0x2  }
0x30a: {  	s26 =	sand.u32 $0x380, s26;
	v23 =	vmul.f32 v32, v32;
	v14 =	vsub.f32 v14, v30;
	v10 =	vadd.f32 v10, v12;
	[sflag:s22] =	ssyncset.done $0x0;
	s1 =	sor.u32 s1, s25  }
0x30b: {  	v24 =	vmul.f32 v11, v11;
	v6 =	vadd.f32 v2, v6;
	v4 =	vadd.f32 v4, v21;
	[sflag:s22] =	ssyncadd.s32 $0xFFFF8000;
	s26 =	sor.u32 s1, s26  }
0x30c: {  	v12 =	vmul.f32 v14, v14;
	v1 =	vsub.f32 v13, v29;
	v13 =	vsub.f32 v15, v28;
	v15 =	vld [tilespmem:s26+$0x8500]  }
0x30d: {  	v48 =	vmul.f32 v39, v39;
	v5 =	vadd.f32 v5, v10;
	v16 =	vsub.f32 v16, v45;
	v26 =	vld [tilespmem:s26+$0x8140]  }
0x30e: {  	v21 =	vmul.f32 v7, v7;
	v8 =	vsub.f32 v8, v41;
	v3 =	vsub.f32 v3, v49;
	v29 =	vld [tilespmem:s26+$0x8550]  }
0x30f: {  	v4 =	vadd.f32 v4, v6;
	v28 =	vmul.f32 v16, v16;
	v16 =	vsub.f32 v25, v63;
	v25 =	vld [tilespmem:s26+$0x8170]  }
0x310: {  	v11 =	vsub.f32 v18, v42;
	v18 =	vmul.f32 v1, v1;
	v1 =	vsub.f32 v17, v43;
	v14 =	vld [tilespmem:s26+$0x8560]  }
0x311: {  	v8 =	vmul.f32 v8, v8;
	v6 =	vmul.f32 v3, v3;
	v17 =	vsub.f32 v19, v46;
	v2 =	vld [tilespmem:s26+$0x8150]  }
0x312: {  	v13 =	vmul.f32 v13, v13;
	v27 =	vmul.f32 v1, v1;
	v32 =	vld [tilespmem:s26+$0x8100];
	v1 =	vsub.f32 v44, v47  }
0x313: {  	v5 =	vadd.f32 v5, v9;
	v11 =	vmul.f32 v11, v11;
	v17 =	vmul.f32 v17, v17;
	v35 =	vld [tilespmem:s26+$0x8510]  }
0x314: {  	v4 =	vadd.f32 v4, v37;
	v30 =	vmul.f32 v16, v16;
	v41 =	vld [tilespmem:s26+$0x8520];
	v31 =	vmul.f32 v1, v1  }
0x315: {  	v36 =	vld [tilespmem:s26+$0x8110];
	v19 =	vmul.f32 $2.550000000e+02, v15;
	v16 =	vmul.f32 $2.550000000e+02, v26  }
0x316: {  	s30 =	simm.s32 $0x2000;
	v54 =	vadd.f32 v5, v4;
	v22 =	vmul.f32 $2.550000000e+02, v25;
	v50 =	vmul.f32 $2.550000000e+02, v29  }
0x317: {  	s31 =	simm.s32 $0x100;
	v13 =	vadd.f32 v13, v48;
	s1 =	sand.u32 $0x2000, s30;
	v51 =	vmul.f32 $2.550000000e+02, v2;
	v53 =	vmul.f32 $2.550000000e+02, v32  }
0x318: {  	s28 =	simm.s32 $0x40;
	s25 =	sand.u32 $0x7000, s31;
	v5 =	vld [tilespmem:s26+$0x8570];
	v18 =	vadd.f32 v28, v18;
	s1 =	sshrl.u32 s1, $0x2;
	v55 =	vmul.f32 $2.550000000e+02, v14;
	v56 =	vmul.f32 $2.550000000e+02, v35  }
0x319: {  	s28 =	sand.u32 $0x380, s28;
	v11 =	vadd.f32 v27, v11;
	v40 =	vld [tilespmem:s26+$0x8540];
	s1 =	sor.u32 s1, s25;
	v58 =	vmul.f32 $2.550000000e+02, v41;
	v19 =	vtrunc.f32 v19  }
0x31a: {  	s25 =	sor.u32 s1, s28;
	v1 =	vld [tilespmem:s26+$0x8160];
	v24 =	vadd.f32 v24, v31;
	v31 =	vmul.f32 $2.550000000e+02, v36;
	v7 =	vcvt.f32.s32 v19  }
0x31b: {  	v12 =	vadd.f32 v12, v17;
	v44 =	vld [tilespmem:s25+$0x8500];
	v16 =	vtrunc.f32 v16;
	v3 =	vtrunc.f32 v22  }
0x31c: {  	v18 =	vadd.f32 v11, v18;
	v11 =	vld [tilespmem:s25+$0x8550];
	v9 =	vtrunc.f32 v50;
	v10 =	vcvt.f32.s32 v16  }
0x31d: {  	v13 =	vadd.f32 v12, v13;
	v12 =	vld [tilespmem:s25+$0x8170];
	v4 =	vtrunc.f32 v51;
	v33 =	vtrunc.f32 v55  }
0x31e: {  	v21 =	vadd.f32 v21, v23;
	v22 =	vld [tilespmem:s26+$0x8530];
	v23 =	vtrunc.f32 v31;
	v3 =	vcvt.f32.s32 v3  }
0x31f: {  	v31 =	vmul.f32 $2.550000000e+02, v40;
	v16 =	vld [tilespmem:s26+$0x8130];
	v9 =	vcvt.f32.s32 v9  }
0x320: {  	v52 =	vmul.f32 $2.550000000e+02, v1;
	v33 =	vcvt.f32.s32 v33;
	v7 =	vld.idx.msk [tilespmem:v7+s3+$0x0], $0xffff  }
0x321: {  	v19 =	vld [tilespmem:s26+$0x8120];
	v28 =	vcvt.f32.s32 v4;
	v4 =	vtrunc.f32 v56  }
0x322: {  	v23 =	vcvt.f32.s32 v23;
	v62 =	vmul.f32 $2.550000000e+02, v12;
	v10 =	vld.idx.msk [tilespmem:v10+s3+$0x0], $0xffff  }
0x323: {  	v60 =	vadd.f32 v20, v6;
	v57 =	vcvt.f32.s32 v4;
	v27 =	vmul.f32 $2.550000000e+02, v22  }
0x324: {  	v0 =	vadd.f32 v54, v0;
	v63 =	vmul.f32 $2.550000000e+02, v44;
	v54 =	vmul.f32 $2.550000000e+02, v11;
	v3 =	vld.idx.msk [tilespmem:v3+s3+$0x0], $0xffff  }
0x325: {  	v20 =	vld [tilespmem:s25+$0x8140];
	v4 =	vmul.f32 $2.550000000e+02, v16;
	v17 =	vtrunc.f32 v27;
	v7 =	vsub.f32 v15, v7  }
0x326: {  	v21 =	vadd.f32 v60, v21;
	v27 =	vmul.f32 $2.550000000e+02, v19;
	v33 =	vld.idx.msk [tilespmem:v33+s3+$0x0], $0xffff;
	v17 =	vcvt.f32.s32 v17  }
0x327: {  	v15 =	vld.idx.msk [tilespmem:v9+s3+$0x0], $0xffff;
	v10 =	vsub.f32 v26, v10;
	v26 =	vmul.f32 $2.550000000e+02, v5;
	v9 =	vmul.f32 v7, v7  }
0x328: {  	v48 =	vld.idx.msk [tilespmem:v23+s3+$0x0], $0xffff;
	v7 =	vtrunc.f32 v27;
	v27 =	vadd.f32 v30, v8;
	v8 =	vtrunc.f32 v53  }
0x329: {  	v34 =	vld.idx.msk [tilespmem:v57+s3+$0x0], $0xffff;
	v6 =	vmul.f32 v10, v10;
	v30 =	vcvt.f32.s32 v7;
	v7 =	vsub.f32 v25, v3  }
0x32a: {  	v18 =	vadd.f32 v21, v18;
	v21 =	vtrunc.f32 v26;
	v59 =	vcvt.f32.s32 v8;
	v8 =	vld [tilespmem:s25+$0x8560]  }
0x32b: {  	v25 =	vtrunc.f32 v4;
	v3 =	vld [tilespmem:s25+$0x8160];
	v24 =	vadd.f32 v27, v24;
	v4 =	vmul.f32 v7, v7  }
0x32c: {  	v7 =	vld [tilespmem:s25+$0x8150];
	v10 =	vsub.f32 v29, v15;
	v15 =	vcvt.f32.s32 v25;
	v25 =	vtrunc.f32 v31  }
0x32d: {  	v29 =	vtrunc.f32 v58;
	v31 =	vld.idx.msk [tilespmem:v17+s3+$0x0], $0xffff;
	v25 =	vcvt.f32.s32 v25  }
0x32e: {  	v26 =	vmul.f32 $2.550000000e+02, v20;
	v29 =	vcvt.f32.s32 v29;
	v17 =	vadd.f32 v24, v13;
	v13 =	vld [tilespmem:s25+$0x8100]  }
0x32f: {  	v37 =	vtrunc.f32 v52;
	v49 =	vcvt.f32.s32 v21;
	v30 =	vld.idx.msk [tilespmem:v30+s3+$0x0], $0xffff  }
0x330: {  	v21 =	vtrunc.f32 v63;
	v17 =	vadd.f32 v17, v18;
	v18 =	vtrunc.f32 v26;
	v27 =	vld.idx.msk [tilespmem:v59+s3+$0x0], $0xffff  }
0x331: {  	v36 =	vsub.f32 v36, v48;
	v24 =	vcvt.f32.s32 v37;
	v51 =	vcvt.f32.s32 v18;
	v18 =	vld [tilespmem:s25+$0x8120]  }
0x332: {  	v14 =	vsub.f32 v14, v33;
	v10 =	vmul.f32 v10, v10;
	v61 =	vmul.f32 $2.550000000e+02, v3;
	v26 =	vld.idx.msk [tilespmem:v15+s3+$0x0], $0xffff  }
0x333: {  	v56 =	vmul.f32 $2.550000000e+02, v8;
	v31 =	vsub.f32 v22, v31;
	v22 =	vmul.f32 v36, v36;
	v50 =	vld.idx.msk [tilespmem:v25+s3+$0x0], $0xffff  }
0x334: {  	v15 =	vmul.f32 $2.550000000e+02, v7;
	v25 =	vcvt.f32.s32 v21;
	v52 =	vld.idx.msk [tilespmem:v29+s3+$0x0], $0xffff  }
0x335: {  	v34 =	vsub.f32 v35, v34;
	v21 =	vmul.f32 v14, v14;
	v29 =	vmul.f32 $2.550000000e+02, v13;
	v14 =	vld [tilespmem:s25+$0x8530]  }
0x336: {  	v35 =	vld.idx.msk [tilespmem:v28+s3+$0x0], $0xffff;
	v55 =	vtrunc.f32 v15;
	v23 =	vsub.f32 v32, v27;
	v27 =	vtrunc.f32 v62  }
0x337: {  	v15 =	vld [tilespmem:s25+$0x8510];
	v19 =	vsub.f32 v19, v30;
	v42 =	vmul.f32 $2.550000000e+02, v18;
	v57 =	vcvt.f32.s32 v27  }
0x338: {  	v33 =	vld.idx.msk [tilespmem:v49+s3+$0x0], $0xffff;
	v27 =	vmul.f32 v34, v34;
	v53 =	vmul.f32 v23, v23  }
0x339: {  	v0 =	vadd.f32 v17, v0;
	v17 =	vld [tilespmem:s25+$0x8130];
	v23 =	vtrunc.f32 v61;
	v60 =	vmul.f32 v19, v19  }
0x33a: {  	v26 =	vsub.f32 v16, v26;
	v62 =	vmul.f32 $2.550000000e+02, v14;
	v30 =	vld.idx.msk [tilespmem:v25+s3+$0x0], $0xffff;
	v25 =	vtrunc.f32 v54  }
0x33b: {  	v32 =	vld.idx.msk [tilespmem:v51+s3+$0x0], $0xffff;
	v61 =	vsub.f32 v41, v52;
	v41 =	vtrunc.f32 v56;
	v38 =	vcvt.f32.s32 v25  }
0x33c: {  	v16 =	vld [tilespmem:s25+$0x8110];
	v58 =	vmul.f32 v26, v26;
	v59 =	vmul.f32 $2.550000000e+02, v15  }
0x33d: {  	v19 =	vld [tilespmem:s25+$0x8520];
	v37 =	vadd.f32 v22, v53;
	v22 =	vcvt.f32.s32 v55;
	v63 =	vtrunc.f32 v62  }
0x33e: {  	v26 =	vsub.f32 v40, v50;
	v25 =	vld [tilespmem:s25+$0x8570];
	v36 =	vmul.f32 v61, v61;
	v43 =	vtrunc.f32 v59  }
0x33f: {  	s29 =	simm.s32 $0x2;
	s26 =	simm.s32 $0x4000;
	v40 =	vadd.f32 v58, v60;
	v34 =	vld.idx.msk [tilespmem:v57+s3+$0x0], $0xffff;
	v39 =	vsub.f32 v44, v30;
	v30 =	vcvt.f32.s32 v63  }
.LBB2_16:
0x340: {  	s1 =	sand.u32 $0x2000, s26  }
0x341: {  	s30 =	sshll.u32 s29, $0x8;
	v43 =	vcvt.f32.s32 v43;
	v38 =	vld.idx.msk [tilespmem:v38+s3+$0x0], $0xffff;
	v28 =	vmul.f32 v31, v31;
	v31 =	vadd.f32 v40, v37;
	s31 =	smov.u32 s29;
	s28 =	sadd.s32 $0x1, s29  }
0x342: {  	v20 =	vsub.f32 v20, v32;
	s30 =	sand.u32 $0x7000, s30;
	s31 =	sshll.u32 s31, $0x6;
	s1 =	sshrl.u32 s1, $0x2;
	v32 =	vmul.f32 v39, v39;
	v37 =	vmul.f32 $2.550000000e+02, v19;
	v24 =	vld.idx.msk [tilespmem:v24+s3+$0x0], $0xffff  }
0x343: {  	p0 =	sne.s32 s29, $0x7F;
	v40 =	vcvt.f32.s32 v41;
	v39 =	vmul.f32 $2.550000000e+02, v17;
	s31 =	sand.u32 $0x380, s31;
	s1 =	sor.u32 s1, s30;
	v36 =	vadd.f32 v28, v36  }
0x344: {  	v29 =	vtrunc.f32 v29;
	v41 =	vtrunc.f32 v42;
	v33 =	vsub.f32 v5, v33;
	v5 =	vmovc v25;
	v42 =	vld [tilespmem:s25+$0x8540];
	s25 =	sor.u32 s1, s31  }
0x345: {  	v25 =	vcvt.f32.s32 v29;
	v29 =	vtrunc.f32 v39;
	v34 =	vsub.f32 v12, v34;
	v28 =	vld [tilespmem:s25+$0x8500]  }
0x346: {  	v44 =	vmul.f32 $2.550000000e+02, v16;
	v41 =	vcvt.f32.s32 v41;
	v35 =	vsub.f32 v2, v35;
	v2 =	vmovc v7;
	v39 =	vld [tilespmem:s25+$0x8550]  }
0x347: {  	v33 =	vmul.f32 v33, v33;
	v7 =	vadd.f32 v27, v9;
	v9 =	vmovc v32;
	v34 =	vmul.f32 v34, v34;
	v12 =	vld [tilespmem:s25+$0x8170]  }
0x348: {  	v32 =	vsub.f32 v11, v38;
	v38 =	vmul.f32 $2.550000000e+02, v5;
	v46 =	vsub.f32 v1, v24;
	v1 =	vmovc v3;
	v27 =	vld [tilespmem:s25+$0x8560]  }
0x349: {  	v26 =	vmul.f32 v26, v26;
	v24 =	vtrunc.f32 v44;
	v36 =	vadd.f32 v36, v7;
	v3 =	vld [tilespmem:s25+$0x8160]  }
0x34a: {  	v44 =	vmul.f32 v20, v20;
	v35 =	vmul.f32 v35, v35;
	v21 =	vadd.f32 v33, v21;
	v7 =	vld [tilespmem:s25+$0x8150]  }
0x34b: {  	v26 =	vadd.f32 v10, v26;
	v33 =	vmul.f32 $2.550000000e+02, v42;
	v45 =	vmul.f32 v46, v46;
	v40 =	vld.idx.msk [tilespmem:v40+s3+$0x0], $0xffff;
	v11 =	vmovc v39  }
0x34c: {  	v10 =	vmul.f32 v32, v32;
	v39 =	vcvt.f32.s32 v24;
	v24 =	vadd.f32 v35, v6;
	v6 =	vmovc v44;
	v20 =	vld [tilespmem:s25+$0x8140]  }
0x34d: {  	v29 =	vcvt.f32.s32 v29;
	v33 =	vtrunc.f32 v33;
	v35 =	vadd.f32 v4, v45;
	v4 =	vmovc v34;
	v32 =	vld.idx.msk [tilespmem:v41+s3+$0x0], $0xffff  }
0x34e: {  	v21 =	vadd.f32 v21, v26;
	v34 =	vtrunc.f32 v37;
	v33 =	vcvt.f32.s32 v33;
	v25 =	vld.idx.msk [tilespmem:v25+s3+$0x0], $0xffff  }
0x34f: {  	v34 =	vcvt.f32.s32 v34;
	v35 =	vadd.f32 v35, v24;
	v26 =	vmul.f32 $2.550000000e+02, v3;
	v30 =	vld.idx.msk [tilespmem:v30+s3+$0x0], $0xffff  }
0x350: {  	v21 =	vadd.f32 v21, v36;
	v24 =	vcvt.f32.s32 v23;
	v23 =	vtrunc.f32 v38;
	v37 =	vld.idx.msk [tilespmem:v43+s3+$0x0], $0xffff  }
0x351: {  	v41 =	vmul.f32 $2.550000000e+02, v12;
	v31 =	vadd.f32 v35, v31;
	v36 =	vld [tilespmem:s25+$0x8100];
	v38 =	vmul.f32 $2.550000000e+02, v20  }
0x352: {  	v44 =	vcvt.f32.s32 v23;
	v35 =	vmul.f32 $2.550000000e+02, v28;
	v40 =	vsub.f32 v8, v40;
	v8 =	vmovc v27;
	v39 =	vld.idx.msk [tilespmem:v39+s3+$0x0], $0xffff  }
0x353: {  	v27 =	vmul.f32 $2.550000000e+02, v7;
	v23 =	vtrunc.f32 v38;
	v38 =	vld.idx.msk [tilespmem:v29+s3+$0x0], $0xffff;
	v29 =	vadd.f32 v21, v31  }
0x354: {  	v21 =	vtrunc.f32 v35;
	v43 =	vcvt.f32.s32 v23;
	v23 =	vsub.f32 v13, v25;
	v25 =	vld.idx.msk [tilespmem:v33+s3+$0x0], $0xffff  }
0x355: {  	v33 =	vcvt.f32.s32 v21;
	v21 =	vmul.f32 v40, v40;
	v34 =	vld.idx.msk [tilespmem:v34+s3+$0x0], $0xffff;
	v0 =	vadd.f32 v29, v0  }
0x356: {  	v40 =	vtrunc.f32 v41;
	v35 =	vld [tilespmem:s25+$0x8120];
	v45 =	vmul.f32 v23, v23;
	v13 =	vmov v36  }
0x357: {  	v46 =	vsub.f32 v18, v32;
	v41 =	vmul.f32 $2.550000000e+02, v11;
	v29 =	vmul.f32 $2.550000000e+02, v13;
	v36 =	vld [tilespmem:s25+$0x8130]  }
0x358: {  	v47 =	vtrunc.f32 v27;
	v48 =	vsub.f32 v15, v37;
	v23 =	vtrunc.f32 v26;
	v15 =	vld [tilespmem:s25+$0x8510]  }
0x359: {  	v31 =	vsub.f32 v14, v30;
	v37 =	vmul.f32 $2.550000000e+02, v8;
	v49 =	vsub.f32 v17, v38;
	v14 =	vld [tilespmem:s25+$0x8530]  }
0x35a: {  	v30 =	vcvt.f32.s32 v40;
	v32 =	vsub.f32 v16, v39;
	v27 =	vmul.f32 v48, v48;
	v16 =	vld [tilespmem:s25+$0x8110]  }
0x35b: {  	v26 =	vsub.f32 v42, v25;
	v40 =	vmul.f32 v49, v49;
	v39 =	vld.idx.msk [tilespmem:v33+s3+$0x0], $0xffff;
	v33 =	vtrunc.f32 v41;
	v18 =	vmovc v35  }
0x35c: {  	v38 =	vcvt.f32.s32 v33;
	v25 =	vld [tilespmem:s25+$0x8570];
	v33 =	vmul.f32 v32, v32;
	v17 =	vmov v36  }
.Ltmp7:
0x35d: {  	v42 =	vsub.f32 v19, v34;
	v36 =	vmul.f32 v46, v46;
	v32 =	vld.idx.msk [tilespmem:v43+s3+$0x0], $0xffff;
	v35 =	vmul.f32 $2.550000000e+02, v15;
	(pc) =	sbr.rel @p0 .LBB2_16-.Ltmp7, $4  }
0x35e: {  	v41 =	vtrunc.f32 v37;
	v19 =	vld [tilespmem:s25+$0x8520];
	v46 =	vmul.f32 $2.550000000e+02, v14;
	v37 =	vadd.f32 v33, v45  }
0x35f: {  	v45 =	vcvt.f32.s32 v47;
	v40 =	vadd.f32 v40, v36;
	v43 =	vtrunc.f32 v35;
	v33 =	vld.idx.msk [tilespmem:v44+s3+$0x0], $0xffff  }
0x360: {  	v36 =	vmul.f32 v42, v42;
	v34 =	vld.idx.msk [tilespmem:v30+s3+$0x0], $0xffff;
	v30 =	vtrunc.f32 v46  }
0x361: {  	s26 =	sadd.s32 $0x2000, s26;
	s29 =	smov.u32 s28;
	v42 =	vmul.f32 $2.550000000e+02, v18;
	v39 =	vsub.f32 v28, v39;
	v30 =	vcvt.f32.s32 v30;
	v35 =	vld.idx.msk [tilespmem:v22+s3+$0x0], $0xffff;
	v22 =	vmovc v45  }
0x362: {  	v28 =	vcvt.f32.s32 v43  }
0x363: {  	v62 =	vmul.f32 $2.550000000e+02, v17;
	v41 =	vcvt.f32.s32 v41  }
0x364: {  	v29 =	vtrunc.f32 v29;
	v45 =	vmul.f32 $2.550000000e+02, v16  }
0x365: {  	v44 =	vld [tilespmem:s25+$0x8540];
	v48 =	vmul.f32 $2.550000000e+02, v25;
	v23 =	vcvt.f32.s32 v23  }
0x366: {  	v38 =	vld.idx.msk [tilespmem:v38+s3+$0x0], $0xffff;
	v42 =	vtrunc.f32 v42;
	v29 =	vcvt.f32.s32 v29  }
0x367: {  	v24 =	vld.idx.msk [tilespmem:v24+s3+$0x0], $0xffff;
	v46 =	vmul.f32 $2.550000000e+02, v19;
	v42 =	vcvt.f32.s32 v42  }
0x368: {  	v22 =	vld.idx.msk [tilespmem:v22+s3+$0x0], $0xffff;
	v43 =	vtrunc.f32 v62;
	v45 =	vtrunc.f32 v45  }
0x369: {  	v30 =	vld.idx.msk [tilespmem:v30+s3+$0x0], $0xffff;
	v48 =	vtrunc.f32 v48;
	v45 =	vcvt.f32.s32 v45  }
0x36a: {  	v43 =	vcvt.f32.s32 v43;
	v47 =	vmul.f32 $2.550000000e+02, v44;
	v41 =	vld.idx.msk [tilespmem:v41+s3+$0x0], $0xffff  }
0x36b: {  	v46 =	vtrunc.f32 v46;
	v48 =	vcvt.f32.s32 v48;
	v28 =	vld.idx.msk [tilespmem:v28+s3+$0x0], $0xffff  }
0x36c: {  	v46 =	vcvt.f32.s32 v46;
	v49 =	vld.idx.msk [tilespmem:v23+s3+$0x0], $0xffff;
	v47 =	vtrunc.f32 v47  }
0x36d: {  	v29 =	vld.idx.msk [tilespmem:v29+s3+$0x0], $0xffff;
	v47 =	vcvt.f32.s32 v47  }
0x36e: {  	v42 =	vld.idx.msk [tilespmem:v42+s3+$0x0], $0xffff  }
0x36f: {  	v37 =	vadd.f32 v40, v37;
	v31 =	vmul.f32 v31, v31;
	v45 =	vld.idx.msk [tilespmem:v45+s3+$0x0], $0xffff  }
0x370: {  	v9 =	vadd.f32 v27, v9;
	v5 =	vsub.f32 v5, v33;
	v43 =	vld.idx.msk [tilespmem:v43+s3+$0x0], $0xffff  }
0x371: {  	v31 =	vadd.f32 v31, v36;
	v12 =	vsub.f32 v12, v34;
	v63 =	vld.idx.msk [tilespmem:v48+s3+$0x0], $0xffff  }
0x372: {  	v32 =	vsub.f32 v20, v32;
	s1 =	simm.s32 $0x0;
	v2 =	vsub.f32 v2, v35;
	v5 =	vmul.f32 v5, v5;
	v46 =	vld.idx.msk [tilespmem:v46+s3+$0x0], $0xffff  }
0x373: {  	v9 =	vadd.f32 v31, v9;
	v20 =	vmul.f32 v12, v12;
	v1 =	vsub.f32 v1, v24;
	v47 =	vld.idx.msk [tilespmem:v47+s3+$0x0], $0xffff;
	[tilespmem:s20], [sflag:$0x2] =	stream.linear.gather [hbm4b:s13+s1], $0x8000, $0x38  }
0x374: {  	s28 =	simm.s32 $0x0;
	s26 =	simm.s32 $0x0;
	v11 =	vsub.f32 v11, v38;
	v12 =	vmul.f32 v26, v26;
	v7 =	vsub.f32 v7, v22;
	s1 =	sand.u32 $0x2000, s1  }
0x375: {  	s25 =	sand.u32 $0x7000, s28;
	v2 =	vmul.f32 v2, v2;
	v5 =	vadd.f32 v5, v21;
	v21 =	vmul.f32 v1, v1;
	_ =	swait.ge [sflag:s21], $0x8000;
	s1 =	sshrl.u32 s1, $0x2  }
0x376: {  	s26 =	sand.u32 $0x380, s26;
	v23 =	vmul.f32 v32, v32;
	v14 =	vsub.f32 v14, v30;
	v10 =	vadd.f32 v10, v12;
	[sflag:s21] =	ssyncset.done $0x0;
	s1 =	sor.u32 s1, s25  }
0x377: {  	v24 =	vmul.f32 v11, v11;
	v6 =	vadd.f32 v2, v6;
	v4 =	vadd.f32 v4, v21;
	[sflag:s21] =	ssyncadd.s32 $0xFFFF8000;
	s26 =	sor.u32 s1, s26  }
0x378: {  	v12 =	vmul.f32 v14, v14;
	v1 =	vsub.f32 v13, v29;
	v13 =	vsub.f32 v15, v28;
	v15 =	vld [tilespmem:s26+$0x500]  }
0x379: {  	v48 =	vmul.f32 v39, v39;
	v5 =	vadd.f32 v5, v10;
	v16 =	vsub.f32 v16, v45;
	v26 =	vld [tilespmem:s26+$0x140]  }
0x37a: {  	v21 =	vmul.f32 v7, v7;
	v8 =	vsub.f32 v8, v41;
	v3 =	vsub.f32 v3, v49;
	v29 =	vld [tilespmem:s26+$0x550]  }
0x37b: {  	v4 =	vadd.f32 v4, v6;
	v28 =	vmul.f32 v16, v16;
	v16 =	vsub.f32 v25, v63;
	v25 =	vld [tilespmem:s26+$0x170]  }
0x37c: {  	v11 =	vsub.f32 v18, v42;
	v18 =	vmul.f32 v1, v1;
	v1 =	vsub.f32 v17, v43;
	v14 =	vld [tilespmem:s26+$0x560]  }
0x37d: {  	v8 =	vmul.f32 v8, v8;
	v6 =	vmul.f32 v3, v3;
	v17 =	vsub.f32 v19, v46;
	v2 =	vld [tilespmem:s26+$0x150]  }
0x37e: {  	v13 =	vmul.f32 v13, v13;
	v27 =	vmul.f32 v1, v1;
	v32 =	vld [tilespmem:s26+$0x100];
	v1 =	vsub.f32 v44, v47  }
0x37f: {  	v5 =	vadd.f32 v5, v9;
	v11 =	vmul.f32 v11, v11;
	v17 =	vmul.f32 v17, v17;
	v35 =	vld [tilespmem:s26+$0x510]  }
0x380: {  	v4 =	vadd.f32 v4, v37;
	v30 =	vmul.f32 v16, v16;
	v41 =	vld [tilespmem:s26+$0x520];
	v31 =	vmul.f32 v1, v1  }
0x381: {  	v36 =	vld [tilespmem:s26+$0x110];
	v19 =	vmul.f32 $2.550000000e+02, v15;
	v16 =	vmul.f32 $2.550000000e+02, v26  }
0x382: {  	s30 =	simm.s32 $0x2000;
	v54 =	vadd.f32 v5, v4;
	v22 =	vmul.f32 $2.550000000e+02, v25;
	v50 =	vmul.f32 $2.550000000e+02, v29  }
0x383: {  	s31 =	simm.s32 $0x100;
	v13 =	vadd.f32 v13, v48;
	s1 =	sand.u32 $0x2000, s30;
	v51 =	vmul.f32 $2.550000000e+02, v2;
	v53 =	vmul.f32 $2.550000000e+02, v32  }
0x384: {  	s28 =	simm.s32 $0x40;
	s25 =	sand.u32 $0x7000, s31;
	v5 =	vld [tilespmem:s26+$0x570];
	v18 =	vadd.f32 v28, v18;
	s1 =	sshrl.u32 s1, $0x2;
	v55 =	vmul.f32 $2.550000000e+02, v14;
	v56 =	vmul.f32 $2.550000000e+02, v35  }
0x385: {  	s28 =	sand.u32 $0x380, s28;
	v11 =	vadd.f32 v27, v11;
	v40 =	vld [tilespmem:s26+$0x540];
	s1 =	sor.u32 s1, s25;
	v58 =	vmul.f32 $2.550000000e+02, v41;
	v19 =	vtrunc.f32 v19  }
0x386: {  	s25 =	sor.u32 s1, s28;
	v1 =	vld [tilespmem:s26+$0x160];
	v24 =	vadd.f32 v24, v31;
	v31 =	vmul.f32 $2.550000000e+02, v36;
	v7 =	vcvt.f32.s32 v19  }
0x387: {  	v12 =	vadd.f32 v12, v17;
	v44 =	vld [tilespmem:s25+$0x500];
	v16 =	vtrunc.f32 v16;
	v3 =	vtrunc.f32 v22  }
0x388: {  	v18 =	vadd.f32 v11, v18;
	v11 =	vld [tilespmem:s25+$0x550];
	v9 =	vtrunc.f32 v50;
	v10 =	vcvt.f32.s32 v16  }
0x389: {  	v13 =	vadd.f32 v12, v13;
	v12 =	vld [tilespmem:s25+$0x170];
	v4 =	vtrunc.f32 v51;
	v33 =	vtrunc.f32 v55  }
0x38a: {  	v21 =	vadd.f32 v21, v23;
	v22 =	vld [tilespmem:s26+$0x530];
	v23 =	vtrunc.f32 v31;
	v3 =	vcvt.f32.s32 v3  }
0x38b: {  	v31 =	vmul.f32 $2.550000000e+02, v40;
	v16 =	vld [tilespmem:s26+$0x130];
	v9 =	vcvt.f32.s32 v9  }
0x38c: {  	v52 =	vmul.f32 $2.550000000e+02, v1;
	v33 =	vcvt.f32.s32 v33;
	v7 =	vld.idx.msk [tilespmem:v7+s3+$0x0], $0xffff  }
0x38d: {  	v19 =	vld [tilespmem:s26+$0x120];
	v28 =	vcvt.f32.s32 v4;
	v4 =	vtrunc.f32 v56  }
0x38e: {  	v23 =	vcvt.f32.s32 v23;
	v62 =	vmul.f32 $2.550000000e+02, v12;
	v10 =	vld.idx.msk [tilespmem:v10+s3+$0x0], $0xffff  }
0x38f: {  	v60 =	vadd.f32 v20, v6;
	v57 =	vcvt.f32.s32 v4;
	v27 =	vmul.f32 $2.550000000e+02, v22  }
0x390: {  	v0 =	vadd.f32 v54, v0;
	v63 =	vmul.f32 $2.550000000e+02, v44;
	v54 =	vmul.f32 $2.550000000e+02, v11;
	v3 =	vld.idx.msk [tilespmem:v3+s3+$0x0], $0xffff  }
0x391: {  	v20 =	vld [tilespmem:s25+$0x140];
	v4 =	vmul.f32 $2.550000000e+02, v16;
	v17 =	vtrunc.f32 v27;
	v7 =	vsub.f32 v15, v7  }
0x392: {  	v21 =	vadd.f32 v60, v21;
	v27 =	vmul.f32 $2.550000000e+02, v19;
	v33 =	vld.idx.msk [tilespmem:v33+s3+$0x0], $0xffff;
	v17 =	vcvt.f32.s32 v17  }
0x393: {  	v15 =	vld.idx.msk [tilespmem:v9+s3+$0x0], $0xffff;
	v10 =	vsub.f32 v26, v10;
	v26 =	vmul.f32 $2.550000000e+02, v5;
	v9 =	vmul.f32 v7, v7  }
0x394: {  	v48 =	vld.idx.msk [tilespmem:v23+s3+$0x0], $0xffff;
	v7 =	vtrunc.f32 v27;
	v27 =	vadd.f32 v30, v8;
	v8 =	vtrunc.f32 v53  }
0x395: {  	v34 =	vld.idx.msk [tilespmem:v57+s3+$0x0], $0xffff;
	v6 =	vmul.f32 v10, v10;
	v30 =	vcvt.f32.s32 v7;
	v7 =	vsub.f32 v25, v3  }
0x396: {  	v18 =	vadd.f32 v21, v18;
	v21 =	vtrunc.f32 v26;
	v59 =	vcvt.f32.s32 v8;
	v8 =	vld [tilespmem:s25+$0x560]  }
0x397: {  	v25 =	vtrunc.f32 v4;
	v3 =	vld [tilespmem:s25+$0x160];
	v24 =	vadd.f32 v27, v24;
	v4 =	vmul.f32 v7, v7  }
0x398: {  	v7 =	vld [tilespmem:s25+$0x150];
	v10 =	vsub.f32 v29, v15;
	v15 =	vcvt.f32.s32 v25;
	v25 =	vtrunc.f32 v31  }
0x399: {  	v29 =	vtrunc.f32 v58;
	v31 =	vld.idx.msk [tilespmem:v17+s3+$0x0], $0xffff;
	v25 =	vcvt.f32.s32 v25  }
0x39a: {  	v26 =	vmul.f32 $2.550000000e+02, v20;
	v29 =	vcvt.f32.s32 v29;
	v17 =	vadd.f32 v24, v13;
	v13 =	vld [tilespmem:s25+$0x100]  }
0x39b: {  	v37 =	vtrunc.f32 v52;
	v49 =	vcvt.f32.s32 v21;
	v30 =	vld.idx.msk [tilespmem:v30+s3+$0x0], $0xffff  }
0x39c: {  	v21 =	vtrunc.f32 v63;
	v17 =	vadd.f32 v17, v18;
	v18 =	vtrunc.f32 v26;
	v27 =	vld.idx.msk [tilespmem:v59+s3+$0x0], $0xffff  }
0x39d: {  	v36 =	vsub.f32 v36, v48;
	v24 =	vcvt.f32.s32 v37;
	v51 =	vcvt.f32.s32 v18;
	v18 =	vld [tilespmem:s25+$0x120]  }
0x39e: {  	v14 =	vsub.f32 v14, v33;
	v10 =	vmul.f32 v10, v10;
	v61 =	vmul.f32 $2.550000000e+02, v3;
	v26 =	vld.idx.msk [tilespmem:v15+s3+$0x0], $0xffff  }
0x39f: {  	v56 =	vmul.f32 $2.550000000e+02, v8;
	v31 =	vsub.f32 v22, v31;
	v22 =	vmul.f32 v36, v36;
	v50 =	vld.idx.msk [tilespmem:v25+s3+$0x0], $0xffff  }
0x3a0: {  	v15 =	vmul.f32 $2.550000000e+02, v7;
	v25 =	vcvt.f32.s32 v21;
	v52 =	vld.idx.msk [tilespmem:v29+s3+$0x0], $0xffff  }
0x3a1: {  	v34 =	vsub.f32 v35, v34;
	v21 =	vmul.f32 v14, v14;
	v29 =	vmul.f32 $2.550000000e+02, v13;
	v14 =	vld [tilespmem:s25+$0x530]  }
0x3a2: {  	v35 =	vld.idx.msk [tilespmem:v28+s3+$0x0], $0xffff;
	v55 =	vtrunc.f32 v15;
	v23 =	vsub.f32 v32, v27;
	v27 =	vtrunc.f32 v62  }
0x3a3: {  	v15 =	vld [tilespmem:s25+$0x510];
	v19 =	vsub.f32 v19, v30;
	v42 =	vmul.f32 $2.550000000e+02, v18;
	v57 =	vcvt.f32.s32 v27  }
0x3a4: {  	v33 =	vld.idx.msk [tilespmem:v49+s3+$0x0], $0xffff;
	v27 =	vmul.f32 v34, v34;
	v53 =	vmul.f32 v23, v23  }
0x3a5: {  	v0 =	vadd.f32 v17, v0;
	v17 =	vld [tilespmem:s25+$0x130];
	v23 =	vtrunc.f32 v61;
	v60 =	vmul.f32 v19, v19  }
0x3a6: {  	v26 =	vsub.f32 v16, v26;
	v62 =	vmul.f32 $2.550000000e+02, v14;
	v30 =	vld.idx.msk [tilespmem:v25+s3+$0x0], $0xffff;
	v25 =	vtrunc.f32 v54  }
0x3a7: {  	v32 =	vld.idx.msk [tilespmem:v51+s3+$0x0], $0xffff;
	v61 =	vsub.f32 v41, v52;
	v41 =	vtrunc.f32 v56;
	v38 =	vcvt.f32.s32 v25  }
0x3a8: {  	v16 =	vld [tilespmem:s25+$0x110];
	v58 =	vmul.f32 v26, v26;
	v59 =	vmul.f32 $2.550000000e+02, v15  }
0x3a9: {  	v19 =	vld [tilespmem:s25+$0x520];
	v37 =	vadd.f32 v22, v53;
	v22 =	vcvt.f32.s32 v55;
	v63 =	vtrunc.f32 v62  }
0x3aa: {  	v26 =	vsub.f32 v40, v50;
	v25 =	vld [tilespmem:s25+$0x570];
	v36 =	vmul.f32 v61, v61;
	v43 =	vtrunc.f32 v59  }
0x3ab: {  	s29 =	simm.s32 $0x2;
	s26 =	simm.s32 $0x4000;
	v40 =	vadd.f32 v58, v60;
	v34 =	vld.idx.msk [tilespmem:v57+s3+$0x0], $0xffff;
	v39 =	vsub.f32 v44, v30;
	v30 =	vcvt.f32.s32 v63  }
.LBB2_18:
0x3ac: {  	s1 =	sand.u32 $0x2000, s26  }
0x3ad: {  	s30 =	sshll.u32 s29, $0x8;
	v43 =	vcvt.f32.s32 v43;
	v38 =	vld.idx.msk [tilespmem:v38+s3+$0x0], $0xffff;
	v28 =	vmul.f32 v31, v31;
	v31 =	vadd.f32 v40, v37;
	s31 =	smov.u32 s29;
	s28 =	sadd.s32 $0x1, s29  }
0x3ae: {  	v20 =	vsub.f32 v20, v32;
	s30 =	sand.u32 $0x7000, s30;
	s31 =	sshll.u32 s31, $0x6;
	s1 =	sshrl.u32 s1, $0x2;
	v32 =	vmul.f32 v39, v39;
	v37 =	vmul.f32 $2.550000000e+02, v19;
	v24 =	vld.idx.msk [tilespmem:v24+s3+$0x0], $0xffff  }
0x3af: {  	p0 =	sne.s32 s29, $0x7F;
	v40 =	vcvt.f32.s32 v41;
	v39 =	vmul.f32 $2.550000000e+02, v17;
	s31 =	sand.u32 $0x380, s31;
	s1 =	sor.u32 s1, s30;
	v36 =	vadd.f32 v28, v36  }
0x3b0: {  	v29 =	vtrunc.f32 v29;
	v41 =	vtrunc.f32 v42;
	v33 =	vsub.f32 v5, v33;
	v5 =	vmovc v25;
	v42 =	vld [tilespmem:s25+$0x540];
	s25 =	sor.u32 s1, s31  }
0x3b1: {  	v25 =	vcvt.f32.s32 v29;
	v29 =	vtrunc.f32 v39;
	v34 =	vsub.f32 v12, v34;
	v28 =	vld [tilespmem:s25+$0x500]  }
0x3b2: {  	v44 =	vmul.f32 $2.550000000e+02, v16;
	v41 =	vcvt.f32.s32 v41;
	v35 =	vsub.f32 v2, v35;
	v2 =	vmovc v7;
	v39 =	vld [tilespmem:s25+$0x550]  }
0x3b3: {  	v33 =	vmul.f32 v33, v33;
	v7 =	vadd.f32 v27, v9;
	v9 =	vmovc v32;
	v34 =	vmul.f32 v34, v34;
	v12 =	vld [tilespmem:s25+$0x170]  }
0x3b4: {  	v32 =	vsub.f32 v11, v38;
	v38 =	vmul.f32 $2.550000000e+02, v5;
	v46 =	vsub.f32 v1, v24;
	v1 =	vmovc v3;
	v27 =	vld [tilespmem:s25+$0x560]  }
0x3b5: {  	v26 =	vmul.f32 v26, v26;
	v24 =	vtrunc.f32 v44;
	v36 =	vadd.f32 v36, v7;
	v3 =	vld [tilespmem:s25+$0x160]  }
0x3b6: {  	v44 =	vmul.f32 v20, v20;
	v35 =	vmul.f32 v35, v35;
	v21 =	vadd.f32 v33, v21;
	v7 =	vld [tilespmem:s25+$0x150]  }
0x3b7: {  	v26 =	vadd.f32 v10, v26;
	v33 =	vmul.f32 $2.550000000e+02, v42;
	v45 =	vmul.f32 v46, v46;
	v40 =	vld.idx.msk [tilespmem:v40+s3+$0x0], $0xffff;
	v11 =	vmovc v39  }
0x3b8: {  	v10 =	vmul.f32 v32, v32;
	v39 =	vcvt.f32.s32 v24;
	v24 =	vadd.f32 v35, v6;
	v6 =	vmovc v44;
	v20 =	vld [tilespmem:s25+$0x140]  }
0x3b9: {  	v29 =	vcvt.f32.s32 v29;
	v33 =	vtrunc.f32 v33;
	v35 =	vadd.f32 v4, v45;
	v4 =	vmovc v34;
	v32 =	vld.idx.msk [tilespmem:v41+s3+$0x0], $0xffff  }
0x3ba: {  	v21 =	vadd.f32 v21, v26;
	v34 =	vtrunc.f32 v37;
	v33 =	vcvt.f32.s32 v33;
	v25 =	vld.idx.msk [tilespmem:v25+s3+$0x0], $0xffff  }
0x3bb: {  	v34 =	vcvt.f32.s32 v34;
	v35 =	vadd.f32 v35, v24;
	v26 =	vmul.f32 $2.550000000e+02, v3;
	v30 =	vld.idx.msk [tilespmem:v30+s3+$0x0], $0xffff  }
0x3bc: {  	v21 =	vadd.f32 v21, v36;
	v24 =	vcvt.f32.s32 v23;
	v23 =	vtrunc.f32 v38;
	v37 =	vld.idx.msk [tilespmem:v43+s3+$0x0], $0xffff  }
0x3bd: {  	v41 =	vmul.f32 $2.550000000e+02, v12;
	v31 =	vadd.f32 v35, v31;
	v36 =	vld [tilespmem:s25+$0x100];
	v38 =	vmul.f32 $2.550000000e+02, v20  }
0x3be: {  	v44 =	vcvt.f32.s32 v23;
	v35 =	vmul.f32 $2.550000000e+02, v28;
	v40 =	vsub.f32 v8, v40;
	v8 =	vmovc v27;
	v39 =	vld.idx.msk [tilespmem:v39+s3+$0x0], $0xffff  }
0x3bf: {  	v27 =	vmul.f32 $2.550000000e+02, v7;
	v23 =	vtrunc.f32 v38;
	v38 =	vld.idx.msk [tilespmem:v29+s3+$0x0], $0xffff;
	v29 =	vadd.f32 v21, v31  }
0x3c0: {  	v21 =	vtrunc.f32 v35;
	v43 =	vcvt.f32.s32 v23;
	v23 =	vsub.f32 v13, v25;
	v25 =	vld.idx.msk [tilespmem:v33+s3+$0x0], $0xffff  }
0x3c1: {  	v33 =	vcvt.f32.s32 v21;
	v21 =	vmul.f32 v40, v40;
	v34 =	vld.idx.msk [tilespmem:v34+s3+$0x0], $0xffff;
	v0 =	vadd.f32 v29, v0  }
0x3c2: {  	v40 =	vtrunc.f32 v41;
	v35 =	vld [tilespmem:s25+$0x120];
	v45 =	vmul.f32 v23, v23;
	v13 =	vmov v36  }
0x3c3: {  	v46 =	vsub.f32 v18, v32;
	v41 =	vmul.f32 $2.550000000e+02, v11;
	v29 =	vmul.f32 $2.550000000e+02, v13;
	v36 =	vld [tilespmem:s25+$0x130]  }
0x3c4: {  	v47 =	vtrunc.f32 v27;
	v48 =	vsub.f32 v15, v37;
	v23 =	vtrunc.f32 v26;
	v15 =	vld [tilespmem:s25+$0x510]  }
0x3c5: {  	v31 =	vsub.f32 v14, v30;
	v37 =	vmul.f32 $2.550000000e+02, v8;
	v49 =	vsub.f32 v17, v38;
	v14 =	vld [tilespmem:s25+$0x530]  }
0x3c6: {  	v30 =	vcvt.f32.s32 v40;
	v32 =	vsub.f32 v16, v39;
	v27 =	vmul.f32 v48, v48;
	v16 =	vld [tilespmem:s25+$0x110]  }
0x3c7: {  	v26 =	vsub.f32 v42, v25;
	v40 =	vmul.f32 v49, v49;
	v39 =	vld.idx.msk [tilespmem:v33+s3+$0x0], $0xffff;
	v33 =	vtrunc.f32 v41;
	v18 =	vmovc v35  }
0x3c8: {  	v38 =	vcvt.f32.s32 v33;
	v25 =	vld [tilespmem:s25+$0x570];
	v33 =	vmul.f32 v32, v32;
	v17 =	vmov v36  }
.Ltmp8:
0x3c9: {  	v42 =	vsub.f32 v19, v34;
	v36 =	vmul.f32 v46, v46;
	v32 =	vld.idx.msk [tilespmem:v43+s3+$0x0], $0xffff;
	v35 =	vmul.f32 $2.550000000e+02, v15;
	(pc) =	sbr.rel @p0 .LBB2_18-.Ltmp8, $4  }
0x3ca: {  	v41 =	vtrunc.f32 v37;
	v19 =	vld [tilespmem:s25+$0x520];
	v46 =	vmul.f32 $2.550000000e+02, v14;
	v37 =	vadd.f32 v33, v45  }
0x3cb: {  	v45 =	vcvt.f32.s32 v47;
	v40 =	vadd.f32 v40, v36;
	v43 =	vtrunc.f32 v35;
	v33 =	vld.idx.msk [tilespmem:v44+s3+$0x0], $0xffff  }
0x3cc: {  	v36 =	vmul.f32 v42, v42;
	v34 =	vld.idx.msk [tilespmem:v30+s3+$0x0], $0xffff;
	v30 =	vtrunc.f32 v46  }
0x3cd: {  	s26 =	sadd.s32 $0x2000, s26;
	s29 =	smov.u32 s28;
	v42 =	vmul.f32 $2.550000000e+02, v18;
	v39 =	vsub.f32 v28, v39;
	v30 =	vcvt.f32.s32 v30;
	v35 =	vld.idx.msk [tilespmem:v22+s3+$0x0], $0xffff;
	v22 =	vmovc v45  }
0x3ce: {  	v28 =	vcvt.f32.s32 v43  }
0x3cf: {  	v62 =	vmul.f32 $2.550000000e+02, v17;
	v41 =	vcvt.f32.s32 v41  }
0x3d0: {  	v29 =	vtrunc.f32 v29;
	v45 =	vmul.f32 $2.550000000e+02, v16  }
0x3d1: {  	v44 =	vld [tilespmem:s25+$0x540];
	v48 =	vmul.f32 $2.550000000e+02, v25;
	v23 =	vcvt.f32.s32 v23  }
0x3d2: {  	v38 =	vld.idx.msk [tilespmem:v38+s3+$0x0], $0xffff;
	v42 =	vtrunc.f32 v42;
	v29 =	vcvt.f32.s32 v29  }
0x3d3: {  	v24 =	vld.idx.msk [tilespmem:v24+s3+$0x0], $0xffff;
	v46 =	vmul.f32 $2.550000000e+02, v19;
	v42 =	vcvt.f32.s32 v42  }
0x3d4: {  	v22 =	vld.idx.msk [tilespmem:v22+s3+$0x0], $0xffff;
	v43 =	vtrunc.f32 v62;
	v45 =	vtrunc.f32 v45  }
0x3d5: {  	v30 =	vld.idx.msk [tilespmem:v30+s3+$0x0], $0xffff;
	v48 =	vtrunc.f32 v48;
	v45 =	vcvt.f32.s32 v45  }
0x3d6: {  	v43 =	vcvt.f32.s32 v43;
	v47 =	vmul.f32 $2.550000000e+02, v44;
	v41 =	vld.idx.msk [tilespmem:v41+s3+$0x0], $0xffff  }
0x3d7: {  	v46 =	vtrunc.f32 v46;
	v48 =	vcvt.f32.s32 v48;
	v28 =	vld.idx.msk [tilespmem:v28+s3+$0x0], $0xffff  }
0x3d8: {  	v46 =	vcvt.f32.s32 v46;
	v49 =	vld.idx.msk [tilespmem:v23+s3+$0x0], $0xffff;
	v47 =	vtrunc.f32 v47  }
0x3d9: {  	v29 =	vld.idx.msk [tilespmem:v29+s3+$0x0], $0xffff;
	v47 =	vcvt.f32.s32 v47  }
0x3da: {  	v42 =	vld.idx.msk [tilespmem:v42+s3+$0x0], $0xffff  }
0x3db: {  	v37 =	vadd.f32 v40, v37;
	v31 =	vmul.f32 v31, v31;
	v45 =	vld.idx.msk [tilespmem:v45+s3+$0x0], $0xffff  }
0x3dc: {  	v9 =	vadd.f32 v27, v9;
	v5 =	vsub.f32 v5, v33;
	v43 =	vld.idx.msk [tilespmem:v43+s3+$0x0], $0xffff  }
0x3dd: {  	v31 =	vadd.f32 v31, v36;
	v12 =	vsub.f32 v12, v34;
	v63 =	vld.idx.msk [tilespmem:v48+s3+$0x0], $0xffff  }
0x3de: {  	v32 =	vsub.f32 v20, v32;
	s1 =	simm.s32 $0x0;
	v2 =	vsub.f32 v2, v35;
	v5 =	vmul.f32 v5, v5;
	v46 =	vld.idx.msk [tilespmem:v46+s3+$0x0], $0xffff  }
0x3df: {  	v9 =	vadd.f32 v31, v9;
	v20 =	vmul.f32 v12, v12;
	v1 =	vsub.f32 v1, v24;
	v47 =	vld.idx.msk [tilespmem:v47+s3+$0x0], $0xffff;
	[tilespmem:s19], [sflag:$0x1] =	stream.linear.gather [hbm4b:s14+s1], $0x8000, $0x38  }
0x3e0: {  	s28 =	simm.s32 $0x0;
	s26 =	simm.s32 $0x0;
	v11 =	vsub.f32 v11, v38;
	v12 =	vmul.f32 v26, v26;
	v7 =	vsub.f32 v7, v22;
	s1 =	sand.u32 $0x2000, s1  }
0x3e1: {  	s25 =	sand.u32 $0x7000, s28;
	v2 =	vmul.f32 v2, v2;
	v5 =	vadd.f32 v5, v21;
	v21 =	vmul.f32 v1, v1;
	_ =	swait.ge [sflag:s22], $0x8000;
	s1 =	sshrl.u32 s1, $0x2  }
0x3e2: {  	s26 =	sand.u32 $0x380, s26;
	v23 =	vmul.f32 v32, v32;
	v14 =	vsub.f32 v14, v30;
	v10 =	vadd.f32 v10, v12;
	[sflag:s22] =	ssyncset.done $0x0;
	s1 =	sor.u32 s1, s25  }
0x3e3: {  	v24 =	vmul.f32 v11, v11;
	v6 =	vadd.f32 v2, v6;
	v4 =	vadd.f32 v4, v21;
	[sflag:s22] =	ssyncadd.s32 $0xFFFF8000;
	s26 =	sor.u32 s1, s26  }
0x3e4: {  	v12 =	vmul.f32 v14, v14;
	v1 =	vsub.f32 v13, v29;
	v13 =	vsub.f32 v15, v28;
	v15 =	vld [tilespmem:s26+$0x8500]  }
0x3e5: {  	v48 =	vmul.f32 v39, v39;
	v5 =	vadd.f32 v5, v10;
	v16 =	vsub.f32 v16, v45;
	v26 =	vld [tilespmem:s26+$0x8140]  }
0x3e6: {  	v21 =	vmul.f32 v7, v7;
	v8 =	vsub.f32 v8, v41;
	v3 =	vsub.f32 v3, v49;
	v29 =	vld [tilespmem:s26+$0x8550]  }
0x3e7: {  	v4 =	vadd.f32 v4, v6;
	v28 =	vmul.f32 v16, v16;
	v16 =	vsub.f32 v25, v63;
	v25 =	vld [tilespmem:s26+$0x8170]  }
0x3e8: {  	v11 =	vsub.f32 v18, v42;
	v18 =	vmul.f32 v1, v1;
	v1 =	vsub.f32 v17, v43;
	v14 =	vld [tilespmem:s26+$0x8560]  }
0x3e9: {  	v8 =	vmul.f32 v8, v8;
	v6 =	vmul.f32 v3, v3;
	v17 =	vsub.f32 v19, v46;
	v2 =	vld [tilespmem:s26+$0x8150]  }
0x3ea: {  	v13 =	vmul.f32 v13, v13;
	v27 =	vmul.f32 v1, v1;
	v32 =	vld [tilespmem:s26+$0x8100];
	v1 =	vsub.f32 v44, v47  }
0x3eb: {  	v5 =	vadd.f32 v5, v9;
	v11 =	vmul.f32 v11, v11;
	v17 =	vmul.f32 v17, v17;
	v35 =	vld [tilespmem:s26+$0x8510]  }
0x3ec: {  	v4 =	vadd.f32 v4, v37;
	v30 =	vmul.f32 v16, v16;
	v41 =	vld [tilespmem:s26+$0x8520];
	v31 =	vmul.f32 v1, v1  }
0x3ed: {  	v36 =	vld [tilespmem:s26+$0x8110];
	v19 =	vmul.f32 $2.550000000e+02, v15;
	v16 =	vmul.f32 $2.550000000e+02, v26  }
0x3ee: {  	s30 =	simm.s32 $0x2000;
	v54 =	vadd.f32 v5, v4;
	v22 =	vmul.f32 $2.550000000e+02, v25;
	v50 =	vmul.f32 $2.550000000e+02, v29  }
0x3ef: {  	s31 =	simm.s32 $0x100;
	v13 =	vadd.f32 v13, v48;
	s1 =	sand.u32 $0x2000, s30;
	v51 =	vmul.f32 $2.550000000e+02, v2;
	v53 =	vmul.f32 $2.550000000e+02, v32  }
0x3f0: {  	s28 =	simm.s32 $0x40;
	s25 =	sand.u32 $0x7000, s31;
	v5 =	vld [tilespmem:s26+$0x8570];
	v18 =	vadd.f32 v28, v18;
	s1 =	sshrl.u32 s1, $0x2;
	v55 =	vmul.f32 $2.550000000e+02, v14;
	v56 =	vmul.f32 $2.550000000e+02, v35  }
0x3f1: {  	s28 =	sand.u32 $0x380, s28;
	v11 =	vadd.f32 v27, v11;
	v40 =	vld [tilespmem:s26+$0x8540];
	s1 =	sor.u32 s1, s25;
	v58 =	vmul.f32 $2.550000000e+02, v41;
	v19 =	vtrunc.f32 v19  }
0x3f2: {  	s25 =	sor.u32 s1, s28;
	v1 =	vld [tilespmem:s26+$0x8160];
	v24 =	vadd.f32 v24, v31;
	v31 =	vmul.f32 $2.550000000e+02, v36;
	v7 =	vcvt.f32.s32 v19  }
0x3f3: {  	v12 =	vadd.f32 v12, v17;
	v44 =	vld [tilespmem:s25+$0x8500];
	v16 =	vtrunc.f32 v16;
	v3 =	vtrunc.f32 v22  }
0x3f4: {  	v18 =	vadd.f32 v11, v18;
	v11 =	vld [tilespmem:s25+$0x8550];
	v9 =	vtrunc.f32 v50;
	v10 =	vcvt.f32.s32 v16  }
0x3f5: {  	v13 =	vadd.f32 v12, v13;
	v12 =	vld [tilespmem:s25+$0x8170];
	v4 =	vtrunc.f32 v51;
	v33 =	vtrunc.f32 v55  }
0x3f6: {  	v21 =	vadd.f32 v21, v23;
	v22 =	vld [tilespmem:s26+$0x8530];
	v23 =	vtrunc.f32 v31;
	v3 =	vcvt.f32.s32 v3  }
0x3f7: {  	v31 =	vmul.f32 $2.550000000e+02, v40;
	v16 =	vld [tilespmem:s26+$0x8130];
	v9 =	vcvt.f32.s32 v9  }
0x3f8: {  	v52 =	vmul.f32 $2.550000000e+02, v1;
	v33 =	vcvt.f32.s32 v33;
	v7 =	vld.idx.msk [tilespmem:v7+s3+$0x0], $0xffff  }
0x3f9: {  	v19 =	vld [tilespmem:s26+$0x8120];
	v28 =	vcvt.f32.s32 v4;
	v4 =	vtrunc.f32 v56  }
0x3fa: {  	v23 =	vcvt.f32.s32 v23;
	v62 =	vmul.f32 $2.550000000e+02, v12;
	v10 =	vld.idx.msk [tilespmem:v10+s3+$0x0], $0xffff  }
0x3fb: {  	v60 =	vadd.f32 v20, v6;
	v57 =	vcvt.f32.s32 v4;
	v27 =	vmul.f32 $2.550000000e+02, v22  }
0x3fc: {  	v0 =	vadd.f32 v54, v0;
	v63 =	vmul.f32 $2.550000000e+02, v44;
	v54 =	vmul.f32 $2.550000000e+02, v11;
	v3 =	vld.idx.msk [tilespmem:v3+s3+$0x0], $0xffff  }
0x3fd: {  	v20 =	vld [tilespmem:s25+$0x8140];
	v4 =	vmul.f32 $2.550000000e+02, v16;
	v17 =	vtrunc.f32 v27;
	v7 =	vsub.f32 v15, v7  }
0x3fe: {  	v21 =	vadd.f32 v60, v21;
	v27 =	vmul.f32 $2.550000000e+02, v19;
	v33 =	vld.idx.msk [tilespmem:v33+s3+$0x0], $0xffff;
	v17 =	vcvt.f32.s32 v17  }
0x3ff: {  	v15 =	vld.idx.msk [tilespmem:v9+s3+$0x0], $0xffff;
	v10 =	vsub.f32 v26, v10;
	v26 =	vmul.f32 $2.550000000e+02, v5;
	v9 =	vmul.f32 v7, v7  }
0x400: {  	v48 =	vld.idx.msk [tilespmem:v23+s3+$0x0], $0xffff;
	v7 =	vtrunc.f32 v27;
	v27 =	vadd.f32 v30, v8;
	v8 =	vtrunc.f32 v53  }
0x401: {  	v34 =	vld.idx.msk [tilespmem:v57+s3+$0x0], $0xffff;
	v6 =	vmul.f32 v10, v10;
	v30 =	vcvt.f32.s32 v7;
	v7 =	vsub.f32 v25, v3  }
0x402: {  	v18 =	vadd.f32 v21, v18;
	v21 =	vtrunc.f32 v26;
	v59 =	vcvt.f32.s32 v8;
	v8 =	vld [tilespmem:s25+$0x8560]  }
0x403: {  	v25 =	vtrunc.f32 v4;
	v3 =	vld [tilespmem:s25+$0x8160];
	v24 =	vadd.f32 v27, v24;
	v4 =	vmul.f32 v7, v7  }
0x404: {  	v7 =	vld [tilespmem:s25+$0x8150];
	v10 =	vsub.f32 v29, v15;
	v15 =	vcvt.f32.s32 v25;
	v25 =	vtrunc.f32 v31  }
0x405: {  	v29 =	vtrunc.f32 v58;
	v31 =	vld.idx.msk [tilespmem:v17+s3+$0x0], $0xffff;
	v25 =	vcvt.f32.s32 v25  }
0x406: {  	v26 =	vmul.f32 $2.550000000e+02, v20;
	v29 =	vcvt.f32.s32 v29;
	v17 =	vadd.f32 v24, v13;
	v13 =	vld [tilespmem:s25+$0x8100]  }
0x407: {  	v37 =	vtrunc.f32 v52;
	v49 =	vcvt.f32.s32 v21;
	v30 =	vld.idx.msk [tilespmem:v30+s3+$0x0], $0xffff  }
0x408: {  	v21 =	vtrunc.f32 v63;
	v17 =	vadd.f32 v17, v18;
	v18 =	vtrunc.f32 v26;
	v27 =	vld.idx.msk [tilespmem:v59+s3+$0x0], $0xffff  }
0x409: {  	v36 =	vsub.f32 v36, v48;
	v24 =	vcvt.f32.s32 v37;
	v51 =	vcvt.f32.s32 v18;
	v18 =	vld [tilespmem:s25+$0x8120]  }
0x40a: {  	v14 =	vsub.f32 v14, v33;
	v10 =	vmul.f32 v10, v10;
	v61 =	vmul.f32 $2.550000000e+02, v3;
	v26 =	vld.idx.msk [tilespmem:v15+s3+$0x0], $0xffff  }
0x40b: {  	v56 =	vmul.f32 $2.550000000e+02, v8;
	v31 =	vsub.f32 v22, v31;
	v22 =	vmul.f32 v36, v36;
	v50 =	vld.idx.msk [tilespmem:v25+s3+$0x0], $0xffff  }
0x40c: {  	v15 =	vmul.f32 $2.550000000e+02, v7;
	v25 =	vcvt.f32.s32 v21;
	v52 =	vld.idx.msk [tilespmem:v29+s3+$0x0], $0xffff  }
0x40d: {  	v34 =	vsub.f32 v35, v34;
	v21 =	vmul.f32 v14, v14;
	v29 =	vmul.f32 $2.550000000e+02, v13;
	v14 =	vld [tilespmem:s25+$0x8530]  }
0x40e: {  	v35 =	vld.idx.msk [tilespmem:v28+s3+$0x0], $0xffff;
	v55 =	vtrunc.f32 v15;
	v23 =	vsub.f32 v32, v27;
	v27 =	vtrunc.f32 v62  }
0x40f: {  	v15 =	vld [tilespmem:s25+$0x8510];
	v19 =	vsub.f32 v19, v30;
	v42 =	vmul.f32 $2.550000000e+02, v18;
	v57 =	vcvt.f32.s32 v27  }
0x410: {  	v33 =	vld.idx.msk [tilespmem:v49+s3+$0x0], $0xffff;
	v27 =	vmul.f32 v34, v34;
	v53 =	vmul.f32 v23, v23  }
0x411: {  	v0 =	vadd.f32 v17, v0;
	v17 =	vld [tilespmem:s25+$0x8130];
	v23 =	vtrunc.f32 v61;
	v60 =	vmul.f32 v19, v19  }
0x412: {  	v26 =	vsub.f32 v16, v26;
	v62 =	vmul.f32 $2.550000000e+02, v14;
	v30 =	vld.idx.msk [tilespmem:v25+s3+$0x0], $0xffff;
	v25 =	vtrunc.f32 v54  }
0x413: {  	v32 =	vld.idx.msk [tilespmem:v51+s3+$0x0], $0xffff;
	v61 =	vsub.f32 v41, v52;
	v41 =	vtrunc.f32 v56;
	v38 =	vcvt.f32.s32 v25  }
0x414: {  	v16 =	vld [tilespmem:s25+$0x8110];
	v58 =	vmul.f32 v26, v26;
	v59 =	vmul.f32 $2.550000000e+02, v15  }
0x415: {  	v19 =	vld [tilespmem:s25+$0x8520];
	v37 =	vadd.f32 v22, v53;
	v22 =	vcvt.f32.s32 v55;
	v63 =	vtrunc.f32 v62  }
0x416: {  	v26 =	vsub.f32 v40, v50;
	v25 =	vld [tilespmem:s25+$0x8570];
	v36 =	vmul.f32 v61, v61;
	v43 =	vtrunc.f32 v59  }
0x417: {  	s29 =	simm.s32 $0x2;
	s26 =	simm.s32 $0x4000;
	v40 =	vadd.f32 v58, v60;
	v34 =	vld.idx.msk [tilespmem:v57+s3+$0x0], $0xffff;
	v39 =	vsub.f32 v44, v30;
	v30 =	vcvt.f32.s32 v63  }
.LBB2_20:
0x418: {  	s1 =	sand.u32 $0x2000, s26  }
0x419: {  	s30 =	sshll.u32 s29, $0x8;
	v43 =	vcvt.f32.s32 v43;
	v38 =	vld.idx.msk [tilespmem:v38+s3+$0x0], $0xffff;
	v28 =	vmul.f32 v31, v31;
	v31 =	vadd.f32 v40, v37;
	s31 =	smov.u32 s29;
	s28 =	sadd.s32 $0x1, s29  }
0x41a: {  	v20 =	vsub.f32 v20, v32;
	s30 =	sand.u32 $0x7000, s30;
	s31 =	sshll.u32 s31, $0x6;
	s1 =	sshrl.u32 s1, $0x2;
	v32 =	vmul.f32 v39, v39;
	v37 =	vmul.f32 $2.550000000e+02, v19;
	v24 =	vld.idx.msk [tilespmem:v24+s3+$0x0], $0xffff  }
0x41b: {  	p0 =	sne.s32 s29, $0x7F;
	v40 =	vcvt.f32.s32 v41;
	v39 =	vmul.f32 $2.550000000e+02, v17;
	s31 =	sand.u32 $0x380, s31;
	s1 =	sor.u32 s1, s30;
	v36 =	vadd.f32 v28, v36  }
0x41c: {  	v29 =	vtrunc.f32 v29;
	v41 =	vtrunc.f32 v42;
	v33 =	vsub.f32 v5, v33;
	v5 =	vmovc v25;
	v42 =	vld [tilespmem:s25+$0x8540];
	s25 =	sor.u32 s1, s31  }
0x41d: {  	v25 =	vcvt.f32.s32 v29;
	v29 =	vtrunc.f32 v39;
	v34 =	vsub.f32 v12, v34;
	v28 =	vld [tilespmem:s25+$0x8500]  }
0x41e: {  	v44 =	vmul.f32 $2.550000000e+02, v16;
	v41 =	vcvt.f32.s32 v41;
	v35 =	vsub.f32 v2, v35;
	v2 =	vmovc v7;
	v39 =	vld [tilespmem:s25+$0x8550]  }
0x41f: {  	v33 =	vmul.f32 v33, v33;
	v7 =	vadd.f32 v27, v9;
	v9 =	vmovc v32;
	v34 =	vmul.f32 v34, v34;
	v12 =	vld [tilespmem:s25+$0x8170]  }
0x420: {  	v32 =	vsub.f32 v11, v38;
	v38 =	vmul.f32 $2.550000000e+02, v5;
	v46 =	vsub.f32 v1, v24;
	v1 =	vmovc v3;
	v27 =	vld [tilespmem:s25+$0x8560]  }
0x421: {  	v26 =	vmul.f32 v26, v26;
	v24 =	vtrunc.f32 v44;
	v36 =	vadd.f32 v36, v7;
	v3 =	vld [tilespmem:s25+$0x8160]  }
0x422: {  	v44 =	vmul.f32 v20, v20;
	v35 =	vmul.f32 v35, v35;
	v21 =	vadd.f32 v33, v21;
	v7 =	vld [tilespmem:s25+$0x8150]  }
0x423: {  	v26 =	vadd.f32 v10, v26;
	v33 =	vmul.f32 $2.550000000e+02, v42;
	v45 =	vmul.f32 v46, v46;
	v40 =	vld.idx.msk [tilespmem:v40+s3+$0x0], $0xffff;
	v11 =	vmovc v39  }
0x424: {  	v10 =	vmul.f32 v32, v32;
	v39 =	vcvt.f32.s32 v24;
	v24 =	vadd.f32 v35, v6;
	v6 =	vmovc v44;
	v20 =	vld [tilespmem:s25+$0x8140]  }
0x425: {  	v29 =	vcvt.f32.s32 v29;
	v33 =	vtrunc.f32 v33;
	v35 =	vadd.f32 v4, v45;
	v4 =	vmovc v34;
	v32 =	vld.idx.msk [tilespmem:v41+s3+$0x0], $0xffff  }
0x426: {  	v21 =	vadd.f32 v21, v26;
	v34 =	vtrunc.f32 v37;
	v33 =	vcvt.f32.s32 v33;
	v25 =	vld.idx.msk [tilespmem:v25+s3+$0x0], $0xffff  }
0x427: {  	v34 =	vcvt.f32.s32 v34;
	v35 =	vadd.f32 v35, v24;
	v26 =	vmul.f32 $2.550000000e+02, v3;
	v30 =	vld.idx.msk [tilespmem:v30+s3+$0x0], $0xffff  }
0x428: {  	v21 =	vadd.f32 v21, v36;
	v24 =	vcvt.f32.s32 v23;
	v23 =	vtrunc.f32 v38;
	v37 =	vld.idx.msk [tilespmem:v43+s3+$0x0], $0xffff  }
0x429: {  	v41 =	vmul.f32 $2.550000000e+02, v12;
	v31 =	vadd.f32 v35, v31;
	v36 =	vld [tilespmem:s25+$0x8100];
	v38 =	vmul.f32 $2.550000000e+02, v20  }
0x42a: {  	v44 =	vcvt.f32.s32 v23;
	v35 =	vmul.f32 $2.550000000e+02, v28;
	v40 =	vsub.f32 v8, v40;
	v8 =	vmovc v27;
	v39 =	vld.idx.msk [tilespmem:v39+s3+$0x0], $0xffff  }
0x42b: {  	v27 =	vmul.f32 $2.550000000e+02, v7;
	v23 =	vtrunc.f32 v38;
	v38 =	vld.idx.msk [tilespmem:v29+s3+$0x0], $0xffff;
	v29 =	vadd.f32 v21, v31  }
0x42c: {  	v21 =	vtrunc.f32 v35;
	v43 =	vcvt.f32.s32 v23;
	v23 =	vsub.f32 v13, v25;
	v25 =	vld.idx.msk [tilespmem:v33+s3+$0x0], $0xffff  }
0x42d: {  	v33 =	vcvt.f32.s32 v21;
	v21 =	vmul.f32 v40, v40;
	v34 =	vld.idx.msk [tilespmem:v34+s3+$0x0], $0xffff;
	v0 =	vadd.f32 v29, v0  }
0x42e: {  	v40 =	vtrunc.f32 v41;
	v35 =	vld [tilespmem:s25+$0x8120];
	v45 =	vmul.f32 v23, v23;
	v13 =	vmov v36  }
0x42f: {  	v46 =	vsub.f32 v18, v32;
	v41 =	vmul.f32 $2.550000000e+02, v11;
	v29 =	vmul.f32 $2.550000000e+02, v13;
	v36 =	vld [tilespmem:s25+$0x8130]  }
0x430: {  	v47 =	vtrunc.f32 v27;
	v48 =	vsub.f32 v15, v37;
	v23 =	vtrunc.f32 v26;
	v15 =	vld [tilespmem:s25+$0x8510]  }
0x431: {  	v31 =	vsub.f32 v14, v30;
	v37 =	vmul.f32 $2.550000000e+02, v8;
	v49 =	vsub.f32 v17, v38;
	v14 =	vld [tilespmem:s25+$0x8530]  }
0x432: {  	v30 =	vcvt.f32.s32 v40;
	v32 =	vsub.f32 v16, v39;
	v27 =	vmul.f32 v48, v48;
	v16 =	vld [tilespmem:s25+$0x8110]  }
0x433: {  	v26 =	vsub.f32 v42, v25;
	v40 =	vmul.f32 v49, v49;
	v39 =	vld.idx.msk [tilespmem:v33+s3+$0x0], $0xffff;
	v33 =	vtrunc.f32 v41;
	v18 =	vmovc v35  }
0x434: {  	v38 =	vcvt.f32.s32 v33;
	v25 =	vld [tilespmem:s25+$0x8570];
	v33 =	vmul.f32 v32, v32;
	v17 =	vmov v36  }
.Ltmp9:
0x435: {  	v42 =	vsub.f32 v19, v34;
	v36 =	vmul.f32 v46, v46;
	v32 =	vld.idx.msk [tilespmem:v43+s3+$0x0], $0xffff;
	v35 =	vmul.f32 $2.550000000e+02, v15;
	(pc) =	sbr.rel @p0 .LBB2_20-.Ltmp9, $4  }
0x436: {  	v41 =	vtrunc.f32 v37;
	v19 =	vld [tilespmem:s25+$0x8520];
	v46 =	vmul.f32 $2.550000000e+02, v14;
	v37 =	vadd.f32 v33, v45  }
0x437: {  	v45 =	vcvt.f32.s32 v47;
	v40 =	vadd.f32 v40, v36;
	v43 =	vtrunc.f32 v35;
	v33 =	vld.idx.msk [tilespmem:v44+s3+$0x0], $0xffff  }
0x438: {  	v36 =	vmul.f32 v42, v42;
	v34 =	vld.idx.msk [tilespmem:v30+s3+$0x0], $0xffff;
	v30 =	vtrunc.f32 v46  }
0x439: {  	s26 =	sadd.s32 $0x2000, s26;
	s29 =	smov.u32 s28;
	v42 =	vmul.f32 $2.550000000e+02, v18;
	v39 =	vsub.f32 v28, v39;
	v30 =	vcvt.f32.s32 v30;
	v35 =	vld.idx.msk [tilespmem:v22+s3+$0x0], $0xffff;
	v22 =	vmovc v45  }
0x43a: {  	v28 =	vcvt.f32.s32 v43  }
0x43b: {  	v49 =	vmul.f32 $2.550000000e+02, v17;
	v41 =	vcvt.f32.s32 v41  }
0x43c: {  	v29 =	vtrunc.f32 v29;
	v45 =	vmul.f32 $2.550000000e+02, v16  }
0x43d: {  	v44 =	vld [tilespmem:s25+$0x8540];
	v48 =	vmul.f32 $2.550000000e+02, v25;
	v23 =	vcvt.f32.s32 v23  }
0x43e: {  	v38 =	vld.idx.msk [tilespmem:v38+s3+$0x0], $0xffff;
	v42 =	vtrunc.f32 v42;
	v29 =	vcvt.f32.s32 v29  }
0x43f: {  	v24 =	vld.idx.msk [tilespmem:v24+s3+$0x0], $0xffff;
	v46 =	vmul.f32 $2.550000000e+02, v19;
	v42 =	vcvt.f32.s32 v42  }
0x440: {  	v22 =	vld.idx.msk [tilespmem:v22+s3+$0x0], $0xffff;
	v43 =	vtrunc.f32 v49;
	v45 =	vtrunc.f32 v45  }
0x441: {  	v30 =	vld.idx.msk [tilespmem:v30+s3+$0x0], $0xffff;
	v48 =	vtrunc.f32 v48;
	v45 =	vcvt.f32.s32 v45  }
0x442: {  	v43 =	vcvt.f32.s32 v43;
	v47 =	vmul.f32 $2.550000000e+02, v44;
	v41 =	vld.idx.msk [tilespmem:v41+s3+$0x0], $0xffff  }
0x443: {  	v46 =	vtrunc.f32 v46;
	v48 =	vcvt.f32.s32 v48;
	v28 =	vld.idx.msk [tilespmem:v28+s3+$0x0], $0xffff  }
0x444: {  	v46 =	vcvt.f32.s32 v46;
	v23 =	vld.idx.msk [tilespmem:v23+s3+$0x0], $0xffff;
	v47 =	vtrunc.f32 v47  }
0x445: {  	v29 =	vld.idx.msk [tilespmem:v29+s3+$0x0], $0xffff;
	v47 =	vcvt.f32.s32 v47  }
0x446: {  	v31 =	vmul.f32 v31, v31;
	v32 =	vsub.f32 v20, v32;
	v42 =	vld.idx.msk [tilespmem:v42+s3+$0x0], $0xffff  }
0x447: {  	v5 =	vsub.f32 v5, v33;
	v12 =	vsub.f32 v12, v34;
	v45 =	vld.idx.msk [tilespmem:v45+s3+$0x0], $0xffff  }
0x448: {  	v9 =	vadd.f32 v27, v9;
	v51 =	vmul.f32 v39, v39;
	v31 =	vadd.f32 v31, v36;
	v43 =	vld.idx.msk [tilespmem:v43+s3+$0x0], $0xffff  }
0x449: {  	v2 =	vsub.f32 v2, v35;
	v5 =	vmul.f32 v5, v5;
	v20 =	vmul.f32 v12, v12;
	v50 =	vld.idx.msk [tilespmem:v48+s3+$0x0], $0xffff  }
0x44a: {  	s1 =	simm.s32 $0x0;
	v11 =	vsub.f32 v11, v38;
	v1 =	vsub.f32 v1, v24;
	v12 =	vmul.f32 v26, v26;
	v46 =	vld.idx.msk [tilespmem:v46+s3+$0x0], $0xffff  }
0x44b: {  	v24 =	vadd.f32 v31, v9;
	v7 =	vsub.f32 v7, v22;
	v2 =	vmul.f32 v2, v2;
	v47 =	vld.idx.msk [tilespmem:v47+s3+$0x0], $0xffff;
	[tilespmem:s20], [sflag:$0x2] =	stream.linear.gather [hbm4b:s15+s1], $0x8000, $0x38  }
0x44c: {  	s28 =	simm.s32 $0x0;
	s26 =	simm.s32 $0x0;
	v5 =	vadd.f32 v5, v21;
	v14 =	vsub.f32 v14, v30;
	v21 =	vmul.f32 v1, v1;
	s1 =	sand.u32 $0x2000, s1  }
0x44d: {  	s25 =	sand.u32 $0x7000, s28;
	v9 =	vmul.f32 v32, v32;
	v10 =	vadd.f32 v10, v12;
	v6 =	vadd.f32 v2, v6;
	_ =	swait.ge [sflag:s21], $0x8000;
	s1 =	sshrl.u32 s1, $0x2  }
0x44e: {  	s26 =	sand.u32 $0x380, s26;
	v26 =	vmul.f32 v11, v11;
	v4 =	vadd.f32 v4, v21;
	v8 =	vsub.f32 v8, v41;
	[sflag:s21] =	ssyncset.done $0x0;
	s1 =	sor.u32 s1, s25  }
0x44f: {  	v52 =	vmul.f32 v7, v7;
	v3 =	vsub.f32 v3, v23;
	v1 =	vsub.f32 v13, v29;
	[sflag:s21] =	ssyncadd.s32 $0xFFFF8000;
	s26 =	sor.u32 s1, s26  }
0x450: {  	v12 =	vmul.f32 v14, v14;
	v13 =	vsub.f32 v15, v28;
	v16 =	vsub.f32 v16, v45;
	v15 =	vld [tilespmem:s26+$0x500]  }
0x451: {  	v4 =	vadd.f32 v4, v6;
	v11 =	vsub.f32 v18, v42;
	v18 =	vmul.f32 v1, v1;
	v27 =	vld [tilespmem:s26+$0x140]  }
0x452: {  	v1 =	vsub.f32 v17, v43;
	v29 =	vmul.f32 v16, v16;
	v16 =	vsub.f32 v25, v50;
	v25 =	vld [tilespmem:s26+$0x170]  }
0x453: {  	v8 =	vmul.f32 v8, v8;
	v6 =	vmul.f32 v3, v3;
	v17 =	vsub.f32 v19, v46;
	v2 =	vld [tilespmem:s26+$0x150]  }
0x454: {  	v13 =	vmul.f32 v13, v13;
	v28 =	vmul.f32 v1, v1;
	v30 =	vld [tilespmem:s26+$0x550];
	v1 =	vsub.f32 v44, v47  }
0x455: {  	v5 =	vadd.f32 v5, v10;
	v11 =	vmul.f32 v11, v11;
	v17 =	vmul.f32 v17, v17  }
0x456: {  	v37 =	vadd.f32 v40, v37;
	v14 =	vld [tilespmem:s26+$0x560];
	v22 =	vmul.f32 v16, v16;
	v31 =	vmul.f32 v1, v1  }
0x457: {  	v5 =	vadd.f32 v5, v24;
	v53 =	vld [tilespmem:s26+$0x100];
	v19 =	vmul.f32 $2.550000000e+02, v15;
	v16 =	vmul.f32 $2.550000000e+02, v27  }
0x458: {  	v4 =	vadd.f32 v4, v37;
	v21 =	vmul.f32 $2.550000000e+02, v25;
	v24 =	vmul.f32 $2.550000000e+02, v2  }
0x459: {  	v40 =	vld [tilespmem:s26+$0x520];
	v23 =	vmul.f32 $2.550000000e+02, v30;
	v19 =	vtrunc.f32 v19  }
0x45a: {  	v62 =	vadd.f32 v5, v4;
	v5 =	vld [tilespmem:s26+$0x570];
	v16 =	vtrunc.f32 v16;
	v4 =	vtrunc.f32 v24  }
0x45b: {  	v35 =	vld [tilespmem:s26+$0x510];
	v24 =	vmul.f32 $2.550000000e+02, v14;
	v7 =	vcvt.f32.s32 v19  }
0x45c: {  	v1 =	vld [tilespmem:s26+$0x160];
	v61 =	vmul.f32 $2.550000000e+02, v53;
	v10 =	vcvt.f32.s32 v16  }
0x45d: {  	v3 =	vtrunc.f32 v21;
	v21 =	vld [tilespmem:s26+$0x530];
	v24 =	vtrunc.f32 v24  }
0x45e: {  	v54 =	vmul.f32 $2.550000000e+02, v40;
	v19 =	vld [tilespmem:s26+$0x120];
	v24 =	vcvt.f32.s32 v24  }
0x45f: {  	v9 =	vadd.f32 v52, v9;
	v36 =	vld [tilespmem:s26+$0x110];
	v56 =	vmul.f32 $2.550000000e+02, v5;
	v23 =	vtrunc.f32 v23  }
0x460: {  	s30 =	simm.s32 $0x2000;
	v13 =	vadd.f32 v13, v51;
	v16 =	vld [tilespmem:s26+$0x130];
	v3 =	vcvt.f32.s32 v3;
	v23 =	vcvt.f32.s32 v23  }
0x461: {  	s31 =	simm.s32 $0x100;
	s1 =	sand.u32 $0x2000, s30;
	v11 =	vadd.f32 v28, v11;
	v60 =	vmul.f32 $2.550000000e+02, v1;
	v28 =	vcvt.f32.s32 v4;
	v7 =	vld.idx.msk [tilespmem:v7+s3+$0x0], $0xffff  }
0x462: {  	s28 =	simm.s32 $0x40;
	s25 =	sand.u32 $0x7000, s31;
	v18 =	vadd.f32 v29, v18;
	s1 =	sshrl.u32 s1, $0x2;
	v47 =	vmul.f32 $2.550000000e+02, v21;
	v63 =	vld.idx.msk [tilespmem:v10+s3+$0x0], $0xffff;
	v10 =	vmul.f32 $2.550000000e+02, v35  }
0x463: {  	s28 =	sand.u32 $0x380, s28;
	v49 =	vld [tilespmem:s26+$0x540];
	v12 =	vadd.f32 v12, v17;
	s1 =	sor.u32 s1, s25;
	v29 =	vtrunc.f32 v60;
	v17 =	vmul.f32 $2.550000000e+02, v19  }
0x464: {  	s25 =	sor.u32 s1, s28;
	v4 =	vtrunc.f32 v10;
	v10 =	vtrunc.f32 v47;
	v58 =	vld.idx.msk [tilespmem:v24+s3+$0x0], $0xffff;
	v24 =	vadd.f32 v20, v6  }
0x465: {  	v18 =	vadd.f32 v11, v18;
	v44 =	vld [tilespmem:s25+$0x500];
	v48 =	vcvt.f32.s32 v4;
	v4 =	vmul.f32 $2.550000000e+02, v16  }
0x466: {  	v3 =	vld.idx.msk [tilespmem:v3+s3+$0x0], $0xffff;
	v59 =	vadd.f32 v24, v9;
	v24 =	vcvt.f32.s32 v29;
	v7 =	vsub.f32 v15, v7  }
0x467: {  	v13 =	vadd.f32 v12, v13;
	v29 =	vtrunc.f32 v56;
	v15 =	vld.idx.msk [tilespmem:v23+s3+$0x0], $0xffff;
	v23 =	vcvt.f32.s32 v10  }
0x468: {  	v11 =	vld [tilespmem:s25+$0x550];
	v27 =	vsub.f32 v27, v63;
	v63 =	vcvt.f32.s32 v29;
	v10 =	vmul.f32 v7, v7  }
0x469: {  	v12 =	vld [tilespmem:s25+$0x170];
	v7 =	vtrunc.f32 v17;
	v17 =	vadd.f32 v22, v8;
	v8 =	vtrunc.f32 v61  }
0x46a: {  	v20 =	vld [tilespmem:s25+$0x140];
	v22 =	vcvt.f32.s32 v7;
	v55 =	vcvt.f32.s32 v8  }
0x46b: {  	v7 =	vsub.f32 v25, v3;
	v8 =	vld [tilespmem:s25+$0x560];
	v25 =	vadd.f32 v26, v31;
	v31 =	vmul.f32 $2.550000000e+02, v36  }
0x46c: {  	v6 =	vmul.f32 v27, v27;
	v26 =	vtrunc.f32 v4;
	v3 =	vld [tilespmem:s25+$0x160]  }
0x46d: {  	v34 =	vld.idx.msk [tilespmem:v48+s3+$0x0], $0xffff;
	v4 =	vmul.f32 v7, v7;
	v31 =	vtrunc.f32 v31;
	v15 =	vsub.f32 v30, v15  }
0x46e: {  	v7 =	vld [tilespmem:s25+$0x150];
	v27 =	vcvt.f32.s32 v31;
	v31 =	vtrunc.f32 v54  }
0x46f: {  	v0 =	vadd.f32 v62, v0;
	v33 =	vld.idx.msk [tilespmem:v63+s3+$0x0], $0xffff;
	v9 =	vmul.f32 v15, v15;
	v15 =	vcvt.f32.s32 v31  }
0x470: {  	v61 =	vmul.f32 $2.550000000e+02, v12;
	v17 =	vadd.f32 v17, v25;
	v30 =	vld.idx.msk [tilespmem:v22+s3+$0x0], $0xffff;
	v22 =	vcvt.f32.s32 v26  }
0x471: {  	v57 =	vmul.f32 $2.550000000e+02, v49;
	v62 =	vmul.f32 $2.550000000e+02, v44;
	v18 =	vadd.f32 v59, v18;
	v31 =	vld.idx.msk [tilespmem:v23+s3+$0x0], $0xffff  }
0x472: {  	v60 =	vmul.f32 $2.550000000e+02, v20;
	v37 =	vtrunc.f32 v61;
	v17 =	vadd.f32 v17, v13;
	v25 =	vld.idx.msk [tilespmem:v55+s3+$0x0], $0xffff  }
0x473: {  	v13 =	vld [tilespmem:s25+$0x100];
	v23 =	vmul.f32 $2.550000000e+02, v3;
	v56 =	vmul.f32 $2.550000000e+02, v8  }
0x474: {  	v26 =	vtrunc.f32 v57;
	v17 =	vadd.f32 v17, v18;
	v18 =	vtrunc.f32 v60;
	v27 =	vld.idx.msk [tilespmem:v27+s3+$0x0], $0xffff  }
0x475: {  	v57 =	vcvt.f32.s32 v37;
	v26 =	vcvt.f32.s32 v26;
	v54 =	vld.idx.msk [tilespmem:v15+s3+$0x0], $0xffff  }
0x476: {  	v14 =	vsub.f32 v14, v58;
	v51 =	vmul.f32 $2.550000000e+02, v7;
	v50 =	vld.idx.msk [tilespmem:v22+s3+$0x0], $0xffff;
	v22 =	vtrunc.f32 v62  }
0x477: {  	v52 =	vcvt.f32.s32 v18;
	v15 =	vld [tilespmem:s25+$0x510];
	v25 =	vsub.f32 v53, v25;
	v53 =	vcvt.f32.s32 v22  }
0x478: {  	v34 =	vsub.f32 v35, v34;
	v35 =	vld.idx.msk [tilespmem:v28+s3+$0x0], $0xffff;
	v23 =	vtrunc.f32 v23;
	v41 =	vtrunc.f32 v56  }
0x479: {  	v18 =	vld [tilespmem:s25+$0x120];
	v29 =	vmul.f32 $2.550000000e+02, v13;
	v19 =	vsub.f32 v19, v30;
	v22 =	vmul.f32 v14, v14  }
0x47a: {  	v0 =	vadd.f32 v17, v0;
	v55 =	vmul.f32 v25, v25;
	v25 =	vmul.f32 $2.550000000e+02, v11;
	v14 =	vld [tilespmem:s25+$0x530]  }
0x47b: {  	v17 =	vld [tilespmem:s25+$0x130];
	v42 =	vtrunc.f32 v51;
	v31 =	vsub.f32 v21, v31;
	v60 =	vmul.f32 v19, v19  }
0x47c: {  	v26 =	vld.idx.msk [tilespmem:v26+s3+$0x0], $0xffff;
	v36 =	vsub.f32 v36, v27;
	v25 =	vtrunc.f32 v25;
	v59 =	vmul.f32 $2.550000000e+02, v15  }
0x47d: {  	v27 =	vmul.f32 v34, v34;
	v61 =	vsub.f32 v40, v54;
	v37 =	vcvt.f32.s32 v25;
	v30 =	vld.idx.msk [tilespmem:v53+s3+$0x0], $0xffff  }
0x47e: {  	v19 =	vld [tilespmem:s25+$0x520];
	v21 =	vmul.f32 v36, v36;
	v32 =	vsub.f32 v16, v50;
	v43 =	vtrunc.f32 v59  }
0x47f: {  	v34 =	vld.idx.msk [tilespmem:v57+s3+$0x0], $0xffff;
	v36 =	vmul.f32 v61, v61;
	v62 =	vmul.f32 $2.550000000e+02, v14  }
0x480: {  	v38 =	vadd.f32 v21, v55;
	v21 =	vcvt.f32.s32 v42;
	v58 =	vmul.f32 v32, v32;
	v32 =	vld.idx.msk [tilespmem:v52+s3+$0x0], $0xffff  }
0x481: {  	v25 =	vld [tilespmem:s25+$0x570];
	v26 =	vsub.f32 v49, v26;
	v42 =	vmul.f32 $2.550000000e+02, v18;
	v63 =	vtrunc.f32 v62  }
0x482: {  	s29 =	simm.s32 $0x2;
	s26 =	simm.s32 $0x4000;
	v16 =	vld [tilespmem:s25+$0x110];
	v40 =	vadd.f32 v58, v60;
	v39 =	vsub.f32 v44, v30;
	v30 =	vcvt.f32.s32 v63  }
.LBB2_22:
0x483: {  	s1 =	sand.u32 $0x2000, s26  }
0x484: {  	s30 =	sshll.u32 s29, $0x8;
	v43 =	vcvt.f32.s32 v43;
	v37 =	vld.idx.msk [tilespmem:v37+s3+$0x0], $0xffff;
	v28 =	vmul.f32 v31, v31;
	v31 =	vadd.f32 v40, v38;
	s31 =	smov.u32 s29;
	s28 =	sadd.s32 $0x1, s29  }
0x485: {  	v20 =	vsub.f32 v20, v32;
	s30 =	sand.u32 $0x7000, s30;
	s31 =	sshll.u32 s31, $0x6;
	s1 =	sshrl.u32 s1, $0x2;
	v32 =	vmul.f32 v39, v39;
	v38 =	vmul.f32 $2.550000000e+02, v19;
	v24 =	vld.idx.msk [tilespmem:v24+s3+$0x0], $0xffff  }
0x486: {  	p0 =	sne.s32 s29, $0x7F;
	v40 =	vcvt.f32.s32 v41;
	v39 =	vmul.f32 $2.550000000e+02, v17;
	s31 =	sand.u32 $0x380, s31;
	s1 =	sor.u32 s1, s30;
	v36 =	vadd.f32 v28, v36  }
0x487: {  	v29 =	vtrunc.f32 v29;
	v41 =	vtrunc.f32 v42;
	v33 =	vsub.f32 v5, v33;
	v5 =	vmovc v25;
	v42 =	vld [tilespmem:s25+$0x540];
	s25 =	sor.u32 s1, s31  }
0x488: {  	v25 =	vcvt.f32.s32 v29;
	v29 =	vtrunc.f32 v39;
	v34 =	vsub.f32 v12, v34;
	v28 =	vld [tilespmem:s25+$0x500]  }
0x489: {  	v44 =	vmul.f32 $2.550000000e+02, v16;
	v41 =	vcvt.f32.s32 v41;
	v35 =	vsub.f32 v2, v35;
	v2 =	vmovc v7;
	v39 =	vld [tilespmem:s25+$0x550]  }
0x48a: {  	v33 =	vmul.f32 v33, v33;
	v7 =	vadd.f32 v27, v10;
	v10 =	vmovc v32;
	v34 =	vmul.f32 v34, v34;
	v12 =	vld [tilespmem:s25+$0x170]  }
0x48b: {  	v32 =	vsub.f32 v11, v37;
	v37 =	vmul.f32 $2.550000000e+02, v5;
	v46 =	vsub.f32 v1, v24;
	v1 =	vmovc v3;
	v27 =	vld [tilespmem:s25+$0x560]  }
0x48c: {  	v26 =	vmul.f32 v26, v26;
	v24 =	vtrunc.f32 v44;
	v36 =	vadd.f32 v36, v7;
	v3 =	vld [tilespmem:s25+$0x160]  }
0x48d: {  	v44 =	vmul.f32 v20, v20;
	v35 =	vmul.f32 v35, v35;
	v22 =	vadd.f32 v33, v22;
	v7 =	vld [tilespmem:s25+$0x150]  }
0x48e: {  	v26 =	vadd.f32 v9, v26;
	v33 =	vmul.f32 $2.550000000e+02, v42;
	v45 =	vmul.f32 v46, v46;
	v40 =	vld.idx.msk [tilespmem:v40+s3+$0x0], $0xffff;
	v11 =	vmovc v39  }
0x48f: {  	v9 =	vmul.f32 v32, v32;
	v39 =	vcvt.f32.s32 v24;
	v24 =	vadd.f32 v35, v6;
	v6 =	vmovc v44;
	v20 =	vld [tilespmem:s25+$0x140]  }
0x490: {  	v29 =	vcvt.f32.s32 v29;
	v33 =	vtrunc.f32 v33;
	v35 =	vadd.f32 v4, v45;
	v4 =	vmovc v34;
	v32 =	vld.idx.msk [tilespmem:v41+s3+$0x0], $0xffff  }
0x491: {  	v22 =	vadd.f32 v22, v26;
	v34 =	vtrunc.f32 v38;
	v33 =	vcvt.f32.s32 v33;
	v25 =	vld.idx.msk [tilespmem:v25+s3+$0x0], $0xffff  }
0x492: {  	v34 =	vcvt.f32.s32 v34;
	v35 =	vadd.f32 v35, v24;
	v26 =	vmul.f32 $2.550000000e+02, v3;
	v30 =	vld.idx.msk [tilespmem:v30+s3+$0x0], $0xffff  }
0x493: {  	v22 =	vadd.f32 v22, v36;
	v24 =	vcvt.f32.s32 v23;
	v23 =	vtrunc.f32 v37;
	v38 =	vld.idx.msk [tilespmem:v43+s3+$0x0], $0xffff  }
0x494: {  	v41 =	vmul.f32 $2.550000000e+02, v12;
	v31 =	vadd.f32 v35, v31;
	v36 =	vld [tilespmem:s25+$0x100];
	v37 =	vmul.f32 $2.550000000e+02, v20  }
0x495: {  	v44 =	vcvt.f32.s32 v23;
	v35 =	vmul.f32 $2.550000000e+02, v28;
	v40 =	vsub.f32 v8, v40;
	v8 =	vmovc v27;
	v39 =	vld.idx.msk [tilespmem:v39+s3+$0x0], $0xffff  }
0x496: {  	v27 =	vmul.f32 $2.550000000e+02, v7;
	v23 =	vtrunc.f32 v37;
	v37 =	vld.idx.msk [tilespmem:v29+s3+$0x0], $0xffff;
	v29 =	vadd.f32 v22, v31  }
0x497: {  	v22 =	vtrunc.f32 v35;
	v43 =	vcvt.f32.s32 v23;
	v23 =	vsub.f32 v13, v25;
	v25 =	vld.idx.msk [tilespmem:v33+s3+$0x0], $0xffff  }
0x498: {  	v33 =	vcvt.f32.s32 v22;
	v22 =	vmul.f32 v40, v40;
	v34 =	vld.idx.msk [tilespmem:v34+s3+$0x0], $0xffff;
	v0 =	vadd.f32 v29, v0  }
0x499: {  	v40 =	vtrunc.f32 v41;
	v35 =	vld [tilespmem:s25+$0x120];
	v45 =	vmul.f32 v23, v23;
	v13 =	vmov v36  }
0x49a: {  	v46 =	vsub.f32 v18, v32;
	v41 =	vmul.f32 $2.550000000e+02, v11;
	v29 =	vmul.f32 $2.550000000e+02, v13;
	v36 =	vld [tilespmem:s25+$0x130]  }
0x49b: {  	v47 =	vtrunc.f32 v27;
	v48 =	vsub.f32 v15, v38;
	v23 =	vtrunc.f32 v26;
	v15 =	vld [tilespmem:s25+$0x510]  }
0x49c: {  	v31 =	vsub.f32 v14, v30;
	v38 =	vmul.f32 $2.550000000e+02, v8;
	v49 =	vsub.f32 v17, v37;
	v14 =	vld [tilespmem:s25+$0x530]  }
0x49d: {  	v30 =	vcvt.f32.s32 v40;
	v32 =	vsub.f32 v16, v39;
	v27 =	vmul.f32 v48, v48;
	v16 =	vld [tilespmem:s25+$0x110]  }
0x49e: {  	v26 =	vsub.f32 v42, v25;
	v40 =	vmul.f32 v49, v49;
	v39 =	vld.idx.msk [tilespmem:v33+s3+$0x0], $0xffff;
	v33 =	vtrunc.f32 v41;
	v18 =	vmovc v35  }
0x49f: {  	v37 =	vcvt.f32.s32 v33;
	v25 =	vld [tilespmem:s25+$0x570];
	v33 =	vmul.f32 v32, v32;
	v17 =	vmov v36  }
.Ltmp10:
0x4a0: {  	v42 =	vsub.f32 v19, v34;
	v36 =	vmul.f32 v46, v46;
	v32 =	vld.idx.msk [tilespmem:v43+s3+$0x0], $0xffff;
	v35 =	vmul.f32 $2.550000000e+02, v15;
	(pc) =	sbr.rel @p0 .LBB2_22-.Ltmp10, $4  }
0x4a1: {  	v41 =	vtrunc.f32 v38;
	v19 =	vld [tilespmem:s25+$0x520];
	v46 =	vmul.f32 $2.550000000e+02, v14;
	v38 =	vadd.f32 v33, v45  }
0x4a2: {  	v45 =	vcvt.f32.s32 v47;
	v40 =	vadd.f32 v40, v36;
	v43 =	vtrunc.f32 v35;
	v33 =	vld.idx.msk [tilespmem:v44+s3+$0x0], $0xffff  }
0x4a3: {  	v36 =	vmul.f32 v42, v42;
	v34 =	vld.idx.msk [tilespmem:v30+s3+$0x0], $0xffff;
	v30 =	vtrunc.f32 v46  }
0x4a4: {  	s26 =	sadd.s32 $0x2000, s26;
	s29 =	smov.u32 s28;
	v42 =	vmul.f32 $2.550000000e+02, v18;
	v39 =	vsub.f32 v28, v39;
	v30 =	vcvt.f32.s32 v30;
	v35 =	vld.idx.msk [tilespmem:v21+s3+$0x0], $0xffff;
	v21 =	vmovc v45  }
0x4a5: {  	v28 =	vcvt.f32.s32 v43  }
0x4a6: {  	v59 =	vmul.f32 $2.550000000e+02, v17;
	v41 =	vcvt.f32.s32 v41  }
0x4a7: {  	v29 =	vtrunc.f32 v29;
	v45 =	vmul.f32 $2.550000000e+02, v16  }
0x4a8: {  	v44 =	vld [tilespmem:s25+$0x540];
	v48 =	vmul.f32 $2.550000000e+02, v25;
	v23 =	vcvt.f32.s32 v23  }
0x4a9: {  	v37 =	vld.idx.msk [tilespmem:v37+s3+$0x0], $0xffff;
	v42 =	vtrunc.f32 v42;
	v29 =	vcvt.f32.s32 v29  }
0x4aa: {  	v24 =	vld.idx.msk [tilespmem:v24+s3+$0x0], $0xffff;
	v46 =	vmul.f32 $2.550000000e+02, v19;
	v42 =	vcvt.f32.s32 v42  }
0x4ab: {  	v21 =	vld.idx.msk [tilespmem:v21+s3+$0x0], $0xffff;
	v43 =	vtrunc.f32 v59;
	v45 =	vtrunc.f32 v45  }
0x4ac: {  	v30 =	vld.idx.msk [tilespmem:v30+s3+$0x0], $0xffff;
	v48 =	vtrunc.f32 v48;
	v45 =	vcvt.f32.s32 v45  }
0x4ad: {  	v43 =	vcvt.f32.s32 v43;
	v47 =	vmul.f32 $2.550000000e+02, v44;
	v41 =	vld.idx.msk [tilespmem:v41+s3+$0x0], $0xffff  }
0x4ae: {  	v46 =	vtrunc.f32 v46;
	v48 =	vcvt.f32.s32 v48;
	v28 =	vld.idx.msk [tilespmem:v28+s3+$0x0], $0xffff  }
0x4af: {  	v46 =	vcvt.f32.s32 v46;
	v23 =	vld.idx.msk [tilespmem:v23+s3+$0x0], $0xffff;
	v47 =	vtrunc.f32 v47  }
0x4b0: {  	v31 =	vmul.f32 v31, v31;
	v29 =	vld.idx.msk [tilespmem:v29+s3+$0x0], $0xffff;
	v47 =	vcvt.f32.s32 v47  }
0x4b1: {  	v38 =	vadd.f32 v40, v38;
	v10 =	vadd.f32 v27, v10;
	v42 =	vld.idx.msk [tilespmem:v42+s3+$0x0], $0xffff  }
0x4b2: {  	v31 =	vadd.f32 v31, v36;
	v5 =	vsub.f32 v5, v33;
	v45 =	vld.idx.msk [tilespmem:v45+s3+$0x0], $0xffff  }
0x4b3: {  	v20 =	vsub.f32 v20, v32;
	v62 =	vmul.f32 v39, v39;
	v12 =	vsub.f32 v12, v34;
	v43 =	vld.idx.msk [tilespmem:v43+s3+$0x0], $0xffff  }
0x4b4: {  	s1 =	simm.s32 $0x0;
	v2 =	vsub.f32 v2, v35;
	v5 =	vmul.f32 v5, v5;
	v10 =	vadd.f32 v31, v10;
	v61 =	vld.idx.msk [tilespmem:v48+s3+$0x0], $0xffff  }
0x4b5: {  	s28 =	simm.s32 $0x0;
	s26 =	simm.s32 $0x0;
	s1 =	sand.u32 $0x2000, s1;
	v27 =	vsub.f32 v11, v37;
	v1 =	vsub.f32 v1, v24;
	v24 =	vmul.f32 v26, v26;
	v60 =	vld.idx.msk [tilespmem:v46+s3+$0x0], $0xffff  }
0x4b6: {  	s25 =	sand.u32 $0x7000, s28;
	s1 =	sshrl.u32 s1, $0x2;
	v11 =	vmul.f32 v20, v20;
	v7 =	vsub.f32 v7, v21;
	v2 =	vmul.f32 v2, v2;
	v47 =	vld.idx.msk [tilespmem:v47+s3+$0x0], $0xffff;
	_ =	swait.ge [sflag:s22], $0x8000  }
0x4b7: {  	s26 =	sand.u32 $0x380, s26;
	s1 =	sor.u32 s1, s25;
	v5 =	vadd.f32 v5, v22;
	v20 =	vmul.f32 v1, v1;
	v1 =	vsub.f32 v13, v29;
	[sflag:s22] =	ssyncset.done $0x0  }
0x4b8: {  	s26 =	sor.u32 s1, s26;
	v14 =	vsub.f32 v14, v30;
	v22 =	vmul.f32 v27, v27;
	v9 =	vadd.f32 v9, v24;
	[sflag:s22] =	ssyncadd.s32 $0xFFFF8000  }
0x4b9: {  	v6 =	vadd.f32 v2, v6;
	v27 =	vmul.f32 v1, v1;
	v1 =	vsub.f32 v17, v43;
	v26 =	vld [tilespmem:s26+$0x8500]  }
0x4ba: {  	v12 =	vmul.f32 v12, v12;
	v16 =	vsub.f32 v16, v45;
	v17 =	vsub.f32 v19, v60;
	v19 =	vld [tilespmem:s26+$0x8140]  }
0x4bb: {  	v63 =	vmul.f32 v7, v7;
	v4 =	vadd.f32 v4, v20;
	v5 =	vadd.f32 v5, v9;
	v30 =	vld [tilespmem:s26+$0x8550]  }
0x4bc: {  	v8 =	vsub.f32 v8, v41;
	v29 =	vmul.f32 v16, v16;
	v16 =	vsub.f32 v25, v61;
	v25 =	vld [tilespmem:s26+$0x8170]  }
0x4bd: {  	v24 =	vmul.f32 v14, v14;
	v15 =	vsub.f32 v15, v28;
	v3 =	vsub.f32 v3, v23;
	v14 =	vld [tilespmem:s26+$0x8560]  }
0x4be: {  	v4 =	vadd.f32 v4, v6;
	v8 =	vmul.f32 v8, v8;
	v13 =	vsub.f32 v18, v42;
	v2 =	vld [tilespmem:s26+$0x8150]  }
0x4bf: {  	v5 =	vadd.f32 v5, v10;
	v15 =	vmul.f32 v15, v15;
	v48 =	vmul.f32 v3, v3;
	v33 =	vld [tilespmem:s26+$0x8100]  }
0x4c0: {  	v13 =	vmul.f32 v13, v13;
	v28 =	vmul.f32 v1, v1;
	v37 =	vld [tilespmem:s26+$0x8110];
	v1 =	vsub.f32 v44, v47  }
0x4c1: {  	v4 =	vadd.f32 v4, v38;
	v15 =	vadd.f32 v15, v62;
	v17 =	vmul.f32 v17, v17;
	v41 =	vld [tilespmem:s26+$0x8540]  }
0x4c2: {  	v21 =	vmul.f32 v16, v16;
	v13 =	vadd.f32 v28, v13;
	v28 =	vld [tilespmem:s26+$0x8520];
	v31 =	vmul.f32 v1, v1  }
0x4c3: {  	s30 =	simm.s32 $0x2000;
	v17 =	vadd.f32 v24, v17;
	v18 =	vmul.f32 $2.550000000e+02, v26;
	v16 =	vmul.f32 $2.550000000e+02, v19  }
0x4c4: {  	s31 =	simm.s32 $0x100;
	s1 =	sand.u32 $0x2000, s30;
	v51 =	vadd.f32 v5, v4;
	v20 =	vmul.f32 $2.550000000e+02, v25;
	v23 =	vmul.f32 $2.550000000e+02, v30  }
0x4c5: {  	s28 =	simm.s32 $0x40;
	s25 =	sand.u32 $0x7000, s31;
	s1 =	sshrl.u32 s1, $0x2;
	v15 =	vadd.f32 v17, v15;
	v10 =	vmul.f32 $2.550000000e+02, v2;
	v50 =	vmul.f32 $2.550000000e+02, v33  }
0x4c6: {  	s28 =	sand.u32 $0x380, s28;
	s1 =	sor.u32 s1, s25;
	v17 =	vadd.f32 v21, v8;
	v5 =	vmul.f32 $2.550000000e+02, v14;
	v21 =	vmul.f32 $2.550000000e+02, v37  }
0x4c7: {  	s25 =	sor.u32 s1, s28;
	v59 =	vmul.f32 $2.550000000e+02, v41;
	v56 =	vmul.f32 $2.550000000e+02, v28  }
0x4c8: {  	v44 =	vld [tilespmem:s25+$0x8500];
	v18 =	vtrunc.f32 v18;
	v16 =	vtrunc.f32 v16  }
0x4c9: {  	v1 =	vld [tilespmem:s26+$0x8160];
	v3 =	vtrunc.f32 v20;
	v6 =	vtrunc.f32 v23  }
0x4ca: {  	v36 =	vld [tilespmem:s26+$0x8510];
	v4 =	vtrunc.f32 v10;
	v7 =	vcvt.f32.s32 v18  }
0x4cb: {  	v32 =	vadd.f32 v63, v11;
	v8 =	vld [tilespmem:s25+$0x8170];
	v5 =	vtrunc.f32 v5;
	v9 =	vcvt.f32.s32 v16  }
0x4cc: {  	v12 =	vadd.f32 v12, v48;
	v58 =	vtrunc.f32 v21;
	v18 =	vld [tilespmem:s26+$0x8120];
	v3 =	vcvt.f32.s32 v3  }
0x4cd: {  	v20 =	vld [tilespmem:s26+$0x8530];
	v10 =	vadd.f32 v29, v27;
	v47 =	vmul.f32 $2.550000000e+02, v44;
	v23 =	vcvt.f32.s32 v6  }
0x4ce: {  	v22 =	vadd.f32 v22, v31;
	v6 =	vld [tilespmem:s26+$0x8570];
	v27 =	vcvt.f32.s32 v4;
	v49 =	vmul.f32 $2.550000000e+02, v1  }
0x4cf: {  	v16 =	vld [tilespmem:s26+$0x8130];
	v55 =	vadd.f32 v13, v10;
	v13 =	vcvt.f32.s32 v5;
	v10 =	vtrunc.f32 v50  }
0x4d0: {  	v17 =	vadd.f32 v17, v22;
	v63 =	vmul.f32 $2.550000000e+02, v8;
	v57 =	vcvt.f32.s32 v10;
	v7 =	vld.idx.msk [tilespmem:v7+s3+$0x0], $0xffff  }
0x4d1: {  	v12 =	vadd.f32 v12, v32;
	v29 =	vtrunc.f32 v49;
	v24 =	vmul.f32 $2.550000000e+02, v18;
	v52 =	vld.idx.msk [tilespmem:v9+s3+$0x0], $0xffff  }
0x4d2: {  	v15 =	vadd.f32 v17, v15;
	v53 =	vmul.f32 $2.550000000e+02, v20;
	v9 =	vmul.f32 $2.550000000e+02, v36;
	v3 =	vld.idx.msk [tilespmem:v3+s3+$0x0], $0xffff  }
0x4d3: {  	v17 =	vadd.f32 v12, v55;
	v31 =	vmul.f32 $2.550000000e+02, v6;
	v23 =	vld.idx.msk [tilespmem:v23+s3+$0x0], $0xffff;
	v5 =	vtrunc.f32 v24  }
0x4d4: {  	v0 =	vadd.f32 v51, v0;
	v21 =	vld [tilespmem:s25+$0x8140];
	v4 =	vtrunc.f32 v9;
	v9 =	vtrunc.f32 v53  }
0x4d5: {  	v12 =	vld [tilespmem:s25+$0x8100];
	v15 =	vadd.f32 v15, v17;
	v54 =	vcvt.f32.s32 v4;
	v4 =	vmul.f32 $2.550000000e+02, v16  }
0x4d6: {  	v60 =	vld.idx.msk [tilespmem:v13+s3+$0x0], $0xffff;
	v24 =	vcvt.f32.s32 v5;
	v7 =	vsub.f32 v26, v7;
	v26 =	vcvt.f32.s32 v9  }
0x4d7: {  	v5 =	vld [tilespmem:s25+$0x8560];
	v10 =	vsub.f32 v25, v3;
	v25 =	vtrunc.f32 v4;
	v19 =	vsub.f32 v19, v52  }
0x4d8: {  	v22 =	vld.idx.msk [tilespmem:v57+s3+$0x0], $0xffff;
	v13 =	vsub.f32 v30, v23;
	v23 =	vcvt.f32.s32 v25;
	v25 =	vtrunc.f32 v56  }
0x4d9: {  	v40 =	vld.idx.msk [tilespmem:v27+s3+$0x0], $0xffff;
	v7 =	vmul.f32 v7, v7;
	v10 =	vmul.f32 v10, v10  }
0x4da: {  	v0 =	vadd.f32 v15, v0;
	v15 =	vld [tilespmem:s25+$0x8530];
	v11 =	vmul.f32 v19, v19;
	v19 =	vcvt.f32.s32 v58  }
0x4db: {  	v4 =	vld [tilespmem:s25+$0x8150];
	v13 =	vmul.f32 v13, v13;
	v25 =	vcvt.f32.s32 v25  }
0x4dc: {  	v57 =	vmul.f32 $2.550000000e+02, v5;
	v30 =	vld.idx.msk [tilespmem:v24+s3+$0x0], $0xffff;
	v24 =	vtrunc.f32 v59  }
0x4dd: {  	v9 =	vld [tilespmem:s25+$0x8550];
	v22 =	vsub.f32 v33, v22;
	v61 =	vcvt.f32.s32 v24;
	v24 =	vcvt.f32.s32 v29  }
0x4de: {  	v3 =	vld [tilespmem:s25+$0x8160];
	v29 =	vtrunc.f32 v31;
	v31 =	vmul.f32 $2.550000000e+02, v21  }
0x4df: {  	v34 =	vld.idx.msk [tilespmem:v54+s3+$0x0], $0xffff;
	v55 =	vmul.f32 v22, v22;
	v38 =	vtrunc.f32 v57  }
0x4e0: {  	v49 =	vcvt.f32.s32 v29;
	v50 =	vmul.f32 $2.550000000e+02, v4;
	v62 =	vld.idx.msk [tilespmem:v26+s3+$0x0], $0xffff  }
0x4e1: {  	v29 =	vmul.f32 $2.550000000e+02, v12;
	v17 =	vtrunc.f32 v31;
	v31 =	vld.idx.msk [tilespmem:v23+s3+$0x0], $0xffff  }
0x4e2: {  	v14 =	vsub.f32 v14, v60;
	v56 =	vmul.f32 $2.550000000e+02, v9;
	v48 =	vld.idx.msk [tilespmem:v19+s3+$0x0], $0xffff;
	v19 =	vtrunc.f32 v47  }
0x4e3: {  	v52 =	vcvt.f32.s32 v17;
	v17 =	vld [tilespmem:s25+$0x8120];
	v53 =	vcvt.f32.s32 v19  }
0x4e4: {  	v26 =	vmul.f32 $2.550000000e+02, v3;
	v23 =	vmul.f32 v14, v14;
	v14 =	vld [tilespmem:s25+$0x8510]  }
0x4e5: {  	v43 =	vtrunc.f32 v50;
	v54 =	vld.idx.msk [tilespmem:v25+s3+$0x0], $0xffff;
	v25 =	vtrunc.f32 v63;
	v18 =	vsub.f32 v18, v30  }
0x4e6: {  	v19 =	vld [tilespmem:s25+$0x8130];
	v34 =	vsub.f32 v36, v34;
	v58 =	vcvt.f32.s32 v25;
	v25 =	vtrunc.f32 v56  }
0x4e7: {  	v22 =	vtrunc.f32 v26;
	v51 =	vld.idx.msk [tilespmem:v61+s3+$0x0], $0xffff;
	v33 =	vcvt.f32.s32 v25  }
0x4e8: {  	v25 =	vld [tilespmem:s25+$0x8570];
	v61 =	vmul.f32 v18, v18;
	v26 =	vmul.f32 v34, v34;
	v35 =	vsub.f32 v20, v62  }
0x4e9: {  	v62 =	vmul.f32 $2.550000000e+02, v15;
	v31 =	vsub.f32 v16, v31;
	v37 =	vsub.f32 v37, v48;
	v59 =	vld.idx.msk [tilespmem:v53+s3+$0x0], $0xffff  }
0x4ea: {  	v18 =	vld [tilespmem:s25+$0x8520];
	v60 =	vmul.f32 $2.550000000e+02, v14;
	v42 =	vmul.f32 $2.550000000e+02, v17;
	v28 =	vsub.f32 v28, v54  }
0x4eb: {  	v16 =	vld [tilespmem:s25+$0x8110];
	v31 =	vmul.f32 v31, v31;
	v20 =	vmul.f32 v37, v37  }
0x4ec: {  	v32 =	vld.idx.msk [tilespmem:v52+s3+$0x0], $0xffff;
	v63 =	vtrunc.f32 v62;
	v30 =	vsub.f32 v41, v51;
	v36 =	vmul.f32 v28, v28  }
0x4ed: {  	v37 =	vld.idx.msk [tilespmem:v49+s3+$0x0], $0xffff;
	v28 =	vcvt.f32.s32 v63;
	v41 =	vadd.f32 v31, v61;
	v39 =	vadd.f32 v20, v55  }
0x4ee: {  	s29 =	simm.s32 $0x2;
	s26 =	simm.s32 $0x4000;
	v31 =	vld.idx.msk [tilespmem:v58+s3+$0x0], $0xffff;
	v20 =	vcvt.f32.s32 v43;
	v43 =	vtrunc.f32 v60;
	v34 =	vsub.f32 v44, v59  }
.LBB2_24:
0x4ef: {  	s1 =	sand.u32 $0x2000, s26  }
0x4f0: {  	s30 =	sshll.u32 s29, $0x8;
	v43 =	vcvt.f32.s32 v43;
	v33 =	vld.idx.msk [tilespmem:v33+s3+$0x0], $0xffff;
	v27 =	vmul.f32 v35, v35;
	v35 =	vadd.f32 v41, v39;
	s31 =	smov.u32 s29;
	s28 =	sadd.s32 $0x1, s29  }
0x4f1: {  	v21 =	vsub.f32 v21, v32;
	s30 =	sand.u32 $0x7000, s30;
	s31 =	sshll.u32 s31, $0x6;
	s1 =	sshrl.u32 s1, $0x2;
	v32 =	vmul.f32 v34, v34;
	v34 =	vmul.f32 $2.550000000e+02, v18;
	v24 =	vld.idx.msk [tilespmem:v24+s3+$0x0], $0xffff  }
0x4f2: {  	p0 =	sne.s32 s29, $0x7F;
	v39 =	vmul.f32 $2.550000000e+02, v19;
	v38 =	vcvt.f32.s32 v38;
	s31 =	sand.u32 $0x380, s31;
	s1 =	sor.u32 s1, s30;
	v36 =	vadd.f32 v27, v36  }
0x4f3: {  	v29 =	vtrunc.f32 v29;
	v41 =	vtrunc.f32 v42;
	v37 =	vsub.f32 v6, v37;
	v6 =	vmovc v25;
	v42 =	vld [tilespmem:s25+$0x8540];
	s25 =	sor.u32 s1, s31  }
0x4f4: {  	v25 =	vcvt.f32.s32 v29;
	v29 =	vtrunc.f32 v39;
	v31 =	vsub.f32 v8, v31;
	v27 =	vld [tilespmem:s25+$0x8500]  }
0x4f5: {  	v44 =	vmul.f32 $2.550000000e+02, v16;
	v41 =	vcvt.f32.s32 v41;
	v40 =	vsub.f32 v2, v40;
	v2 =	vmovc v4;
	v39 =	vld [tilespmem:s25+$0x8550]  }
0x4f6: {  	v37 =	vmul.f32 v37, v37;
	v4 =	vadd.f32 v26, v7;
	v7 =	vmovc v32;
	v31 =	vmul.f32 v31, v31;
	v8 =	vld [tilespmem:s25+$0x8170]  }
0x4f7: {  	v32 =	vsub.f32 v9, v33;
	v33 =	vmul.f32 $2.550000000e+02, v6;
	v46 =	vsub.f32 v1, v24;
	v1 =	vmovc v3;
	v26 =	vld [tilespmem:s25+$0x8560]  }
0x4f8: {  	v30 =	vmul.f32 v30, v30;
	v24 =	vtrunc.f32 v44;
	v36 =	vadd.f32 v36, v4;
	v3 =	vld [tilespmem:s25+$0x8160]  }
0x4f9: {  	v44 =	vmul.f32 v21, v21;
	v40 =	vmul.f32 v40, v40;
	v23 =	vadd.f32 v37, v23;
	v4 =	vld [tilespmem:s25+$0x8150]  }
0x4fa: {  	v30 =	vadd.f32 v13, v30;
	v37 =	vmul.f32 $2.550000000e+02, v42;
	v45 =	vmul.f32 v46, v46;
	v38 =	vld.idx.msk [tilespmem:v38+s3+$0x0], $0xffff;
	v9 =	vmovc v39  }
0x4fb: {  	v13 =	vmul.f32 v32, v32;
	v39 =	vcvt.f32.s32 v24;
	v24 =	vadd.f32 v40, v11;
	v11 =	vmovc v44;
	v21 =	vld [tilespmem:s25+$0x8140]  }
0x4fc: {  	v29 =	vcvt.f32.s32 v29;
	v37 =	vtrunc.f32 v37;
	v40 =	vadd.f32 v10, v45;
	v10 =	vmovc v31;
	v32 =	vld.idx.msk [tilespmem:v41+s3+$0x0], $0xffff  }
0x4fd: {  	v23 =	vadd.f32 v23, v30;
	v31 =	vtrunc.f32 v34;
	v34 =	vcvt.f32.s32 v37;
	v25 =	vld.idx.msk [tilespmem:v25+s3+$0x0], $0xffff  }
0x4fe: {  	v31 =	vcvt.f32.s32 v31;
	v37 =	vadd.f32 v40, v24;
	v30 =	vmul.f32 $2.550000000e+02, v3;
	v28 =	vld.idx.msk [tilespmem:v28+s3+$0x0], $0xffff  }
0x4ff: {  	v23 =	vadd.f32 v23, v36;
	v24 =	vcvt.f32.s32 v22;
	v22 =	vtrunc.f32 v33;
	v40 =	vld.idx.msk [tilespmem:v43+s3+$0x0], $0xffff  }
0x500: {  	v41 =	vmul.f32 $2.550000000e+02, v8;
	v35 =	vadd.f32 v37, v35;
	v33 =	vld [tilespmem:s25+$0x8100];
	v36 =	vmul.f32 $2.550000000e+02, v21  }
0x501: {  	v44 =	vcvt.f32.s32 v22;
	v37 =	vmul.f32 $2.550000000e+02, v27;
	v38 =	vsub.f32 v5, v38;
	v5 =	vmovc v26;
	v39 =	vld.idx.msk [tilespmem:v39+s3+$0x0], $0xffff  }
0x502: {  	v26 =	vmul.f32 $2.550000000e+02, v4;
	v22 =	vtrunc.f32 v36;
	v36 =	vld.idx.msk [tilespmem:v29+s3+$0x0], $0xffff;
	v29 =	vadd.f32 v23, v35  }
0x503: {  	v35 =	vsub.f32 v12, v25;
	v43 =	vcvt.f32.s32 v22;
	v22 =	vtrunc.f32 v37;
	v25 =	vld.idx.msk [tilespmem:v34+s3+$0x0], $0xffff  }
0x504: {  	v23 =	vmul.f32 v38, v38;
	v34 =	vcvt.f32.s32 v22;
	v31 =	vld.idx.msk [tilespmem:v31+s3+$0x0], $0xffff;
	v0 =	vadd.f32 v29, v0  }
0x505: {  	v38 =	vtrunc.f32 v41;
	v41 =	vmul.f32 v35, v35;
	v37 =	vld [tilespmem:s25+$0x8120];
	v12 =	vmov v33  }
0x506: {  	v46 =	vsub.f32 v17, v32;
	v33 =	vmul.f32 $2.550000000e+02, v9;
	v29 =	vmul.f32 $2.550000000e+02, v12;
	v45 =	vld [tilespmem:s25+$0x8130]  }
0x507: {  	v47 =	vtrunc.f32 v26;
	v22 =	vtrunc.f32 v30;
	v48 =	vsub.f32 v14, v40;
	v14 =	vld [tilespmem:s25+$0x8510]  }
0x508: {  	v40 =	vmul.f32 $2.550000000e+02, v5;
	v35 =	vsub.f32 v15, v28;
	v49 =	vsub.f32 v19, v36;
	v15 =	vld [tilespmem:s25+$0x8530]  }
0x509: {  	v28 =	vcvt.f32.s32 v38;
	v32 =	vsub.f32 v16, v39;
	v26 =	vmul.f32 v48, v48;
	v16 =	vld [tilespmem:s25+$0x8110]  }
0x50a: {  	v33 =	vtrunc.f32 v33;
	v30 =	vsub.f32 v42, v25;
	v36 =	vmul.f32 v49, v49;
	v34 =	vld.idx.msk [tilespmem:v34+s3+$0x0], $0xffff;
	v17 =	vmovc v37  }
0x50b: {  	v33 =	vcvt.f32.s32 v33;
	v37 =	vmul.f32 v32, v32;
	v25 =	vld [tilespmem:s25+$0x8570];
	v19 =	vmov v45  }
.Ltmp11:
0x50c: {  	v45 =	vmul.f32 v46, v46;
	v46 =	vsub.f32 v18, v31;
	v32 =	vld.idx.msk [tilespmem:v43+s3+$0x0], $0xffff;
	v42 =	vmul.f32 $2.550000000e+02, v14;
	(pc) =	sbr.rel @p0 .LBB2_24-.Ltmp11, $4  }
0x50d: {  	v38 =	vtrunc.f32 v40;
	v39 =	vadd.f32 v37, v41;
	v18 =	vld [tilespmem:s25+$0x8520];
	v48 =	vmul.f32 $2.550000000e+02, v15  }
0x50e: {  	v47 =	vcvt.f32.s32 v47;
	v41 =	vadd.f32 v36, v45;
	v43 =	vtrunc.f32 v42;
	v37 =	vld.idx.msk [tilespmem:v44+s3+$0x0], $0xffff  }
0x50f: {  	v36 =	vmul.f32 v46, v46;
	v31 =	vld.idx.msk [tilespmem:v28+s3+$0x0], $0xffff;
	v28 =	vtrunc.f32 v48  }
0x510: {  	s26 =	sadd.s32 $0x2000, s26;
	s29 =	smov.u32 s28;
	v42 =	vmul.f32 $2.550000000e+02, v17;
	v34 =	vsub.f32 v27, v34;
	v28 =	vcvt.f32.s32 v28;
	v40 =	vld.idx.msk [tilespmem:v20+s3+$0x0], $0xffff;
	v20 =	vmovc v47  }
0x511: {  	v27 =	vcvt.f32.s32 v43;
	v35 =	vmul.f32 v35, v35  }
0x512: {  	v44 =	vmul.f32 $2.550000000e+02, v19;
	v38 =	vcvt.f32.s32 v38  }
0x513: {  	v29 =	vtrunc.f32 v29;
	v57 =	vmul.f32 $2.550000000e+02, v16  }
0x514: {  	v46 =	vmul.f32 $2.550000000e+02, v25;
	v30 =	vmul.f32 v30, v30  }
0x515: {  	v45 =	vld [tilespmem:s25+$0x8540];
	v39 =	vadd.f32 v41, v39;
	v47 =	vcvt.f32.s32 v22;
	v55 =	vmul.f32 $2.550000000e+02, v18  }
0x516: {  	v21 =	vsub.f32 v21, v32;
	v42 =	vtrunc.f32 v42;
	v29 =	vcvt.f32.s32 v29  }
0x517: {  	v24 =	vld.idx.msk [tilespmem:v24+s3+$0x0], $0xffff;
	v7 =	vadd.f32 v26, v7;
	v56 =	vtrunc.f32 v44;
	v42 =	vcvt.f32.s32 v42  }
0x518: {  	v33 =	vld.idx.msk [tilespmem:v33+s3+$0x0], $0xffff;
	v6 =	vsub.f32 v6, v37;
	v58 =	vtrunc.f32 v57;
	v21 =	vmul.f32 v21, v21  }
0x519: {  	v54 =	vld.idx.msk [tilespmem:v20+s3+$0x0], $0xffff;
	v35 =	vadd.f32 v35, v36;
	v37 =	vcvt.f32.s32 v56;
	v62 =	vtrunc.f32 v55  }
0x51a: {  	v43 =	vld.idx.msk [tilespmem:v28+s3+$0x0], $0xffff;
	v6 =	vmul.f32 v6, v6;
	v2 =	vsub.f32 v2, v40;
	v59 =	vmul.f32 $2.550000000e+02, v45  }
0x51b: {  	v13 =	vadd.f32 v13, v30;
	v40 =	vcvt.f32.s32 v58;
	v41 =	vcvt.f32.s32 v62;
	v60 =	vld.idx.msk [tilespmem:v38+s3+$0x0], $0xffff  }
0x51c: {  	v1 =	vsub.f32 v1, v24;
	v2 =	vmul.f32 v2, v2;
	v49 =	vld.idx.msk [tilespmem:v27+s3+$0x0], $0xffff;
	v24 =	vtrunc.f32 v59  }
0x51d: {  	v8 =	vsub.f32 v8, v31;
	v61 =	vld.idx.msk [tilespmem:v42+s3+$0x0], $0xffff;
	v24 =	vcvt.f32.s32 v24;
	v42 =	vtrunc.f32 v46  }
0x51e: {  	v4 =	vsub.f32 v4, v54;
	v6 =	vadd.f32 v6, v23;
	v63 =	vld.idx.msk [tilespmem:v29+s3+$0x0], $0xffff;
	v44 =	vcvt.f32.s32 v42  }
0x51f: {  	v7 =	vadd.f32 v35, v7;
	v1 =	vmul.f32 v1, v1;
	v2 =	vadd.f32 v2, v11;
	v11 =	vld.idx.msk [tilespmem:v47+s3+$0x0], $0xffff  }
0x520: {  	v9 =	vsub.f32 v9, v33;
	v4 =	vmul.f32 v4, v4;
	v6 =	vadd.f32 v6, v13;
	v46 =	vld.idx.msk [tilespmem:v37+s3+$0x0], $0xffff  }
0x521: {  	v51 =	vmul.f32 v34, v34;
	v55 =	vsub.f32 v15, v43;
	v1 =	vadd.f32 v10, v1;
	v48 =	vld.idx.msk [tilespmem:v40+s3+$0x0], $0xffff  }
0x522: {  	v8 =	vmul.f32 v8, v8;
	v4 =	vadd.f32 v4, v21;
	v6 =	vadd.f32 v6, v7;
	v52 =	vld.idx.msk [tilespmem:v41+s3+$0x0], $0xffff  }
0x523: {  	v9 =	vmul.f32 v9, v9;
	v1 =	vadd.f32 v1, v2;
	v5 =	vsub.f32 v5, v60;
	v50 =	vld.idx.msk [tilespmem:v24+s3+$0x0], $0xffff  }
0x524: {  	v2 =	vsub.f32 v14, v49;
	v14 =	vmul.f32 v55, v55;
	v12 =	vsub.f32 v12, v63;
	v53 =	vld.idx.msk [tilespmem:v44+s3+$0x0], $0xffff  }
0x525: {  	v1 =	vadd.f32 v1, v39;
	v17 =	vsub.f32 v17, v61;
	v5 =	vmul.f32 v5, v5  }
0x526: {  	v2 =	vmul.f32 v2, v2;
	v3 =	vsub.f32 v3, v11;
	v10 =	vsub.f32 v19, v46  }
0x527: {  	v12 =	vmul.f32 v12, v12;
	v13 =	vsub.f32 v16, v48;
	v56 =	vmul.f32 v17, v17  }
0x528: {  	v57 =	vsub.f32 v18, v52;
	v2 =	vadd.f32 v2, v51;
	v3 =	vmul.f32 v3, v3  }
0x529: {  	v10 =	vmul.f32 v10, v10;
	v7 =	vsub.f32 v45, v50;
	v59 =	vsub.f32 v25, v53  }
0x52a: {  	v13 =	vmul.f32 v13, v13;
	v58 =	vmul.f32 v57, v57;
	v3 =	vadd.f32 v8, v3  }
0x52b: {  	v10 =	vadd.f32 v10, v56;
	v7 =	vmul.f32 v7, v7;
	v61 =	vmul.f32 v59, v59  }
0x52c: {  	v12 =	vadd.f32 v13, v12;
	v60 =	vadd.f32 v14, v58  }
0x52d: {  	v7 =	vadd.f32 v9, v7;
	v5 =	vadd.f32 v61, v5  }
0x52e: {  	v3 =	vadd.f32 v3, v4;
	v62 =	vadd.f32 v10, v12  }
0x52f: {  	v2 =	vadd.f32 v60, v2;
	v5 =	vadd.f32 v5, v7  }
0x530: {  	v1 =	vadd.f32 v6, v1  }
0x531: {  	v3 =	vadd.f32 v3, v62;
	v2 =	vadd.f32 v5, v2;
	_ =	sdelay $0x1  }
0x532: {  	v0 =	vadd.f32 v1, v0;
	v63 =	vadd.f32 v2, v3;
	_ =	sdelay $0x1  }
0x533: {  	s24 =	sadd.s32 $0x1, s24;
	v0 =	vadd.f32 v63, v0  }
0x534: {  	p0 =	sne.s32 s24, s17  }
.Ltmp12:
0x535: {  	[tilespmem:$0x10100] =	vst v0;
	(pc) =	sbr.rel @p0 .LBB2_1-.Ltmp12, $4  }
0x536: {  	[hbm4b:s16+s3] =	stream.linear.scatter [tilespmem:s23], [sflag:$0x3], $0x80, $0x38;
	[tilespmem:$0x10180] =	vst v63  }
0x537: {  	_ =	swait.ge [sflag:s18], $0x80  }
0x538: {  	[sflag:s18] =	ssyncset.done $0x0  }
0x539: {  	[sflag:s18] =	ssyncadd.s32 $0xFFFFFF80  }
0x53a: {  	_ =	sfence.sel $0x180000  }
0x53b: {  	[bflag:$0x0] =	sbarrier.arrive $0xFFFF  }
0x53c: {  	_ =	strace $0x90000047  }
0x53d: {  	[bflag:$0x2] =	sbarrier.arrive $0xFFFF  }
0x53e: {  	p0 =	sne.s32 s0, $0x0;
	s0 =	rddreg [dreg:$0x3]  }
0x53f: {  	s0 =	sadd.s32 @!p0 $0x100000, s0  }
0x540: {  	[sflag:s0] =	ssyncadd.tile.s32 @!p0 $0x1;
	_ =	shalt  }
.Lfunc_end2:
_tile_overlayer_lowered:
.L_overlay_start_2:
0x541: {  	(tag) =	ssettag $0x2  }
0x542: {  	s0 =	rddreg [dreg:$0x0];
	s2 =	stileid.u32  }
0x543: {  	s1 =	rddreg [dreg:$0x1];
	p0 =	sne.s32 s2, $0x0  }
0x544: {  	s3 =	rddreg [dreg:$0x2];
	[bflag:$0x3] =	sbarrier.arrive $0xFFFF;
	s2 =	simm.s32 @!p0 $0x1C03  }
0x545: {  	[timem:s3], [sflag:s2] =	dma.local @!p0 [hbm:s0], s1  }
0x546: {  	s0 =	simm.s32 @!p0 $0x3  }
0x547: {  	_ =	swait.ge @!p0 [sflag:s0], s1  }
0x548: {  	s1 =	ssub.s32 @!p0 $0x0, s1;
	[sflag:s0] =	ssyncset.done @!p0 $0x0  }
0x549: {  	[sflag:s0] =	ssyncadd.s32 @!p0 s1  }
0x54a: {  	[bflag:$0x3] =	sbarrier.arrive $0xFFFF  }
0x54b: {  	_ =	shalt  }

</sc_bundles>
